<compile_context>
chip_gen: v7x
topology: tpu7x:2x2x1
jax: 0.10.2.dev20260603
libtpu: 0.0.44.dev20260713+nightly
codegen_flags: <defaults>
</compile_context>

<pallas_src>
import numpy as np
import jax
import jax.numpy as jnp
from jax import lax
from jax.experimental import pallas as pl
from jax.experimental.pallas import tpu as pltpu
from jax.experimental.pallas import tpu_sc as plsc

N = 10000
E = 320000
D_IN = 128
KK = 5
DIM = 3
H1 = 32
H2 = 64
G = 64

NC = 2
NS = 16
NW = NC * NS
EW = E // NW
CH = 80
NCHUNK = EW // CH
NP = 10240
RPT = NP // NS


def _sc_layer(W, WR, with_count):
    H = W // KK
    NV = H // 16
    mesh = plsc.VectorSubcoreMesh(core_axis_name="c", subcore_axis_name="s")

    CHD = CH * DIM

    def body(table, src_h, dst_h, attr_h, mu_p, is_p, part,
             src_all, dst_all, attr2, rows2, msg_v, mu_v, is_v, w_arr,
             shared, sem, sem_a):
        cid = lax.axis_index("c")
        sid = lax.axis_index("s")
        wid = sid * NC + cid

        pltpu.sync_copy(mu_p, mu_v)
        pltpu.sync_copy(is_p, is_v)
        pltpu.sync_copy(src_h.at[wid], src_all)
        pltpu.sync_copy(dst_h.at[wid], dst_all)

        zv = jnp.zeros((16,), jnp.float32)

        def zrow(e, _):
            for j in range(WR // 16):
                msg_v[e, pl.ds(j * 16, 16)] = zv
            return 0
        lax.fori_loop(0, CH, zrow, 0)

        r0 = sid * RPT
        nfull = RPT // CH
        rem = RPT - nfull * CH
        for j in range(nfull):
            pltpu.sync_copy(msg_v, shared.at[pl.ds(r0 + j * CH, CH)])
        if rem:
            pltpu.sync_copy(msg_v.at[pl.ds(0, rem)],
                            shared.at[pl.ds(r0 + nfull * CH, rem)])

        if with_count:
            ii = lax.iota(jnp.int32, 16)
            onev = jnp.where(ii == 0, 1.0, 0.0).astype(jnp.float32)

            def crow(e, _):
                msg_v[e, pl.ds(H1, 16)] = onev
                return 0
            lax.fori_loop(0, CH, crow, 0)

        plsc.subcore_barrier()

        mu_rows = [mu_v[d, :] for d in range(DIM)]
        is_rows = [is_v[d, :] for d in range(DIM)]
        mub = [[jnp.full((16,), mu_rows[d][k]) for d in range(DIM)] for k in range(KK)]
        isb = [[jnp.full((16,), is_rows[d][k]) for d in range(DIM)] for k in range(KK)]
        kidx = [jnp.full((16,), k, jnp.int32) for k in range(KK)]
        i3 = lax.iota(jnp.int32, 16) * DIM

        def start_fetch(c, buf):
            return None

        def wait_fetch(c, buf):
            return None

        def process(c, buf):
            def wgrp(gg, _):
                e0 = gg * 16
                a = [plsc.load_gather(attr2, [jnp.full((16,), buf, jnp.int32),
                                              i3 + (e0 * DIM + d)])
                     for d in range(DIM)]
                for k in range(KK):
                    acc = None
                    for d in range(DIM):
                        df = a[d] - mub[k][d]
                        t = df * df * isb[k][d]
                        acc = t if acc is None else acc + t
                    w_arr[k, pl.ds(e0, 16)] = jnp.exp(acc)
                return 0
            lax.fori_loop(0, 1, wgrp, 0)

            def _tree_sum(ts):
                while len(ts) > 1:
                    ts = [a + b for a, b in zip(ts[::2], ts[1::2])] + (
                        [ts[-1]] if len(ts) % 2 else [])
                return ts[0]

            def edge(ii, _):
                for u in range(2):
                    e = ii * 2 + u
                    eidx = jnp.full((16,), e, jnp.int32)
                    wks = [plsc.load_gather(w_arr, [kidx[k], eidx])
                           for k in range(KK)]
                    prods = [[] for _ in range(NV)]
                    for k in range(KK):
                        for g in range(H // 32):
                            word = plsc.bitcast(
                                rows2[buf, e, pl.ds(k * H + g * 32, 32)],
                                jnp.int32)
                            ev = plsc.bitcast(word << 16, jnp.float32)
                            od = plsc.bitcast(word & jnp.int32(-65536),
                                              jnp.float32)
                            prods[2 * g].append(wks[k] * ev)
                            prods[2 * g + 1].append(wks[k] * od)
                    for j in range(NV):
                        msg_v[e, pl.ds(j * 16, 16)] = _tree_sum(prods[j])
                return 0
            lax.fori_loop(0, 1, edge, 0)

            if False:
                pltpu.sync_copy(msg_v, shared.at[dst_all.at[c]], add=True)

        start_fetch(0, 0)

        def pair(i, _):
            c0 = i * 2
            wait_fetch(c0, 0)
            start_fetch(c0 + 1, 1)
            process(c0, 0)
            wait_fetch(c0 + 1, 1)
            start_fetch(c0 + 2, 0)
            process(c0 + 1, 1)
            return 0
        lax.fori_loop(0, 1, pair, 0)
        wait_fetch(NCHUNK - 1, 0)
        process(NCHUNK - 1, 0)

        plsc.subcore_barrier()
        pltpu.sync_copy(shared.at[pl.ds(r0, RPT)],
                        part.at[cid, pl.ds(r0, RPT)])

    return pl.kernel(
        body,
        out_type=jax.ShapeDtypeStruct((NC, NP, WR), jnp.float32),
        mesh=mesh,
        scratch_types=[
            pltpu.VMEM((NCHUNK, CH), jnp.int32),
            pltpu.VMEM((NCHUNK, CH), jnp.int32),
            pltpu.VMEM((2, CH * DIM), jnp.float32),
            pltpu.VMEM((2, CH, W), jnp.bfloat16),
            pltpu.VMEM((CH, WR), jnp.float32),
            pltpu.VMEM((DIM, 16), jnp.float32),
            pltpu.VMEM((DIM, 16), jnp.float32),
            pltpu.VMEM((KK, CH), jnp.float32),
            pltpu.VMEM_SHARED((NP, WR), jnp.float32),
            pltpu.SemaphoreType.DMA,
            pltpu.SemaphoreType.DMA,
        ],
        compiler_params=pltpu.CompilerParams(needs_layout_passes=False,
                                             use_tc_tiling_on_sc=False),
    )


_sc_layer1 = _sc_layer(KK * H1, H1 + 16, True)
_sc_layer2 = _sc_layer(KK * H2, H2, False)


def _interleave_perm(width):
    return (np.arange(width).reshape(-1, 2, 16).transpose(0, 2, 1)
            .reshape(width))


_PERM1 = _interleave_perm(KK * H1)
_PERM2 = _interleave_perm(KK * H2)


def _elu(h):
    return jnp.where(h > 0, h, jnp.exp(jnp.minimum(h, 0.0)) - 1.0)


def _tc_pre(x, g1, root1, b1):
    def body(x_ref, g_ref, r_ref, b_ref, xs_ref, xr_ref):
        xv = x_ref[...]
        xs_ref[...] = jnp.dot(xv, g_ref[...],
                              preferred_element_type=jnp.float32
                              ).astype(jnp.bfloat16)
        xr_ref[...] = (jnp.dot(xv, r_ref[...], preferred_element_type=jnp.float32)
                       + b_ref[...])
    return pl.pallas_call(
        body,
        out_shape=(jax.ShapeDtypeStruct((N, KK * H1), jnp.bfloat16),
                   jax.ShapeDtypeStruct((N, H1), jnp.float32)),
    )(x, g1[:, _PERM1], root1, b1.reshape(1, H1))


def _tc_mid(part1, xr1, g2, root2, b2):
    def body(p_ref, xr_ref, g_ref, r_ref, b_ref, xs_ref, xr2_ref):
        s = p_ref[0, :N] + p_ref[1, :N]
        cnt = jnp.maximum(s[:, H1:H1 + 1], 1.0)
        h = _elu(s[:, :H1] / cnt + xr_ref[...])
        xs_ref[...] = jnp.dot(h, g_ref[...],
                              preferred_element_type=jnp.float32
                              ).astype(jnp.bfloat16)
        xr2_ref[...] = (jnp.dot(h, r_ref[...], preferred_element_type=jnp.float32)
                        + b_ref[...])
    return pl.pallas_call(
        body,
        out_shape=(jax.ShapeDtypeStruct((N, KK * H2), jnp.bfloat16),
                   jax.ShapeDtypeStruct((N, H2), jnp.float32)),
    )(part1, xr1, g2[:, _PERM2], root2, b2.reshape(1, H2))


def _tc_final(part2, xr2, part1, batch_row, fw1, fb1, fw2, fb2):
    def body(p2_ref, xr_ref, p1_ref, bat_ref, w1_ref, c1_ref, w2_ref, c2_ref,
             out_ref):
        cnt = jnp.maximum(p1_ref[0, :N, H1:H1 + 1] + p1_ref[1, :N, H1:H1 + 1],
                          1.0)
        h = _elu((p2_ref[0, :N] + p2_ref[1, :N]) / cnt + xr_ref[...])
        gids = jax.lax.broadcasted_iota(jnp.int32, (G, N), 0)
        at = (gids == bat_ref[...]).astype(jnp.float32)
        c = jnp.maximum(jnp.sum(at, axis=1, keepdims=True), 1.0)
        pooled = jnp.dot(at, h, preferred_element_type=jnp.float32) / c
        hf = _elu(jnp.dot(pooled, w1_ref[...], preferred_element_type=jnp.float32)
                  + c1_ref[...])
        logits = (jnp.dot(hf, w2_ref[...], preferred_element_type=jnp.float32)
                  + c2_ref[...])
        m = jnp.max(logits, axis=1, keepdims=True)
        z = logits - m
        out_ref[...] = z - jnp.log(jnp.sum(jnp.exp(z), axis=1, keepdims=True))
    return pl.pallas_call(
        body,
        out_shape=jax.ShapeDtypeStruct((G, 2), jnp.float32),
    )(part2, xr2, part1, batch_row, fw1, fb1.reshape(1, -1), fw2,
      fb2.reshape(1, -1))


def _gauss_params(mu, sigma):
    mu_p = jnp.zeros((DIM, 16), jnp.float32).at[:, :KK].set(mu.T)
    is_p = jnp.zeros((DIM, 16), jnp.float32).at[:, :KK].set(
        (-0.5 / (1e-15 + sigma ** 2)).T)
    return mu_p, is_p


def kernel(x, edge_index, edge_attr, batch, g1, mu1, sigma1, root1, b1,
           g2, mu2, sigma2, root2, b2, fw1, fb1, fw2, fb2):
    xs1, xr1 = _tc_pre(x, g1, root1, b1)
    src = edge_index[0].reshape(NW, NCHUNK, CH)
    dst = edge_index[1].reshape(NW, NCHUNK, CH)
    attr = edge_attr.reshape(NW, NCHUNK, CH * DIM)
    mu_p1, is_p1 = _gauss_params(mu1, sigma1)
    part1 = _sc_layer1(xs1, src, dst, attr, mu_p1, is_p1)
    xs2, xr2 = _tc_mid(part1, xr1, g2, root2, b2)
    mu_p2, is_p2 = _gauss_params(mu2, sigma2)
    part2 = _sc_layer2(xs2, src, dst, attr, mu_p2, is_p2)
    return _tc_final(part2, xr2, part1, batch.reshape(1, N), fw1, fb1, fw2, fb2)

# --- scband reference (transcript-rebuilt; emitter-appended) ---
"""Pipeline reference for scband-gcn-47193100648765 (READ-ONLY COPY).

The authoritative reference and input builder live on the scoring server;
editing this copy changes nothing except your own understanding.
"""

import jax, jax.numpy as jnp
import numpy as np

N = 10000
E = 320000
D_IN = 128
K = 5
DIM = 3
H1 = 32
H2 = 64
G = 64


def setup_inputs(seed: int = 0) -> dict:
    key = jax.random.key(seed)
    ks = jax.random.split(key, 20)
    inp = {}
    inp["x"] = jax.random.normal(ks[0], (N, D_IN), dtype=jnp.float32)
    inp["edge_index"] = jax.random.randint(ks[1], (2, E), 0, N, dtype=jnp.int32)
    inp["edge_attr"] = jax.random.uniform(ks[2], (E, DIM), dtype=jnp.float32)
    inp["batch"] = jnp.sort(jax.random.randint(ks[3], (N,), 0, G, dtype=jnp.int32))
    inp["g1"] = jax.random.normal(ks[4], (D_IN, K * H1), dtype=jnp.float32) * (1.0 / np.sqrt(D_IN))
    inp["mu1"] = jax.random.normal(ks[5], (K, DIM), dtype=jnp.float32)
    inp["sigma1"] = jnp.ones((K, DIM), dtype=jnp.float32)
    inp["root1"] = jax.random.normal(ks[6], (D_IN, H1), dtype=jnp.float32) * (1.0 / np.sqrt(D_IN))
    inp["b1"] = jnp.zeros((H1,), dtype=jnp.float32)
    inp["g2"] = jax.random.normal(ks[7], (H1, K * H2), dtype=jnp.float32) * (1.0 / np.sqrt(H1))
    inp["mu2"] = jax.random.normal(ks[8], (K, DIM), dtype=jnp.float32)
    inp["sigma2"] = jnp.ones((K, DIM), dtype=jnp.float32)
    inp["root2"] = jax.random.normal(ks[9], (H1, H2), dtype=jnp.float32) * (1.0 / np.sqrt(H1))
    inp["b2"] = jnp.zeros((H2,), dtype=jnp.float32)
    inp["fw1"] = jax.random.normal(ks[10], (H2, 128), dtype=jnp.float32) * (1.0 / np.sqrt(H2))
    inp["fb1"] = jnp.zeros((128,), dtype=jnp.float32)
    inp["fw2"] = jax.random.normal(ks[11], (128, 2), dtype=jnp.float32) * (1.0 / np.sqrt(128.0))
    inp["fb2"] = jnp.zeros((2,), dtype=jnp.float32)
    return inp


def gmm_conv(x, edge_index, pseudo, g, mu, sigma, root, bias, k, f_out, n):
    # PyG GMMConv with aggr='mean', root_weight=True, bias=True
    src = edge_index[0]
    dst = edge_index[1]
    xj = (x[src] @ g).reshape(-1, k, f_out)  # gather + per-edge transform
    gauss = -0.5 * (pseudo[:, None, :] - mu[None, :, :]) ** 2
    gauss = gauss / (1e-15 + sigma[None, :, :] ** 2)
    w = jnp.exp(gauss.sum(-1))  # [E, K]
    msg = (xj * w[:, :, None]).sum(1)  # [E, f_out]
    s = jax.ops.segment_sum(msg, dst, num_segments=n)
    cnt = jax.ops.segment_sum(jnp.ones((msg.shape[0],), dtype=msg.dtype), dst, num_segments=n)
    agg = s / jnp.maximum(cnt, 1.0)[:, None]
    return agg + x @ root + bias


def reference(x, edge_index, edge_attr, batch, g1, mu1, sigma1, root1, b1, g2, mu2, sigma2, root2, b2, fw1, fb1, fw2, fb2):
    h = jax.nn.elu(gmm_conv(x, edge_index, edge_attr, g1, mu1, sigma1, root1, b1, K, H1, N))
    h = jax.nn.elu(gmm_conv(h, edge_index, edge_attr, g2, mu2, sigma2, root2, b2, K, H2, N))
    s = jax.ops.segment_sum(h, batch, num_segments=G)
    c = jax.ops.segment_sum(jnp.ones((N,), dtype=h.dtype), batch, num_segments=G)
    pooled = s / jnp.maximum(c, 1.0)[:, None]
    h = jax.nn.elu(pooled @ fw1 + fb1)
    # dropout is identity in eval mode
    logits = h @ fw2 + fb2
    return jax.nn.log_softmax(logits, axis=1)

if __name__ == "__main__":
    import jax
    _d = setup_inputs()
    print(jax.jit(kernel)(*tuple(_d.values())))

</pallas_src>

<mosaic_0001>
#map = affine_map<(d0, d1) -> (0, 0)>
#map1 = affine_map<(d0, d1) -> (0, 0, 0)>
module attributes {stable_mosaic.version = 14 : i64} {
  func.func @body(%arg0: i32, %arg1: i32, %arg2: memref<10000x160xbf16, #tpu.memory_space<hbm>>, %arg3: memref<32x125x80xi32, #tpu.memory_space<hbm>>, %arg4: memref<32x125x80xi32, #tpu.memory_space<hbm>>, %arg5: memref<32x125x240xf32, #tpu.memory_space<hbm>>, %arg6: memref<3x16xf32, #tpu.memory_space<hbm>>, %arg7: memref<3x16xf32, #tpu.memory_space<hbm>>, %arg8: memref<2x10240x48xf32, #tpu.memory_space<hbm>>, %arg9: memref<125x80xi32, #tpu.memory_space<vmem>>, %arg10: memref<125x80xi32, #tpu.memory_space<vmem>>, %arg11: memref<2x240xf32, #tpu.memory_space<vmem>>, %arg12: memref<2x80x160xbf16, #tpu.memory_space<vmem>>, %arg13: memref<80x48xf32, #tpu.memory_space<vmem>>, %arg14: memref<3x16xf32, #tpu.memory_space<vmem>>, %arg15: memref<3x16xf32, #tpu.memory_space<vmem>>, %arg16: memref<5x80xf32, #tpu.memory_space<vmem>>, %arg17: memref<10240x48xf32, #tpu.memory_space<vmem_shared>>, %arg18: memref<!tpu.dma_semaphore, #tpu.memory_space<semaphore_mem>>, %arg19: memref<!tpu.dma_semaphore, #tpu.memory_space<semaphore_mem>>) attributes {dimension_semantics = [#tpu.dimension_semantics<core_parallel>, #tpu.dimension_semantics<subcore_parallel>], iteration_bounds = array<i64: 2, 16>, scalar_prefetch = 0 : i64, scratch_operands = 11 : i64, tpu.core_type = #tpu.core_type<sc_vector_subcore>, window_params = [{transform_indices = #map}, {transform_indices = #map1}, {transform_indices = #map1}, {transform_indices = #map1}, {transform_indices = #map}, {transform_indices = #map}, {transform_indices = #map1}]} {
    %mul3A = arith.constant 2 : i32
    %mul3A_0 = arith.muli %arg1, %mul3A : i32
    %add3A = arith.addi %mul3A_0, %arg0 : i32
    "tpu.region"() ({
      %run_scoped3A = tpu.sem_alloc : memref<!tpu.dma_semaphore, #tpu.memory_space<semaphore_mem>>
      tpu.enqueue_dma source(%arg6 : memref<3x16xf32, #tpu.memory_space<hbm>>) target(%arg14 : memref<3x16xf32, #tpu.memory_space<vmem>>) target_semaphore(%run_scoped3A : memref<!tpu.dma_semaphore, #tpu.memory_space<semaphore_mem>>)
      tpu.wait_dma2 semaphore(%run_scoped3A : memref<!tpu.dma_semaphore, #tpu.memory_space<semaphore_mem>>) src(%arg6 : memref<3x16xf32, #tpu.memory_space<hbm>>) dst(%arg14 : memref<3x16xf32, #tpu.memory_space<vmem>>)
      tpu.yield
    }) : () -> ()
    "tpu.region"() ({
      %run_scoped3A = tpu.sem_alloc : memref<!tpu.dma_semaphore, #tpu.memory_space<semaphore_mem>>
      tpu.enqueue_dma source(%arg7 : memref<3x16xf32, #tpu.memory_space<hbm>>) target(%arg15 : memref<3x16xf32, #tpu.memory_space<vmem>>) target_semaphore(%run_scoped3A : memref<!tpu.dma_semaphore, #tpu.memory_space<semaphore_mem>>)
      tpu.wait_dma2 semaphore(%run_scoped3A : memref<!tpu.dma_semaphore, #tpu.memory_space<semaphore_mem>>) src(%arg7 : memref<3x16xf32, #tpu.memory_space<hbm>>) dst(%arg15 : memref<3x16xf32, #tpu.memory_space<vmem>>)
      tpu.yield
    }) : () -> ()
    "tpu.region"() ({
      %run_scoped3A = tpu.sem_alloc : memref<!tpu.dma_semaphore, #tpu.memory_space<semaphore_mem>>
      %dma_start3A = arith.constant 0 : i32
      %dma_start3A_1146 = arith.constant 0 : i32
      %dma_start3A_1147 = tpu.memref_slice %arg3[%add3A, %dma_start3A, %dma_start3A_1146] : memref<32x125x80xi32, #tpu.memory_space<hbm>> -> memref<1x125x80xi32, #tpu.memory_space<hbm>>
      %dma_start3A_1148 = tpu.memref_squeeze %dma_start3A_1147 : memref<1x125x80xi32, #tpu.memory_space<hbm>> -> memref<125x80xi32, #tpu.memory_space<hbm>>
      %dma_start3A_1149 = arith.constant 0 : i32
      %dma_start3A_1150 = arith.constant 0 : i32
      %dma_start3A_1151 = tpu.memref_slice %arg3[%add3A, %dma_start3A_1149, %dma_start3A_1150] : memref<32x125x80xi32, #tpu.memory_space<hbm>> -> memref<1x125x80xi32, #tpu.memory_space<hbm>>
      %dma_start3A_1152 = tpu.memref_squeeze %dma_start3A_1151 : memref<1x125x80xi32, #tpu.memory_space<hbm>> -> memref<125x80xi32, #tpu.memory_space<hbm>>
      tpu.enqueue_dma source(%dma_start3A_1152 : memref<125x80xi32, #tpu.memory_space<hbm>>) target(%arg9 : memref<125x80xi32, #tpu.memory_space<vmem>>) target_semaphore(%run_scoped3A : memref<!tpu.dma_semaphore, #tpu.memory_space<semaphore_mem>>)
      %dma_wait3A = arith.constant 0 : i32
      %dma_wait3A_1153 = arith.constant 0 : i32
      %dma_wait3A_1154 = tpu.memref_slice %arg3[%add3A, %dma_wait3A, %dma_wait3A_1153] : memref<32x125x80xi32, #tpu.memory_space<hbm>> -> memref<1x125x80xi32, #tpu.memory_space<hbm>>
      %dma_wait3A_1155 = tpu.memref_squeeze %dma_wait3A_1154 : memref<1x125x80xi32, #tpu.memory_space<hbm>> -> memref<125x80xi32, #tpu.memory_space<hbm>>
      %dma_wait3A_1156 = arith.constant 0 : i32
      %dma_wait3A_1157 = arith.constant 0 : i32
      %dma_wait3A_1158 = tpu.memref_slice %arg3[%add3A, %dma_wait3A_1156, %dma_wait3A_1157] : memref<32x125x80xi32, #tpu.memory_space<hbm>> -> memref<1x125x80xi32, #tpu.memory_space<hbm>>
      %dma_wait3A_1159 = tpu.memref_squeeze %dma_wait3A_1158 : memref<1x125x80xi32, #tpu.memory_space<hbm>> -> memref<125x80xi32, #tpu.memory_space<hbm>>
      tpu.wait_dma2 semaphore(%run_scoped3A : memref<!tpu.dma_semaphore, #tpu.memory_space<semaphore_mem>>) src(%dma_wait3A_1159 : memref<125x80xi32, #tpu.memory_space<hbm>>) dst(%arg9 : memref<125x80xi32, #tpu.memory_space<vmem>>)
      tpu.yield
    }) : () -> ()
    "tpu.region"() ({
      %run_scoped3A = tpu.sem_alloc : memref<!tpu.dma_semaphore, #tpu.memory_space<semaphore_mem>>
      %dma_start3A = arith.constant 0 : i32
      %dma_start3A_1146 = arith.constant 0 : i32
      %dma_start3A_1147 = tpu.memref_slice %arg4[%add3A, %dma_start3A, %dma_start3A_1146] : memref<32x125x80xi32, #tpu.memory_space<hbm>> -> memref<1x125x80xi32, #tpu.memory_space<hbm>>
      %dma_start3A_1148 = tpu.memref_squeeze %dma_start3A_1147 : memref<1x125x80xi32, #tpu.memory_space<hbm>> -> memref<125x80xi32, #tpu.memory_space<hbm>>
      %dma_start3A_1149 = arith.constant 0 : i32
      %dma_start3A_1150 = arith.constant 0 : i32
      %dma_start3A_1151 = tpu.memref_slice %arg4[%add3A, %dma_start3A_1149, %dma_start3A_1150] : memref<32x125x80xi32, #tpu.memory_space<hbm>> -> memref<1x125x80xi32, #tpu.memory_space<hbm>>
      %dma_start3A_1152 = tpu.memref_squeeze %dma_start3A_1151 : memref<1x125x80xi32, #tpu.memory_space<hbm>> -> memref<125x80xi32, #tpu.memory_space<hbm>>
      tpu.enqueue_dma source(%dma_start3A_1152 : memref<125x80xi32, #tpu.memory_space<hbm>>) target(%arg10 : memref<125x80xi32, #tpu.memory_space<vmem>>) target_semaphore(%run_scoped3A : memref<!tpu.dma_semaphore, #tpu.memory_space<semaphore_mem>>)
      %dma_wait3A = arith.constant 0 : i32
      %dma_wait3A_1153 = arith.constant 0 : i32
      %dma_wait3A_1154 = tpu.memref_slice %arg4[%add3A, %dma_wait3A, %dma_wait3A_1153] : memref<32x125x80xi32, #tpu.memory_space<hbm>> -> memref<1x125x80xi32, #tpu.memory_space<hbm>>
      %dma_wait3A_1155 = tpu.memref_squeeze %dma_wait3A_1154 : memref<1x125x80xi32, #tpu.memory_space<hbm>> -> memref<125x80xi32, #tpu.memory_space<hbm>>
      %dma_wait3A_1156 = arith.constant 0 : i32
      %dma_wait3A_1157 = arith.constant 0 : i32
      %dma_wait3A_1158 = tpu.memref_slice %arg4[%add3A, %dma_wait3A_1156, %dma_wait3A_1157] : memref<32x125x80xi32, #tpu.memory_space<hbm>> -> memref<1x125x80xi32, #tpu.memory_space<hbm>>
      %dma_wait3A_1159 = tpu.memref_squeeze %dma_wait3A_1158 : memref<1x125x80xi32, #tpu.memory_space<hbm>> -> memref<125x80xi32, #tpu.memory_space<hbm>>
      tpu.wait_dma2 semaphore(%run_scoped3A : memref<!tpu.dma_semaphore, #tpu.memory_space<semaphore_mem>>) src(%dma_wait3A_1159 : memref<125x80xi32, #tpu.memory_space<hbm>>) dst(%arg10 : memref<125x80xi32, #tpu.memory_space<vmem>>)
      tpu.yield
    }) : () -> ()
    %broadcast_in_dim3A = arith.constant 0.000000e+00 : f32
    %broadcast_in_dim3A_1 = vector.broadcast %broadcast_in_dim3A : f32 to vector<16xf32>
    %scan3A = arith.constant 0 : i32
    %scan3A_2 = arith.constant 0 : i32
    %scan3A_3 = arith.constant 80 : i32
    %scan3A_4 = arith.addi %scan3A_2, %scan3A_3 : i32
    %scan3A_5 = arith.constant 1 : i32
    %scan3A_6 = scf.for %scan3A_1146 = %scan3A_2 to %scan3A_4 step %scan3A_5 iter_args(%scan3A_1147 = %scan3A) -> (i32)  : i32 {
      %swap3A_1148 = arith.index_cast %scan3A_1146 : i32 to index
      %swap3A_1149 = arith.constant 0 : index
      %swap3A_1150 = tpu.vector_load %arg13[%swap3A_1148, %swap3A_1149] {strides = array<i32>} : memref<80x48xf32, #tpu.memory_space<vmem>>, vector<16xf32>,
      tpu.vector_store %arg13[%swap3A_1148, %swap3A_1149], %broadcast_in_dim3A_1 {strides = array<i32>} : memref<80x48xf32, #tpu.memory_space<vmem>>, vector<16xf32>,
      %swap3A_1151 = arith.index_cast %scan3A_1146 : i32 to index
      %swap3A_1152 = arith.constant 16 : index
      %swap3A_1153 = tpu.vector_load %arg13[%swap3A_1151, %swap3A_1152] {strides = array<i32>} : memref<80x48xf32, #tpu.memory_space<vmem>>, vector<16xf32>,
      tpu.vector_store %arg13[%swap3A_1151, %swap3A_1152], %broadcast_in_dim3A_1 {strides = array<i32>} : memref<80x48xf32, #tpu.memory_space<vmem>>, vector<16xf32>,
      %swap3A_1154 = arith.index_cast %scan3A_1146 : i32 to index
      %swap3A_1155 = arith.constant 32 : index
      %swap3A_1156 = tpu.vector_load %arg13[%swap3A_1154, %swap3A_1155] {strides = array<i32>} : memref<80x48xf32, #tpu.memory_space<vmem>>, vector<16xf32>,
      tpu.vector_store %arg13[%swap3A_1154, %swap3A_1155], %broadcast_in_dim3A_1 {strides = array<i32>} : memref<80x48xf32, #tpu.memory_space<vmem>>, vector<16xf32>,
      %scan3A_1157 = arith.constant 0 : i32
      scf.yield %scan3A_1157 : i32
    }
    %scan3A_7 = arith.constant 80 : i32
    %mul3A_8 = arith.constant 640 : i32
    %mul3A_9 = arith.muli %arg1, %mul3A_8 : i32
    %add3A_10 = arith.constant 0 : i32
    %add3A_11 = arith.addi %mul3A_9, %add3A_10 : i32
    "tpu.region"() ({
      %run_scoped3A = tpu.sem_alloc : memref<!tpu.dma_semaphore, #tpu.memory_space<semaphore_mem>>
      %dma_start3A = arith.constant 0 : i32
      %dma_start3A_1146 = tpu.memref_slice %arg17[%add3A_11, %dma_start3A] : memref<10240x48xf32, #tpu.memory_space<vmem_shared>> -> memref<80x48xf32, #tpu.memory_space<vmem_shared>>
      %dma_start3A_1147 = arith.constant 0 : i32
      %dma_start3A_1148 = tpu.memref_slice %arg17[%add3A_11, %dma_start3A_1147] : memref<10240x48xf32, #tpu.memory_space<vmem_shared>> -> memref<80x48xf32, #tpu.memory_space<vmem_shared>>
      tpu.enqueue_dma source(%arg13 : memref<80x48xf32, #tpu.memory_space<vmem>>) target(%dma_start3A_1148 : memref<80x48xf32, #tpu.memory_space<vmem_shared>>) target_semaphore(%run_scoped3A : memref<!tpu.dma_semaphore, #tpu.memory_space<semaphore_mem>>)
      %dma_wait3A = arith.constant 0 : i32
      %dma_wait3A_1149 = tpu.memref_slice %arg17[%add3A_11, %dma_wait3A] : memref<10240x48xf32, #tpu.memory_space<vmem_shared>> -> memref<80x48xf32, #tpu.memory_space<vmem_shared>>
      %dma_wait3A_1150 = arith.constant 0 : i32
      %dma_wait3A_1151 = tpu.memref_slice %arg17[%add3A_11, %dma_wait3A_1150] : memref<10240x48xf32, #tpu.memory_space<vmem_shared>> -> memref<80x48xf32, #tpu.memory_space<vmem_shared>>
      tpu.wait_dma2 semaphore(%run_scoped3A : memref<!tpu.dma_semaphore, #tpu.memory_space<semaphore_mem>>) src(%arg13 : memref<80x48xf32, #tpu.memory_space<vmem>>) dst(%dma_wait3A_1151 : memref<80x48xf32, #tpu.memory_space<vmem_shared>>)
      tpu.yield
    }) : () -> ()
    %add3A_12 = arith.constant 80 : i32
    %add3A_13 = arith.addi %mul3A_9, %add3A_12 : i32
    "tpu.region"() ({
      %run_scoped3A = tpu.sem_alloc : memref<!tpu.dma_semaphore, #tpu.memory_space<semaphore_mem>>
      %dma_start3A = arith.constant 0 : i32
      %dma_start3A_1146 = tpu.memref_slice %arg17[%add3A_13, %dma_start3A] : memref<10240x48xf32, #tpu.memory_space<vmem_shared>> -> memref<80x48xf32, #tpu.memory_space<vmem_shared>>
      %dma_start3A_1147 = arith.constant 0 : i32
      %dma_start3A_1148 = tpu.memref_slice %arg17[%add3A_13, %dma_start3A_1147] : memref<10240x48xf32, #tpu.memory_space<vmem_shared>> -> memref<80x48xf32, #tpu.memory_space<vmem_shared>>
      tpu.enqueue_dma source(%arg13 : memref<80x48xf32, #tpu.memory_space<vmem>>) target(%dma_start3A_1148 : memref<80x48xf32, #tpu.memory_space<vmem_shared>>) target_semaphore(%run_scoped3A : memref<!tpu.dma_semaphore, #tpu.memory_space<semaphore_mem>>)
      %dma_wait3A = arith.constant 0 : i32
      %dma_wait3A_1149 = tpu.memref_slice %arg17[%add3A_13, %dma_wait3A] : memref<10240x48xf32, #tpu.memory_space<vmem_shared>> -> memref<80x48xf32, #tpu.memory_space<vmem_shared>>
      %dma_wait3A_1150 = arith.constant 0 : i32
      %dma_wait3A_1151 = tpu.memref_slice %arg17[%add3A_13, %dma_wait3A_1150] : memref<10240x48xf32, #tpu.memory_space<vmem_shared>> -> memref<80x48xf32, #tpu.memory_space<vmem_shared>>
      tpu.wait_dma2 semaphore(%run_scoped3A : memref<!tpu.dma_semaphore, #tpu.memory_space<semaphore_mem>>) src(%arg13 : memref<80x48xf32, #tpu.memory_space<vmem>>) dst(%dma_wait3A_1151 : memref<80x48xf32, #tpu.memory_space<vmem_shared>>)
      tpu.yield
    }) : () -> ()
    %add3A_14 = arith.constant 160 : i32
    %add3A_15 = arith.addi %mul3A_9, %add3A_14 : i32
    "tpu.region"() ({
      %run_scoped3A = tpu.sem_alloc : memref<!tpu.dma_semaphore, #tpu.memory_space<semaphore_mem>>
      %dma_start3A = arith.constant 0 : i32
      %dma_start3A_1146 = tpu.memref_slice %arg17[%add3A_15, %dma_start3A] : memref<10240x48xf32, #tpu.memory_space<vmem_shared>> -> memref<80x48xf32, #tpu.memory_space<vmem_shared>>
      %dma_start3A_1147 = arith.constant 0 : i32
      %dma_start3A_1148 = tpu.memref_slice %arg17[%add3A_15, %dma_start3A_1147] : memref<10240x48xf32, #tpu.memory_space<vmem_shared>> -> memref<80x48xf32, #tpu.memory_space<vmem_shared>>
      tpu.enqueue_dma source(%arg13 : memref<80x48xf32, #tpu.memory_space<vmem>>) target(%dma_start3A_1148 : memref<80x48xf32, #tpu.memory_space<vmem_shared>>) target_semaphore(%run_scoped3A : memref<!tpu.dma_semaphore, #tpu.memory_space<semaphore_mem>>)
      %dma_wait3A = arith.constant 0 : i32
      %dma_wait3A_1149 = tpu.memref_slice %arg17[%add3A_15, %dma_wait3A] : memref<10240x48xf32, #tpu.memory_space<vmem_shared>> -> memref<80x48xf32, #tpu.memory_space<vmem_shared>>
      %dma_wait3A_1150 = arith.constant 0 : i32
      %dma_wait3A_1151 = tpu.memref_slice %arg17[%add3A_15, %dma_wait3A_1150] : memref<10240x48xf32, #tpu.memory_space<vmem_shared>> -> memref<80x48xf32, #tpu.memory_space<vmem_shared>>
      tpu.wait_dma2 semaphore(%run_scoped3A : memref<!tpu.dma_semaphore, #tpu.memory_space<semaphore_mem>>) src(%arg13 : memref<80x48xf32, #tpu.memory_space<vmem>>) dst(%dma_wait3A_1151 : memref<80x48xf32, #tpu.memory_space<vmem_shared>>)
      tpu.yield
    }) : () -> ()
    %add3A_16 = arith.constant 240 : i32
    %add3A_17 = arith.addi %mul3A_9, %add3A_16 : i32
    "tpu.region"() ({
      %run_scoped3A = tpu.sem_alloc : memref<!tpu.dma_semaphore, #tpu.memory_space<semaphore_mem>>
      %dma_start3A = arith.constant 0 : i32
      %dma_start3A_1146 = tpu.memref_slice %arg17[%add3A_17, %dma_start3A] : memref<10240x48xf32, #tpu.memory_space<vmem_shared>> -> memref<80x48xf32, #tpu.memory_space<vmem_shared>>
      %dma_start3A_1147 = arith.constant 0 : i32
      %dma_start3A_1148 = tpu.memref_slice %arg17[%add3A_17, %dma_start3A_1147] : memref<10240x48xf32, #tpu.memory_space<vmem_shared>> -> memref<80x48xf32, #tpu.memory_space<vmem_shared>>
      tpu.enqueue_dma source(%arg13 : memref<80x48xf32, #tpu.memory_space<vmem>>) target(%dma_start3A_1148 : memref<80x48xf32, #tpu.memory_space<vmem_shared>>) target_semaphore(%run_scoped3A : memref<!tpu.dma_semaphore, #tpu.memory_space<semaphore_mem>>)
      %dma_wait3A = arith.constant 0 : i32
      %dma_wait3A_1149 = tpu.memref_slice %arg17[%add3A_17, %dma_wait3A] : memref<10240x48xf32, #tpu.memory_space<vmem_shared>> -> memref<80x48xf32, #tpu.memory_space<vmem_shared>>
      %dma_wait3A_1150 = arith.constant 0 : i32
      %dma_wait3A_1151 = tpu.memref_slice %arg17[%add3A_17, %dma_wait3A_1150] : memref<10240x48xf32, #tpu.memory_space<vmem_shared>> -> memref<80x48xf32, #tpu.memory_space<vmem_shared>>
      tpu.wait_dma2 semaphore(%run_scoped3A : memref<!tpu.dma_semaphore, #tpu.memory_space<semaphore_mem>>) src(%arg13 : memref<80x48xf32, #tpu.memory_space<vmem>>) dst(%dma_wait3A_1151 : memref<80x48xf32, #tpu.memory_space<vmem_shared>>)
      tpu.yield
    }) : () -> ()
    %add3A_18 = arith.constant 320 : i32
    %add3A_19 = arith.addi %mul3A_9, %add3A_18 : i32
    "tpu.region"() ({
      %run_scoped3A = tpu.sem_alloc : memref<!tpu.dma_semaphore, #tpu.memory_space<semaphore_mem>>
      %dma_start3A = arith.constant 0 : i32
      %dma_start3A_1146 = tpu.memref_slice %arg17[%add3A_19, %dma_start3A] : memref<10240x48xf32, #tpu.memory_space<vmem_shared>> -> memref<80x48xf32, #tpu.memory_space<vmem_shared>>
      %dma_start3A_1147 = arith.constant 0 : i32
      %dma_start3A_1148 = tpu.memref_slice %arg17[%add3A_19, %dma_start3A_1147] : memref<10240x48xf32, #tpu.memory_space<vmem_shared>> -> memref<80x48xf32, #tpu.memory_space<vmem_shared>>
      tpu.enqueue_dma source(%arg13 : memref<80x48xf32, #tpu.memory_space<vmem>>) target(%dma_start3A_1148 : memref<80x48xf32, #tpu.memory_space<vmem_shared>>) target_semaphore(%run_scoped3A : memref<!tpu.dma_semaphore, #tpu.memory_space<semaphore_mem>>)
      %dma_wait3A = arith.constant 0 : i32
      %dma_wait3A_1149 = tpu.memref_slice %arg17[%add3A_19, %dma_wait3A] : memref<10240x48xf32, #tpu.memory_space<vmem_shared>> -> memref<80x48xf32, #tpu.memory_space<vmem_shared>>
      %dma_wait3A_1150 = arith.constant 0 : i32
      %dma_wait3A_1151 = tpu.memref_slice %arg17[%add3A_19, %dma_wait3A_1150] : memref<10240x48xf32, #tpu.memory_space<vmem_shared>> -> memref<80x48xf32, #tpu.memory_space<vmem_shared>>
      tpu.wait_dma2 semaphore(%run_scoped3A : memref<!tpu.dma_semaphore, #tpu.memory_space<semaphore_mem>>) src(%arg13 : memref<80x48xf32, #tpu.memory_space<vmem>>) dst(%dma_wait3A_1151 : memref<80x48xf32, #tpu.memory_space<vmem_shared>>)
      tpu.yield
    }) : () -> ()
    %add3A_20 = arith.constant 400 : i32
    %add3A_21 = arith.addi %mul3A_9, %add3A_20 : i32
    "tpu.region"() ({
      %run_scoped3A = tpu.sem_alloc : memref<!tpu.dma_semaphore, #tpu.memory_space<semaphore_mem>>
      %dma_start3A = arith.constant 0 : i32
      %dma_start3A_1146 = tpu.memref_slice %arg17[%add3A_21, %dma_start3A] : memref<10240x48xf32, #tpu.memory_space<vmem_shared>> -> memref<80x48xf32, #tpu.memory_space<vmem_shared>>
      %dma_start3A_1147 = arith.constant 0 : i32
      %dma_start3A_1148 = tpu.memref_slice %arg17[%add3A_21, %dma_start3A_1147] : memref<10240x48xf32, #tpu.memory_space<vmem_shared>> -> memref<80x48xf32, #tpu.memory_space<vmem_shared>>
      tpu.enqueue_dma source(%arg13 : memref<80x48xf32, #tpu.memory_space<vmem>>) target(%dma_start3A_1148 : memref<80x48xf32, #tpu.memory_space<vmem_shared>>) target_semaphore(%run_scoped3A : memref<!tpu.dma_semaphore, #tpu.memory_space<semaphore_mem>>)
      %dma_wait3A = arith.constant 0 : i32
      %dma_wait3A_1149 = tpu.memref_slice %arg17[%add3A_21, %dma_wait3A] : memref<10240x48xf32, #tpu.memory_space<vmem_shared>> -> memref<80x48xf32, #tpu.memory_space<vmem_shared>>
      %dma_wait3A_1150 = arith.constant 0 : i32
      %dma_wait3A_1151 = tpu.memref_slice %arg17[%add3A_21, %dma_wait3A_1150] : memref<10240x48xf32, #tpu.memory_space<vmem_shared>> -> memref<80x48xf32, #tpu.memory_space<vmem_shared>>
      tpu.wait_dma2 semaphore(%run_scoped3A : memref<!tpu.dma_semaphore, #tpu.memory_space<semaphore_mem>>) src(%arg13 : memref<80x48xf32, #tpu.memory_space<vmem>>) dst(%dma_wait3A_1151 : memref<80x48xf32, #tpu.memory_space<vmem_shared>>)
      tpu.yield
    }) : () -> ()
    %add3A_22 = arith.constant 480 : i32
    %add3A_23 = arith.addi %mul3A_9, %add3A_22 : i32
    "tpu.region"() ({
      %run_scoped3A = tpu.sem_alloc : memref<!tpu.dma_semaphore, #tpu.memory_space<semaphore_mem>>
      %dma_start3A = arith.constant 0 : i32
      %dma_start3A_1146 = tpu.memref_slice %arg17[%add3A_23, %dma_start3A] : memref<10240x48xf32, #tpu.memory_space<vmem_shared>> -> memref<80x48xf32, #tpu.memory_space<vmem_shared>>
      %dma_start3A_1147 = arith.constant 0 : i32
      %dma_start3A_1148 = tpu.memref_slice %arg17[%add3A_23, %dma_start3A_1147] : memref<10240x48xf32, #tpu.memory_space<vmem_shared>> -> memref<80x48xf32, #tpu.memory_space<vmem_shared>>
      tpu.enqueue_dma source(%arg13 : memref<80x48xf32, #tpu.memory_space<vmem>>) target(%dma_start3A_1148 : memref<80x48xf32, #tpu.memory_space<vmem_shared>>) target_semaphore(%run_scoped3A : memref<!tpu.dma_semaphore, #tpu.memory_space<semaphore_mem>>)
      %dma_wait3A = arith.constant 0 : i32
      %dma_wait3A_1149 = tpu.memref_slice %arg17[%add3A_23, %dma_wait3A] : memref<10240x48xf32, #tpu.memory_space<vmem_shared>> -> memref<80x48xf32, #tpu.memory_space<vmem_shared>>
      %dma_wait3A_1150 = arith.constant 0 : i32
      %dma_wait3A_1151 = tpu.memref_slice %arg17[%add3A_23, %dma_wait3A_1150] : memref<10240x48xf32, #tpu.memory_space<vmem_shared>> -> memref<80x48xf32, #tpu.memory_space<vmem_shared>>
      tpu.wait_dma2 semaphore(%run_scoped3A : memref<!tpu.dma_semaphore, #tpu.memory_space<semaphore_mem>>) src(%arg13 : memref<80x48xf32, #tpu.memory_space<vmem>>) dst(%dma_wait3A_1151 : memref<80x48xf32, #tpu.memory_space<vmem_shared>>)
      tpu.yield
    }) : () -> ()
    %add3A_24 = arith.constant 560 : i32
    %add3A_25 = arith.addi %mul3A_9, %add3A_24 : i32
    "tpu.region"() ({
      %run_scoped3A = tpu.sem_alloc : memref<!tpu.dma_semaphore, #tpu.memory_space<semaphore_mem>>
      %dma_start3A = arith.constant 0 : i32
      %dma_start3A_1146 = tpu.memref_slice %arg17[%add3A_25, %dma_start3A] : memref<10240x48xf32, #tpu.memory_space<vmem_shared>> -> memref<80x48xf32, #tpu.memory_space<vmem_shared>>
      %dma_start3A_1147 = arith.constant 0 : i32
      %dma_start3A_1148 = tpu.memref_slice %arg17[%add3A_25, %dma_start3A_1147] : memref<10240x48xf32, #tpu.memory_space<vmem_shared>> -> memref<80x48xf32, #tpu.memory_space<vmem_shared>>
      tpu.enqueue_dma source(%arg13 : memref<80x48xf32, #tpu.memory_space<vmem>>) target(%dma_start3A_1148 : memref<80x48xf32, #tpu.memory_space<vmem_shared>>) target_semaphore(%run_scoped3A : memref<!tpu.dma_semaphore, #tpu.memory_space<semaphore_mem>>)
      %dma_wait3A = arith.constant 0 : i32
      %dma_wait3A_1149 = tpu.memref_slice %arg17[%add3A_25, %dma_wait3A] : memref<10240x48xf32, #tpu.memory_space<vmem_shared>> -> memref<80x48xf32, #tpu.memory_space<vmem_shared>>
      %dma_wait3A_1150 = arith.constant 0 : i32
      %dma_wait3A_1151 = tpu.memref_slice %arg17[%add3A_25, %dma_wait3A_1150] : memref<10240x48xf32, #tpu.memory_space<vmem_shared>> -> memref<80x48xf32, #tpu.memory_space<vmem_shared>>
      tpu.wait_dma2 semaphore(%run_scoped3A : memref<!tpu.dma_semaphore, #tpu.memory_space<semaphore_mem>>) src(%arg13 : memref<80x48xf32, #tpu.memory_space<vmem>>) dst(%dma_wait3A_1151 : memref<80x48xf32, #tpu.memory_space<vmem_shared>>)
      tpu.yield
    }) : () -> ()
    %iota3A = tpu.iota {dimensions = array<i32: 0>} : vector<16xi32>
    %eq3A = arith.constant 0 : i32
    %eq3A_26 = vector.broadcast %eq3A : i32 to vector<16xi32>
    %eq3A_27 = arith.cmpi eq, %iota3A, %eq3A_26 : vector<16xi32>
    %jit3A = arith.constant 1.000000e+00 : f32
    %jit3A_28 = arith.constant 0.000000e+00 : f32
    %broadcast_in_dim3A_29 = vector.broadcast %jit3A : f32 to vector<16xf32>
    %broadcast_in_dim3A_30 = vector.broadcast %jit3A_28 : f32 to vector<16xf32>
    %select_n3A = arith.select %eq3A_27, %broadcast_in_dim3A_29, %broadcast_in_dim3A_30 : vector<16xi1>, vector<16xf32>
    %scan3A_31 = arith.constant 0 : i32
    %scan3A_32 = arith.constant 0 : i32
    %scan3A_33 = arith.constant 80 : i32
    %scan3A_34 = arith.addi %scan3A_32, %scan3A_33 : i32
    %scan3A_35 = arith.constant 1 : i32
    %scan3A_36 = scf.for %scan3A_1146 = %scan3A_32 to %scan3A_34 step %scan3A_35 iter_args(%scan3A_1147 = %scan3A_31) -> (i32)  : i32 {
      %swap3A_1148 = arith.index_cast %scan3A_1146 : i32 to index
      %swap3A_1149 = arith.constant 32 : index
      %swap3A_1150 = tpu.vector_load %arg13[%swap3A_1148, %swap3A_1149] {strides = array<i32>} : memref<80x48xf32, #tpu.memory_space<vmem>>, vector<16xf32>,
      tpu.vector_store %arg13[%swap3A_1148, %swap3A_1149], %select_n3A {strides = array<i32>} : memref<80x48xf32, #tpu.memory_space<vmem>>, vector<16xf32>,
      %scan3A_1151 = arith.constant 0 : i32
      scf.yield %scan3A_1151 : i32
    }
    %scan3A_37 = arith.constant 80 : i32
    %barrier3A = arith.constant 0 : index
    tpu.barrier barrier_id(%barrier3A)
    %get3A = arith.constant 0 : i32
    %get3A_38 = arith.index_cast %get3A : i32 to index
    %get3A_39 = arith.constant 0 : index
    %get3A_40 = tpu.vector_load %arg14[%get3A_38, %get3A_39] {strides = array<i32>} : memref<3x16xf32, #tpu.memory_space<vmem>>, vector<16xf32>,
    %get3A_41 = arith.constant 1 : i32
    %get3A_42 = arith.index_cast %get3A_41 : i32 to index
    %get3A_43 = arith.constant 0 : index
    %get3A_44 = tpu.vector_load %arg14[%get3A_42, %get3A_43] {strides = array<i32>} : memref<3x16xf32, #tpu.memory_space<vmem>>, vector<16xf32>,
    %get3A_45 = arith.constant 2 : i32
    %get3A_46 = arith.index_cast %get3A_45 : i32 to index
    %get3A_47 = arith.constant 0 : index
    %get3A_48 = tpu.vector_load %arg14[%get3A_46, %get3A_47] {strides = array<i32>} : memref<3x16xf32, #tpu.memory_space<vmem>>, vector<16xf32>,
    %get3A_49 = arith.constant 0 : i32
    %get3A_50 = arith.index_cast %get3A_49 : i32 to index
    %get3A_51 = arith.constant 0 : index
    %get3A_52 = tpu.vector_load %arg15[%get3A_50, %get3A_51] {strides = array<i32>} : memref<3x16xf32, #tpu.memory_space<vmem>>, vector<16xf32>,
    %get3A_53 = arith.constant 1 : i32
    %get3A_54 = arith.index_cast %get3A_53 : i32 to index
    %get3A_55 = arith.constant 0 : index
    %get3A_56 = tpu.vector_load %arg15[%get3A_54, %get3A_55] {strides = array<i32>} : memref<3x16xf32, #tpu.memory_space<vmem>>, vector<16xf32>,
    %get3A_57 = arith.constant 2 : i32
    %get3A_58 = arith.index_cast %get3A_57 : i32 to index
    %get3A_59 = arith.constant 0 : index
    %get3A_60 = tpu.vector_load %arg15[%get3A_58, %get3A_59] {strides = array<i32>} : memref<3x16xf32, #tpu.memory_space<vmem>>, vector<16xf32>,
    %slice3A = vector.extract_strided_slice %get3A_40 {offsets = [0], sizes = [1], strides = [1]} : vector<16xf32> to vector<1xf32>
    %squeeze3A = vector.extract %slice3A[0] : f32 from vector<1xf32>
    %broadcast_in_dim3A_61 = vector.broadcast %squeeze3A : f32 to vector<16xf32>
    %slice3A_62 = vector.extract_strided_slice %get3A_44 {offsets = [0], sizes = [1], strides = [1]} : vector<16xf32> to vector<1xf32>
    %squeeze3A_63 = vector.extract %slice3A_62[0] : f32 from vector<1xf32>
    %broadcast_in_dim3A_64 = vector.broadcast %squeeze3A_63 : f32 to vector<16xf32>
    %slice3A_65 = vector.extract_strided_slice %get3A_48 {offsets = [0], sizes = [1], strides = [1]} : vector<16xf32> to vector<1xf32>
    %squeeze3A_66 = vector.extract %slice3A_65[0] : f32 from vector<1xf32>
    %broadcast_in_dim3A_67 = vector.broadcast %squeeze3A_66 : f32 to vector<16xf32>
    %slice3A_68 = vector.extract_strided_slice %get3A_40 {offsets = [1], sizes = [1], strides = [1]} : vector<16xf32> to vector<1xf32>
    %squeeze3A_69 = vector.extract %slice3A_68[0] : f32 from vector<1xf32>
    %broadcast_in_dim3A_70 = vector.broadcast %squeeze3A_69 : f32 to vector<16xf32>
    %slice3A_71 = vector.extract_strided_slice %get3A_44 {offsets = [1], sizes = [1], strides = [1]} : vector<16xf32> to vector<1xf32>
    %squeeze3A_72 = vector.extract %slice3A_71[0] : f32 from vector<1xf32>
    %broadcast_in_dim3A_73 = vector.broadcast %squeeze3A_72 : f32 to vector<16xf32>
    %slice3A_74 = vector.extract_strided_slice %get3A_48 {offsets = [1], sizes = [1], strides = [1]} : vector<16xf32> to vector<1xf32>
    %squeeze3A_75 = vector.extract %slice3A_74[0] : f32 from vector<1xf32>
    %broadcast_in_dim3A_76 = vector.broadcast %squeeze3A_75 : f32 to vector<16xf32>
    %slice3A_77 = vector.extract_strided_slice %get3A_40 {offsets = [2], sizes = [1], strides = [1]} : vector<16xf32> to vector<1xf32>
    %squeeze3A_78 = vector.extract %slice3A_77[0] : f32 from vector<1xf32>
    %broadcast_in_dim3A_79 = vector.broadcast %squeeze3A_78 : f32 to vector<16xf32>
    %slice3A_80 = vector.extract_strided_slice %get3A_44 {offsets = [2], sizes = [1], strides = [1]} : vector<16xf32> to vector<1xf32>
    %squeeze3A_81 = vector.extract %slice3A_80[0] : f32 from vector<1xf32>
    %broadcast_in_dim3A_82 = vector.broadcast %squeeze3A_81 : f32 to vector<16xf32>
    %slice3A_83 = vector.extract_strided_slice %get3A_48 {offsets = [2], sizes = [1], strides = [1]} : vector<16xf32> to vector<1xf32>
    %squeeze3A_84 = vector.extract %slice3A_83[0] : f32 from vector<1xf32>
    %broadcast_in_dim3A_85 = vector.broadcast %squeeze3A_84 : f32 to vector<16xf32>
    %slice3A_86 = vector.extract_strided_slice %get3A_40 {offsets = [3], sizes = [1], strides = [1]} : vector<16xf32> to vector<1xf32>
    %squeeze3A_87 = vector.extract %slice3A_86[0] : f32 from vector<1xf32>
    %broadcast_in_dim3A_88 = vector.broadcast %squeeze3A_87 : f32 to vector<16xf32>
    %slice3A_89 = vector.extract_strided_slice %get3A_44 {offsets = [3], sizes = [1], strides = [1]} : vector<16xf32> to vector<1xf32>
    %squeeze3A_90 = vector.extract %slice3A_89[0] : f32 from vector<1xf32>
    %broadcast_in_dim3A_91 = vector.broadcast %squeeze3A_90 : f32 to vector<16xf32>
    %slice3A_92 = vector.extract_strided_slice %get3A_48 {offsets = [3], sizes = [1], strides = [1]} : vector<16xf32> to vector<1xf32>
    %squeeze3A_93 = vector.extract %slice3A_92[0] : f32 from vector<1xf32>
    %broadcast_in_dim3A_94 = vector.broadcast %squeeze3A_93 : f32 to vector<16xf32>
    %slice3A_95 = vector.extract_strided_slice %get3A_40 {offsets = [4], sizes = [1], strides = [1]} : vector<16xf32> to vector<1xf32>
    %squeeze3A_96 = vector.extract %slice3A_95[0] : f32 from vector<1xf32>
    %broadcast_in_dim3A_97 = vector.broadcast %squeeze3A_96 : f32 to vector<16xf32>
    %slice3A_98 = vector.extract_strided_slice %get3A_44 {offsets = [4], sizes = [1], strides = [1]} : vector<16xf32> to vector<1xf32>
    %squeeze3A_99 = vector.extract %slice3A_98[0] : f32 from vector<1xf32>
    %broadcast_in_dim3A_100 = vector.broadcast %squeeze3A_99 : f32 to vector<16xf32>
    %slice3A_101 = vector.extract_strided_slice %get3A_48 {offsets = [4], sizes = [1], strides = [1]} : vector<16xf32> to vector<1xf32>
    %squeeze3A_102 = vector.extract %slice3A_101[0] : f32 from vector<1xf32>
    %broadcast_in_dim3A_103 = vector.broadcast %squeeze3A_102 : f32 to vector<16xf32>
    %slice3A_104 = vector.extract_strided_slice %get3A_52 {offsets = [0], sizes = [1], strides = [1]} : vector<16xf32> to vector<1xf32>
    %squeeze3A_105 = vector.extract %slice3A_104[0] : f32 from vector<1xf32>
    %broadcast_in_dim3A_106 = vector.broadcast %squeeze3A_105 : f32 to vector<16xf32>
    %slice3A_107 = vector.extract_strided_slice %get3A_56 {offsets = [0], sizes = [1], strides = [1]} : vector<16xf32> to vector<1xf32>
    %squeeze3A_108 = vector.extract %slice3A_107[0] : f32 from vector<1xf32>
    %broadcast_in_dim3A_109 = vector.broadcast %squeeze3A_108 : f32 to vector<16xf32>
    %slice3A_110 = vector.extract_strided_slice %get3A_60 {offsets = [0], sizes = [1], strides = [1]} : vector<16xf32> to vector<1xf32>
    %squeeze3A_111 = vector.extract %slice3A_110[0] : f32 from vector<1xf32>
    %broadcast_in_dim3A_112 = vector.broadcast %squeeze3A_111 : f32 to vector<16xf32>
    %slice3A_113 = vector.extract_strided_slice %get3A_52 {offsets = [1], sizes = [1], strides = [1]} : vector<16xf32> to vector<1xf32>
    %squeeze3A_114 = vector.extract %slice3A_113[0] : f32 from vector<1xf32>
    %broadcast_in_dim3A_115 = vector.broadcast %squeeze3A_114 : f32 to vector<16xf32>
    %slice3A_116 = vector.extract_strided_slice %get3A_56 {offsets = [1], sizes = [1], strides = [1]} : vector<16xf32> to vector<1xf32>
    %squeeze3A_117 = vector.extract %slice3A_116[0] : f32 from vector<1xf32>
    %broadcast_in_dim3A_118 = vector.broadcast %squeeze3A_117 : f32 to vector<16xf32>
    %slice3A_119 = vector.extract_strided_slice %get3A_60 {offsets = [1], sizes = [1], strides = [1]} : vector<16xf32> to vector<1xf32>
    %squeeze3A_120 = vector.extract %slice3A_119[0] : f32 from vector<1xf32>
    %broadcast_in_dim3A_121 = vector.broadcast %squeeze3A_120 : f32 to vector<16xf32>
    %slice3A_122 = vector.extract_strided_slice %get3A_52 {offsets = [2], sizes = [1], strides = [1]} : vector<16xf32> to vector<1xf32>
    %squeeze3A_123 = vector.extract %slice3A_122[0] : f32 from vector<1xf32>
    %broadcast_in_dim3A_124 = vector.broadcast %squeeze3A_123 : f32 to vector<16xf32>
    %slice3A_125 = vector.extract_strided_slice %get3A_56 {offsets = [2], sizes = [1], strides = [1]} : vector<16xf32> to vector<1xf32>
    %squeeze3A_126 = vector.extract %slice3A_125[0] : f32 from vector<1xf32>
    %broadcast_in_dim3A_127 = vector.broadcast %squeeze3A_126 : f32 to vector<16xf32>
    %slice3A_128 = vector.extract_strided_slice %get3A_60 {offsets = [2], sizes = [1], strides = [1]} : vector<16xf32> to vector<1xf32>
    %squeeze3A_129 = vector.extract %slice3A_128[0] : f32 from vector<1xf32>
    %broadcast_in_dim3A_130 = vector.broadcast %squeeze3A_129 : f32 to vector<16xf32>
    %slice3A_131 = vector.extract_strided_slice %get3A_52 {offsets = [3], sizes = [1], strides = [1]} : vector<16xf32> to vector<1xf32>
    %squeeze3A_132 = vector.extract %slice3A_131[0] : f32 from vector<1xf32>
    %broadcast_in_dim3A_133 = vector.broadcast %squeeze3A_132 : f32 to vector<16xf32>
    %slice3A_134 = vector.extract_strided_slice %get3A_56 {offsets = [3], sizes = [1], strides = [1]} : vector<16xf32> to vector<1xf32>
    %squeeze3A_135 = vector.extract %slice3A_134[0] : f32 from vector<1xf32>
    %broadcast_in_dim3A_136 = vector.broadcast %squeeze3A_135 : f32 to vector<16xf32>
    %slice3A_137 = vector.extract_strided_slice %get3A_60 {offsets = [3], sizes = [1], strides = [1]} : vector<16xf32> to vector<1xf32>
    %squeeze3A_138 = vector.extract %slice3A_137[0] : f32 from vector<1xf32>
    %broadcast_in_dim3A_139 = vector.broadcast %squeeze3A_138 : f32 to vector<16xf32>
    %slice3A_140 = vector.extract_strided_slice %get3A_52 {offsets = [4], sizes = [1], strides = [1]} : vector<16xf32> to vector<1xf32>
    %squeeze3A_141 = vector.extract %slice3A_140[0] : f32 from vector<1xf32>
    %broadcast_in_dim3A_142 = vector.broadcast %squeeze3A_141 : f32 to vector<16xf32>
    %slice3A_143 = vector.extract_strided_slice %get3A_56 {offsets = [4], sizes = [1], strides = [1]} : vector<16xf32> to vector<1xf32>
    %squeeze3A_144 = vector.extract %slice3A_143[0] : f32 from vector<1xf32>
    %broadcast_in_dim3A_145 = vector.broadcast %squeeze3A_144 : f32 to vector<16xf32>
    %slice3A_146 = vector.extract_strided_slice %get3A_60 {offsets = [4], sizes = [1], strides = [1]} : vector<16xf32> to vector<1xf32>
    %squeeze3A_147 = vector.extract %slice3A_146[0] : f32 from vector<1xf32>
    %broadcast_in_dim3A_148 = vector.broadcast %squeeze3A_147 : f32 to vector<16xf32>
    %broadcast_in_dim3A_149 = arith.constant 0 : i32
    %broadcast_in_dim3A_150 = vector.broadcast %broadcast_in_dim3A_149 : i32 to vector<16xi32>
    %broadcast_in_dim3A_151 = arith.constant 1 : i32
    %broadcast_in_dim3A_152 = vector.broadcast %broadcast_in_dim3A_151 : i32 to vector<16xi32>
    %broadcast_in_dim3A_153 = arith.constant 2 : i32
    %broadcast_in_dim3A_154 = vector.broadcast %broadcast_in_dim3A_153 : i32 to vector<16xi32>
    %broadcast_in_dim3A_155 = arith.constant 3 : i32
    %broadcast_in_dim3A_156 = vector.broadcast %broadcast_in_dim3A_155 : i32 to vector<16xi32>
    %broadcast_in_dim3A_157 = arith.constant 4 : i32
    %broadcast_in_dim3A_158 = vector.broadcast %broadcast_in_dim3A_157 : i32 to vector<16xi32>
    %iota3A_159 = tpu.iota {dimensions = array<i32: 0>} : vector<16xi32>
    %mul3A_160 = arith.constant 3 : i32
    %mul3A_161 = vector.broadcast %mul3A_160 : i32 to vector<16xi32>
    %mul3A_162 = arith.muli %iota3A_159, %mul3A_161 : vector<16xi32>
    %scan3A_163 = arith.constant 0 : i32
    %scan3A_164 = arith.constant 0 : i32
    %mul3A_165 = arith.constant 2 : i32
    %mul3A_166 = arith.muli %scan3A_164, %mul3A_165 : i32
    %add3A_167 = arith.constant 1 : i32
    %add3A_168 = arith.addi %mul3A_166, %add3A_167 : i32
    %scan3A_169 = arith.constant 0 : i32
    %scan3A_170 = arith.constant 0 : i32
    %mul3A_171 = arith.constant 16 : i32
    %mul3A_172 = arith.muli %scan3A_170, %mul3A_171 : i32
    %broadcast_in_dim3A_173 = arith.constant 0 : i32
    %broadcast_in_dim3A_174 = vector.broadcast %broadcast_in_dim3A_173 : i32 to vector<16xi32>
    %mul3A_175 = arith.constant 3 : i32
    %mul3A_176 = arith.muli %mul3A_172, %mul3A_175 : i32
    %add3A_177 = arith.constant 0 : i32
    %add3A_178 = arith.addi %mul3A_176, %add3A_177 : i32
    %add3A_179 = vector.broadcast %add3A_178 : i32 to vector<16xi32>
    %add3A_180 = arith.addi %mul3A_162, %add3A_179 : vector<16xi32>
    %gather3A = tpu.vector_load_idx %arg11[%broadcast_in_dim3A_174, %add3A_180] : memref<2x240xf32, #tpu.memory_space<vmem>>[vector<16xi32>, vector<16xi32>], vector<16xf32>,
    %broadcast_in_dim3A_181 = arith.constant 0 : i32
    %broadcast_in_dim3A_182 = vector.broadcast %broadcast_in_dim3A_181 : i32 to vector<16xi32>
    %mul3A_183 = arith.constant 3 : i32
    %mul3A_184 = arith.muli %mul3A_172, %mul3A_183 : i32
    %add3A_185 = arith.constant 1 : i32
    %add3A_186 = arith.addi %mul3A_184, %add3A_185 : i32
    %add3A_187 = vector.broadcast %add3A_186 : i32 to vector<16xi32>
    %add3A_188 = arith.addi %mul3A_162, %add3A_187 : vector<16xi32>
    %gather3A_189 = tpu.vector_load_idx %arg11[%broadcast_in_dim3A_182, %add3A_188] : memref<2x240xf32, #tpu.memory_space<vmem>>[vector<16xi32>, vector<16xi32>], vector<16xf32>,
    %broadcast_in_dim3A_190 = arith.constant 0 : i32
    %broadcast_in_dim3A_191 = vector.broadcast %broadcast_in_dim3A_190 : i32 to vector<16xi32>
    %mul3A_192 = arith.constant 3 : i32
    %mul3A_193 = arith.muli %mul3A_172, %mul3A_192 : i32
    %add3A_194 = arith.constant 2 : i32
    %add3A_195 = arith.addi %mul3A_193, %add3A_194 : i32
    %add3A_196 = vector.broadcast %add3A_195 : i32 to vector<16xi32>
    %add3A_197 = arith.addi %mul3A_162, %add3A_196 : vector<16xi32>
    %gather3A_198 = tpu.vector_load_idx %arg11[%broadcast_in_dim3A_191, %add3A_197] : memref<2x240xf32, #tpu.memory_space<vmem>>[vector<16xi32>, vector<16xi32>], vector<16xf32>,
    %sub3A = arith.subf %gather3A, %broadcast_in_dim3A_61 : vector<16xf32>
    %mul3A_199 = arith.mulf %sub3A, %sub3A : vector<16xf32>
    %mul3A_200 = arith.mulf %mul3A_199, %broadcast_in_dim3A_106 : vector<16xf32>
    %sub3A_201 = arith.subf %gather3A_189, %broadcast_in_dim3A_64 : vector<16xf32>
    %mul3A_202 = arith.mulf %sub3A_201, %sub3A_201 : vector<16xf32>
    %mul3A_203 = arith.mulf %mul3A_202, %broadcast_in_dim3A_109 : vector<16xf32>
    %add3A_204 = arith.addf %mul3A_200, %mul3A_203 : vector<16xf32>
    %sub3A_205 = arith.subf %gather3A_198, %broadcast_in_dim3A_67 : vector<16xf32>
    %mul3A_206 = arith.mulf %sub3A_205, %sub3A_205 : vector<16xf32>
    %mul3A_207 = arith.mulf %mul3A_206, %broadcast_in_dim3A_112 : vector<16xf32>
    %add3A_208 = arith.addf %add3A_204, %mul3A_207 : vector<16xf32>
    %exp3A = math.exp %add3A_208 : vector<16xf32>
    %swap3A = arith.constant 0 : i32
    %swap3A_209 = arith.index_cast %swap3A : i32 to index
    %swap3A_210 = arith.index_cast %mul3A_172 : i32 to index
    %swap3A_211 = tpu.vector_load %arg16[%swap3A_209, %swap3A_210] {strides = array<i32>} : memref<5x80xf32, #tpu.memory_space<vmem>>, vector<16xf32>,
    tpu.vector_store %arg16[%swap3A_209, %swap3A_210], %exp3A {strides = array<i32>} : memref<5x80xf32, #tpu.memory_space<vmem>>, vector<16xf32>,
    %sub3A_212 = arith.subf %gather3A, %broadcast_in_dim3A_70 : vector<16xf32>
    %mul3A_213 = arith.mulf %sub3A_212, %sub3A_212 : vector<16xf32>
    %mul3A_214 = arith.mulf %mul3A_213, %broadcast_in_dim3A_115 : vector<16xf32>
    %sub3A_215 = arith.subf %gather3A_189, %broadcast_in_dim3A_73 : vector<16xf32>
    %mul3A_216 = arith.mulf %sub3A_215, %sub3A_215 : vector<16xf32>
    %mul3A_217 = arith.mulf %mul3A_216, %broadcast_in_dim3A_118 : vector<16xf32>
    %add3A_218 = arith.addf %mul3A_214, %mul3A_217 : vector<16xf32>
    %sub3A_219 = arith.subf %gather3A_198, %broadcast_in_dim3A_76 : vector<16xf32>
    %mul3A_220 = arith.mulf %sub3A_219, %sub3A_219 : vector<16xf32>
    %mul3A_221 = arith.mulf %mul3A_220, %broadcast_in_dim3A_121 : vector<16xf32>
    %add3A_222 = arith.addf %add3A_218, %mul3A_221 : vector<16xf32>
    %exp3A_223 = math.exp %add3A_222 : vector<16xf32>
    %swap3A_224 = arith.constant 1 : i32
    %swap3A_225 = arith.index_cast %swap3A_224 : i32 to index
    %swap3A_226 = arith.index_cast %mul3A_172 : i32 to index
    %swap3A_227 = tpu.vector_load %arg16[%swap3A_225, %swap3A_226] {strides = array<i32>} : memref<5x80xf32, #tpu.memory_space<vmem>>, vector<16xf32>,
    tpu.vector_store %arg16[%swap3A_225, %swap3A_226], %exp3A_223 {strides = array<i32>} : memref<5x80xf32, #tpu.memory_space<vmem>>, vector<16xf32>,
    %sub3A_228 = arith.subf %gather3A, %broadcast_in_dim3A_79 : vector<16xf32>
    %mul3A_229 = arith.mulf %sub3A_228, %sub3A_228 : vector<16xf32>
    %mul3A_230 = arith.mulf %mul3A_229, %broadcast_in_dim3A_124 : vector<16xf32>
    %sub3A_231 = arith.subf %gather3A_189, %broadcast_in_dim3A_82 : vector<16xf32>
    %mul3A_232 = arith.mulf %sub3A_231, %sub3A_231 : vector<16xf32>
    %mul3A_233 = arith.mulf %mul3A_232, %broadcast_in_dim3A_127 : vector<16xf32>
    %add3A_234 = arith.addf %mul3A_230, %mul3A_233 : vector<16xf32>
    %sub3A_235 = arith.subf %gather3A_198, %broadcast_in_dim3A_85 : vector<16xf32>
    %mul3A_236 = arith.mulf %sub3A_235, %sub3A_235 : vector<16xf32>
    %mul3A_237 = arith.mulf %mul3A_236, %broadcast_in_dim3A_130 : vector<16xf32>
    %add3A_238 = arith.addf %add3A_234, %mul3A_237 : vector<16xf32>
    %exp3A_239 = math.exp %add3A_238 : vector<16xf32>
    %swap3A_240 = arith.constant 2 : i32
    %swap3A_241 = arith.index_cast %swap3A_240 : i32 to index
    %swap3A_242 = arith.index_cast %mul3A_172 : i32 to index
    %swap3A_243 = tpu.vector_load %arg16[%swap3A_241, %swap3A_242] {strides = array<i32>} : memref<5x80xf32, #tpu.memory_space<vmem>>, vector<16xf32>,
    tpu.vector_store %arg16[%swap3A_241, %swap3A_242], %exp3A_239 {strides = array<i32>} : memref<5x80xf32, #tpu.memory_space<vmem>>, vector<16xf32>,
    %sub3A_244 = arith.subf %gather3A, %broadcast_in_dim3A_88 : vector<16xf32>
    %mul3A_245 = arith.mulf %sub3A_244, %sub3A_244 : vector<16xf32>
    %mul3A_246 = arith.mulf %mul3A_245, %broadcast_in_dim3A_133 : vector<16xf32>
    %sub3A_247 = arith.subf %gather3A_189, %broadcast_in_dim3A_91 : vector<16xf32>
    %mul3A_248 = arith.mulf %sub3A_247, %sub3A_247 : vector<16xf32>
    %mul3A_249 = arith.mulf %mul3A_248, %broadcast_in_dim3A_136 : vector<16xf32>
    %add3A_250 = arith.addf %mul3A_246, %mul3A_249 : vector<16xf32>
    %sub3A_251 = arith.subf %gather3A_198, %broadcast_in_dim3A_94 : vector<16xf32>
    %mul3A_252 = arith.mulf %sub3A_251, %sub3A_251 : vector<16xf32>
    %mul3A_253 = arith.mulf %mul3A_252, %broadcast_in_dim3A_139 : vector<16xf32>
    %add3A_254 = arith.addf %add3A_250, %mul3A_253 : vector<16xf32>
    %exp3A_255 = math.exp %add3A_254 : vector<16xf32>
    %swap3A_256 = arith.constant 3 : i32
    %swap3A_257 = arith.index_cast %swap3A_256 : i32 to index
    %swap3A_258 = arith.index_cast %mul3A_172 : i32 to index
    %swap3A_259 = tpu.vector_load %arg16[%swap3A_257, %swap3A_258] {strides = array<i32>} : memref<5x80xf32, #tpu.memory_space<vmem>>, vector<16xf32>,
    tpu.vector_store %arg16[%swap3A_257, %swap3A_258], %exp3A_255 {strides = array<i32>} : memref<5x80xf32, #tpu.memory_space<vmem>>, vector<16xf32>,
    %sub3A_260 = arith.subf %gather3A, %broadcast_in_dim3A_97 : vector<16xf32>
    %mul3A_261 = arith.mulf %sub3A_260, %sub3A_260 : vector<16xf32>
    %mul3A_262 = arith.mulf %mul3A_261, %broadcast_in_dim3A_142 : vector<16xf32>
    %sub3A_263 = arith.subf %gather3A_189, %broadcast_in_dim3A_100 : vector<16xf32>
    %mul3A_264 = arith.mulf %sub3A_263, %sub3A_263 : vector<16xf32>
    %mul3A_265 = arith.mulf %mul3A_264, %broadcast_in_dim3A_145 : vector<16xf32>
    %add3A_266 = arith.addf %mul3A_262, %mul3A_265 : vector<16xf32>
    %sub3A_267 = arith.subf %gather3A_198, %broadcast_in_dim3A_103 : vector<16xf32>
    %mul3A_268 = arith.mulf %sub3A_267, %sub3A_267 : vector<16xf32>
    %mul3A_269 = arith.mulf %mul3A_268, %broadcast_in_dim3A_148 : vector<16xf32>
    %add3A_270 = arith.addf %add3A_266, %mul3A_269 : vector<16xf32>
    %exp3A_271 = math.exp %add3A_270 : vector<16xf32>
    %swap3A_272 = arith.constant 4 : i32
    %swap3A_273 = arith.index_cast %swap3A_272 : i32 to index
    %swap3A_274 = arith.index_cast %mul3A_172 : i32 to index
    %swap3A_275 = tpu.vector_load %arg16[%swap3A_273, %swap3A_274] {strides = array<i32>} : memref<5x80xf32, #tpu.memory_space<vmem>>, vector<16xf32>,
    tpu.vector_store %arg16[%swap3A_273, %swap3A_274], %exp3A_271 {strides = array<i32>} : memref<5x80xf32, #tpu.memory_space<vmem>>, vector<16xf32>,
    %scan3A_276 = arith.constant 0 : i32
    %scan3A_277 = arith.constant 1 : i32
    %scan3A_278 = arith.constant 0 : i32
    %scan3A_279 = arith.constant 0 : i32
    %mul3A_280 = arith.constant 2 : i32
    %mul3A_281 = arith.muli %scan3A_279, %mul3A_280 : i32
    %add3A_282 = arith.constant 0 : i32
    %add3A_283 = arith.addi %mul3A_281, %add3A_282 : i32
    %broadcast_in_dim3A_284 = vector.broadcast %add3A_283 : i32 to vector<16xi32>
    %gather3A_285 = tpu.vector_load_idx %arg16[%broadcast_in_dim3A_150, %broadcast_in_dim3A_284] : memref<5x80xf32, #tpu.memory_space<vmem>>[vector<16xi32>, vector<16xi32>], vector<16xf32>,
    %gather3A_286 = tpu.vector_load_idx %arg16[%broadcast_in_dim3A_152, %broadcast_in_dim3A_284] : memref<5x80xf32, #tpu.memory_space<vmem>>[vector<16xi32>, vector<16xi32>], vector<16xf32>,
    %gather3A_287 = tpu.vector_load_idx %arg16[%broadcast_in_dim3A_154, %broadcast_in_dim3A_284] : memref<5x80xf32, #tpu.memory_space<vmem>>[vector<16xi32>, vector<16xi32>], vector<16xf32>,
    %gather3A_288 = tpu.vector_load_idx %arg16[%broadcast_in_dim3A_156, %broadcast_in_dim3A_284] : memref<5x80xf32, #tpu.memory_space<vmem>>[vector<16xi32>, vector<16xi32>], vector<16xf32>,
    %gather3A_289 = tpu.vector_load_idx %arg16[%broadcast_in_dim3A_158, %broadcast_in_dim3A_284] : memref<5x80xf32, #tpu.memory_space<vmem>>[vector<16xi32>, vector<16xi32>], vector<16xf32>,
    %get3A_290 = arith.constant 0 : i32
    %get3A_291 = arith.index_cast %get3A_290 : i32 to index
    %get3A_292 = arith.index_cast %add3A_283 : i32 to index
    %get3A_293 = arith.constant 0 : index
    %get3A_294 = tpu.vector_load %arg12[%get3A_291, %get3A_292, %get3A_293] {strides = array<i32>} : memref<2x80x160xbf16, #tpu.memory_space<vmem>>, vector<32xbf16>,
    %bitcast3A = vector.bitcast %get3A_294 : vector<32xbf16> to vector<16xi32>
    %shift_left3A = arith.constant 16 : i32
    %shift_left3A_295 = vector.broadcast %shift_left3A : i32 to vector<16xi32>
    %shift_left3A_296 = arith.shli %bitcast3A, %shift_left3A_295 : vector<16xi32>
    %bitcast3A_297 = vector.bitcast %shift_left3A_296 : vector<16xi32> to vector<16xf32>
    %and3A = arith.constant -65536 : i32
    %and3A_298 = vector.broadcast %and3A : i32 to vector<16xi32>
    %and3A_299 = arith.andi %bitcast3A, %and3A_298 : vector<16xi32>
    %bitcast3A_300 = vector.bitcast %and3A_299 : vector<16xi32> to vector<16xf32>
    %mul3A_301 = arith.mulf %gather3A_285, %bitcast3A_297 : vector<16xf32>
    %mul3A_302 = arith.mulf %gather3A_285, %bitcast3A_300 : vector<16xf32>
    %get3A_303 = arith.constant 0 : i32
    %get3A_304 = arith.index_cast %get3A_303 : i32 to index
    %get3A_305 = arith.index_cast %add3A_283 : i32 to index
    %get3A_306 = arith.constant 32 : index
    %get3A_307 = tpu.vector_load %arg12[%get3A_304, %get3A_305, %get3A_306] {strides = array<i32>} : memref<2x80x160xbf16, #tpu.memory_space<vmem>>, vector<32xbf16>,
    %bitcast3A_308 = vector.bitcast %get3A_307 : vector<32xbf16> to vector<16xi32>
    %shift_left3A_309 = arith.constant 16 : i32
    %shift_left3A_310 = vector.broadcast %shift_left3A_309 : i32 to vector<16xi32>
    %shift_left3A_311 = arith.shli %bitcast3A_308, %shift_left3A_310 : vector<16xi32>
    %bitcast3A_312 = vector.bitcast %shift_left3A_311 : vector<16xi32> to vector<16xf32>
    %and3A_313 = arith.constant -65536 : i32
    %and3A_314 = vector.broadcast %and3A_313 : i32 to vector<16xi32>
    %and3A_315 = arith.andi %bitcast3A_308, %and3A_314 : vector<16xi32>
    %bitcast3A_316 = vector.bitcast %and3A_315 : vector<16xi32> to vector<16xf32>
    %mul3A_317 = arith.mulf %gather3A_286, %bitcast3A_312 : vector<16xf32>
    %mul3A_318 = arith.mulf %gather3A_286, %bitcast3A_316 : vector<16xf32>
    %get3A_319 = arith.constant 0 : i32
    %get3A_320 = arith.index_cast %get3A_319 : i32 to index
    %get3A_321 = arith.index_cast %add3A_283 : i32 to index
    %get3A_322 = arith.constant 64 : index
    %get3A_323 = tpu.vector_load %arg12[%get3A_320, %get3A_321, %get3A_322] {strides = array<i32>} : memref<2x80x160xbf16, #tpu.memory_space<vmem>>, vector<32xbf16>,
    %bitcast3A_324 = vector.bitcast %get3A_323 : vector<32xbf16> to vector<16xi32>
    %shift_left3A_325 = arith.constant 16 : i32
    %shift_left3A_326 = vector.broadcast %shift_left3A_325 : i32 to vector<16xi32>
    %shift_left3A_327 = arith.shli %bitcast3A_324, %shift_left3A_326 : vector<16xi32>
    %bitcast3A_328 = vector.bitcast %shift_left3A_327 : vector<16xi32> to vector<16xf32>
    %and3A_329 = arith.constant -65536 : i32
    %and3A_330 = vector.broadcast %and3A_329 : i32 to vector<16xi32>
    %and3A_331 = arith.andi %bitcast3A_324, %and3A_330 : vector<16xi32>
    %bitcast3A_332 = vector.bitcast %and3A_331 : vector<16xi32> to vector<16xf32>
    %mul3A_333 = arith.mulf %gather3A_287, %bitcast3A_328 : vector<16xf32>
    %mul3A_334 = arith.mulf %gather3A_287, %bitcast3A_332 : vector<16xf32>
    %get3A_335 = arith.constant 0 : i32
    %get3A_336 = arith.index_cast %get3A_335 : i32 to index
    %get3A_337 = arith.index_cast %add3A_283 : i32 to index
    %get3A_338 = arith.constant 96 : index
    %get3A_339 = tpu.vector_load %arg12[%get3A_336, %get3A_337, %get3A_338] {strides = array<i32>} : memref<2x80x160xbf16, #tpu.memory_space<vmem>>, vector<32xbf16>,
    %bitcast3A_340 = vector.bitcast %get3A_339 : vector<32xbf16> to vector<16xi32>
    %shift_left3A_341 = arith.constant 16 : i32
    %shift_left3A_342 = vector.broadcast %shift_left3A_341 : i32 to vector<16xi32>
    %shift_left3A_343 = arith.shli %bitcast3A_340, %shift_left3A_342 : vector<16xi32>
    %bitcast3A_344 = vector.bitcast %shift_left3A_343 : vector<16xi32> to vector<16xf32>
    %and3A_345 = arith.constant -65536 : i32
    %and3A_346 = vector.broadcast %and3A_345 : i32 to vector<16xi32>
    %and3A_347 = arith.andi %bitcast3A_340, %and3A_346 : vector<16xi32>
    %bitcast3A_348 = vector.bitcast %and3A_347 : vector<16xi32> to vector<16xf32>
    %mul3A_349 = arith.mulf %gather3A_288, %bitcast3A_344 : vector<16xf32>
    %mul3A_350 = arith.mulf %gather3A_288, %bitcast3A_348 : vector<16xf32>
    %get3A_351 = arith.constant 0 : i32
    %get3A_352 = arith.index_cast %get3A_351 : i32 to index
    %get3A_353 = arith.index_cast %add3A_283 : i32 to index
    %get3A_354 = arith.constant 128 : index
    %get3A_355 = tpu.vector_load %arg12[%get3A_352, %get3A_353, %get3A_354] {strides = array<i32>} : memref<2x80x160xbf16, #tpu.memory_space<vmem>>, vector<32xbf16>,
    %bitcast3A_356 = vector.bitcast %get3A_355 : vector<32xbf16> to vector<16xi32>
    %shift_left3A_357 = arith.constant 16 : i32
    %shift_left3A_358 = vector.broadcast %shift_left3A_357 : i32 to vector<16xi32>
    %shift_left3A_359 = arith.shli %bitcast3A_356, %shift_left3A_358 : vector<16xi32>
    %bitcast3A_360 = vector.bitcast %shift_left3A_359 : vector<16xi32> to vector<16xf32>
    %and3A_361 = arith.constant -65536 : i32
    %and3A_362 = vector.broadcast %and3A_361 : i32 to vector<16xi32>
    %and3A_363 = arith.andi %bitcast3A_356, %and3A_362 : vector<16xi32>
    %bitcast3A_364 = vector.bitcast %and3A_363 : vector<16xi32> to vector<16xf32>
    %mul3A_365 = arith.mulf %gather3A_289, %bitcast3A_360 : vector<16xf32>
    %mul3A_366 = arith.mulf %gather3A_289, %bitcast3A_364 : vector<16xf32>
    %add3A_367 = arith.addf %mul3A_301, %mul3A_317 : vector<16xf32>
    %add3A_368 = arith.addf %mul3A_333, %mul3A_349 : vector<16xf32>
    %add3A_369 = arith.addf %add3A_367, %add3A_368 : vector<16xf32>
    %add3A_370 = arith.addf %add3A_369, %mul3A_365 : vector<16xf32>
    %swap3A_371 = arith.index_cast %add3A_283 : i32 to index
    %swap3A_372 = arith.constant 0 : index
    %swap3A_373 = tpu.vector_load %arg13[%swap3A_371, %swap3A_372] {strides = array<i32>} : memref<80x48xf32, #tpu.memory_space<vmem>>, vector<16xf32>,
    tpu.vector_store %arg13[%swap3A_371, %swap3A_372], %add3A_370 {strides = array<i32>} : memref<80x48xf32, #tpu.memory_space<vmem>>, vector<16xf32>,
    %add3A_374 = arith.addf %mul3A_302, %mul3A_318 : vector<16xf32>
    %add3A_375 = arith.addf %mul3A_334, %mul3A_350 : vector<16xf32>
    %add3A_376 = arith.addf %add3A_374, %add3A_375 : vector<16xf32>
    %add3A_377 = arith.addf %add3A_376, %mul3A_366 : vector<16xf32>
    %swap3A_378 = arith.index_cast %add3A_283 : i32 to index
    %swap3A_379 = arith.constant 16 : index
    %swap3A_380 = tpu.vector_load %arg13[%swap3A_378, %swap3A_379] {strides = array<i32>} : memref<80x48xf32, #tpu.memory_space<vmem>>, vector<16xf32>,
    tpu.vector_store %arg13[%swap3A_378, %swap3A_379], %add3A_377 {strides = array<i32>} : memref<80x48xf32, #tpu.memory_space<vmem>>, vector<16xf32>,
    %mul3A_381 = arith.constant 2 : i32
    %mul3A_382 = arith.muli %scan3A_279, %mul3A_381 : i32
    %add3A_383 = arith.constant 1 : i32
    %add3A_384 = arith.addi %mul3A_382, %add3A_383 : i32
    %broadcast_in_dim3A_385 = vector.broadcast %add3A_384 : i32 to vector<16xi32>
    %gather3A_386 = tpu.vector_load_idx %arg16[%broadcast_in_dim3A_150, %broadcast_in_dim3A_385] : memref<5x80xf32, #tpu.memory_space<vmem>>[vector<16xi32>, vector<16xi32>], vector<16xf32>,
    %gather3A_387 = tpu.vector_load_idx %arg16[%broadcast_in_dim3A_152, %broadcast_in_dim3A_385] : memref<5x80xf32, #tpu.memory_space<vmem>>[vector<16xi32>, vector<16xi32>], vector<16xf32>,
    %gather3A_388 = tpu.vector_load_idx %arg16[%broadcast_in_dim3A_154, %broadcast_in_dim3A_385] : memref<5x80xf32, #tpu.memory_space<vmem>>[vector<16xi32>, vector<16xi32>], vector<16xf32>,
    %gather3A_389 = tpu.vector_load_idx %arg16[%broadcast_in_dim3A_156, %broadcast_in_dim3A_385] : memref<5x80xf32, #tpu.memory_space<vmem>>[vector<16xi32>, vector<16xi32>], vector<16xf32>,
    %gather3A_390 = tpu.vector_load_idx %arg16[%broadcast_in_dim3A_158, %broadcast_in_dim3A_385] : memref<5x80xf32, #tpu.memory_space<vmem>>[vector<16xi32>, vector<16xi32>], vector<16xf32>,
    %get3A_391 = arith.constant 0 : i32
    %get3A_392 = arith.index_cast %get3A_391 : i32 to index
    %get3A_393 = arith.index_cast %add3A_384 : i32 to index
    %get3A_394 = arith.constant 0 : index
    %get3A_395 = tpu.vector_load %arg12[%get3A_392, %get3A_393, %get3A_394] {strides = array<i32>} : memref<2x80x160xbf16, #tpu.memory_space<vmem>>, vector<32xbf16>,
    %bitcast3A_396 = vector.bitcast %get3A_395 : vector<32xbf16> to vector<16xi32>
    %shift_left3A_397 = arith.constant 16 : i32
    %shift_left3A_398 = vector.broadcast %shift_left3A_397 : i32 to vector<16xi32>
    %shift_left3A_399 = arith.shli %bitcast3A_396, %shift_left3A_398 : vector<16xi32>
    %bitcast3A_400 = vector.bitcast %shift_left3A_399 : vector<16xi32> to vector<16xf32>
    %and3A_401 = arith.constant -65536 : i32
    %and3A_402 = vector.broadcast %and3A_401 : i32 to vector<16xi32>
    %and3A_403 = arith.andi %bitcast3A_396, %and3A_402 : vector<16xi32>
    %bitcast3A_404 = vector.bitcast %and3A_403 : vector<16xi32> to vector<16xf32>
    %mul3A_405 = arith.mulf %gather3A_386, %bitcast3A_400 : vector<16xf32>
    %mul3A_406 = arith.mulf %gather3A_386, %bitcast3A_404 : vector<16xf32>
    %get3A_407 = arith.constant 0 : i32
    %get3A_408 = arith.index_cast %get3A_407 : i32 to index
    %get3A_409 = arith.index_cast %add3A_384 : i32 to index
    %get3A_410 = arith.constant 32 : index
    %get3A_411 = tpu.vector_load %arg12[%get3A_408, %get3A_409, %get3A_410] {strides = array<i32>} : memref<2x80x160xbf16, #tpu.memory_space<vmem>>, vector<32xbf16>,
    %bitcast3A_412 = vector.bitcast %get3A_411 : vector<32xbf16> to vector<16xi32>
    %shift_left3A_413 = arith.constant 16 : i32
    %shift_left3A_414 = vector.broadcast %shift_left3A_413 : i32 to vector<16xi32>
    %shift_left3A_415 = arith.shli %bitcast3A_412, %shift_left3A_414 : vector<16xi32>
    %bitcast3A_416 = vector.bitcast %shift_left3A_415 : vector<16xi32> to vector<16xf32>
    %and3A_417 = arith.constant -65536 : i32
    %and3A_418 = vector.broadcast %and3A_417 : i32 to vector<16xi32>
    %and3A_419 = arith.andi %bitcast3A_412, %and3A_418 : vector<16xi32>
    %bitcast3A_420 = vector.bitcast %and3A_419 : vector<16xi32> to vector<16xf32>
    %mul3A_421 = arith.mulf %gather3A_387, %bitcast3A_416 : vector<16xf32>
    %mul3A_422 = arith.mulf %gather3A_387, %bitcast3A_420 : vector<16xf32>
    %get3A_423 = arith.constant 0 : i32
    %get3A_424 = arith.index_cast %get3A_423 : i32 to index
    %get3A_425 = arith.index_cast %add3A_384 : i32 to index
    %get3A_426 = arith.constant 64 : index
    %get3A_427 = tpu.vector_load %arg12[%get3A_424, %get3A_425, %get3A_426] {strides = array<i32>} : memref<2x80x160xbf16, #tpu.memory_space<vmem>>, vector<32xbf16>,
    %bitcast3A_428 = vector.bitcast %get3A_427 : vector<32xbf16> to vector<16xi32>
    %shift_left3A_429 = arith.constant 16 : i32
    %shift_left3A_430 = vector.broadcast %shift_left3A_429 : i32 to vector<16xi32>
    %shift_left3A_431 = arith.shli %bitcast3A_428, %shift_left3A_430 : vector<16xi32>
    %bitcast3A_432 = vector.bitcast %shift_left3A_431 : vector<16xi32> to vector<16xf32>
    %and3A_433 = arith.constant -65536 : i32
    %and3A_434 = vector.broadcast %and3A_433 : i32 to vector<16xi32>
    %and3A_435 = arith.andi %bitcast3A_428, %and3A_434 : vector<16xi32>
    %bitcast3A_436 = vector.bitcast %and3A_435 : vector<16xi32> to vector<16xf32>
    %mul3A_437 = arith.mulf %gather3A_388, %bitcast3A_432 : vector<16xf32>
    %mul3A_438 = arith.mulf %gather3A_388, %bitcast3A_436 : vector<16xf32>
    %get3A_439 = arith.constant 0 : i32
    %get3A_440 = arith.index_cast %get3A_439 : i32 to index
    %get3A_441 = arith.index_cast %add3A_384 : i32 to index
    %get3A_442 = arith.constant 96 : index
    %get3A_443 = tpu.vector_load %arg12[%get3A_440, %get3A_441, %get3A_442] {strides = array<i32>} : memref<2x80x160xbf16, #tpu.memory_space<vmem>>, vector<32xbf16>,
    %bitcast3A_444 = vector.bitcast %get3A_443 : vector<32xbf16> to vector<16xi32>
    %shift_left3A_445 = arith.constant 16 : i32
    %shift_left3A_446 = vector.broadcast %shift_left3A_445 : i32 to vector<16xi32>
    %shift_left3A_447 = arith.shli %bitcast3A_444, %shift_left3A_446 : vector<16xi32>
    %bitcast3A_448 = vector.bitcast %shift_left3A_447 : vector<16xi32> to vector<16xf32>
    %and3A_449 = arith.constant -65536 : i32
    %and3A_450 = vector.broadcast %and3A_449 : i32 to vector<16xi32>
    %and3A_451 = arith.andi %bitcast3A_444, %and3A_450 : vector<16xi32>
    %bitcast3A_452 = vector.bitcast %and3A_451 : vector<16xi32> to vector<16xf32>
    %mul3A_453 = arith.mulf %gather3A_389, %bitcast3A_448 : vector<16xf32>
    %mul3A_454 = arith.mulf %gather3A_389, %bitcast3A_452 : vector<16xf32>
    %get3A_455 = arith.constant 0 : i32
    %get3A_456 = arith.index_cast %get3A_455 : i32 to index
    %get3A_457 = arith.index_cast %add3A_384 : i32 to index
    %get3A_458 = arith.constant 128 : index
    %get3A_459 = tpu.vector_load %arg12[%get3A_456, %get3A_457, %get3A_458] {strides = array<i32>} : memref<2x80x160xbf16, #tpu.memory_space<vmem>>, vector<32xbf16>,
    %bitcast3A_460 = vector.bitcast %get3A_459 : vector<32xbf16> to vector<16xi32>
    %shift_left3A_461 = arith.constant 16 : i32
    %shift_left3A_462 = vector.broadcast %shift_left3A_461 : i32 to vector<16xi32>
    %shift_left3A_463 = arith.shli %bitcast3A_460, %shift_left3A_462 : vector<16xi32>
    %bitcast3A_464 = vector.bitcast %shift_left3A_463 : vector<16xi32> to vector<16xf32>
    %and3A_465 = arith.constant -65536 : i32
    %and3A_466 = vector.broadcast %and3A_465 : i32 to vector<16xi32>
    %and3A_467 = arith.andi %bitcast3A_460, %and3A_466 : vector<16xi32>
    %bitcast3A_468 = vector.bitcast %and3A_467 : vector<16xi32> to vector<16xf32>
    %mul3A_469 = arith.mulf %gather3A_390, %bitcast3A_464 : vector<16xf32>
    %mul3A_470 = arith.mulf %gather3A_390, %bitcast3A_468 : vector<16xf32>
    %add3A_471 = arith.addf %mul3A_405, %mul3A_421 : vector<16xf32>
    %add3A_472 = arith.addf %mul3A_437, %mul3A_453 : vector<16xf32>
    %add3A_473 = arith.addf %add3A_471, %add3A_472 : vector<16xf32>
    %add3A_474 = arith.addf %add3A_473, %mul3A_469 : vector<16xf32>
    %swap3A_475 = arith.index_cast %add3A_384 : i32 to index
    %swap3A_476 = arith.constant 0 : index
    %swap3A_477 = tpu.vector_load %arg13[%swap3A_475, %swap3A_476] {strides = array<i32>} : memref<80x48xf32, #tpu.memory_space<vmem>>, vector<16xf32>,
    tpu.vector_store %arg13[%swap3A_475, %swap3A_476], %add3A_474 {strides = array<i32>} : memref<80x48xf32, #tpu.memory_space<vmem>>, vector<16xf32>,
    %add3A_478 = arith.addf %mul3A_406, %mul3A_422 : vector<16xf32>
    %add3A_479 = arith.addf %mul3A_438, %mul3A_454 : vector<16xf32>
    %add3A_480 = arith.addf %add3A_478, %add3A_479 : vector<16xf32>
    %add3A_481 = arith.addf %add3A_480, %mul3A_470 : vector<16xf32>
    %swap3A_482 = arith.index_cast %add3A_384 : i32 to index
    %swap3A_483 = arith.constant 16 : index
    %swap3A_484 = tpu.vector_load %arg13[%swap3A_482, %swap3A_483] {strides = array<i32>} : memref<80x48xf32, #tpu.memory_space<vmem>>, vector<16xf32>,
    tpu.vector_store %arg13[%swap3A_482, %swap3A_483], %add3A_481 {strides = array<i32>} : memref<80x48xf32, #tpu.memory_space<vmem>>, vector<16xf32>,
    %scan3A_485 = arith.constant 0 : i32
    %scan3A_486 = arith.constant 1 : i32
    %add3A_487 = arith.constant 1 : i32
    %add3A_488 = arith.addi %mul3A_166, %add3A_487 : i32
    %add3A_489 = arith.constant 2 : i32
    %add3A_490 = arith.addi %mul3A_166, %add3A_489 : i32
    %add3A_491 = arith.constant 1 : i32
    %add3A_492 = arith.addi %mul3A_166, %add3A_491 : i32
    %scan3A_493 = arith.constant 0 : i32
    %scan3A_494 = arith.constant 0 : i32
    %mul3A_495 = arith.constant 16 : i32
    %mul3A_496 = arith.muli %scan3A_494, %mul3A_495 : i32
    %broadcast_in_dim3A_497 = arith.constant 1 : i32
    %broadcast_in_dim3A_498 = vector.broadcast %broadcast_in_dim3A_497 : i32 to vector<16xi32>
    %mul3A_499 = arith.constant 3 : i32
    %mul3A_500 = arith.muli %mul3A_496, %mul3A_499 : i32
    %add3A_501 = arith.constant 0 : i32
    %add3A_502 = arith.addi %mul3A_500, %add3A_501 : i32
    %add3A_503 = vector.broadcast %add3A_502 : i32 to vector<16xi32>
    %add3A_504 = arith.addi %mul3A_162, %add3A_503 : vector<16xi32>
    %gather3A_505 = tpu.vector_load_idx %arg11[%broadcast_in_dim3A_498, %add3A_504] : memref<2x240xf32, #tpu.memory_space<vmem>>[vector<16xi32>, vector<16xi32>], vector<16xf32>,
    %broadcast_in_dim3A_506 = arith.constant 1 : i32
    %broadcast_in_dim3A_507 = vector.broadcast %broadcast_in_dim3A_506 : i32 to vector<16xi32>
    %mul3A_508 = arith.constant 3 : i32
    %mul3A_509 = arith.muli %mul3A_496, %mul3A_508 : i32
    %add3A_510 = arith.constant 1 : i32
    %add3A_511 = arith.addi %mul3A_509, %add3A_510 : i32
    %add3A_512 = vector.broadcast %add3A_511 : i32 to vector<16xi32>
    %add3A_513 = arith.addi %mul3A_162, %add3A_512 : vector<16xi32>
    %gather3A_514 = tpu.vector_load_idx %arg11[%broadcast_in_dim3A_507, %add3A_513] : memref<2x240xf32, #tpu.memory_space<vmem>>[vector<16xi32>, vector<16xi32>], vector<16xf32>,
    %broadcast_in_dim3A_515 = arith.constant 1 : i32
    %broadcast_in_dim3A_516 = vector.broadcast %broadcast_in_dim3A_515 : i32 to vector<16xi32>
    %mul3A_517 = arith.constant 3 : i32
    %mul3A_518 = arith.muli %mul3A_496, %mul3A_517 : i32
    %add3A_519 = arith.constant 2 : i32
    %add3A_520 = arith.addi %mul3A_518, %add3A_519 : i32
    %add3A_521 = vector.broadcast %add3A_520 : i32 to vector<16xi32>
    %add3A_522 = arith.addi %mul3A_162, %add3A_521 : vector<16xi32>
    %gather3A_523 = tpu.vector_load_idx %arg11[%broadcast_in_dim3A_516, %add3A_522] : memref<2x240xf32, #tpu.memory_space<vmem>>[vector<16xi32>, vector<16xi32>], vector<16xf32>,
    %sub3A_524 = arith.subf %gather3A_505, %broadcast_in_dim3A_61 : vector<16xf32>
    %mul3A_525 = arith.mulf %sub3A_524, %sub3A_524 : vector<16xf32>
    %mul3A_526 = arith.mulf %mul3A_525, %broadcast_in_dim3A_106 : vector<16xf32>
    %sub3A_527 = arith.subf %gather3A_514, %broadcast_in_dim3A_64 : vector<16xf32>
    %mul3A_528 = arith.mulf %sub3A_527, %sub3A_527 : vector<16xf32>
    %mul3A_529 = arith.mulf %mul3A_528, %broadcast_in_dim3A_109 : vector<16xf32>
    %add3A_530 = arith.addf %mul3A_526, %mul3A_529 : vector<16xf32>
    %sub3A_531 = arith.subf %gather3A_523, %broadcast_in_dim3A_67 : vector<16xf32>
    %mul3A_532 = arith.mulf %sub3A_531, %sub3A_531 : vector<16xf32>
    %mul3A_533 = arith.mulf %mul3A_532, %broadcast_in_dim3A_112 : vector<16xf32>
    %add3A_534 = arith.addf %add3A_530, %mul3A_533 : vector<16xf32>
    %exp3A_535 = math.exp %add3A_534 : vector<16xf32>
    %swap3A_536 = arith.constant 0 : i32
    %swap3A_537 = arith.index_cast %swap3A_536 : i32 to index
    %swap3A_538 = arith.index_cast %mul3A_496 : i32 to index
    %swap3A_539 = tpu.vector_load %arg16[%swap3A_537, %swap3A_538] {strides = array<i32>} : memref<5x80xf32, #tpu.memory_space<vmem>>, vector<16xf32>,
    tpu.vector_store %arg16[%swap3A_537, %swap3A_538], %exp3A_535 {strides = array<i32>} : memref<5x80xf32, #tpu.memory_space<vmem>>, vector<16xf32>,
    %sub3A_540 = arith.subf %gather3A_505, %broadcast_in_dim3A_70 : vector<16xf32>
    %mul3A_541 = arith.mulf %sub3A_540, %sub3A_540 : vector<16xf32>
    %mul3A_542 = arith.mulf %mul3A_541, %broadcast_in_dim3A_115 : vector<16xf32>
    %sub3A_543 = arith.subf %gather3A_514, %broadcast_in_dim3A_73 : vector<16xf32>
    %mul3A_544 = arith.mulf %sub3A_543, %sub3A_543 : vector<16xf32>
    %mul3A_545 = arith.mulf %mul3A_544, %broadcast_in_dim3A_118 : vector<16xf32>
    %add3A_546 = arith.addf %mul3A_542, %mul3A_545 : vector<16xf32>
    %sub3A_547 = arith.subf %gather3A_523, %broadcast_in_dim3A_76 : vector<16xf32>
    %mul3A_548 = arith.mulf %sub3A_547, %sub3A_547 : vector<16xf32>
    %mul3A_549 = arith.mulf %mul3A_548, %broadcast_in_dim3A_121 : vector<16xf32>
    %add3A_550 = arith.addf %add3A_546, %mul3A_549 : vector<16xf32>
    %exp3A_551 = math.exp %add3A_550 : vector<16xf32>
    %swap3A_552 = arith.constant 1 : i32
    %swap3A_553 = arith.index_cast %swap3A_552 : i32 to index
    %swap3A_554 = arith.index_cast %mul3A_496 : i32 to index
    %swap3A_555 = tpu.vector_load %arg16[%swap3A_553, %swap3A_554] {strides = array<i32>} : memref<5x80xf32, #tpu.memory_space<vmem>>, vector<16xf32>,
    tpu.vector_store %arg16[%swap3A_553, %swap3A_554], %exp3A_551 {strides = array<i32>} : memref<5x80xf32, #tpu.memory_space<vmem>>, vector<16xf32>,
    %sub3A_556 = arith.subf %gather3A_505, %broadcast_in_dim3A_79 : vector<16xf32>
    %mul3A_557 = arith.mulf %sub3A_556, %sub3A_556 : vector<16xf32>
    %mul3A_558 = arith.mulf %mul3A_557, %broadcast_in_dim3A_124 : vector<16xf32>
    %sub3A_559 = arith.subf %gather3A_514, %broadcast_in_dim3A_82 : vector<16xf32>
    %mul3A_560 = arith.mulf %sub3A_559, %sub3A_559 : vector<16xf32>
    %mul3A_561 = arith.mulf %mul3A_560, %broadcast_in_dim3A_127 : vector<16xf32>
    %add3A_562 = arith.addf %mul3A_558, %mul3A_561 : vector<16xf32>
    %sub3A_563 = arith.subf %gather3A_523, %broadcast_in_dim3A_85 : vector<16xf32>
    %mul3A_564 = arith.mulf %sub3A_563, %sub3A_563 : vector<16xf32>
    %mul3A_565 = arith.mulf %mul3A_564, %broadcast_in_dim3A_130 : vector<16xf32>
    %add3A_566 = arith.addf %add3A_562, %mul3A_565 : vector<16xf32>
    %exp3A_567 = math.exp %add3A_566 : vector<16xf32>
    %swap3A_568 = arith.constant 2 : i32
    %swap3A_569 = arith.index_cast %swap3A_568 : i32 to index
    %swap3A_570 = arith.index_cast %mul3A_496 : i32 to index
    %swap3A_571 = tpu.vector_load %arg16[%swap3A_569, %swap3A_570] {strides = array<i32>} : memref<5x80xf32, #tpu.memory_space<vmem>>, vector<16xf32>,
    tpu.vector_store %arg16[%swap3A_569, %swap3A_570], %exp3A_567 {strides = array<i32>} : memref<5x80xf32, #tpu.memory_space<vmem>>, vector<16xf32>,
    %sub3A_572 = arith.subf %gather3A_505, %broadcast_in_dim3A_88 : vector<16xf32>
    %mul3A_573 = arith.mulf %sub3A_572, %sub3A_572 : vector<16xf32>
    %mul3A_574 = arith.mulf %mul3A_573, %broadcast_in_dim3A_133 : vector<16xf32>
    %sub3A_575 = arith.subf %gather3A_514, %broadcast_in_dim3A_91 : vector<16xf32>
    %mul3A_576 = arith.mulf %sub3A_575, %sub3A_575 : vector<16xf32>
    %mul3A_577 = arith.mulf %mul3A_576, %broadcast_in_dim3A_136 : vector<16xf32>
    %add3A_578 = arith.addf %mul3A_574, %mul3A_577 : vector<16xf32>
    %sub3A_579 = arith.subf %gather3A_523, %broadcast_in_dim3A_94 : vector<16xf32>
    %mul3A_580 = arith.mulf %sub3A_579, %sub3A_579 : vector<16xf32>
    %mul3A_581 = arith.mulf %mul3A_580, %broadcast_in_dim3A_139 : vector<16xf32>
    %add3A_582 = arith.addf %add3A_578, %mul3A_581 : vector<16xf32>
    %exp3A_583 = math.exp %add3A_582 : vector<16xf32>
    %swap3A_584 = arith.constant 3 : i32
    %swap3A_585 = arith.index_cast %swap3A_584 : i32 to index
    %swap3A_586 = arith.index_cast %mul3A_496 : i32 to index
    %swap3A_587 = tpu.vector_load %arg16[%swap3A_585, %swap3A_586] {strides = array<i32>} : memref<5x80xf32, #tpu.memory_space<vmem>>, vector<16xf32>,
    tpu.vector_store %arg16[%swap3A_585, %swap3A_586], %exp3A_583 {strides = array<i32>} : memref<5x80xf32, #tpu.memory_space<vmem>>, vector<16xf32>,
    %sub3A_588 = arith.subf %gather3A_505, %broadcast_in_dim3A_97 : vector<16xf32>
    %mul3A_589 = arith.mulf %sub3A_588, %sub3A_588 : vector<16xf32>
    %mul3A_590 = arith.mulf %mul3A_589, %broadcast_in_dim3A_142 : vector<16xf32>
    %sub3A_591 = arith.subf %gather3A_514, %broadcast_in_dim3A_100 : vector<16xf32>
    %mul3A_592 = arith.mulf %sub3A_591, %sub3A_591 : vector<16xf32>
    %mul3A_593 = arith.mulf %mul3A_592, %broadcast_in_dim3A_145 : vector<16xf32>
    %add3A_594 = arith.addf %mul3A_590, %mul3A_593 : vector<16xf32>
    %sub3A_595 = arith.subf %gather3A_523, %broadcast_in_dim3A_103 : vector<16xf32>
    %mul3A_596 = arith.mulf %sub3A_595, %sub3A_595 : vector<16xf32>
    %mul3A_597 = arith.mulf %mul3A_596, %broadcast_in_dim3A_148 : vector<16xf32>
    %add3A_598 = arith.addf %add3A_594, %mul3A_597 : vector<16xf32>
    %exp3A_599 = math.exp %add3A_598 : vector<16xf32>
    %swap3A_600 = arith.constant 4 : i32
    %swap3A_601 = arith.index_cast %swap3A_600 : i32 to index
    %swap3A_602 = arith.index_cast %mul3A_496 : i32 to index
    %swap3A_603 = tpu.vector_load %arg16[%swap3A_601, %swap3A_602] {strides = array<i32>} : memref<5x80xf32, #tpu.memory_space<vmem>>, vector<16xf32>,
    tpu.vector_store %arg16[%swap3A_601, %swap3A_602], %exp3A_599 {strides = array<i32>} : memref<5x80xf32, #tpu.memory_space<vmem>>, vector<16xf32>,
    %scan3A_604 = arith.constant 0 : i32
    %scan3A_605 = arith.constant 1 : i32
    %scan3A_606 = arith.constant 0 : i32
    %scan3A_607 = arith.constant 0 : i32
    %mul3A_608 = arith.constant 2 : i32
    %mul3A_609 = arith.muli %scan3A_607, %mul3A_608 : i32
    %add3A_610 = arith.constant 0 : i32
    %add3A_611 = arith.addi %mul3A_609, %add3A_610 : i32
    %broadcast_in_dim3A_612 = vector.broadcast %add3A_611 : i32 to vector<16xi32>
    %gather3A_613 = tpu.vector_load_idx %arg16[%broadcast_in_dim3A_150, %broadcast_in_dim3A_612] : memref<5x80xf32, #tpu.memory_space<vmem>>[vector<16xi32>, vector<16xi32>], vector<16xf32>,
    %gather3A_614 = tpu.vector_load_idx %arg16[%broadcast_in_dim3A_152, %broadcast_in_dim3A_612] : memref<5x80xf32, #tpu.memory_space<vmem>>[vector<16xi32>, vector<16xi32>], vector<16xf32>,
    %gather3A_615 = tpu.vector_load_idx %arg16[%broadcast_in_dim3A_154, %broadcast_in_dim3A_612] : memref<5x80xf32, #tpu.memory_space<vmem>>[vector<16xi32>, vector<16xi32>], vector<16xf32>,
    %gather3A_616 = tpu.vector_load_idx %arg16[%broadcast_in_dim3A_156, %broadcast_in_dim3A_612] : memref<5x80xf32, #tpu.memory_space<vmem>>[vector<16xi32>, vector<16xi32>], vector<16xf32>,
    %gather3A_617 = tpu.vector_load_idx %arg16[%broadcast_in_dim3A_158, %broadcast_in_dim3A_612] : memref<5x80xf32, #tpu.memory_space<vmem>>[vector<16xi32>, vector<16xi32>], vector<16xf32>,
    %get3A_618 = arith.constant 1 : i32
    %get3A_619 = arith.index_cast %get3A_618 : i32 to index
    %get3A_620 = arith.index_cast %add3A_611 : i32 to index
    %get3A_621 = arith.constant 0 : index
    %get3A_622 = tpu.vector_load %arg12[%get3A_619, %get3A_620, %get3A_621] {strides = array<i32>} : memref<2x80x160xbf16, #tpu.memory_space<vmem>>, vector<32xbf16>,
    %bitcast3A_623 = vector.bitcast %get3A_622 : vector<32xbf16> to vector<16xi32>
    %shift_left3A_624 = arith.constant 16 : i32
    %shift_left3A_625 = vector.broadcast %shift_left3A_624 : i32 to vector<16xi32>
    %shift_left3A_626 = arith.shli %bitcast3A_623, %shift_left3A_625 : vector<16xi32>
    %bitcast3A_627 = vector.bitcast %shift_left3A_626 : vector<16xi32> to vector<16xf32>
    %and3A_628 = arith.constant -65536 : i32
    %and3A_629 = vector.broadcast %and3A_628 : i32 to vector<16xi32>
    %and3A_630 = arith.andi %bitcast3A_623, %and3A_629 : vector<16xi32>
    %bitcast3A_631 = vector.bitcast %and3A_630 : vector<16xi32> to vector<16xf32>
    %mul3A_632 = arith.mulf %gather3A_613, %bitcast3A_627 : vector<16xf32>
    %mul3A_633 = arith.mulf %gather3A_613, %bitcast3A_631 : vector<16xf32>
    %get3A_634 = arith.constant 1 : i32
    %get3A_635 = arith.index_cast %get3A_634 : i32 to index
    %get3A_636 = arith.index_cast %add3A_611 : i32 to index
    %get3A_637 = arith.constant 32 : index
    %get3A_638 = tpu.vector_load %arg12[%get3A_635, %get3A_636, %get3A_637] {strides = array<i32>} : memref<2x80x160xbf16, #tpu.memory_space<vmem>>, vector<32xbf16>,
    %bitcast3A_639 = vector.bitcast %get3A_638 : vector<32xbf16> to vector<16xi32>
    %shift_left3A_640 = arith.constant 16 : i32
    %shift_left3A_641 = vector.broadcast %shift_left3A_640 : i32 to vector<16xi32>
    %shift_left3A_642 = arith.shli %bitcast3A_639, %shift_left3A_641 : vector<16xi32>
    %bitcast3A_643 = vector.bitcast %shift_left3A_642 : vector<16xi32> to vector<16xf32>
    %and3A_644 = arith.constant -65536 : i32
    %and3A_645 = vector.broadcast %and3A_644 : i32 to vector<16xi32>
    %and3A_646 = arith.andi %bitcast3A_639, %and3A_645 : vector<16xi32>
    %bitcast3A_647 = vector.bitcast %and3A_646 : vector<16xi32> to vector<16xf32>
    %mul3A_648 = arith.mulf %gather3A_614, %bitcast3A_643 : vector<16xf32>
    %mul3A_649 = arith.mulf %gather3A_614, %bitcast3A_647 : vector<16xf32>
    %get3A_650 = arith.constant 1 : i32
    %get3A_651 = arith.index_cast %get3A_650 : i32 to index
    %get3A_652 = arith.index_cast %add3A_611 : i32 to index
    %get3A_653 = arith.constant 64 : index
    %get3A_654 = tpu.vector_load %arg12[%get3A_651, %get3A_652, %get3A_653] {strides = array<i32>} : memref<2x80x160xbf16, #tpu.memory_space<vmem>>, vector<32xbf16>,
    %bitcast3A_655 = vector.bitcast %get3A_654 : vector<32xbf16> to vector<16xi32>
    %shift_left3A_656 = arith.constant 16 : i32
    %shift_left3A_657 = vector.broadcast %shift_left3A_656 : i32 to vector<16xi32>
    %shift_left3A_658 = arith.shli %bitcast3A_655, %shift_left3A_657 : vector<16xi32>
    %bitcast3A_659 = vector.bitcast %shift_left3A_658 : vector<16xi32> to vector<16xf32>
    %and3A_660 = arith.constant -65536 : i32
    %and3A_661 = vector.broadcast %and3A_660 : i32 to vector<16xi32>
    %and3A_662 = arith.andi %bitcast3A_655, %and3A_661 : vector<16xi32>
    %bitcast3A_663 = vector.bitcast %and3A_662 : vector<16xi32> to vector<16xf32>
    %mul3A_664 = arith.mulf %gather3A_615, %bitcast3A_659 : vector<16xf32>
    %mul3A_665 = arith.mulf %gather3A_615, %bitcast3A_663 : vector<16xf32>
    %get3A_666 = arith.constant 1 : i32
    %get3A_667 = arith.index_cast %get3A_666 : i32 to index
    %get3A_668 = arith.index_cast %add3A_611 : i32 to index
    %get3A_669 = arith.constant 96 : index
    %get3A_670 = tpu.vector_load %arg12[%get3A_667, %get3A_668, %get3A_669] {strides = array<i32>} : memref<2x80x160xbf16, #tpu.memory_space<vmem>>, vector<32xbf16>,
    %bitcast3A_671 = vector.bitcast %get3A_670 : vector<32xbf16> to vector<16xi32>
    %shift_left3A_672 = arith.constant 16 : i32
    %shift_left3A_673 = vector.broadcast %shift_left3A_672 : i32 to vector<16xi32>
    %shift_left3A_674 = arith.shli %bitcast3A_671, %shift_left3A_673 : vector<16xi32>
    %bitcast3A_675 = vector.bitcast %shift_left3A_674 : vector<16xi32> to vector<16xf32>
    %and3A_676 = arith.constant -65536 : i32
    %and3A_677 = vector.broadcast %and3A_676 : i32 to vector<16xi32>
    %and3A_678 = arith.andi %bitcast3A_671, %and3A_677 : vector<16xi32>
    %bitcast3A_679 = vector.bitcast %and3A_678 : vector<16xi32> to vector<16xf32>
    %mul3A_680 = arith.mulf %gather3A_616, %bitcast3A_675 : vector<16xf32>
    %mul3A_681 = arith.mulf %gather3A_616, %bitcast3A_679 : vector<16xf32>
    %get3A_682 = arith.constant 1 : i32
    %get3A_683 = arith.index_cast %get3A_682 : i32 to index
    %get3A_684 = arith.index_cast %add3A_611 : i32 to index
    %get3A_685 = arith.constant 128 : index
    %get3A_686 = tpu.vector_load %arg12[%get3A_683, %get3A_684, %get3A_685] {strides = array<i32>} : memref<2x80x160xbf16, #tpu.memory_space<vmem>>, vector<32xbf16>,
    %bitcast3A_687 = vector.bitcast %get3A_686 : vector<32xbf16> to vector<16xi32>
    %shift_left3A_688 = arith.constant 16 : i32
    %shift_left3A_689 = vector.broadcast %shift_left3A_688 : i32 to vector<16xi32>
    %shift_left3A_690 = arith.shli %bitcast3A_687, %shift_left3A_689 : vector<16xi32>
    %bitcast3A_691 = vector.bitcast %shift_left3A_690 : vector<16xi32> to vector<16xf32>
    %and3A_692 = arith.constant -65536 : i32
    %and3A_693 = vector.broadcast %and3A_692 : i32 to vector<16xi32>
    %and3A_694 = arith.andi %bitcast3A_687, %and3A_693 : vector<16xi32>
    %bitcast3A_695 = vector.bitcast %and3A_694 : vector<16xi32> to vector<16xf32>
    %mul3A_696 = arith.mulf %gather3A_617, %bitcast3A_691 : vector<16xf32>
    %mul3A_697 = arith.mulf %gather3A_617, %bitcast3A_695 : vector<16xf32>
    %add3A_698 = arith.addf %mul3A_632, %mul3A_648 : vector<16xf32>
    %add3A_699 = arith.addf %mul3A_664, %mul3A_680 : vector<16xf32>
    %add3A_700 = arith.addf %add3A_698, %add3A_699 : vector<16xf32>
    %add3A_701 = arith.addf %add3A_700, %mul3A_696 : vector<16xf32>
    %swap3A_702 = arith.index_cast %add3A_611 : i32 to index
    %swap3A_703 = arith.constant 0 : index
    %swap3A_704 = tpu.vector_load %arg13[%swap3A_702, %swap3A_703] {strides = array<i32>} : memref<80x48xf32, #tpu.memory_space<vmem>>, vector<16xf32>,
    tpu.vector_store %arg13[%swap3A_702, %swap3A_703], %add3A_701 {strides = array<i32>} : memref<80x48xf32, #tpu.memory_space<vmem>>, vector<16xf32>,
    %add3A_705 = arith.addf %mul3A_633, %mul3A_649 : vector<16xf32>
    %add3A_706 = arith.addf %mul3A_665, %mul3A_681 : vector<16xf32>
    %add3A_707 = arith.addf %add3A_705, %add3A_706 : vector<16xf32>
    %add3A_708 = arith.addf %add3A_707, %mul3A_697 : vector<16xf32>
    %swap3A_709 = arith.index_cast %add3A_611 : i32 to index
    %swap3A_710 = arith.constant 16 : index
    %swap3A_711 = tpu.vector_load %arg13[%swap3A_709, %swap3A_710] {strides = array<i32>} : memref<80x48xf32, #tpu.memory_space<vmem>>, vector<16xf32>,
    tpu.vector_store %arg13[%swap3A_709, %swap3A_710], %add3A_708 {strides = array<i32>} : memref<80x48xf32, #tpu.memory_space<vmem>>, vector<16xf32>,
    %mul3A_712 = arith.constant 2 : i32
    %mul3A_713 = arith.muli %scan3A_607, %mul3A_712 : i32
    %add3A_714 = arith.constant 1 : i32
    %add3A_715 = arith.addi %mul3A_713, %add3A_714 : i32
    %broadcast_in_dim3A_716 = vector.broadcast %add3A_715 : i32 to vector<16xi32>
    %gather3A_717 = tpu.vector_load_idx %arg16[%broadcast_in_dim3A_150, %broadcast_in_dim3A_716] : memref<5x80xf32, #tpu.memory_space<vmem>>[vector<16xi32>, vector<16xi32>], vector<16xf32>,
    %gather3A_718 = tpu.vector_load_idx %arg16[%broadcast_in_dim3A_152, %broadcast_in_dim3A_716] : memref<5x80xf32, #tpu.memory_space<vmem>>[vector<16xi32>, vector<16xi32>], vector<16xf32>,
    %gather3A_719 = tpu.vector_load_idx %arg16[%broadcast_in_dim3A_154, %broadcast_in_dim3A_716] : memref<5x80xf32, #tpu.memory_space<vmem>>[vector<16xi32>, vector<16xi32>], vector<16xf32>,
    %gather3A_720 = tpu.vector_load_idx %arg16[%broadcast_in_dim3A_156, %broadcast_in_dim3A_716] : memref<5x80xf32, #tpu.memory_space<vmem>>[vector<16xi32>, vector<16xi32>], vector<16xf32>,
    %gather3A_721 = tpu.vector_load_idx %arg16[%broadcast_in_dim3A_158, %broadcast_in_dim3A_716] : memref<5x80xf32, #tpu.memory_space<vmem>>[vector<16xi32>, vector<16xi32>], vector<16xf32>,
    %get3A_722 = arith.constant 1 : i32
    %get3A_723 = arith.index_cast %get3A_722 : i32 to index
    %get3A_724 = arith.index_cast %add3A_715 : i32 to index
    %get3A_725 = arith.constant 0 : index
    %get3A_726 = tpu.vector_load %arg12[%get3A_723, %get3A_724, %get3A_725] {strides = array<i32>} : memref<2x80x160xbf16, #tpu.memory_space<vmem>>, vector<32xbf16>,
    %bitcast3A_727 = vector.bitcast %get3A_726 : vector<32xbf16> to vector<16xi32>
    %shift_left3A_728 = arith.constant 16 : i32
    %shift_left3A_729 = vector.broadcast %shift_left3A_728 : i32 to vector<16xi32>
    %shift_left3A_730 = arith.shli %bitcast3A_727, %shift_left3A_729 : vector<16xi32>
    %bitcast3A_731 = vector.bitcast %shift_left3A_730 : vector<16xi32> to vector<16xf32>
    %and3A_732 = arith.constant -65536 : i32
    %and3A_733 = vector.broadcast %and3A_732 : i32 to vector<16xi32>
    %and3A_734 = arith.andi %bitcast3A_727, %and3A_733 : vector<16xi32>
    %bitcast3A_735 = vector.bitcast %and3A_734 : vector<16xi32> to vector<16xf32>
    %mul3A_736 = arith.mulf %gather3A_717, %bitcast3A_731 : vector<16xf32>
    %mul3A_737 = arith.mulf %gather3A_717, %bitcast3A_735 : vector<16xf32>
    %get3A_738 = arith.constant 1 : i32
    %get3A_739 = arith.index_cast %get3A_738 : i32 to index
    %get3A_740 = arith.index_cast %add3A_715 : i32 to index
    %get3A_741 = arith.constant 32 : index
    %get3A_742 = tpu.vector_load %arg12[%get3A_739, %get3A_740, %get3A_741] {strides = array<i32>} : memref<2x80x160xbf16, #tpu.memory_space<vmem>>, vector<32xbf16>,
    %bitcast3A_743 = vector.bitcast %get3A_742 : vector<32xbf16> to vector<16xi32>
    %shift_left3A_744 = arith.constant 16 : i32
    %shift_left3A_745 = vector.broadcast %shift_left3A_744 : i32 to vector<16xi32>
    %shift_left3A_746 = arith.shli %bitcast3A_743, %shift_left3A_745 : vector<16xi32>
    %bitcast3A_747 = vector.bitcast %shift_left3A_746 : vector<16xi32> to vector<16xf32>
    %and3A_748 = arith.constant -65536 : i32
    %and3A_749 = vector.broadcast %and3A_748 : i32 to vector<16xi32>
    %and3A_750 = arith.andi %bitcast3A_743, %and3A_749 : vector<16xi32>
    %bitcast3A_751 = vector.bitcast %and3A_750 : vector<16xi32> to vector<16xf32>
    %mul3A_752 = arith.mulf %gather3A_718, %bitcast3A_747 : vector<16xf32>
    %mul3A_753 = arith.mulf %gather3A_718, %bitcast3A_751 : vector<16xf32>
    %get3A_754 = arith.constant 1 : i32
    %get3A_755 = arith.index_cast %get3A_754 : i32 to index
    %get3A_756 = arith.index_cast %add3A_715 : i32 to index
    %get3A_757 = arith.constant 64 : index
    %get3A_758 = tpu.vector_load %arg12[%get3A_755, %get3A_756, %get3A_757] {strides = array<i32>} : memref<2x80x160xbf16, #tpu.memory_space<vmem>>, vector<32xbf16>,
    %bitcast3A_759 = vector.bitcast %get3A_758 : vector<32xbf16> to vector<16xi32>
    %shift_left3A_760 = arith.constant 16 : i32
    %shift_left3A_761 = vector.broadcast %shift_left3A_760 : i32 to vector<16xi32>
    %shift_left3A_762 = arith.shli %bitcast3A_759, %shift_left3A_761 : vector<16xi32>
    %bitcast3A_763 = vector.bitcast %shift_left3A_762 : vector<16xi32> to vector<16xf32>
    %and3A_764 = arith.constant -65536 : i32
    %and3A_765 = vector.broadcast %and3A_764 : i32 to vector<16xi32>
    %and3A_766 = arith.andi %bitcast3A_759, %and3A_765 : vector<16xi32>
    %bitcast3A_767 = vector.bitcast %and3A_766 : vector<16xi32> to vector<16xf32>
    %mul3A_768 = arith.mulf %gather3A_719, %bitcast3A_763 : vector<16xf32>
    %mul3A_769 = arith.mulf %gather3A_719, %bitcast3A_767 : vector<16xf32>
    %get3A_770 = arith.constant 1 : i32
    %get3A_771 = arith.index_cast %get3A_770 : i32 to index
    %get3A_772 = arith.index_cast %add3A_715 : i32 to index
    %get3A_773 = arith.constant 96 : index
    %get3A_774 = tpu.vector_load %arg12[%get3A_771, %get3A_772, %get3A_773] {strides = array<i32>} : memref<2x80x160xbf16, #tpu.memory_space<vmem>>, vector<32xbf16>,
    %bitcast3A_775 = vector.bitcast %get3A_774 : vector<32xbf16> to vector<16xi32>
    %shift_left3A_776 = arith.constant 16 : i32
    %shift_left3A_777 = vector.broadcast %shift_left3A_776 : i32 to vector<16xi32>
    %shift_left3A_778 = arith.shli %bitcast3A_775, %shift_left3A_777 : vector<16xi32>
    %bitcast3A_779 = vector.bitcast %shift_left3A_778 : vector<16xi32> to vector<16xf32>
    %and3A_780 = arith.constant -65536 : i32
    %and3A_781 = vector.broadcast %and3A_780 : i32 to vector<16xi32>
    %and3A_782 = arith.andi %bitcast3A_775, %and3A_781 : vector<16xi32>
    %bitcast3A_783 = vector.bitcast %and3A_782 : vector<16xi32> to vector<16xf32>
    %mul3A_784 = arith.mulf %gather3A_720, %bitcast3A_779 : vector<16xf32>
    %mul3A_785 = arith.mulf %gather3A_720, %bitcast3A_783 : vector<16xf32>
    %get3A_786 = arith.constant 1 : i32
    %get3A_787 = arith.index_cast %get3A_786 : i32 to index
    %get3A_788 = arith.index_cast %add3A_715 : i32 to index
    %get3A_789 = arith.constant 128 : index
    %get3A_790 = tpu.vector_load %arg12[%get3A_787, %get3A_788, %get3A_789] {strides = array<i32>} : memref<2x80x160xbf16, #tpu.memory_space<vmem>>, vector<32xbf16>,
    %bitcast3A_791 = vector.bitcast %get3A_790 : vector<32xbf16> to vector<16xi32>
    %shift_left3A_792 = arith.constant 16 : i32
    %shift_left3A_793 = vector.broadcast %shift_left3A_792 : i32 to vector<16xi32>
    %shift_left3A_794 = arith.shli %bitcast3A_791, %shift_left3A_793 : vector<16xi32>
    %bitcast3A_795 = vector.bitcast %shift_left3A_794 : vector<16xi32> to vector<16xf32>
    %and3A_796 = arith.constant -65536 : i32
    %and3A_797 = vector.broadcast %and3A_796 : i32 to vector<16xi32>
    %and3A_798 = arith.andi %bitcast3A_791, %and3A_797 : vector<16xi32>
    %bitcast3A_799 = vector.bitcast %and3A_798 : vector<16xi32> to vector<16xf32>
    %mul3A_800 = arith.mulf %gather3A_721, %bitcast3A_795 : vector<16xf32>
    %mul3A_801 = arith.mulf %gather3A_721, %bitcast3A_799 : vector<16xf32>
    %add3A_802 = arith.addf %mul3A_736, %mul3A_752 : vector<16xf32>
    %add3A_803 = arith.addf %mul3A_768, %mul3A_784 : vector<16xf32>
    %add3A_804 = arith.addf %add3A_802, %add3A_803 : vector<16xf32>
    %add3A_805 = arith.addf %add3A_804, %mul3A_800 : vector<16xf32>
    %swap3A_806 = arith.index_cast %add3A_715 : i32 to index
    %swap3A_807 = arith.constant 0 : index
    %swap3A_808 = tpu.vector_load %arg13[%swap3A_806, %swap3A_807] {strides = array<i32>} : memref<80x48xf32, #tpu.memory_space<vmem>>, vector<16xf32>,
    tpu.vector_store %arg13[%swap3A_806, %swap3A_807], %add3A_805 {strides = array<i32>} : memref<80x48xf32, #tpu.memory_space<vmem>>, vector<16xf32>,
    %add3A_809 = arith.addf %mul3A_737, %mul3A_753 : vector<16xf32>
    %add3A_810 = arith.addf %mul3A_769, %mul3A_785 : vector<16xf32>
    %add3A_811 = arith.addf %add3A_809, %add3A_810 : vector<16xf32>
    %add3A_812 = arith.addf %add3A_811, %mul3A_801 : vector<16xf32>
    %swap3A_813 = arith.index_cast %add3A_715 : i32 to index
    %swap3A_814 = arith.constant 16 : index
    %swap3A_815 = tpu.vector_load %arg13[%swap3A_813, %swap3A_814] {strides = array<i32>} : memref<80x48xf32, #tpu.memory_space<vmem>>, vector<16xf32>,
    tpu.vector_store %arg13[%swap3A_813, %swap3A_814], %add3A_812 {strides = array<i32>} : memref<80x48xf32, #tpu.memory_space<vmem>>, vector<16xf32>,
    %scan3A_816 = arith.constant 0 : i32
    %scan3A_817 = arith.constant 1 : i32
    %scan3A_818 = arith.constant 0 : i32
    %scan3A_819 = arith.constant 1 : i32
    %scan3A_820 = arith.constant 0 : i32
    %scan3A_821 = arith.constant 0 : i32
    %mul3A_822 = arith.constant 16 : i32
    %mul3A_823 = arith.muli %scan3A_821, %mul3A_822 : i32
    %broadcast_in_dim3A_824 = arith.constant 0 : i32
    %broadcast_in_dim3A_825 = vector.broadcast %broadcast_in_dim3A_824 : i32 to vector<16xi32>
    %mul3A_826 = arith.constant 3 : i32
    %mul3A_827 = arith.muli %mul3A_823, %mul3A_826 : i32
    %add3A_828 = arith.constant 0 : i32
    %add3A_829 = arith.addi %mul3A_827, %add3A_828 : i32
    %add3A_830 = vector.broadcast %add3A_829 : i32 to vector<16xi32>
    %add3A_831 = arith.addi %mul3A_162, %add3A_830 : vector<16xi32>
    %gather3A_832 = tpu.vector_load_idx %arg11[%broadcast_in_dim3A_825, %add3A_831] : memref<2x240xf32, #tpu.memory_space<vmem>>[vector<16xi32>, vector<16xi32>], vector<16xf32>,
    %broadcast_in_dim3A_833 = arith.constant 0 : i32
    %broadcast_in_dim3A_834 = vector.broadcast %broadcast_in_dim3A_833 : i32 to vector<16xi32>
    %mul3A_835 = arith.constant 3 : i32
    %mul3A_836 = arith.muli %mul3A_823, %mul3A_835 : i32
    %add3A_837 = arith.constant 1 : i32
    %add3A_838 = arith.addi %mul3A_836, %add3A_837 : i32
    %add3A_839 = vector.broadcast %add3A_838 : i32 to vector<16xi32>
    %add3A_840 = arith.addi %mul3A_162, %add3A_839 : vector<16xi32>
    %gather3A_841 = tpu.vector_load_idx %arg11[%broadcast_in_dim3A_834, %add3A_840] : memref<2x240xf32, #tpu.memory_space<vmem>>[vector<16xi32>, vector<16xi32>], vector<16xf32>,
    %broadcast_in_dim3A_842 = arith.constant 0 : i32
    %broadcast_in_dim3A_843 = vector.broadcast %broadcast_in_dim3A_842 : i32 to vector<16xi32>
    %mul3A_844 = arith.constant 3 : i32
    %mul3A_845 = arith.muli %mul3A_823, %mul3A_844 : i32
    %add3A_846 = arith.constant 2 : i32
    %add3A_847 = arith.addi %mul3A_845, %add3A_846 : i32
    %add3A_848 = vector.broadcast %add3A_847 : i32 to vector<16xi32>
    %add3A_849 = arith.addi %mul3A_162, %add3A_848 : vector<16xi32>
    %gather3A_850 = tpu.vector_load_idx %arg11[%broadcast_in_dim3A_843, %add3A_849] : memref<2x240xf32, #tpu.memory_space<vmem>>[vector<16xi32>, vector<16xi32>], vector<16xf32>,
    %sub3A_851 = arith.subf %gather3A_832, %broadcast_in_dim3A_61 : vector<16xf32>
    %mul3A_852 = arith.mulf %sub3A_851, %sub3A_851 : vector<16xf32>
    %mul3A_853 = arith.mulf %mul3A_852, %broadcast_in_dim3A_106 : vector<16xf32>
    %sub3A_854 = arith.subf %gather3A_841, %broadcast_in_dim3A_64 : vector<16xf32>
    %mul3A_855 = arith.mulf %sub3A_854, %sub3A_854 : vector<16xf32>
    %mul3A_856 = arith.mulf %mul3A_855, %broadcast_in_dim3A_109 : vector<16xf32>
    %add3A_857 = arith.addf %mul3A_853, %mul3A_856 : vector<16xf32>
    %sub3A_858 = arith.subf %gather3A_850, %broadcast_in_dim3A_67 : vector<16xf32>
    %mul3A_859 = arith.mulf %sub3A_858, %sub3A_858 : vector<16xf32>
    %mul3A_860 = arith.mulf %mul3A_859, %broadcast_in_dim3A_112 : vector<16xf32>
    %add3A_861 = arith.addf %add3A_857, %mul3A_860 : vector<16xf32>
    %exp3A_862 = math.exp %add3A_861 : vector<16xf32>
    %swap3A_863 = arith.constant 0 : i32
    %swap3A_864 = arith.index_cast %swap3A_863 : i32 to index
    %swap3A_865 = arith.index_cast %mul3A_823 : i32 to index
    %swap3A_866 = tpu.vector_load %arg16[%swap3A_864, %swap3A_865] {strides = array<i32>} : memref<5x80xf32, #tpu.memory_space<vmem>>, vector<16xf32>,
    tpu.vector_store %arg16[%swap3A_864, %swap3A_865], %exp3A_862 {strides = array<i32>} : memref<5x80xf32, #tpu.memory_space<vmem>>, vector<16xf32>,
    %sub3A_867 = arith.subf %gather3A_832, %broadcast_in_dim3A_70 : vector<16xf32>
    %mul3A_868 = arith.mulf %sub3A_867, %sub3A_867 : vector<16xf32>
    %mul3A_869 = arith.mulf %mul3A_868, %broadcast_in_dim3A_115 : vector<16xf32>
    %sub3A_870 = arith.subf %gather3A_841, %broadcast_in_dim3A_73 : vector<16xf32>
    %mul3A_871 = arith.mulf %sub3A_870, %sub3A_870 : vector<16xf32>
    %mul3A_872 = arith.mulf %mul3A_871, %broadcast_in_dim3A_118 : vector<16xf32>
    %add3A_873 = arith.addf %mul3A_869, %mul3A_872 : vector<16xf32>
    %sub3A_874 = arith.subf %gather3A_850, %broadcast_in_dim3A_76 : vector<16xf32>
    %mul3A_875 = arith.mulf %sub3A_874, %sub3A_874 : vector<16xf32>
    %mul3A_876 = arith.mulf %mul3A_875, %broadcast_in_dim3A_121 : vector<16xf32>
    %add3A_877 = arith.addf %add3A_873, %mul3A_876 : vector<16xf32>
    %exp3A_878 = math.exp %add3A_877 : vector<16xf32>
    %swap3A_879 = arith.constant 1 : i32
    %swap3A_880 = arith.index_cast %swap3A_879 : i32 to index
    %swap3A_881 = arith.index_cast %mul3A_823 : i32 to index
    %swap3A_882 = tpu.vector_load %arg16[%swap3A_880, %swap3A_881] {strides = array<i32>} : memref<5x80xf32, #tpu.memory_space<vmem>>, vector<16xf32>,
    tpu.vector_store %arg16[%swap3A_880, %swap3A_881], %exp3A_878 {strides = array<i32>} : memref<5x80xf32, #tpu.memory_space<vmem>>, vector<16xf32>,
    %sub3A_883 = arith.subf %gather3A_832, %broadcast_in_dim3A_79 : vector<16xf32>
    %mul3A_884 = arith.mulf %sub3A_883, %sub3A_883 : vector<16xf32>
    %mul3A_885 = arith.mulf %mul3A_884, %broadcast_in_dim3A_124 : vector<16xf32>
    %sub3A_886 = arith.subf %gather3A_841, %broadcast_in_dim3A_82 : vector<16xf32>
    %mul3A_887 = arith.mulf %sub3A_886, %sub3A_886 : vector<16xf32>
    %mul3A_888 = arith.mulf %mul3A_887, %broadcast_in_dim3A_127 : vector<16xf32>
    %add3A_889 = arith.addf %mul3A_885, %mul3A_888 : vector<16xf32>
    %sub3A_890 = arith.subf %gather3A_850, %broadcast_in_dim3A_85 : vector<16xf32>
    %mul3A_891 = arith.mulf %sub3A_890, %sub3A_890 : vector<16xf32>
    %mul3A_892 = arith.mulf %mul3A_891, %broadcast_in_dim3A_130 : vector<16xf32>
    %add3A_893 = arith.addf %add3A_889, %mul3A_892 : vector<16xf32>
    %exp3A_894 = math.exp %add3A_893 : vector<16xf32>
    %swap3A_895 = arith.constant 2 : i32
    %swap3A_896 = arith.index_cast %swap3A_895 : i32 to index
    %swap3A_897 = arith.index_cast %mul3A_823 : i32 to index
    %swap3A_898 = tpu.vector_load %arg16[%swap3A_896, %swap3A_897] {strides = array<i32>} : memref<5x80xf32, #tpu.memory_space<vmem>>, vector<16xf32>,
    tpu.vector_store %arg16[%swap3A_896, %swap3A_897], %exp3A_894 {strides = array<i32>} : memref<5x80xf32, #tpu.memory_space<vmem>>, vector<16xf32>,
    %sub3A_899 = arith.subf %gather3A_832, %broadcast_in_dim3A_88 : vector<16xf32>
    %mul3A_900 = arith.mulf %sub3A_899, %sub3A_899 : vector<16xf32>
    %mul3A_901 = arith.mulf %mul3A_900, %broadcast_in_dim3A_133 : vector<16xf32>
    %sub3A_902 = arith.subf %gather3A_841, %broadcast_in_dim3A_91 : vector<16xf32>
    %mul3A_903 = arith.mulf %sub3A_902, %sub3A_902 : vector<16xf32>
    %mul3A_904 = arith.mulf %mul3A_903, %broadcast_in_dim3A_136 : vector<16xf32>
    %add3A_905 = arith.addf %mul3A_901, %mul3A_904 : vector<16xf32>
    %sub3A_906 = arith.subf %gather3A_850, %broadcast_in_dim3A_94 : vector<16xf32>
    %mul3A_907 = arith.mulf %sub3A_906, %sub3A_906 : vector<16xf32>
    %mul3A_908 = arith.mulf %mul3A_907, %broadcast_in_dim3A_139 : vector<16xf32>
    %add3A_909 = arith.addf %add3A_905, %mul3A_908 : vector<16xf32>
    %exp3A_910 = math.exp %add3A_909 : vector<16xf32>
    %swap3A_911 = arith.constant 3 : i32
    %swap3A_912 = arith.index_cast %swap3A_911 : i32 to index
    %swap3A_913 = arith.index_cast %mul3A_823 : i32 to index
    %swap3A_914 = tpu.vector_load %arg16[%swap3A_912, %swap3A_913] {strides = array<i32>} : memref<5x80xf32, #tpu.memory_space<vmem>>, vector<16xf32>,
    tpu.vector_store %arg16[%swap3A_912, %swap3A_913], %exp3A_910 {strides = array<i32>} : memref<5x80xf32, #tpu.memory_space<vmem>>, vector<16xf32>,
    %sub3A_915 = arith.subf %gather3A_832, %broadcast_in_dim3A_97 : vector<16xf32>
    %mul3A_916 = arith.mulf %sub3A_915, %sub3A_915 : vector<16xf32>
    %mul3A_917 = arith.mulf %mul3A_916, %broadcast_in_dim3A_142 : vector<16xf32>
    %sub3A_918 = arith.subf %gather3A_841, %broadcast_in_dim3A_100 : vector<16xf32>
    %mul3A_919 = arith.mulf %sub3A_918, %sub3A_918 : vector<16xf32>
    %mul3A_920 = arith.mulf %mul3A_919, %broadcast_in_dim3A_145 : vector<16xf32>
    %add3A_921 = arith.addf %mul3A_917, %mul3A_920 : vector<16xf32>
    %sub3A_922 = arith.subf %gather3A_850, %broadcast_in_dim3A_103 : vector<16xf32>
    %mul3A_923 = arith.mulf %sub3A_922, %sub3A_922 : vector<16xf32>
    %mul3A_924 = arith.mulf %mul3A_923, %broadcast_in_dim3A_148 : vector<16xf32>
    %add3A_925 = arith.addf %add3A_921, %mul3A_924 : vector<16xf32>
    %exp3A_926 = math.exp %add3A_925 : vector<16xf32>
    %swap3A_927 = arith.constant 4 : i32
    %swap3A_928 = arith.index_cast %swap3A_927 : i32 to index
    %swap3A_929 = arith.index_cast %mul3A_823 : i32 to index
    %swap3A_930 = tpu.vector_load %arg16[%swap3A_928, %swap3A_929] {strides = array<i32>} : memref<5x80xf32, #tpu.memory_space<vmem>>, vector<16xf32>,
    tpu.vector_store %arg16[%swap3A_928, %swap3A_929], %exp3A_926 {strides = array<i32>} : memref<5x80xf32, #tpu.memory_space<vmem>>, vector<16xf32>,
    %scan3A_931 = arith.constant 0 : i32
    %scan3A_932 = arith.constant 1 : i32
    %scan3A_933 = arith.constant 0 : i32
    %scan3A_934 = arith.constant 0 : i32
    %mul3A_935 = arith.constant 2 : i32
    %mul3A_936 = arith.muli %scan3A_934, %mul3A_935 : i32
    %add3A_937 = arith.constant 0 : i32
    %add3A_938 = arith.addi %mul3A_936, %add3A_937 : i32
    %broadcast_in_dim3A_939 = vector.broadcast %add3A_938 : i32 to vector<16xi32>
    %gather3A_940 = tpu.vector_load_idx %arg16[%broadcast_in_dim3A_150, %broadcast_in_dim3A_939] : memref<5x80xf32, #tpu.memory_space<vmem>>[vector<16xi32>, vector<16xi32>], vector<16xf32>,
    %gather3A_941 = tpu.vector_load_idx %arg16[%broadcast_in_dim3A_152, %broadcast_in_dim3A_939] : memref<5x80xf32, #tpu.memory_space<vmem>>[vector<16xi32>, vector<16xi32>], vector<16xf32>,
    %gather3A_942 = tpu.vector_load_idx %arg16[%broadcast_in_dim3A_154, %broadcast_in_dim3A_939] : memref<5x80xf32, #tpu.memory_space<vmem>>[vector<16xi32>, vector<16xi32>], vector<16xf32>,
    %gather3A_943 = tpu.vector_load_idx %arg16[%broadcast_in_dim3A_156, %broadcast_in_dim3A_939] : memref<5x80xf32, #tpu.memory_space<vmem>>[vector<16xi32>, vector<16xi32>], vector<16xf32>,
    %gather3A_944 = tpu.vector_load_idx %arg16[%broadcast_in_dim3A_158, %broadcast_in_dim3A_939] : memref<5x80xf32, #tpu.memory_space<vmem>>[vector<16xi32>, vector<16xi32>], vector<16xf32>,
    %get3A_945 = arith.constant 0 : i32
    %get3A_946 = arith.index_cast %get3A_945 : i32 to index
    %get3A_947 = arith.index_cast %add3A_938 : i32 to index
    %get3A_948 = arith.constant 0 : index
    %get3A_949 = tpu.vector_load %arg12[%get3A_946, %get3A_947, %get3A_948] {strides = array<i32>} : memref<2x80x160xbf16, #tpu.memory_space<vmem>>, vector<32xbf16>,
    %bitcast3A_950 = vector.bitcast %get3A_949 : vector<32xbf16> to vector<16xi32>
    %shift_left3A_951 = arith.constant 16 : i32
    %shift_left3A_952 = vector.broadcast %shift_left3A_951 : i32 to vector<16xi32>
    %shift_left3A_953 = arith.shli %bitcast3A_950, %shift_left3A_952 : vector<16xi32>
    %bitcast3A_954 = vector.bitcast %shift_left3A_953 : vector<16xi32> to vector<16xf32>
    %and3A_955 = arith.constant -65536 : i32
    %and3A_956 = vector.broadcast %and3A_955 : i32 to vector<16xi32>
    %and3A_957 = arith.andi %bitcast3A_950, %and3A_956 : vector<16xi32>
    %bitcast3A_958 = vector.bitcast %and3A_957 : vector<16xi32> to vector<16xf32>
    %mul3A_959 = arith.mulf %gather3A_940, %bitcast3A_954 : vector<16xf32>
    %mul3A_960 = arith.mulf %gather3A_940, %bitcast3A_958 : vector<16xf32>
    %get3A_961 = arith.constant 0 : i32
    %get3A_962 = arith.index_cast %get3A_961 : i32 to index
    %get3A_963 = arith.index_cast %add3A_938 : i32 to index
    %get3A_964 = arith.constant 32 : index
    %get3A_965 = tpu.vector_load %arg12[%get3A_962, %get3A_963, %get3A_964] {strides = array<i32>} : memref<2x80x160xbf16, #tpu.memory_space<vmem>>, vector<32xbf16>,
    %bitcast3A_966 = vector.bitcast %get3A_965 : vector<32xbf16> to vector<16xi32>
    %shift_left3A_967 = arith.constant 16 : i32
    %shift_left3A_968 = vector.broadcast %shift_left3A_967 : i32 to vector<16xi32>
    %shift_left3A_969 = arith.shli %bitcast3A_966, %shift_left3A_968 : vector<16xi32>
    %bitcast3A_970 = vector.bitcast %shift_left3A_969 : vector<16xi32> to vector<16xf32>
    %and3A_971 = arith.constant -65536 : i32
    %and3A_972 = vector.broadcast %and3A_971 : i32 to vector<16xi32>
    %and3A_973 = arith.andi %bitcast3A_966, %and3A_972 : vector<16xi32>
    %bitcast3A_974 = vector.bitcast %and3A_973 : vector<16xi32> to vector<16xf32>
    %mul3A_975 = arith.mulf %gather3A_941, %bitcast3A_970 : vector<16xf32>
    %mul3A_976 = arith.mulf %gather3A_941, %bitcast3A_974 : vector<16xf32>
    %get3A_977 = arith.constant 0 : i32
    %get3A_978 = arith.index_cast %get3A_977 : i32 to index
    %get3A_979 = arith.index_cast %add3A_938 : i32 to index
    %get3A_980 = arith.constant 64 : index
    %get3A_981 = tpu.vector_load %arg12[%get3A_978, %get3A_979, %get3A_980] {strides = array<i32>} : memref<2x80x160xbf16, #tpu.memory_space<vmem>>, vector<32xbf16>,
    %bitcast3A_982 = vector.bitcast %get3A_981 : vector<32xbf16> to vector<16xi32>
    %shift_left3A_983 = arith.constant 16 : i32
    %shift_left3A_984 = vector.broadcast %shift_left3A_983 : i32 to vector<16xi32>
    %shift_left3A_985 = arith.shli %bitcast3A_982, %shift_left3A_984 : vector<16xi32>
    %bitcast3A_986 = vector.bitcast %shift_left3A_985 : vector<16xi32> to vector<16xf32>
    %and3A_987 = arith.constant -65536 : i32
    %and3A_988 = vector.broadcast %and3A_987 : i32 to vector<16xi32>
    %and3A_989 = arith.andi %bitcast3A_982, %and3A_988 : vector<16xi32>
    %bitcast3A_990 = vector.bitcast %and3A_989 : vector<16xi32> to vector<16xf32>
    %mul3A_991 = arith.mulf %gather3A_942, %bitcast3A_986 : vector<16xf32>
    %mul3A_992 = arith.mulf %gather3A_942, %bitcast3A_990 : vector<16xf32>
    %get3A_993 = arith.constant 0 : i32
    %get3A_994 = arith.index_cast %get3A_993 : i32 to index
    %get3A_995 = arith.index_cast %add3A_938 : i32 to index
    %get3A_996 = arith.constant 96 : index
    %get3A_997 = tpu.vector_load %arg12[%get3A_994, %get3A_995, %get3A_996] {strides = array<i32>} : memref<2x80x160xbf16, #tpu.memory_space<vmem>>, vector<32xbf16>,
    %bitcast3A_998 = vector.bitcast %get3A_997 : vector<32xbf16> to vector<16xi32>
    %shift_left3A_999 = arith.constant 16 : i32
    %shift_left3A_1000 = vector.broadcast %shift_left3A_999 : i32 to vector<16xi32>
    %shift_left3A_1001 = arith.shli %bitcast3A_998, %shift_left3A_1000 : vector<16xi32>
    %bitcast3A_1002 = vector.bitcast %shift_left3A_1001 : vector<16xi32> to vector<16xf32>
    %and3A_1003 = arith.constant -65536 : i32
    %and3A_1004 = vector.broadcast %and3A_1003 : i32 to vector<16xi32>
    %and3A_1005 = arith.andi %bitcast3A_998, %and3A_1004 : vector<16xi32>
    %bitcast3A_1006 = vector.bitcast %and3A_1005 : vector<16xi32> to vector<16xf32>
    %mul3A_1007 = arith.mulf %gather3A_943, %bitcast3A_1002 : vector<16xf32>
    %mul3A_1008 = arith.mulf %gather3A_943, %bitcast3A_1006 : vector<16xf32>
    %get3A_1009 = arith.constant 0 : i32
    %get3A_1010 = arith.index_cast %get3A_1009 : i32 to index
    %get3A_1011 = arith.index_cast %add3A_938 : i32 to index
    %get3A_1012 = arith.constant 128 : index
    %get3A_1013 = tpu.vector_load %arg12[%get3A_1010, %get3A_1011, %get3A_1012] {strides = array<i32>} : memref<2x80x160xbf16, #tpu.memory_space<vmem>>, vector<32xbf16>,
    %bitcast3A_1014 = vector.bitcast %get3A_1013 : vector<32xbf16> to vector<16xi32>
    %shift_left3A_1015 = arith.constant 16 : i32
    %shift_left3A_1016 = vector.broadcast %shift_left3A_1015 : i32 to vector<16xi32>
    %shift_left3A_1017 = arith.shli %bitcast3A_1014, %shift_left3A_1016 : vector<16xi32>
    %bitcast3A_1018 = vector.bitcast %shift_left3A_1017 : vector<16xi32> to vector<16xf32>
    %and3A_1019 = arith.constant -65536 : i32
    %and3A_1020 = vector.broadcast %and3A_1019 : i32 to vector<16xi32>
    %and3A_1021 = arith.andi %bitcast3A_1014, %and3A_1020 : vector<16xi32>
    %bitcast3A_1022 = vector.bitcast %and3A_1021 : vector<16xi32> to vector<16xf32>
    %mul3A_1023 = arith.mulf %gather3A_944, %bitcast3A_1018 : vector<16xf32>
    %mul3A_1024 = arith.mulf %gather3A_944, %bitcast3A_1022 : vector<16xf32>
    %add3A_1025 = arith.addf %mul3A_959, %mul3A_975 : vector<16xf32>
    %add3A_1026 = arith.addf %mul3A_991, %mul3A_1007 : vector<16xf32>
    %add3A_1027 = arith.addf %add3A_1025, %add3A_1026 : vector<16xf32>
    %add3A_1028 = arith.addf %add3A_1027, %mul3A_1023 : vector<16xf32>
    %swap3A_1029 = arith.index_cast %add3A_938 : i32 to index
    %swap3A_1030 = arith.constant 0 : index
    %swap3A_1031 = tpu.vector_load %arg13[%swap3A_1029, %swap3A_1030] {strides = array<i32>} : memref<80x48xf32, #tpu.memory_space<vmem>>, vector<16xf32>,
    tpu.vector_store %arg13[%swap3A_1029, %swap3A_1030], %add3A_1028 {strides = array<i32>} : memref<80x48xf32, #tpu.memory_space<vmem>>, vector<16xf32>,
    %add3A_1032 = arith.addf %mul3A_960, %mul3A_976 : vector<16xf32>
    %add3A_1033 = arith.addf %mul3A_992, %mul3A_1008 : vector<16xf32>
    %add3A_1034 = arith.addf %add3A_1032, %add3A_1033 : vector<16xf32>
    %add3A_1035 = arith.addf %add3A_1034, %mul3A_1024 : vector<16xf32>
    %swap3A_1036 = arith.index_cast %add3A_938 : i32 to index
    %swap3A_1037 = arith.constant 16 : index
    %swap3A_1038 = tpu.vector_load %arg13[%swap3A_1036, %swap3A_1037] {strides = array<i32>} : memref<80x48xf32, #tpu.memory_space<vmem>>, vector<16xf32>,
    tpu.vector_store %arg13[%swap3A_1036, %swap3A_1037], %add3A_1035 {strides = array<i32>} : memref<80x48xf32, #tpu.memory_space<vmem>>, vector<16xf32>,
    %mul3A_1039 = arith.constant 2 : i32
    %mul3A_1040 = arith.muli %scan3A_934, %mul3A_1039 : i32
    %add3A_1041 = arith.constant 1 : i32
    %add3A_1042 = arith.addi %mul3A_1040, %add3A_1041 : i32
    %broadcast_in_dim3A_1043 = vector.broadcast %add3A_1042 : i32 to vector<16xi32>
    %gather3A_1044 = tpu.vector_load_idx %arg16[%broadcast_in_dim3A_150, %broadcast_in_dim3A_1043] : memref<5x80xf32, #tpu.memory_space<vmem>>[vector<16xi32>, vector<16xi32>], vector<16xf32>,
    %gather3A_1045 = tpu.vector_load_idx %arg16[%broadcast_in_dim3A_152, %broadcast_in_dim3A_1043] : memref<5x80xf32, #tpu.memory_space<vmem>>[vector<16xi32>, vector<16xi32>], vector<16xf32>,
    %gather3A_1046 = tpu.vector_load_idx %arg16[%broadcast_in_dim3A_154, %broadcast_in_dim3A_1043] : memref<5x80xf32, #tpu.memory_space<vmem>>[vector<16xi32>, vector<16xi32>], vector<16xf32>,
    %gather3A_1047 = tpu.vector_load_idx %arg16[%broadcast_in_dim3A_156, %broadcast_in_dim3A_1043] : memref<5x80xf32, #tpu.memory_space<vmem>>[vector<16xi32>, vector<16xi32>], vector<16xf32>,
    %gather3A_1048 = tpu.vector_load_idx %arg16[%broadcast_in_dim3A_158, %broadcast_in_dim3A_1043] : memref<5x80xf32, #tpu.memory_space<vmem>>[vector<16xi32>, vector<16xi32>], vector<16xf32>,
    %get3A_1049 = arith.constant 0 : i32
    %get3A_1050 = arith.index_cast %get3A_1049 : i32 to index
    %get3A_1051 = arith.index_cast %add3A_1042 : i32 to index
    %get3A_1052 = arith.constant 0 : index
    %get3A_1053 = tpu.vector_load %arg12[%get3A_1050, %get3A_1051, %get3A_1052] {strides = array<i32>} : memref<2x80x160xbf16, #tpu.memory_space<vmem>>, vector<32xbf16>,
    %bitcast3A_1054 = vector.bitcast %get3A_1053 : vector<32xbf16> to vector<16xi32>
    %shift_left3A_1055 = arith.constant 16 : i32
    %shift_left3A_1056 = vector.broadcast %shift_left3A_1055 : i32 to vector<16xi32>
    %shift_left3A_1057 = arith.shli %bitcast3A_1054, %shift_left3A_1056 : vector<16xi32>
    %bitcast3A_1058 = vector.bitcast %shift_left3A_1057 : vector<16xi32> to vector<16xf32>
    %and3A_1059 = arith.constant -65536 : i32
    %and3A_1060 = vector.broadcast %and3A_1059 : i32 to vector<16xi32>
    %and3A_1061 = arith.andi %bitcast3A_1054, %and3A_1060 : vector<16xi32>
    %bitcast3A_1062 = vector.bitcast %and3A_1061 : vector<16xi32> to vector<16xf32>
    %mul3A_1063 = arith.mulf %gather3A_1044, %bitcast3A_1058 : vector<16xf32>
    %mul3A_1064 = arith.mulf %gather3A_1044, %bitcast3A_1062 : vector<16xf32>
    %get3A_1065 = arith.constant 0 : i32
    %get3A_1066 = arith.index_cast %get3A_1065 : i32 to index
    %get3A_1067 = arith.index_cast %add3A_1042 : i32 to index
    %get3A_1068 = arith.constant 32 : index
    %get3A_1069 = tpu.vector_load %arg12[%get3A_1066, %get3A_1067, %get3A_1068] {strides = array<i32>} : memref<2x80x160xbf16, #tpu.memory_space<vmem>>, vector<32xbf16>,
    %bitcast3A_1070 = vector.bitcast %get3A_1069 : vector<32xbf16> to vector<16xi32>
    %shift_left3A_1071 = arith.constant 16 : i32
    %shift_left3A_1072 = vector.broadcast %shift_left3A_1071 : i32 to vector<16xi32>
    %shift_left3A_1073 = arith.shli %bitcast3A_1070, %shift_left3A_1072 : vector<16xi32>
    %bitcast3A_1074 = vector.bitcast %shift_left3A_1073 : vector<16xi32> to vector<16xf32>
    %and3A_1075 = arith.constant -65536 : i32
    %and3A_1076 = vector.broadcast %and3A_1075 : i32 to vector<16xi32>
    %and3A_1077 = arith.andi %bitcast3A_1070, %and3A_1076 : vector<16xi32>
    %bitcast3A_1078 = vector.bitcast %and3A_1077 : vector<16xi32> to vector<16xf32>
    %mul3A_1079 = arith.mulf %gather3A_1045, %bitcast3A_1074 : vector<16xf32>
    %mul3A_1080 = arith.mulf %gather3A_1045, %bitcast3A_1078 : vector<16xf32>
    %get3A_1081 = arith.constant 0 : i32
    %get3A_1082 = arith.index_cast %get3A_1081 : i32 to index
    %get3A_1083 = arith.index_cast %add3A_1042 : i32 to index
    %get3A_1084 = arith.constant 64 : index
    %get3A_1085 = tpu.vector_load %arg12[%get3A_1082, %get3A_1083, %get3A_1084] {strides = array<i32>} : memref<2x80x160xbf16, #tpu.memory_space<vmem>>, vector<32xbf16>,
    %bitcast3A_1086 = vector.bitcast %get3A_1085 : vector<32xbf16> to vector<16xi32>
    %shift_left3A_1087 = arith.constant 16 : i32
    %shift_left3A_1088 = vector.broadcast %shift_left3A_1087 : i32 to vector<16xi32>
    %shift_left3A_1089 = arith.shli %bitcast3A_1086, %shift_left3A_1088 : vector<16xi32>
    %bitcast3A_1090 = vector.bitcast %shift_left3A_1089 : vector<16xi32> to vector<16xf32>
    %and3A_1091 = arith.constant -65536 : i32
    %and3A_1092 = vector.broadcast %and3A_1091 : i32 to vector<16xi32>
    %and3A_1093 = arith.andi %bitcast3A_1086, %and3A_1092 : vector<16xi32>
    %bitcast3A_1094 = vector.bitcast %and3A_1093 : vector<16xi32> to vector<16xf32>
    %mul3A_1095 = arith.mulf %gather3A_1046, %bitcast3A_1090 : vector<16xf32>
    %mul3A_1096 = arith.mulf %gather3A_1046, %bitcast3A_1094 : vector<16xf32>
    %get3A_1097 = arith.constant 0 : i32
    %get3A_1098 = arith.index_cast %get3A_1097 : i32 to index
    %get3A_1099 = arith.index_cast %add3A_1042 : i32 to index
    %get3A_1100 = arith.constant 96 : index
    %get3A_1101 = tpu.vector_load %arg12[%get3A_1098, %get3A_1099, %get3A_1100] {strides = array<i32>} : memref<2x80x160xbf16, #tpu.memory_space<vmem>>, vector<32xbf16>,
    %bitcast3A_1102 = vector.bitcast %get3A_1101 : vector<32xbf16> to vector<16xi32>
    %shift_left3A_1103 = arith.constant 16 : i32
    %shift_left3A_1104 = vector.broadcast %shift_left3A_1103 : i32 to vector<16xi32>
    %shift_left3A_1105 = arith.shli %bitcast3A_1102, %shift_left3A_1104 : vector<16xi32>
    %bitcast3A_1106 = vector.bitcast %shift_left3A_1105 : vector<16xi32> to vector<16xf32>
    %and3A_1107 = arith.constant -65536 : i32
    %and3A_1108 = vector.broadcast %and3A_1107 : i32 to vector<16xi32>
    %and3A_1109 = arith.andi %bitcast3A_1102, %and3A_1108 : vector<16xi32>
    %bitcast3A_1110 = vector.bitcast %and3A_1109 : vector<16xi32> to vector<16xf32>
    %mul3A_1111 = arith.mulf %gather3A_1047, %bitcast3A_1106 : vector<16xf32>
    %mul3A_1112 = arith.mulf %gather3A_1047, %bitcast3A_1110 : vector<16xf32>
    %get3A_1113 = arith.constant 0 : i32
    %get3A_1114 = arith.index_cast %get3A_1113 : i32 to index
    %get3A_1115 = arith.index_cast %add3A_1042 : i32 to index
    %get3A_1116 = arith.constant 128 : index
    %get3A_1117 = tpu.vector_load %arg12[%get3A_1114, %get3A_1115, %get3A_1116] {strides = array<i32>} : memref<2x80x160xbf16, #tpu.memory_space<vmem>>, vector<32xbf16>,
    %bitcast3A_1118 = vector.bitcast %get3A_1117 : vector<32xbf16> to vector<16xi32>
    %shift_left3A_1119 = arith.constant 16 : i32
    %shift_left3A_1120 = vector.broadcast %shift_left3A_1119 : i32 to vector<16xi32>
    %shift_left3A_1121 = arith.shli %bitcast3A_1118, %shift_left3A_1120 : vector<16xi32>
    %bitcast3A_1122 = vector.bitcast %shift_left3A_1121 : vector<16xi32> to vector<16xf32>
    %and3A_1123 = arith.constant -65536 : i32
    %and3A_1124 = vector.broadcast %and3A_1123 : i32 to vector<16xi32>
    %and3A_1125 = arith.andi %bitcast3A_1118, %and3A_1124 : vector<16xi32>
    %bitcast3A_1126 = vector.bitcast %and3A_1125 : vector<16xi32> to vector<16xf32>
    %mul3A_1127 = arith.mulf %gather3A_1048, %bitcast3A_1122 : vector<16xf32>
    %mul3A_1128 = arith.mulf %gather3A_1048, %bitcast3A_1126 : vector<16xf32>
    %add3A_1129 = arith.addf %mul3A_1063, %mul3A_1079 : vector<16xf32>
    %add3A_1130 = arith.addf %mul3A_1095, %mul3A_1111 : vector<16xf32>
    %add3A_1131 = arith.addf %add3A_1129, %add3A_1130 : vector<16xf32>
    %add3A_1132 = arith.addf %add3A_1131, %mul3A_1127 : vector<16xf32>
    %swap3A_1133 = arith.index_cast %add3A_1042 : i32 to index
    %swap3A_1134 = arith.constant 0 : index
    %swap3A_1135 = tpu.vector_load %arg13[%swap3A_1133, %swap3A_1134] {strides = array<i32>} : memref<80x48xf32, #tpu.memory_space<vmem>>, vector<16xf32>,
    tpu.vector_store %arg13[%swap3A_1133, %swap3A_1134], %add3A_1132 {strides = array<i32>} : memref<80x48xf32, #tpu.memory_space<vmem>>, vector<16xf32>,
    %add3A_1136 = arith.addf %mul3A_1064, %mul3A_1080 : vector<16xf32>
    %add3A_1137 = arith.addf %mul3A_1096, %mul3A_1112 : vector<16xf32>
    %add3A_1138 = arith.addf %add3A_1136, %add3A_1137 : vector<16xf32>
    %add3A_1139 = arith.addf %add3A_1138, %mul3A_1128 : vector<16xf32>
    %swap3A_1140 = arith.index_cast %add3A_1042 : i32 to index
    %swap3A_1141 = arith.constant 16 : index
    %swap3A_1142 = tpu.vector_load %arg13[%swap3A_1140, %swap3A_1141] {strides = array<i32>} : memref<80x48xf32, #tpu.memory_space<vmem>>, vector<16xf32>,
    tpu.vector_store %arg13[%swap3A_1140, %swap3A_1141], %add3A_1139 {strides = array<i32>} : memref<80x48xf32, #tpu.memory_space<vmem>>, vector<16xf32>,
    %scan3A_1143 = arith.constant 0 : i32
    %scan3A_1144 = arith.constant 1 : i32
    %barrier3A_1145 = arith.constant 0 : index
    tpu.barrier barrier_id(%barrier3A_1145)
    "tpu.region"() ({
      %run_scoped3A = tpu.sem_alloc : memref<!tpu.dma_semaphore, #tpu.memory_space<semaphore_mem>>
      %dma_start3A = arith.constant 0 : i32
      %dma_start3A_1146 = tpu.memref_slice %arg8[%arg0, %mul3A_9, %dma_start3A] : memref<2x10240x48xf32, #tpu.memory_space<hbm>> -> memref<1x640x48xf32, #tpu.memory_space<hbm>>
      %dma_start3A_1147 = tpu.memref_squeeze %dma_start3A_1146 : memref<1x640x48xf32, #tpu.memory_space<hbm>> -> memref<640x48xf32, #tpu.memory_space<hbm>>
      %dma_start3A_1148 = arith.constant 0 : i32
      %dma_start3A_1149 = tpu.memref_slice %arg17[%mul3A_9, %dma_start3A_1148] : memref<10240x48xf32, #tpu.memory_space<vmem_shared>> -> memref<640x48xf32, #tpu.memory_space<vmem_shared>>
      tpu.enqueue_dma source(%dma_start3A_1149 : memref<640x48xf32, #tpu.memory_space<vmem_shared>>) target(%dma_start3A_1147 : memref<640x48xf32, #tpu.memory_space<hbm>>) target_semaphore(%run_scoped3A : memref<!tpu.dma_semaphore, #tpu.memory_space<semaphore_mem>>)
      %dma_wait3A = arith.constant 0 : i32
      %dma_wait3A_1150 = tpu.memref_slice %arg8[%arg0, %mul3A_9, %dma_wait3A] : memref<2x10240x48xf32, #tpu.memory_space<hbm>> -> memref<1x640x48xf32, #tpu.memory_space<hbm>>
      %dma_wait3A_1151 = tpu.memref_squeeze %dma_wait3A_1150 : memref<1x640x48xf32, #tpu.memory_space<hbm>> -> memref<640x48xf32, #tpu.memory_space<hbm>>
      %dma_wait3A_1152 = arith.constant 0 : i32
      %dma_wait3A_1153 = tpu.memref_slice %arg17[%mul3A_9, %dma_wait3A_1152] : memref<10240x48xf32, #tpu.memory_space<vmem_shared>> -> memref<640x48xf32, #tpu.memory_space<vmem_shared>>
      tpu.wait_dma2 semaphore(%run_scoped3A : memref<!tpu.dma_semaphore, #tpu.memory_space<semaphore_mem>>) src(%dma_wait3A_1153 : memref<640x48xf32, #tpu.memory_space<vmem_shared>>) dst(%dma_wait3A_1151 : memref<640x48xf32, #tpu.memory_space<hbm>>)
      tpu.yield
    }) : () -> ()
    return
  }
}

#map = affine_map<(d0, d1) -> (0, 0)>
#map1 = affine_map<(d0, d1) -> (0, 0, 0)>
module attributes {stable_mosaic.version = 14 : i64} {
  func.func @body(%arg0: i32, %arg1: i32, %arg2: memref<10000x320xbf16, #tpu.memory_space<hbm>>, %arg3: memref<32x125x80xi32, #tpu.memory_space<hbm>>, %arg4: memref<32x125x80xi32, #tpu.memory_space<hbm>>, %arg5: memref<32x125x240xf32, #tpu.memory_space<hbm>>, %arg6: memref<3x16xf32, #tpu.memory_space<hbm>>, %arg7: memref<3x16xf32, #tpu.memory_space<hbm>>, %arg8: memref<2x10240x64xf32, #tpu.memory_space<hbm>>, %arg9: memref<125x80xi32, #tpu.memory_space<vmem>>, %arg10: memref<125x80xi32, #tpu.memory_space<vmem>>, %arg11: memref<2x240xf32, #tpu.memory_space<vmem>>, %arg12: memref<2x80x320xbf16, #tpu.memory_space<vmem>>, %arg13: memref<80x64xf32, #tpu.memory_space<vmem>>, %arg14: memref<3x16xf32, #tpu.memory_space<vmem>>, %arg15: memref<3x16xf32, #tpu.memory_space<vmem>>, %arg16: memref<5x80xf32, #tpu.memory_space<vmem>>, %arg17: memref<10240x64xf32, #tpu.memory_space<vmem_shared>>, %arg18: memref<!tpu.dma_semaphore, #tpu.memory_space<semaphore_mem>>, %arg19: memref<!tpu.dma_semaphore, #tpu.memory_space<semaphore_mem>>) attributes {dimension_semantics = [#tpu.dimension_semantics<core_parallel>, #tpu.dimension_semantics<subcore_parallel>], iteration_bounds = array<i64: 2, 16>, scalar_prefetch = 0 : i64, scratch_operands = 11 : i64, tpu.core_type = #tpu.core_type<sc_vector_subcore>, window_params = [{transform_indices = #map}, {transform_indices = #map1}, {transform_indices = #map1}, {transform_indices = #map1}, {transform_indices = #map}, {transform_indices = #map}, {transform_indices = #map1}]} {
    %mul3A = arith.constant 2 : i32
    %mul3A_0 = arith.muli %arg1, %mul3A : i32
    %add3A = arith.addi %mul3A_0, %arg0 : i32
    "tpu.region"() ({
      %run_scoped3A = tpu.sem_alloc : memref<!tpu.dma_semaphore, #tpu.memory_space<semaphore_mem>>
      tpu.enqueue_dma source(%arg6 : memref<3x16xf32, #tpu.memory_space<hbm>>) target(%arg14 : memref<3x16xf32, #tpu.memory_space<vmem>>) target_semaphore(%run_scoped3A : memref<!tpu.dma_semaphore, #tpu.memory_space<semaphore_mem>>)
      tpu.wait_dma2 semaphore(%run_scoped3A : memref<!tpu.dma_semaphore, #tpu.memory_space<semaphore_mem>>) src(%arg6 : memref<3x16xf32, #tpu.memory_space<hbm>>) dst(%arg14 : memref<3x16xf32, #tpu.memory_space<vmem>>)
      tpu.yield
    }) : () -> ()
    "tpu.region"() ({
      %run_scoped3A = tpu.sem_alloc : memref<!tpu.dma_semaphore, #tpu.memory_space<semaphore_mem>>
      tpu.enqueue_dma source(%arg7 : memref<3x16xf32, #tpu.memory_space<hbm>>) target(%arg15 : memref<3x16xf32, #tpu.memory_space<vmem>>) target_semaphore(%run_scoped3A : memref<!tpu.dma_semaphore, #tpu.memory_space<semaphore_mem>>)
      tpu.wait_dma2 semaphore(%run_scoped3A : memref<!tpu.dma_semaphore, #tpu.memory_space<semaphore_mem>>) src(%arg7 : memref<3x16xf32, #tpu.memory_space<hbm>>) dst(%arg15 : memref<3x16xf32, #tpu.memory_space<vmem>>)
      tpu.yield
    }) : () -> ()
    "tpu.region"() ({
      %run_scoped3A = tpu.sem_alloc : memref<!tpu.dma_semaphore, #tpu.memory_space<semaphore_mem>>
      %dma_start3A = arith.constant 0 : i32
      %dma_start3A_1697 = arith.constant 0 : i32
      %dma_start3A_1698 = tpu.memref_slice %arg3[%add3A, %dma_start3A, %dma_start3A_1697] : memref<32x125x80xi32, #tpu.memory_space<hbm>> -> memref<1x125x80xi32, #tpu.memory_space<hbm>>
      %dma_start3A_1699 = tpu.memref_squeeze %dma_start3A_1698 : memref<1x125x80xi32, #tpu.memory_space<hbm>> -> memref<125x80xi32, #tpu.memory_space<hbm>>
      %dma_start3A_1700 = arith.constant 0 : i32
      %dma_start3A_1701 = arith.constant 0 : i32
      %dma_start3A_1702 = tpu.memref_slice %arg3[%add3A, %dma_start3A_1700, %dma_start3A_1701] : memref<32x125x80xi32, #tpu.memory_space<hbm>> -> memref<1x125x80xi32, #tpu.memory_space<hbm>>
      %dma_start3A_1703 = tpu.memref_squeeze %dma_start3A_1702 : memref<1x125x80xi32, #tpu.memory_space<hbm>> -> memref<125x80xi32, #tpu.memory_space<hbm>>
      tpu.enqueue_dma source(%dma_start3A_1703 : memref<125x80xi32, #tpu.memory_space<hbm>>) target(%arg9 : memref<125x80xi32, #tpu.memory_space<vmem>>) target_semaphore(%run_scoped3A : memref<!tpu.dma_semaphore, #tpu.memory_space<semaphore_mem>>)
      %dma_wait3A = arith.constant 0 : i32
      %dma_wait3A_1704 = arith.constant 0 : i32
      %dma_wait3A_1705 = tpu.memref_slice %arg3[%add3A, %dma_wait3A, %dma_wait3A_1704] : memref<32x125x80xi32, #tpu.memory_space<hbm>> -> memref<1x125x80xi32, #tpu.memory_space<hbm>>
      %dma_wait3A_1706 = tpu.memref_squeeze %dma_wait3A_1705 : memref<1x125x80xi32, #tpu.memory_space<hbm>> -> memref<125x80xi32, #tpu.memory_space<hbm>>
      %dma_wait3A_1707 = arith.constant 0 : i32
      %dma_wait3A_1708 = arith.constant 0 : i32
      %dma_wait3A_1709 = tpu.memref_slice %arg3[%add3A, %dma_wait3A_1707, %dma_wait3A_1708] : memref<32x125x80xi32, #tpu.memory_space<hbm>> -> memref<1x125x80xi32, #tpu.memory_space<hbm>>
      %dma_wait3A_1710 = tpu.memref_squeeze %dma_wait3A_1709 : memref<1x125x80xi32, #tpu.memory_space<hbm>> -> memref<125x80xi32, #tpu.memory_space<hbm>>
      tpu.wait_dma2 semaphore(%run_scoped3A : memref<!tpu.dma_semaphore, #tpu.memory_space<semaphore_mem>>) src(%dma_wait3A_1710 : memref<125x80xi32, #tpu.memory_space<hbm>>) dst(%arg9 : memref<125x80xi32, #tpu.memory_space<vmem>>)
      tpu.yield
    }) : () -> ()
    "tpu.region"() ({
      %run_scoped3A = tpu.sem_alloc : memref<!tpu.dma_semaphore, #tpu.memory_space<semaphore_mem>>
      %dma_start3A = arith.constant 0 : i32
      %dma_start3A_1697 = arith.constant 0 : i32
      %dma_start3A_1698 = tpu.memref_slice %arg4[%add3A, %dma_start3A, %dma_start3A_1697] : memref<32x125x80xi32, #tpu.memory_space<hbm>> -> memref<1x125x80xi32, #tpu.memory_space<hbm>>
      %dma_start3A_1699 = tpu.memref_squeeze %dma_start3A_1698 : memref<1x125x80xi32, #tpu.memory_space<hbm>> -> memref<125x80xi32, #tpu.memory_space<hbm>>
      %dma_start3A_1700 = arith.constant 0 : i32
      %dma_start3A_1701 = arith.constant 0 : i32
      %dma_start3A_1702 = tpu.memref_slice %arg4[%add3A, %dma_start3A_1700, %dma_start3A_1701] : memref<32x125x80xi32, #tpu.memory_space<hbm>> -> memref<1x125x80xi32, #tpu.memory_space<hbm>>
      %dma_start3A_1703 = tpu.memref_squeeze %dma_start3A_1702 : memref<1x125x80xi32, #tpu.memory_space<hbm>> -> memref<125x80xi32, #tpu.memory_space<hbm>>
      tpu.enqueue_dma source(%dma_start3A_1703 : memref<125x80xi32, #tpu.memory_space<hbm>>) target(%arg10 : memref<125x80xi32, #tpu.memory_space<vmem>>) target_semaphore(%run_scoped3A : memref<!tpu.dma_semaphore, #tpu.memory_space<semaphore_mem>>)
      %dma_wait3A = arith.constant 0 : i32
      %dma_wait3A_1704 = arith.constant 0 : i32
      %dma_wait3A_1705 = tpu.memref_slice %arg4[%add3A, %dma_wait3A, %dma_wait3A_1704] : memref<32x125x80xi32, #tpu.memory_space<hbm>> -> memref<1x125x80xi32, #tpu.memory_space<hbm>>
      %dma_wait3A_1706 = tpu.memref_squeeze %dma_wait3A_1705 : memref<1x125x80xi32, #tpu.memory_space<hbm>> -> memref<125x80xi32, #tpu.memory_space<hbm>>
      %dma_wait3A_1707 = arith.constant 0 : i32
      %dma_wait3A_1708 = arith.constant 0 : i32
      %dma_wait3A_1709 = tpu.memref_slice %arg4[%add3A, %dma_wait3A_1707, %dma_wait3A_1708] : memref<32x125x80xi32, #tpu.memory_space<hbm>> -> memref<1x125x80xi32, #tpu.memory_space<hbm>>
      %dma_wait3A_1710 = tpu.memref_squeeze %dma_wait3A_1709 : memref<1x125x80xi32, #tpu.memory_space<hbm>> -> memref<125x80xi32, #tpu.memory_space<hbm>>
      tpu.wait_dma2 semaphore(%run_scoped3A : memref<!tpu.dma_semaphore, #tpu.memory_space<semaphore_mem>>) src(%dma_wait3A_1710 : memref<125x80xi32, #tpu.memory_space<hbm>>) dst(%arg10 : memref<125x80xi32, #tpu.memory_space<vmem>>)
      tpu.yield
    }) : () -> ()
    %broadcast_in_dim3A = arith.constant 0.000000e+00 : f32
    %broadcast_in_dim3A_1 = vector.broadcast %broadcast_in_dim3A : f32 to vector<16xf32>
    %scan3A = arith.constant 0 : i32
    %scan3A_2 = arith.constant 0 : i32
    %scan3A_3 = arith.constant 80 : i32
    %scan3A_4 = arith.addi %scan3A_2, %scan3A_3 : i32
    %scan3A_5 = arith.constant 1 : i32
    %scan3A_6 = scf.for %scan3A_1697 = %scan3A_2 to %scan3A_4 step %scan3A_5 iter_args(%scan3A_1698 = %scan3A) -> (i32)  : i32 {
      %swap3A_1699 = arith.index_cast %scan3A_1697 : i32 to index
      %swap3A_1700 = arith.constant 0 : index
      %swap3A_1701 = tpu.vector_load %arg13[%swap3A_1699, %swap3A_1700] {strides = array<i32>} : memref<80x64xf32, #tpu.memory_space<vmem>>, vector<16xf32>,
      tpu.vector_store %arg13[%swap3A_1699, %swap3A_1700], %broadcast_in_dim3A_1 {strides = array<i32>} : memref<80x64xf32, #tpu.memory_space<vmem>>, vector<16xf32>,
      %swap3A_1702 = arith.index_cast %scan3A_1697 : i32 to index
      %swap3A_1703 = arith.constant 16 : index
      %swap3A_1704 = tpu.vector_load %arg13[%swap3A_1702, %swap3A_1703] {strides = array<i32>} : memref<80x64xf32, #tpu.memory_space<vmem>>, vector<16xf32>,
      tpu.vector_store %arg13[%swap3A_1702, %swap3A_1703], %broadcast_in_dim3A_1 {strides = array<i32>} : memref<80x64xf32, #tpu.memory_space<vmem>>, vector<16xf32>,
      %swap3A_1705 = arith.index_cast %scan3A_1697 : i32 to index
      %swap3A_1706 = arith.constant 32 : index
      %swap3A_1707 = tpu.vector_load %arg13[%swap3A_1705, %swap3A_1706] {strides = array<i32>} : memref<80x64xf32, #tpu.memory_space<vmem>>, vector<16xf32>,
      tpu.vector_store %arg13[%swap3A_1705, %swap3A_1706], %broadcast_in_dim3A_1 {strides = array<i32>} : memref<80x64xf32, #tpu.memory_space<vmem>>, vector<16xf32>,
      %swap3A_1708 = arith.index_cast %scan3A_1697 : i32 to index
      %swap3A_1709 = arith.constant 48 : index
      %swap3A_1710 = tpu.vector_load %arg13[%swap3A_1708, %swap3A_1709] {strides = array<i32>} : memref<80x64xf32, #tpu.memory_space<vmem>>, vector<16xf32>,
      tpu.vector_store %arg13[%swap3A_1708, %swap3A_1709], %broadcast_in_dim3A_1 {strides = array<i32>} : memref<80x64xf32, #tpu.memory_space<vmem>>, vector<16xf32>,
      %scan3A_1711 = arith.constant 0 : i32
      scf.yield %scan3A_1711 : i32
    }
    %scan3A_7 = arith.constant 80 : i32
    %mul3A_8 = arith.constant 640 : i32
    %mul3A_9 = arith.muli %arg1, %mul3A_8 : i32
    %add3A_10 = arith.constant 0 : i32
    %add3A_11 = arith.addi %mul3A_9, %add3A_10 : i32
    "tpu.region"() ({
      %run_scoped3A = tpu.sem_alloc : memref<!tpu.dma_semaphore, #tpu.memory_space<semaphore_mem>>
      %dma_start3A = arith.constant 0 : i32
      %dma_start3A_1697 = tpu.memref_slice %arg17[%add3A_11, %dma_start3A] : memref<10240x64xf32, #tpu.memory_space<vmem_shared>> -> memref<80x64xf32, #tpu.memory_space<vmem_shared>>
      %dma_start3A_1698 = arith.constant 0 : i32
      %dma_start3A_1699 = tpu.memref_slice %arg17[%add3A_11, %dma_start3A_1698] : memref<10240x64xf32, #tpu.memory_space<vmem_shared>> -> memref<80x64xf32, #tpu.memory_space<vmem_shared>>
      tpu.enqueue_dma source(%arg13 : memref<80x64xf32, #tpu.memory_space<vmem>>) target(%dma_start3A_1699 : memref<80x64xf32, #tpu.memory_space<vmem_shared>>) target_semaphore(%run_scoped3A : memref<!tpu.dma_semaphore, #tpu.memory_space<semaphore_mem>>)
      %dma_wait3A = arith.constant 0 : i32
      %dma_wait3A_1700 = tpu.memref_slice %arg17[%add3A_11, %dma_wait3A] : memref<10240x64xf32, #tpu.memory_space<vmem_shared>> -> memref<80x64xf32, #tpu.memory_space<vmem_shared>>
      %dma_wait3A_1701 = arith.constant 0 : i32
      %dma_wait3A_1702 = tpu.memref_slice %arg17[%add3A_11, %dma_wait3A_1701] : memref<10240x64xf32, #tpu.memory_space<vmem_shared>> -> memref<80x64xf32, #tpu.memory_space<vmem_shared>>
      tpu.wait_dma2 semaphore(%run_scoped3A : memref<!tpu.dma_semaphore, #tpu.memory_space<semaphore_mem>>) src(%arg13 : memref<80x64xf32, #tpu.memory_space<vmem>>) dst(%dma_wait3A_1702 : memref<80x64xf32, #tpu.memory_space<vmem_shared>>)
      tpu.yield
    }) : () -> ()
    %add3A_12 = arith.constant 80 : i32
    %add3A_13 = arith.addi %mul3A_9, %add3A_12 : i32
    "tpu.region"() ({
      %run_scoped3A = tpu.sem_alloc : memref<!tpu.dma_semaphore, #tpu.memory_space<semaphore_mem>>
      %dma_start3A = arith.constant 0 : i32
      %dma_start3A_1697 = tpu.memref_slice %arg17[%add3A_13, %dma_start3A] : memref<10240x64xf32, #tpu.memory_space<vmem_shared>> -> memref<80x64xf32, #tpu.memory_space<vmem_shared>>
      %dma_start3A_1698 = arith.constant 0 : i32
      %dma_start3A_1699 = tpu.memref_slice %arg17[%add3A_13, %dma_start3A_1698] : memref<10240x64xf32, #tpu.memory_space<vmem_shared>> -> memref<80x64xf32, #tpu.memory_space<vmem_shared>>
      tpu.enqueue_dma source(%arg13 : memref<80x64xf32, #tpu.memory_space<vmem>>) target(%dma_start3A_1699 : memref<80x64xf32, #tpu.memory_space<vmem_shared>>) target_semaphore(%run_scoped3A : memref<!tpu.dma_semaphore, #tpu.memory_space<semaphore_mem>>)
      %dma_wait3A = arith.constant 0 : i32
      %dma_wait3A_1700 = tpu.memref_slice %arg17[%add3A_13, %dma_wait3A] : memref<10240x64xf32, #tpu.memory_space<vmem_shared>> -> memref<80x64xf32, #tpu.memory_space<vmem_shared>>
      %dma_wait3A_1701 = arith.constant 0 : i32
      %dma_wait3A_1702 = tpu.memref_slice %arg17[%add3A_13, %dma_wait3A_1701] : memref<10240x64xf32, #tpu.memory_space<vmem_shared>> -> memref<80x64xf32, #tpu.memory_space<vmem_shared>>
      tpu.wait_dma2 semaphore(%run_scoped3A : memref<!tpu.dma_semaphore, #tpu.memory_space<semaphore_mem>>) src(%arg13 : memref<80x64xf32, #tpu.memory_space<vmem>>) dst(%dma_wait3A_1702 : memref<80x64xf32, #tpu.memory_space<vmem_shared>>)
      tpu.yield
    }) : () -> ()
    %add3A_14 = arith.constant 160 : i32
    %add3A_15 = arith.addi %mul3A_9, %add3A_14 : i32
    "tpu.region"() ({
      %run_scoped3A = tpu.sem_alloc : memref<!tpu.dma_semaphore, #tpu.memory_space<semaphore_mem>>
      %dma_start3A = arith.constant 0 : i32
      %dma_start3A_1697 = tpu.memref_slice %arg17[%add3A_15, %dma_start3A] : memref<10240x64xf32, #tpu.memory_space<vmem_shared>> -> memref<80x64xf32, #tpu.memory_space<vmem_shared>>
      %dma_start3A_1698 = arith.constant 0 : i32
      %dma_start3A_1699 = tpu.memref_slice %arg17[%add3A_15, %dma_start3A_1698] : memref<10240x64xf32, #tpu.memory_space<vmem_shared>> -> memref<80x64xf32, #tpu.memory_space<vmem_shared>>
      tpu.enqueue_dma source(%arg13 : memref<80x64xf32, #tpu.memory_space<vmem>>) target(%dma_start3A_1699 : memref<80x64xf32, #tpu.memory_space<vmem_shared>>) target_semaphore(%run_scoped3A : memref<!tpu.dma_semaphore, #tpu.memory_space<semaphore_mem>>)
      %dma_wait3A = arith.constant 0 : i32
      %dma_wait3A_1700 = tpu.memref_slice %arg17[%add3A_15, %dma_wait3A] : memref<10240x64xf32, #tpu.memory_space<vmem_shared>> -> memref<80x64xf32, #tpu.memory_space<vmem_shared>>
      %dma_wait3A_1701 = arith.constant 0 : i32
      %dma_wait3A_1702 = tpu.memref_slice %arg17[%add3A_15, %dma_wait3A_1701] : memref<10240x64xf32, #tpu.memory_space<vmem_shared>> -> memref<80x64xf32, #tpu.memory_space<vmem_shared>>
      tpu.wait_dma2 semaphore(%run_scoped3A : memref<!tpu.dma_semaphore, #tpu.memory_space<semaphore_mem>>) src(%arg13 : memref<80x64xf32, #tpu.memory_space<vmem>>) dst(%dma_wait3A_1702 : memref<80x64xf32, #tpu.memory_space<vmem_shared>>)
      tpu.yield
    }) : () -> ()
    %add3A_16 = arith.constant 240 : i32
    %add3A_17 = arith.addi %mul3A_9, %add3A_16 : i32
    "tpu.region"() ({
      %run_scoped3A = tpu.sem_alloc : memref<!tpu.dma_semaphore, #tpu.memory_space<semaphore_mem>>
      %dma_start3A = arith.constant 0 : i32
      %dma_start3A_1697 = tpu.memref_slice %arg17[%add3A_17, %dma_start3A] : memref<10240x64xf32, #tpu.memory_space<vmem_shared>> -> memref<80x64xf32, #tpu.memory_space<vmem_shared>>
      %dma_start3A_1698 = arith.constant 0 : i32
      %dma_start3A_1699 = tpu.memref_slice %arg17[%add3A_17, %dma_start3A_1698] : memref<10240x64xf32, #tpu.memory_space<vmem_shared>> -> memref<80x64xf32, #tpu.memory_space<vmem_shared>>
      tpu.enqueue_dma source(%arg13 : memref<80x64xf32, #tpu.memory_space<vmem>>) target(%dma_start3A_1699 : memref<80x64xf32, #tpu.memory_space<vmem_shared>>) target_semaphore(%run_scoped3A : memref<!tpu.dma_semaphore, #tpu.memory_space<semaphore_mem>>)
      %dma_wait3A = arith.constant 0 : i32
      %dma_wait3A_1700 = tpu.memref_slice %arg17[%add3A_17, %dma_wait3A] : memref<10240x64xf32, #tpu.memory_space<vmem_shared>> -> memref<80x64xf32, #tpu.memory_space<vmem_shared>>
      %dma_wait3A_1701 = arith.constant 0 : i32
      %dma_wait3A_1702 = tpu.memref_slice %arg17[%add3A_17, %dma_wait3A_1701] : memref<10240x64xf32, #tpu.memory_space<vmem_shared>> -> memref<80x64xf32, #tpu.memory_space<vmem_shared>>
      tpu.wait_dma2 semaphore(%run_scoped3A : memref<!tpu.dma_semaphore, #tpu.memory_space<semaphore_mem>>) src(%arg13 : memref<80x64xf32, #tpu.memory_space<vmem>>) dst(%dma_wait3A_1702 : memref<80x64xf32, #tpu.memory_space<vmem_shared>>)
      tpu.yield
    }) : () -> ()
    %add3A_18 = arith.constant 320 : i32
    %add3A_19 = arith.addi %mul3A_9, %add3A_18 : i32
    "tpu.region"() ({
      %run_scoped3A = tpu.sem_alloc : memref<!tpu.dma_semaphore, #tpu.memory_space<semaphore_mem>>
      %dma_start3A = arith.constant 0 : i32
      %dma_start3A_1697 = tpu.memref_slice %arg17[%add3A_19, %dma_start3A] : memref<10240x64xf32, #tpu.memory_space<vmem_shared>> -> memref<80x64xf32, #tpu.memory_space<vmem_shared>>
      %dma_start3A_1698 = arith.constant 0 : i32
      %dma_start3A_1699 = tpu.memref_slice %arg17[%add3A_19, %dma_start3A_1698] : memref<10240x64xf32, #tpu.memory_space<vmem_shared>> -> memref<80x64xf32, #tpu.memory_space<vmem_shared>>
      tpu.enqueue_dma source(%arg13 : memref<80x64xf32, #tpu.memory_space<vmem>>) target(%dma_start3A_1699 : memref<80x64xf32, #tpu.memory_space<vmem_shared>>) target_semaphore(%run_scoped3A : memref<!tpu.dma_semaphore, #tpu.memory_space<semaphore_mem>>)
      %dma_wait3A = arith.constant 0 : i32
      %dma_wait3A_1700 = tpu.memref_slice %arg17[%add3A_19, %dma_wait3A] : memref<10240x64xf32, #tpu.memory_space<vmem_shared>> -> memref<80x64xf32, #tpu.memory_space<vmem_shared>>
      %dma_wait3A_1701 = arith.constant 0 : i32
      %dma_wait3A_1702 = tpu.memref_slice %arg17[%add3A_19, %dma_wait3A_1701] : memref<10240x64xf32, #tpu.memory_space<vmem_shared>> -> memref<80x64xf32, #tpu.memory_space<vmem_shared>>
      tpu.wait_dma2 semaphore(%run_scoped3A : memref<!tpu.dma_semaphore, #tpu.memory_space<semaphore_mem>>) src(%arg13 : memref<80x64xf32, #tpu.memory_space<vmem>>) dst(%dma_wait3A_1702 : memref<80x64xf32, #tpu.memory_space<vmem_shared>>)
      tpu.yield
    }) : () -> ()
    %add3A_20 = arith.constant 400 : i32
    %add3A_21 = arith.addi %mul3A_9, %add3A_20 : i32
    "tpu.region"() ({
      %run_scoped3A = tpu.sem_alloc : memref<!tpu.dma_semaphore, #tpu.memory_space<semaphore_mem>>
      %dma_start3A = arith.constant 0 : i32
      %dma_start3A_1697 = tpu.memref_slice %arg17[%add3A_21, %dma_start3A] : memref<10240x64xf32, #tpu.memory_space<vmem_shared>> -> memref<80x64xf32, #tpu.memory_space<vmem_shared>>
      %dma_start3A_1698 = arith.constant 0 : i32
      %dma_start3A_1699 = tpu.memref_slice %arg17[%add3A_21, %dma_start3A_1698] : memref<10240x64xf32, #tpu.memory_space<vmem_shared>> -> memref<80x64xf32, #tpu.memory_space<vmem_shared>>
      tpu.enqueue_dma source(%arg13 : memref<80x64xf32, #tpu.memory_space<vmem>>) target(%dma_start3A_1699 : memref<80x64xf32, #tpu.memory_space<vmem_shared>>) target_semaphore(%run_scoped3A : memref<!tpu.dma_semaphore, #tpu.memory_space<semaphore_mem>>)
      %dma_wait3A = arith.constant 0 : i32
      %dma_wait3A_1700 = tpu.memref_slice %arg17[%add3A_21, %dma_wait3A] : memref<10240x64xf32, #tpu.memory_space<vmem_shared>> -> memref<80x64xf32, #tpu.memory_space<vmem_shared>>
      %dma_wait3A_1701 = arith.constant 0 : i32
      %dma_wait3A_1702 = tpu.memref_slice %arg17[%add3A_21, %dma_wait3A_1701] : memref<10240x64xf32, #tpu.memory_space<vmem_shared>> -> memref<80x64xf32, #tpu.memory_space<vmem_shared>>
      tpu.wait_dma2 semaphore(%run_scoped3A : memref<!tpu.dma_semaphore, #tpu.memory_space<semaphore_mem>>) src(%arg13 : memref<80x64xf32, #tpu.memory_space<vmem>>) dst(%dma_wait3A_1702 : memref<80x64xf32, #tpu.memory_space<vmem_shared>>)
      tpu.yield
    }) : () -> ()
    %add3A_22 = arith.constant 480 : i32
    %add3A_23 = arith.addi %mul3A_9, %add3A_22 : i32
    "tpu.region"() ({
      %run_scoped3A = tpu.sem_alloc : memref<!tpu.dma_semaphore, #tpu.memory_space<semaphore_mem>>
      %dma_start3A = arith.constant 0 : i32
      %dma_start3A_1697 = tpu.memref_slice %arg17[%add3A_23, %dma_start3A] : memref<10240x64xf32, #tpu.memory_space<vmem_shared>> -> memref<80x64xf32, #tpu.memory_space<vmem_shared>>
      %dma_start3A_1698 = arith.constant 0 : i32
      %dma_start3A_1699 = tpu.memref_slice %arg17[%add3A_23, %dma_start3A_1698] : memref<10240x64xf32, #tpu.memory_space<vmem_shared>> -> memref<80x64xf32, #tpu.memory_space<vmem_shared>>
      tpu.enqueue_dma source(%arg13 : memref<80x64xf32, #tpu.memory_space<vmem>>) target(%dma_start3A_1699 : memref<80x64xf32, #tpu.memory_space<vmem_shared>>) target_semaphore(%run_scoped3A : memref<!tpu.dma_semaphore, #tpu.memory_space<semaphore_mem>>)
      %dma_wait3A = arith.constant 0 : i32
      %dma_wait3A_1700 = tpu.memref_slice %arg17[%add3A_23, %dma_wait3A] : memref<10240x64xf32, #tpu.memory_space<vmem_shared>> -> memref<80x64xf32, #tpu.memory_space<vmem_shared>>
      %dma_wait3A_1701 = arith.constant 0 : i32
      %dma_wait3A_1702 = tpu.memref_slice %arg17[%add3A_23, %dma_wait3A_1701] : memref<10240x64xf32, #tpu.memory_space<vmem_shared>> -> memref<80x64xf32, #tpu.memory_space<vmem_shared>>
      tpu.wait_dma2 semaphore(%run_scoped3A : memref<!tpu.dma_semaphore, #tpu.memory_space<semaphore_mem>>) src(%arg13 : memref<80x64xf32, #tpu.memory_space<vmem>>) dst(%dma_wait3A_1702 : memref<80x64xf32, #tpu.memory_space<vmem_shared>>)
      tpu.yield
    }) : () -> ()
    %add3A_24 = arith.constant 560 : i32
    %add3A_25 = arith.addi %mul3A_9, %add3A_24 : i32
    "tpu.region"() ({
      %run_scoped3A = tpu.sem_alloc : memref<!tpu.dma_semaphore, #tpu.memory_space<semaphore_mem>>
      %dma_start3A = arith.constant 0 : i32
      %dma_start3A_1697 = tpu.memref_slice %arg17[%add3A_25, %dma_start3A] : memref<10240x64xf32, #tpu.memory_space<vmem_shared>> -> memref<80x64xf32, #tpu.memory_space<vmem_shared>>
      %dma_start3A_1698 = arith.constant 0 : i32
      %dma_start3A_1699 = tpu.memref_slice %arg17[%add3A_25, %dma_start3A_1698] : memref<10240x64xf32, #tpu.memory_space<vmem_shared>> -> memref<80x64xf32, #tpu.memory_space<vmem_shared>>
      tpu.enqueue_dma source(%arg13 : memref<80x64xf32, #tpu.memory_space<vmem>>) target(%dma_start3A_1699 : memref<80x64xf32, #tpu.memory_space<vmem_shared>>) target_semaphore(%run_scoped3A : memref<!tpu.dma_semaphore, #tpu.memory_space<semaphore_mem>>)
      %dma_wait3A = arith.constant 0 : i32
      %dma_wait3A_1700 = tpu.memref_slice %arg17[%add3A_25, %dma_wait3A] : memref<10240x64xf32, #tpu.memory_space<vmem_shared>> -> memref<80x64xf32, #tpu.memory_space<vmem_shared>>
      %dma_wait3A_1701 = arith.constant 0 : i32
      %dma_wait3A_1702 = tpu.memref_slice %arg17[%add3A_25, %dma_wait3A_1701] : memref<10240x64xf32, #tpu.memory_space<vmem_shared>> -> memref<80x64xf32, #tpu.memory_space<vmem_shared>>
      tpu.wait_dma2 semaphore(%run_scoped3A : memref<!tpu.dma_semaphore, #tpu.memory_space<semaphore_mem>>) src(%arg13 : memref<80x64xf32, #tpu.memory_space<vmem>>) dst(%dma_wait3A_1702 : memref<80x64xf32, #tpu.memory_space<vmem_shared>>)
      tpu.yield
    }) : () -> ()
    %barrier3A = arith.constant 0 : index
    tpu.barrier barrier_id(%barrier3A)
    %get3A = arith.constant 0 : i32
    %get3A_26 = arith.index_cast %get3A : i32 to index
    %get3A_27 = arith.constant 0 : index
    %get3A_28 = tpu.vector_load %arg14[%get3A_26, %get3A_27] {strides = array<i32>} : memref<3x16xf32, #tpu.memory_space<vmem>>, vector<16xf32>,
    %get3A_29 = arith.constant 1 : i32
    %get3A_30 = arith.index_cast %get3A_29 : i32 to index
    %get3A_31 = arith.constant 0 : index
    %get3A_32 = tpu.vector_load %arg14[%get3A_30, %get3A_31] {strides = array<i32>} : memref<3x16xf32, #tpu.memory_space<vmem>>, vector<16xf32>,
    %get3A_33 = arith.constant 2 : i32
    %get3A_34 = arith.index_cast %get3A_33 : i32 to index
    %get3A_35 = arith.constant 0 : index
    %get3A_36 = tpu.vector_load %arg14[%get3A_34, %get3A_35] {strides = array<i32>} : memref<3x16xf32, #tpu.memory_space<vmem>>, vector<16xf32>,
    %get3A_37 = arith.constant 0 : i32
    %get3A_38 = arith.index_cast %get3A_37 : i32 to index
    %get3A_39 = arith.constant 0 : index
    %get3A_40 = tpu.vector_load %arg15[%get3A_38, %get3A_39] {strides = array<i32>} : memref<3x16xf32, #tpu.memory_space<vmem>>, vector<16xf32>,
    %get3A_41 = arith.constant 1 : i32
    %get3A_42 = arith.index_cast %get3A_41 : i32 to index
    %get3A_43 = arith.constant 0 : index
    %get3A_44 = tpu.vector_load %arg15[%get3A_42, %get3A_43] {strides = array<i32>} : memref<3x16xf32, #tpu.memory_space<vmem>>, vector<16xf32>,
    %get3A_45 = arith.constant 2 : i32
    %get3A_46 = arith.index_cast %get3A_45 : i32 to index
    %get3A_47 = arith.constant 0 : index
    %get3A_48 = tpu.vector_load %arg15[%get3A_46, %get3A_47] {strides = array<i32>} : memref<3x16xf32, #tpu.memory_space<vmem>>, vector<16xf32>,
    %slice3A = vector.extract_strided_slice %get3A_28 {offsets = [0], sizes = [1], strides = [1]} : vector<16xf32> to vector<1xf32>
    %squeeze3A = vector.extract %slice3A[0] : f32 from vector<1xf32>
    %broadcast_in_dim3A_49 = vector.broadcast %squeeze3A : f32 to vector<16xf32>
    %slice3A_50 = vector.extract_strided_slice %get3A_32 {offsets = [0], sizes = [1], strides = [1]} : vector<16xf32> to vector<1xf32>
    %squeeze3A_51 = vector.extract %slice3A_50[0] : f32 from vector<1xf32>
    %broadcast_in_dim3A_52 = vector.broadcast %squeeze3A_51 : f32 to vector<16xf32>
    %slice3A_53 = vector.extract_strided_slice %get3A_36 {offsets = [0], sizes = [1], strides = [1]} : vector<16xf32> to vector<1xf32>
    %squeeze3A_54 = vector.extract %slice3A_53[0] : f32 from vector<1xf32>
    %broadcast_in_dim3A_55 = vector.broadcast %squeeze3A_54 : f32 to vector<16xf32>
    %slice3A_56 = vector.extract_strided_slice %get3A_28 {offsets = [1], sizes = [1], strides = [1]} : vector<16xf32> to vector<1xf32>
    %squeeze3A_57 = vector.extract %slice3A_56[0] : f32 from vector<1xf32>
    %broadcast_in_dim3A_58 = vector.broadcast %squeeze3A_57 : f32 to vector<16xf32>
    %slice3A_59 = vector.extract_strided_slice %get3A_32 {offsets = [1], sizes = [1], strides = [1]} : vector<16xf32> to vector<1xf32>
    %squeeze3A_60 = vector.extract %slice3A_59[0] : f32 from vector<1xf32>
    %broadcast_in_dim3A_61 = vector.broadcast %squeeze3A_60 : f32 to vector<16xf32>
    %slice3A_62 = vector.extract_strided_slice %get3A_36 {offsets = [1], sizes = [1], strides = [1]} : vector<16xf32> to vector<1xf32>
    %squeeze3A_63 = vector.extract %slice3A_62[0] : f32 from vector<1xf32>
    %broadcast_in_dim3A_64 = vector.broadcast %squeeze3A_63 : f32 to vector<16xf32>
    %slice3A_65 = vector.extract_strided_slice %get3A_28 {offsets = [2], sizes = [1], strides = [1]} : vector<16xf32> to vector<1xf32>
    %squeeze3A_66 = vector.extract %slice3A_65[0] : f32 from vector<1xf32>
    %broadcast_in_dim3A_67 = vector.broadcast %squeeze3A_66 : f32 to vector<16xf32>
    %slice3A_68 = vector.extract_strided_slice %get3A_32 {offsets = [2], sizes = [1], strides = [1]} : vector<16xf32> to vector<1xf32>
    %squeeze3A_69 = vector.extract %slice3A_68[0] : f32 from vector<1xf32>
    %broadcast_in_dim3A_70 = vector.broadcast %squeeze3A_69 : f32 to vector<16xf32>
    %slice3A_71 = vector.extract_strided_slice %get3A_36 {offsets = [2], sizes = [1], strides = [1]} : vector<16xf32> to vector<1xf32>
    %squeeze3A_72 = vector.extract %slice3A_71[0] : f32 from vector<1xf32>
    %broadcast_in_dim3A_73 = vector.broadcast %squeeze3A_72 : f32 to vector<16xf32>
    %slice3A_74 = vector.extract_strided_slice %get3A_28 {offsets = [3], sizes = [1], strides = [1]} : vector<16xf32> to vector<1xf32>
    %squeeze3A_75 = vector.extract %slice3A_74[0] : f32 from vector<1xf32>
    %broadcast_in_dim3A_76 = vector.broadcast %squeeze3A_75 : f32 to vector<16xf32>
    %slice3A_77 = vector.extract_strided_slice %get3A_32 {offsets = [3], sizes = [1], strides = [1]} : vector<16xf32> to vector<1xf32>
    %squeeze3A_78 = vector.extract %slice3A_77[0] : f32 from vector<1xf32>
    %broadcast_in_dim3A_79 = vector.broadcast %squeeze3A_78 : f32 to vector<16xf32>
    %slice3A_80 = vector.extract_strided_slice %get3A_36 {offsets = [3], sizes = [1], strides = [1]} : vector<16xf32> to vector<1xf32>
    %squeeze3A_81 = vector.extract %slice3A_80[0] : f32 from vector<1xf32>
    %broadcast_in_dim3A_82 = vector.broadcast %squeeze3A_81 : f32 to vector<16xf32>
    %slice3A_83 = vector.extract_strided_slice %get3A_28 {offsets = [4], sizes = [1], strides = [1]} : vector<16xf32> to vector<1xf32>
    %squeeze3A_84 = vector.extract %slice3A_83[0] : f32 from vector<1xf32>
    %broadcast_in_dim3A_85 = vector.broadcast %squeeze3A_84 : f32 to vector<16xf32>
    %slice3A_86 = vector.extract_strided_slice %get3A_32 {offsets = [4], sizes = [1], strides = [1]} : vector<16xf32> to vector<1xf32>
    %squeeze3A_87 = vector.extract %slice3A_86[0] : f32 from vector<1xf32>
    %broadcast_in_dim3A_88 = vector.broadcast %squeeze3A_87 : f32 to vector<16xf32>
    %slice3A_89 = vector.extract_strided_slice %get3A_36 {offsets = [4], sizes = [1], strides = [1]} : vector<16xf32> to vector<1xf32>
    %squeeze3A_90 = vector.extract %slice3A_89[0] : f32 from vector<1xf32>
    %broadcast_in_dim3A_91 = vector.broadcast %squeeze3A_90 : f32 to vector<16xf32>
    %slice3A_92 = vector.extract_strided_slice %get3A_40 {offsets = [0], sizes = [1], strides = [1]} : vector<16xf32> to vector<1xf32>
    %squeeze3A_93 = vector.extract %slice3A_92[0] : f32 from vector<1xf32>
    %broadcast_in_dim3A_94 = vector.broadcast %squeeze3A_93 : f32 to vector<16xf32>
    %slice3A_95 = vector.extract_strided_slice %get3A_44 {offsets = [0], sizes = [1], strides = [1]} : vector<16xf32> to vector<1xf32>
    %squeeze3A_96 = vector.extract %slice3A_95[0] : f32 from vector<1xf32>
    %broadcast_in_dim3A_97 = vector.broadcast %squeeze3A_96 : f32 to vector<16xf32>
    %slice3A_98 = vector.extract_strided_slice %get3A_48 {offsets = [0], sizes = [1], strides = [1]} : vector<16xf32> to vector<1xf32>
    %squeeze3A_99 = vector.extract %slice3A_98[0] : f32 from vector<1xf32>
    %broadcast_in_dim3A_100 = vector.broadcast %squeeze3A_99 : f32 to vector<16xf32>
    %slice3A_101 = vector.extract_strided_slice %get3A_40 {offsets = [1], sizes = [1], strides = [1]} : vector<16xf32> to vector<1xf32>
    %squeeze3A_102 = vector.extract %slice3A_101[0] : f32 from vector<1xf32>
    %broadcast_in_dim3A_103 = vector.broadcast %squeeze3A_102 : f32 to vector<16xf32>
    %slice3A_104 = vector.extract_strided_slice %get3A_44 {offsets = [1], sizes = [1], strides = [1]} : vector<16xf32> to vector<1xf32>
    %squeeze3A_105 = vector.extract %slice3A_104[0] : f32 from vector<1xf32>
    %broadcast_in_dim3A_106 = vector.broadcast %squeeze3A_105 : f32 to vector<16xf32>
    %slice3A_107 = vector.extract_strided_slice %get3A_48 {offsets = [1], sizes = [1], strides = [1]} : vector<16xf32> to vector<1xf32>
    %squeeze3A_108 = vector.extract %slice3A_107[0] : f32 from vector<1xf32>
    %broadcast_in_dim3A_109 = vector.broadcast %squeeze3A_108 : f32 to vector<16xf32>
    %slice3A_110 = vector.extract_strided_slice %get3A_40 {offsets = [2], sizes = [1], strides = [1]} : vector<16xf32> to vector<1xf32>
    %squeeze3A_111 = vector.extract %slice3A_110[0] : f32 from vector<1xf32>
    %broadcast_in_dim3A_112 = vector.broadcast %squeeze3A_111 : f32 to vector<16xf32>
    %slice3A_113 = vector.extract_strided_slice %get3A_44 {offsets = [2], sizes = [1], strides = [1]} : vector<16xf32> to vector<1xf32>
    %squeeze3A_114 = vector.extract %slice3A_113[0] : f32 from vector<1xf32>
    %broadcast_in_dim3A_115 = vector.broadcast %squeeze3A_114 : f32 to vector<16xf32>
    %slice3A_116 = vector.extract_strided_slice %get3A_48 {offsets = [2], sizes = [1], strides = [1]} : vector<16xf32> to vector<1xf32>
    %squeeze3A_117 = vector.extract %slice3A_116[0] : f32 from vector<1xf32>
    %broadcast_in_dim3A_118 = vector.broadcast %squeeze3A_117 : f32 to vector<16xf32>
    %slice3A_119 = vector.extract_strided_slice %get3A_40 {offsets = [3], sizes = [1], strides = [1]} : vector<16xf32> to vector<1xf32>
    %squeeze3A_120 = vector.extract %slice3A_119[0] : f32 from vector<1xf32>
    %broadcast_in_dim3A_121 = vector.broadcast %squeeze3A_120 : f32 to vector<16xf32>
    %slice3A_122 = vector.extract_strided_slice %get3A_44 {offsets = [3], sizes = [1], strides = [1]} : vector<16xf32> to vector<1xf32>
    %squeeze3A_123 = vector.extract %slice3A_122[0] : f32 from vector<1xf32>
    %broadcast_in_dim3A_124 = vector.broadcast %squeeze3A_123 : f32 to vector<16xf32>
    %slice3A_125 = vector.extract_strided_slice %get3A_48 {offsets = [3], sizes = [1], strides = [1]} : vector<16xf32> to vector<1xf32>
    %squeeze3A_126 = vector.extract %slice3A_125[0] : f32 from vector<1xf32>
    %broadcast_in_dim3A_127 = vector.broadcast %squeeze3A_126 : f32 to vector<16xf32>
    %slice3A_128 = vector.extract_strided_slice %get3A_40 {offsets = [4], sizes = [1], strides = [1]} : vector<16xf32> to vector<1xf32>
    %squeeze3A_129 = vector.extract %slice3A_128[0] : f32 from vector<1xf32>
    %broadcast_in_dim3A_130 = vector.broadcast %squeeze3A_129 : f32 to vector<16xf32>
    %slice3A_131 = vector.extract_strided_slice %get3A_44 {offsets = [4], sizes = [1], strides = [1]} : vector<16xf32> to vector<1xf32>
    %squeeze3A_132 = vector.extract %slice3A_131[0] : f32 from vector<1xf32>
    %broadcast_in_dim3A_133 = vector.broadcast %squeeze3A_132 : f32 to vector<16xf32>
    %slice3A_134 = vector.extract_strided_slice %get3A_48 {offsets = [4], sizes = [1], strides = [1]} : vector<16xf32> to vector<1xf32>
    %squeeze3A_135 = vector.extract %slice3A_134[0] : f32 from vector<1xf32>
    %broadcast_in_dim3A_136 = vector.broadcast %squeeze3A_135 : f32 to vector<16xf32>
    %broadcast_in_dim3A_137 = arith.constant 0 : i32
    %broadcast_in_dim3A_138 = vector.broadcast %broadcast_in_dim3A_137 : i32 to vector<16xi32>
    %broadcast_in_dim3A_139 = arith.constant 1 : i32
    %broadcast_in_dim3A_140 = vector.broadcast %broadcast_in_dim3A_139 : i32 to vector<16xi32>
    %broadcast_in_dim3A_141 = arith.constant 2 : i32
    %broadcast_in_dim3A_142 = vector.broadcast %broadcast_in_dim3A_141 : i32 to vector<16xi32>
    %broadcast_in_dim3A_143 = arith.constant 3 : i32
    %broadcast_in_dim3A_144 = vector.broadcast %broadcast_in_dim3A_143 : i32 to vector<16xi32>
    %broadcast_in_dim3A_145 = arith.constant 4 : i32
    %broadcast_in_dim3A_146 = vector.broadcast %broadcast_in_dim3A_145 : i32 to vector<16xi32>
    %iota3A = tpu.iota {dimensions = array<i32: 0>} : vector<16xi32>
    %mul3A_147 = arith.constant 3 : i32
    %mul3A_148 = vector.broadcast %mul3A_147 : i32 to vector<16xi32>
    %mul3A_149 = arith.muli %iota3A, %mul3A_148 : vector<16xi32>
    %scan3A_150 = arith.constant 0 : i32
    %scan3A_151 = arith.constant 0 : i32
    %mul3A_152 = arith.constant 2 : i32
    %mul3A_153 = arith.muli %scan3A_151, %mul3A_152 : i32
    %add3A_154 = arith.constant 1 : i32
    %add3A_155 = arith.addi %mul3A_153, %add3A_154 : i32
    %scan3A_156 = arith.constant 0 : i32
    %scan3A_157 = arith.constant 0 : i32
    %mul3A_158 = arith.constant 16 : i32
    %mul3A_159 = arith.muli %scan3A_157, %mul3A_158 : i32
    %broadcast_in_dim3A_160 = arith.constant 0 : i32
    %broadcast_in_dim3A_161 = vector.broadcast %broadcast_in_dim3A_160 : i32 to vector<16xi32>
    %mul3A_162 = arith.constant 3 : i32
    %mul3A_163 = arith.muli %mul3A_159, %mul3A_162 : i32
    %add3A_164 = arith.constant 0 : i32
    %add3A_165 = arith.addi %mul3A_163, %add3A_164 : i32
    %add3A_166 = vector.broadcast %add3A_165 : i32 to vector<16xi32>
    %add3A_167 = arith.addi %mul3A_149, %add3A_166 : vector<16xi32>
    %gather3A = tpu.vector_load_idx %arg11[%broadcast_in_dim3A_161, %add3A_167] : memref<2x240xf32, #tpu.memory_space<vmem>>[vector<16xi32>, vector<16xi32>], vector<16xf32>,
    %broadcast_in_dim3A_168 = arith.constant 0 : i32
    %broadcast_in_dim3A_169 = vector.broadcast %broadcast_in_dim3A_168 : i32 to vector<16xi32>
    %mul3A_170 = arith.constant 3 : i32
    %mul3A_171 = arith.muli %mul3A_159, %mul3A_170 : i32
    %add3A_172 = arith.constant 1 : i32
    %add3A_173 = arith.addi %mul3A_171, %add3A_172 : i32
    %add3A_174 = vector.broadcast %add3A_173 : i32 to vector<16xi32>
    %add3A_175 = arith.addi %mul3A_149, %add3A_174 : vector<16xi32>
    %gather3A_176 = tpu.vector_load_idx %arg11[%broadcast_in_dim3A_169, %add3A_175] : memref<2x240xf32, #tpu.memory_space<vmem>>[vector<16xi32>, vector<16xi32>], vector<16xf32>,
    %broadcast_in_dim3A_177 = arith.constant 0 : i32
    %broadcast_in_dim3A_178 = vector.broadcast %broadcast_in_dim3A_177 : i32 to vector<16xi32>
    %mul3A_179 = arith.constant 3 : i32
    %mul3A_180 = arith.muli %mul3A_159, %mul3A_179 : i32
    %add3A_181 = arith.constant 2 : i32
    %add3A_182 = arith.addi %mul3A_180, %add3A_181 : i32
    %add3A_183 = vector.broadcast %add3A_182 : i32 to vector<16xi32>
    %add3A_184 = arith.addi %mul3A_149, %add3A_183 : vector<16xi32>
    %gather3A_185 = tpu.vector_load_idx %arg11[%broadcast_in_dim3A_178, %add3A_184] : memref<2x240xf32, #tpu.memory_space<vmem>>[vector<16xi32>, vector<16xi32>], vector<16xf32>,
    %sub3A = arith.subf %gather3A, %broadcast_in_dim3A_49 : vector<16xf32>
    %mul3A_186 = arith.mulf %sub3A, %sub3A : vector<16xf32>
    %mul3A_187 = arith.mulf %mul3A_186, %broadcast_in_dim3A_94 : vector<16xf32>
    %sub3A_188 = arith.subf %gather3A_176, %broadcast_in_dim3A_52 : vector<16xf32>
    %mul3A_189 = arith.mulf %sub3A_188, %sub3A_188 : vector<16xf32>
    %mul3A_190 = arith.mulf %mul3A_189, %broadcast_in_dim3A_97 : vector<16xf32>
    %add3A_191 = arith.addf %mul3A_187, %mul3A_190 : vector<16xf32>
    %sub3A_192 = arith.subf %gather3A_185, %broadcast_in_dim3A_55 : vector<16xf32>
    %mul3A_193 = arith.mulf %sub3A_192, %sub3A_192 : vector<16xf32>
    %mul3A_194 = arith.mulf %mul3A_193, %broadcast_in_dim3A_100 : vector<16xf32>
    %add3A_195 = arith.addf %add3A_191, %mul3A_194 : vector<16xf32>
    %exp3A = math.exp %add3A_195 : vector<16xf32>
    %swap3A = arith.constant 0 : i32
    %swap3A_196 = arith.index_cast %swap3A : i32 to index
    %swap3A_197 = arith.index_cast %mul3A_159 : i32 to index
    %swap3A_198 = tpu.vector_load %arg16[%swap3A_196, %swap3A_197] {strides = array<i32>} : memref<5x80xf32, #tpu.memory_space<vmem>>, vector<16xf32>,
    tpu.vector_store %arg16[%swap3A_196, %swap3A_197], %exp3A {strides = array<i32>} : memref<5x80xf32, #tpu.memory_space<vmem>>, vector<16xf32>,
    %sub3A_199 = arith.subf %gather3A, %broadcast_in_dim3A_58 : vector<16xf32>
    %mul3A_200 = arith.mulf %sub3A_199, %sub3A_199 : vector<16xf32>
    %mul3A_201 = arith.mulf %mul3A_200, %broadcast_in_dim3A_103 : vector<16xf32>
    %sub3A_202 = arith.subf %gather3A_176, %broadcast_in_dim3A_61 : vector<16xf32>
    %mul3A_203 = arith.mulf %sub3A_202, %sub3A_202 : vector<16xf32>
    %mul3A_204 = arith.mulf %mul3A_203, %broadcast_in_dim3A_106 : vector<16xf32>
    %add3A_205 = arith.addf %mul3A_201, %mul3A_204 : vector<16xf32>
    %sub3A_206 = arith.subf %gather3A_185, %broadcast_in_dim3A_64 : vector<16xf32>
    %mul3A_207 = arith.mulf %sub3A_206, %sub3A_206 : vector<16xf32>
    %mul3A_208 = arith.mulf %mul3A_207, %broadcast_in_dim3A_109 : vector<16xf32>
    %add3A_209 = arith.addf %add3A_205, %mul3A_208 : vector<16xf32>
    %exp3A_210 = math.exp %add3A_209 : vector<16xf32>
    %swap3A_211 = arith.constant 1 : i32
    %swap3A_212 = arith.index_cast %swap3A_211 : i32 to index
    %swap3A_213 = arith.index_cast %mul3A_159 : i32 to index
    %swap3A_214 = tpu.vector_load %arg16[%swap3A_212, %swap3A_213] {strides = array<i32>} : memref<5x80xf32, #tpu.memory_space<vmem>>, vector<16xf32>,
    tpu.vector_store %arg16[%swap3A_212, %swap3A_213], %exp3A_210 {strides = array<i32>} : memref<5x80xf32, #tpu.memory_space<vmem>>, vector<16xf32>,
    %sub3A_215 = arith.subf %gather3A, %broadcast_in_dim3A_67 : vector<16xf32>
    %mul3A_216 = arith.mulf %sub3A_215, %sub3A_215 : vector<16xf32>
    %mul3A_217 = arith.mulf %mul3A_216, %broadcast_in_dim3A_112 : vector<16xf32>
    %sub3A_218 = arith.subf %gather3A_176, %broadcast_in_dim3A_70 : vector<16xf32>
    %mul3A_219 = arith.mulf %sub3A_218, %sub3A_218 : vector<16xf32>
    %mul3A_220 = arith.mulf %mul3A_219, %broadcast_in_dim3A_115 : vector<16xf32>
    %add3A_221 = arith.addf %mul3A_217, %mul3A_220 : vector<16xf32>
    %sub3A_222 = arith.subf %gather3A_185, %broadcast_in_dim3A_73 : vector<16xf32>
    %mul3A_223 = arith.mulf %sub3A_222, %sub3A_222 : vector<16xf32>
    %mul3A_224 = arith.mulf %mul3A_223, %broadcast_in_dim3A_118 : vector<16xf32>
    %add3A_225 = arith.addf %add3A_221, %mul3A_224 : vector<16xf32>
    %exp3A_226 = math.exp %add3A_225 : vector<16xf32>
    %swap3A_227 = arith.constant 2 : i32
    %swap3A_228 = arith.index_cast %swap3A_227 : i32 to index
    %swap3A_229 = arith.index_cast %mul3A_159 : i32 to index
    %swap3A_230 = tpu.vector_load %arg16[%swap3A_228, %swap3A_229] {strides = array<i32>} : memref<5x80xf32, #tpu.memory_space<vmem>>, vector<16xf32>,
    tpu.vector_store %arg16[%swap3A_228, %swap3A_229], %exp3A_226 {strides = array<i32>} : memref<5x80xf32, #tpu.memory_space<vmem>>, vector<16xf32>,
    %sub3A_231 = arith.subf %gather3A, %broadcast_in_dim3A_76 : vector<16xf32>
    %mul3A_232 = arith.mulf %sub3A_231, %sub3A_231 : vector<16xf32>
    %mul3A_233 = arith.mulf %mul3A_232, %broadcast_in_dim3A_121 : vector<16xf32>
    %sub3A_234 = arith.subf %gather3A_176, %broadcast_in_dim3A_79 : vector<16xf32>
    %mul3A_235 = arith.mulf %sub3A_234, %sub3A_234 : vector<16xf32>
    %mul3A_236 = arith.mulf %mul3A_235, %broadcast_in_dim3A_124 : vector<16xf32>
    %add3A_237 = arith.addf %mul3A_233, %mul3A_236 : vector<16xf32>
    %sub3A_238 = arith.subf %gather3A_185, %broadcast_in_dim3A_82 : vector<16xf32>
    %mul3A_239 = arith.mulf %sub3A_238, %sub3A_238 : vector<16xf32>
    %mul3A_240 = arith.mulf %mul3A_239, %broadcast_in_dim3A_127 : vector<16xf32>
    %add3A_241 = arith.addf %add3A_237, %mul3A_240 : vector<16xf32>
    %exp3A_242 = math.exp %add3A_241 : vector<16xf32>
    %swap3A_243 = arith.constant 3 : i32
    %swap3A_244 = arith.index_cast %swap3A_243 : i32 to index
    %swap3A_245 = arith.index_cast %mul3A_159 : i32 to index
    %swap3A_246 = tpu.vector_load %arg16[%swap3A_244, %swap3A_245] {strides = array<i32>} : memref<5x80xf32, #tpu.memory_space<vmem>>, vector<16xf32>,
    tpu.vector_store %arg16[%swap3A_244, %swap3A_245], %exp3A_242 {strides = array<i32>} : memref<5x80xf32, #tpu.memory_space<vmem>>, vector<16xf32>,
    %sub3A_247 = arith.subf %gather3A, %broadcast_in_dim3A_85 : vector<16xf32>
    %mul3A_248 = arith.mulf %sub3A_247, %sub3A_247 : vector<16xf32>
    %mul3A_249 = arith.mulf %mul3A_248, %broadcast_in_dim3A_130 : vector<16xf32>
    %sub3A_250 = arith.subf %gather3A_176, %broadcast_in_dim3A_88 : vector<16xf32>
    %mul3A_251 = arith.mulf %sub3A_250, %sub3A_250 : vector<16xf32>
    %mul3A_252 = arith.mulf %mul3A_251, %broadcast_in_dim3A_133 : vector<16xf32>
    %add3A_253 = arith.addf %mul3A_249, %mul3A_252 : vector<16xf32>
    %sub3A_254 = arith.subf %gather3A_185, %broadcast_in_dim3A_91 : vector<16xf32>
    %mul3A_255 = arith.mulf %sub3A_254, %sub3A_254 : vector<16xf32>
    %mul3A_256 = arith.mulf %mul3A_255, %broadcast_in_dim3A_136 : vector<16xf32>
    %add3A_257 = arith.addf %add3A_253, %mul3A_256 : vector<16xf32>
    %exp3A_258 = math.exp %add3A_257 : vector<16xf32>
    %swap3A_259 = arith.constant 4 : i32
    %swap3A_260 = arith.index_cast %swap3A_259 : i32 to index
    %swap3A_261 = arith.index_cast %mul3A_159 : i32 to index
    %swap3A_262 = tpu.vector_load %arg16[%swap3A_260, %swap3A_261] {strides = array<i32>} : memref<5x80xf32, #tpu.memory_space<vmem>>, vector<16xf32>,
    tpu.vector_store %arg16[%swap3A_260, %swap3A_261], %exp3A_258 {strides = array<i32>} : memref<5x80xf32, #tpu.memory_space<vmem>>, vector<16xf32>,
    %scan3A_263 = arith.constant 0 : i32
    %scan3A_264 = arith.constant 1 : i32
    %scan3A_265 = arith.constant 0 : i32
    %scan3A_266 = arith.constant 0 : i32
    %mul3A_267 = arith.constant 2 : i32
    %mul3A_268 = arith.muli %scan3A_266, %mul3A_267 : i32
    %add3A_269 = arith.constant 0 : i32
    %add3A_270 = arith.addi %mul3A_268, %add3A_269 : i32
    %broadcast_in_dim3A_271 = vector.broadcast %add3A_270 : i32 to vector<16xi32>
    %gather3A_272 = tpu.vector_load_idx %arg16[%broadcast_in_dim3A_138, %broadcast_in_dim3A_271] : memref<5x80xf32, #tpu.memory_space<vmem>>[vector<16xi32>, vector<16xi32>], vector<16xf32>,
    %gather3A_273 = tpu.vector_load_idx %arg16[%broadcast_in_dim3A_140, %broadcast_in_dim3A_271] : memref<5x80xf32, #tpu.memory_space<vmem>>[vector<16xi32>, vector<16xi32>], vector<16xf32>,
    %gather3A_274 = tpu.vector_load_idx %arg16[%broadcast_in_dim3A_142, %broadcast_in_dim3A_271] : memref<5x80xf32, #tpu.memory_space<vmem>>[vector<16xi32>, vector<16xi32>], vector<16xf32>,
    %gather3A_275 = tpu.vector_load_idx %arg16[%broadcast_in_dim3A_144, %broadcast_in_dim3A_271] : memref<5x80xf32, #tpu.memory_space<vmem>>[vector<16xi32>, vector<16xi32>], vector<16xf32>,
    %gather3A_276 = tpu.vector_load_idx %arg16[%broadcast_in_dim3A_146, %broadcast_in_dim3A_271] : memref<5x80xf32, #tpu.memory_space<vmem>>[vector<16xi32>, vector<16xi32>], vector<16xf32>,
    %get3A_277 = arith.constant 0 : i32
    %get3A_278 = arith.index_cast %get3A_277 : i32 to index
    %get3A_279 = arith.index_cast %add3A_270 : i32 to index
    %get3A_280 = arith.constant 0 : index
    %get3A_281 = tpu.vector_load %arg12[%get3A_278, %get3A_279, %get3A_280] {strides = array<i32>} : memref<2x80x320xbf16, #tpu.memory_space<vmem>>, vector<32xbf16>,
    %bitcast3A = vector.bitcast %get3A_281 : vector<32xbf16> to vector<16xi32>
    %shift_left3A = arith.constant 16 : i32
    %shift_left3A_282 = vector.broadcast %shift_left3A : i32 to vector<16xi32>
    %shift_left3A_283 = arith.shli %bitcast3A, %shift_left3A_282 : vector<16xi32>
    %bitcast3A_284 = vector.bitcast %shift_left3A_283 : vector<16xi32> to vector<16xf32>
    %and3A = arith.constant -65536 : i32
    %and3A_285 = vector.broadcast %and3A : i32 to vector<16xi32>
    %and3A_286 = arith.andi %bitcast3A, %and3A_285 : vector<16xi32>
    %bitcast3A_287 = vector.bitcast %and3A_286 : vector<16xi32> to vector<16xf32>
    %mul3A_288 = arith.mulf %gather3A_272, %bitcast3A_284 : vector<16xf32>
    %mul3A_289 = arith.mulf %gather3A_272, %bitcast3A_287 : vector<16xf32>
    %get3A_290 = arith.constant 0 : i32
    %get3A_291 = arith.index_cast %get3A_290 : i32 to index
    %get3A_292 = arith.index_cast %add3A_270 : i32 to index
    %get3A_293 = arith.constant 32 : index
    %get3A_294 = tpu.vector_load %arg12[%get3A_291, %get3A_292, %get3A_293] {strides = array<i32>} : memref<2x80x320xbf16, #tpu.memory_space<vmem>>, vector<32xbf16>,
    %bitcast3A_295 = vector.bitcast %get3A_294 : vector<32xbf16> to vector<16xi32>
    %shift_left3A_296 = arith.constant 16 : i32
    %shift_left3A_297 = vector.broadcast %shift_left3A_296 : i32 to vector<16xi32>
    %shift_left3A_298 = arith.shli %bitcast3A_295, %shift_left3A_297 : vector<16xi32>
    %bitcast3A_299 = vector.bitcast %shift_left3A_298 : vector<16xi32> to vector<16xf32>
    %and3A_300 = arith.constant -65536 : i32
    %and3A_301 = vector.broadcast %and3A_300 : i32 to vector<16xi32>
    %and3A_302 = arith.andi %bitcast3A_295, %and3A_301 : vector<16xi32>
    %bitcast3A_303 = vector.bitcast %and3A_302 : vector<16xi32> to vector<16xf32>
    %mul3A_304 = arith.mulf %gather3A_272, %bitcast3A_299 : vector<16xf32>
    %mul3A_305 = arith.mulf %gather3A_272, %bitcast3A_303 : vector<16xf32>
    %get3A_306 = arith.constant 0 : i32
    %get3A_307 = arith.index_cast %get3A_306 : i32 to index
    %get3A_308 = arith.index_cast %add3A_270 : i32 to index
    %get3A_309 = arith.constant 64 : index
    %get3A_310 = tpu.vector_load %arg12[%get3A_307, %get3A_308, %get3A_309] {strides = array<i32>} : memref<2x80x320xbf16, #tpu.memory_space<vmem>>, vector<32xbf16>,
    %bitcast3A_311 = vector.bitcast %get3A_310 : vector<32xbf16> to vector<16xi32>
    %shift_left3A_312 = arith.constant 16 : i32
    %shift_left3A_313 = vector.broadcast %shift_left3A_312 : i32 to vector<16xi32>
    %shift_left3A_314 = arith.shli %bitcast3A_311, %shift_left3A_313 : vector<16xi32>
    %bitcast3A_315 = vector.bitcast %shift_left3A_314 : vector<16xi32> to vector<16xf32>
    %and3A_316 = arith.constant -65536 : i32
    %and3A_317 = vector.broadcast %and3A_316 : i32 to vector<16xi32>
    %and3A_318 = arith.andi %bitcast3A_311, %and3A_317 : vector<16xi32>
    %bitcast3A_319 = vector.bitcast %and3A_318 : vector<16xi32> to vector<16xf32>
    %mul3A_320 = arith.mulf %gather3A_273, %bitcast3A_315 : vector<16xf32>
    %mul3A_321 = arith.mulf %gather3A_273, %bitcast3A_319 : vector<16xf32>
    %get3A_322 = arith.constant 0 : i32
    %get3A_323 = arith.index_cast %get3A_322 : i32 to index
    %get3A_324 = arith.index_cast %add3A_270 : i32 to index
    %get3A_325 = arith.constant 96 : index
    %get3A_326 = tpu.vector_load %arg12[%get3A_323, %get3A_324, %get3A_325] {strides = array<i32>} : memref<2x80x320xbf16, #tpu.memory_space<vmem>>, vector<32xbf16>,
    %bitcast3A_327 = vector.bitcast %get3A_326 : vector<32xbf16> to vector<16xi32>
    %shift_left3A_328 = arith.constant 16 : i32
    %shift_left3A_329 = vector.broadcast %shift_left3A_328 : i32 to vector<16xi32>
    %shift_left3A_330 = arith.shli %bitcast3A_327, %shift_left3A_329 : vector<16xi32>
    %bitcast3A_331 = vector.bitcast %shift_left3A_330 : vector<16xi32> to vector<16xf32>
    %and3A_332 = arith.constant -65536 : i32
    %and3A_333 = vector.broadcast %and3A_332 : i32 to vector<16xi32>
    %and3A_334 = arith.andi %bitcast3A_327, %and3A_333 : vector<16xi32>
    %bitcast3A_335 = vector.bitcast %and3A_334 : vector<16xi32> to vector<16xf32>
    %mul3A_336 = arith.mulf %gather3A_273, %bitcast3A_331 : vector<16xf32>
    %mul3A_337 = arith.mulf %gather3A_273, %bitcast3A_335 : vector<16xf32>
    %get3A_338 = arith.constant 0 : i32
    %get3A_339 = arith.index_cast %get3A_338 : i32 to index
    %get3A_340 = arith.index_cast %add3A_270 : i32 to index
    %get3A_341 = arith.constant 128 : index
    %get3A_342 = tpu.vector_load %arg12[%get3A_339, %get3A_340, %get3A_341] {strides = array<i32>} : memref<2x80x320xbf16, #tpu.memory_space<vmem>>, vector<32xbf16>,
    %bitcast3A_343 = vector.bitcast %get3A_342 : vector<32xbf16> to vector<16xi32>
    %shift_left3A_344 = arith.constant 16 : i32
    %shift_left3A_345 = vector.broadcast %shift_left3A_344 : i32 to vector<16xi32>
    %shift_left3A_346 = arith.shli %bitcast3A_343, %shift_left3A_345 : vector<16xi32>
    %bitcast3A_347 = vector.bitcast %shift_left3A_346 : vector<16xi32> to vector<16xf32>
    %and3A_348 = arith.constant -65536 : i32
    %and3A_349 = vector.broadcast %and3A_348 : i32 to vector<16xi32>
    %and3A_350 = arith.andi %bitcast3A_343, %and3A_349 : vector<16xi32>
    %bitcast3A_351 = vector.bitcast %and3A_350 : vector<16xi32> to vector<16xf32>
    %mul3A_352 = arith.mulf %gather3A_274, %bitcast3A_347 : vector<16xf32>
    %mul3A_353 = arith.mulf %gather3A_274, %bitcast3A_351 : vector<16xf32>
    %get3A_354 = arith.constant 0 : i32
    %get3A_355 = arith.index_cast %get3A_354 : i32 to index
    %get3A_356 = arith.index_cast %add3A_270 : i32 to index
    %get3A_357 = arith.constant 160 : index
    %get3A_358 = tpu.vector_load %arg12[%get3A_355, %get3A_356, %get3A_357] {strides = array<i32>} : memref<2x80x320xbf16, #tpu.memory_space<vmem>>, vector<32xbf16>,
    %bitcast3A_359 = vector.bitcast %get3A_358 : vector<32xbf16> to vector<16xi32>
    %shift_left3A_360 = arith.constant 16 : i32
    %shift_left3A_361 = vector.broadcast %shift_left3A_360 : i32 to vector<16xi32>
    %shift_left3A_362 = arith.shli %bitcast3A_359, %shift_left3A_361 : vector<16xi32>
    %bitcast3A_363 = vector.bitcast %shift_left3A_362 : vector<16xi32> to vector<16xf32>
    %and3A_364 = arith.constant -65536 : i32
    %and3A_365 = vector.broadcast %and3A_364 : i32 to vector<16xi32>
    %and3A_366 = arith.andi %bitcast3A_359, %and3A_365 : vector<16xi32>
    %bitcast3A_367 = vector.bitcast %and3A_366 : vector<16xi32> to vector<16xf32>
    %mul3A_368 = arith.mulf %gather3A_274, %bitcast3A_363 : vector<16xf32>
    %mul3A_369 = arith.mulf %gather3A_274, %bitcast3A_367 : vector<16xf32>
    %get3A_370 = arith.constant 0 : i32
    %get3A_371 = arith.index_cast %get3A_370 : i32 to index
    %get3A_372 = arith.index_cast %add3A_270 : i32 to index
    %get3A_373 = arith.constant 192 : index
    %get3A_374 = tpu.vector_load %arg12[%get3A_371, %get3A_372, %get3A_373] {strides = array<i32>} : memref<2x80x320xbf16, #tpu.memory_space<vmem>>, vector<32xbf16>,
    %bitcast3A_375 = vector.bitcast %get3A_374 : vector<32xbf16> to vector<16xi32>
    %shift_left3A_376 = arith.constant 16 : i32
    %shift_left3A_377 = vector.broadcast %shift_left3A_376 : i32 to vector<16xi32>
    %shift_left3A_378 = arith.shli %bitcast3A_375, %shift_left3A_377 : vector<16xi32>
    %bitcast3A_379 = vector.bitcast %shift_left3A_378 : vector<16xi32> to vector<16xf32>
    %and3A_380 = arith.constant -65536 : i32
    %and3A_381 = vector.broadcast %and3A_380 : i32 to vector<16xi32>
    %and3A_382 = arith.andi %bitcast3A_375, %and3A_381 : vector<16xi32>
    %bitcast3A_383 = vector.bitcast %and3A_382 : vector<16xi32> to vector<16xf32>
    %mul3A_384 = arith.mulf %gather3A_275, %bitcast3A_379 : vector<16xf32>
    %mul3A_385 = arith.mulf %gather3A_275, %bitcast3A_383 : vector<16xf32>
    %get3A_386 = arith.constant 0 : i32
    %get3A_387 = arith.index_cast %get3A_386 : i32 to index
    %get3A_388 = arith.index_cast %add3A_270 : i32 to index
    %get3A_389 = arith.constant 224 : index
    %get3A_390 = tpu.vector_load %arg12[%get3A_387, %get3A_388, %get3A_389] {strides = array<i32>} : memref<2x80x320xbf16, #tpu.memory_space<vmem>>, vector<32xbf16>,
    %bitcast3A_391 = vector.bitcast %get3A_390 : vector<32xbf16> to vector<16xi32>
    %shift_left3A_392 = arith.constant 16 : i32
    %shift_left3A_393 = vector.broadcast %shift_left3A_392 : i32 to vector<16xi32>
    %shift_left3A_394 = arith.shli %bitcast3A_391, %shift_left3A_393 : vector<16xi32>
    %bitcast3A_395 = vector.bitcast %shift_left3A_394 : vector<16xi32> to vector<16xf32>
    %and3A_396 = arith.constant -65536 : i32
    %and3A_397 = vector.broadcast %and3A_396 : i32 to vector<16xi32>
    %and3A_398 = arith.andi %bitcast3A_391, %and3A_397 : vector<16xi32>
    %bitcast3A_399 = vector.bitcast %and3A_398 : vector<16xi32> to vector<16xf32>
    %mul3A_400 = arith.mulf %gather3A_275, %bitcast3A_395 : vector<16xf32>
    %mul3A_401 = arith.mulf %gather3A_275, %bitcast3A_399 : vector<16xf32>
    %get3A_402 = arith.constant 0 : i32
    %get3A_403 = arith.index_cast %get3A_402 : i32 to index
    %get3A_404 = arith.index_cast %add3A_270 : i32 to index
    %get3A_405 = arith.constant 256 : index
    %get3A_406 = tpu.vector_load %arg12[%get3A_403, %get3A_404, %get3A_405] {strides = array<i32>} : memref<2x80x320xbf16, #tpu.memory_space<vmem>>, vector<32xbf16>,
    %bitcast3A_407 = vector.bitcast %get3A_406 : vector<32xbf16> to vector<16xi32>
    %shift_left3A_408 = arith.constant 16 : i32
    %shift_left3A_409 = vector.broadcast %shift_left3A_408 : i32 to vector<16xi32>
    %shift_left3A_410 = arith.shli %bitcast3A_407, %shift_left3A_409 : vector<16xi32>
    %bitcast3A_411 = vector.bitcast %shift_left3A_410 : vector<16xi32> to vector<16xf32>
    %and3A_412 = arith.constant -65536 : i32
    %and3A_413 = vector.broadcast %and3A_412 : i32 to vector<16xi32>
    %and3A_414 = arith.andi %bitcast3A_407, %and3A_413 : vector<16xi32>
    %bitcast3A_415 = vector.bitcast %and3A_414 : vector<16xi32> to vector<16xf32>
    %mul3A_416 = arith.mulf %gather3A_276, %bitcast3A_411 : vector<16xf32>
    %mul3A_417 = arith.mulf %gather3A_276, %bitcast3A_415 : vector<16xf32>
    %get3A_418 = arith.constant 0 : i32
    %get3A_419 = arith.index_cast %get3A_418 : i32 to index
    %get3A_420 = arith.index_cast %add3A_270 : i32 to index
    %get3A_421 = arith.constant 288 : index
    %get3A_422 = tpu.vector_load %arg12[%get3A_419, %get3A_420, %get3A_421] {strides = array<i32>} : memref<2x80x320xbf16, #tpu.memory_space<vmem>>, vector<32xbf16>,
    %bitcast3A_423 = vector.bitcast %get3A_422 : vector<32xbf16> to vector<16xi32>
    %shift_left3A_424 = arith.constant 16 : i32
    %shift_left3A_425 = vector.broadcast %shift_left3A_424 : i32 to vector<16xi32>
    %shift_left3A_426 = arith.shli %bitcast3A_423, %shift_left3A_425 : vector<16xi32>
    %bitcast3A_427 = vector.bitcast %shift_left3A_426 : vector<16xi32> to vector<16xf32>
    %and3A_428 = arith.constant -65536 : i32
    %and3A_429 = vector.broadcast %and3A_428 : i32 to vector<16xi32>
    %and3A_430 = arith.andi %bitcast3A_423, %and3A_429 : vector<16xi32>
    %bitcast3A_431 = vector.bitcast %and3A_430 : vector<16xi32> to vector<16xf32>
    %mul3A_432 = arith.mulf %gather3A_276, %bitcast3A_427 : vector<16xf32>
    %mul3A_433 = arith.mulf %gather3A_276, %bitcast3A_431 : vector<16xf32>
    %add3A_434 = arith.addf %mul3A_288, %mul3A_320 : vector<16xf32>
    %add3A_435 = arith.addf %mul3A_352, %mul3A_384 : vector<16xf32>
    %add3A_436 = arith.addf %add3A_434, %add3A_435 : vector<16xf32>
    %add3A_437 = arith.addf %add3A_436, %mul3A_416 : vector<16xf32>
    %swap3A_438 = arith.index_cast %add3A_270 : i32 to index
    %swap3A_439 = arith.constant 0 : index
    %swap3A_440 = tpu.vector_load %arg13[%swap3A_438, %swap3A_439] {strides = array<i32>} : memref<80x64xf32, #tpu.memory_space<vmem>>, vector<16xf32>,
    tpu.vector_store %arg13[%swap3A_438, %swap3A_439], %add3A_437 {strides = array<i32>} : memref<80x64xf32, #tpu.memory_space<vmem>>, vector<16xf32>,
    %add3A_441 = arith.addf %mul3A_289, %mul3A_321 : vector<16xf32>
    %add3A_442 = arith.addf %mul3A_353, %mul3A_385 : vector<16xf32>
    %add3A_443 = arith.addf %add3A_441, %add3A_442 : vector<16xf32>
    %add3A_444 = arith.addf %add3A_443, %mul3A_417 : vector<16xf32>
    %swap3A_445 = arith.index_cast %add3A_270 : i32 to index
    %swap3A_446 = arith.constant 16 : index
    %swap3A_447 = tpu.vector_load %arg13[%swap3A_445, %swap3A_446] {strides = array<i32>} : memref<80x64xf32, #tpu.memory_space<vmem>>, vector<16xf32>,
    tpu.vector_store %arg13[%swap3A_445, %swap3A_446], %add3A_444 {strides = array<i32>} : memref<80x64xf32, #tpu.memory_space<vmem>>, vector<16xf32>,
    %add3A_448 = arith.addf %mul3A_304, %mul3A_336 : vector<16xf32>
    %add3A_449 = arith.addf %mul3A_368, %mul3A_400 : vector<16xf32>
    %add3A_450 = arith.addf %add3A_448, %add3A_449 : vector<16xf32>
    %add3A_451 = arith.addf %add3A_450, %mul3A_432 : vector<16xf32>
    %swap3A_452 = arith.index_cast %add3A_270 : i32 to index
    %swap3A_453 = arith.constant 32 : index
    %swap3A_454 = tpu.vector_load %arg13[%swap3A_452, %swap3A_453] {strides = array<i32>} : memref<80x64xf32, #tpu.memory_space<vmem>>, vector<16xf32>,
    tpu.vector_store %arg13[%swap3A_452, %swap3A_453], %add3A_451 {strides = array<i32>} : memref<80x64xf32, #tpu.memory_space<vmem>>, vector<16xf32>,
    %add3A_455 = arith.addf %mul3A_305, %mul3A_337 : vector<16xf32>
    %add3A_456 = arith.addf %mul3A_369, %mul3A_401 : vector<16xf32>
    %add3A_457 = arith.addf %add3A_455, %add3A_456 : vector<16xf32>
    %add3A_458 = arith.addf %add3A_457, %mul3A_433 : vector<16xf32>
    %swap3A_459 = arith.index_cast %add3A_270 : i32 to index
    %swap3A_460 = arith.constant 48 : index
    %swap3A_461 = tpu.vector_load %arg13[%swap3A_459, %swap3A_460] {strides = array<i32>} : memref<80x64xf32, #tpu.memory_space<vmem>>, vector<16xf32>,
    tpu.vector_store %arg13[%swap3A_459, %swap3A_460], %add3A_458 {strides = array<i32>} : memref<80x64xf32, #tpu.memory_space<vmem>>, vector<16xf32>,
    %mul3A_462 = arith.constant 2 : i32
    %mul3A_463 = arith.muli %scan3A_266, %mul3A_462 : i32
    %add3A_464 = arith.constant 1 : i32
    %add3A_465 = arith.addi %mul3A_463, %add3A_464 : i32
    %broadcast_in_dim3A_466 = vector.broadcast %add3A_465 : i32 to vector<16xi32>
    %gather3A_467 = tpu.vector_load_idx %arg16[%broadcast_in_dim3A_138, %broadcast_in_dim3A_466] : memref<5x80xf32, #tpu.memory_space<vmem>>[vector<16xi32>, vector<16xi32>], vector<16xf32>,
    %gather3A_468 = tpu.vector_load_idx %arg16[%broadcast_in_dim3A_140, %broadcast_in_dim3A_466] : memref<5x80xf32, #tpu.memory_space<vmem>>[vector<16xi32>, vector<16xi32>], vector<16xf32>,
    %gather3A_469 = tpu.vector_load_idx %arg16[%broadcast_in_dim3A_142, %broadcast_in_dim3A_466] : memref<5x80xf32, #tpu.memory_space<vmem>>[vector<16xi32>, vector<16xi32>], vector<16xf32>,
    %gather3A_470 = tpu.vector_load_idx %arg16[%broadcast_in_dim3A_144, %broadcast_in_dim3A_466] : memref<5x80xf32, #tpu.memory_space<vmem>>[vector<16xi32>, vector<16xi32>], vector<16xf32>,
    %gather3A_471 = tpu.vector_load_idx %arg16[%broadcast_in_dim3A_146, %broadcast_in_dim3A_466] : memref<5x80xf32, #tpu.memory_space<vmem>>[vector<16xi32>, vector<16xi32>], vector<16xf32>,
    %get3A_472 = arith.constant 0 : i32
    %get3A_473 = arith.index_cast %get3A_472 : i32 to index
    %get3A_474 = arith.index_cast %add3A_465 : i32 to index
    %get3A_475 = arith.constant 0 : index
    %get3A_476 = tpu.vector_load %arg12[%get3A_473, %get3A_474, %get3A_475] {strides = array<i32>} : memref<2x80x320xbf16, #tpu.memory_space<vmem>>, vector<32xbf16>,
    %bitcast3A_477 = vector.bitcast %get3A_476 : vector<32xbf16> to vector<16xi32>
    %shift_left3A_478 = arith.constant 16 : i32
    %shift_left3A_479 = vector.broadcast %shift_left3A_478 : i32 to vector<16xi32>
    %shift_left3A_480 = arith.shli %bitcast3A_477, %shift_left3A_479 : vector<16xi32>
    %bitcast3A_481 = vector.bitcast %shift_left3A_480 : vector<16xi32> to vector<16xf32>
    %and3A_482 = arith.constant -65536 : i32
    %and3A_483 = vector.broadcast %and3A_482 : i32 to vector<16xi32>
    %and3A_484 = arith.andi %bitcast3A_477, %and3A_483 : vector<16xi32>
    %bitcast3A_485 = vector.bitcast %and3A_484 : vector<16xi32> to vector<16xf32>
    %mul3A_486 = arith.mulf %gather3A_467, %bitcast3A_481 : vector<16xf32>
    %mul3A_487 = arith.mulf %gather3A_467, %bitcast3A_485 : vector<16xf32>
    %get3A_488 = arith.constant 0 : i32
    %get3A_489 = arith.index_cast %get3A_488 : i32 to index
    %get3A_490 = arith.index_cast %add3A_465 : i32 to index
    %get3A_491 = arith.constant 32 : index
    %get3A_492 = tpu.vector_load %arg12[%get3A_489, %get3A_490, %get3A_491] {strides = array<i32>} : memref<2x80x320xbf16, #tpu.memory_space<vmem>>, vector<32xbf16>,
    %bitcast3A_493 = vector.bitcast %get3A_492 : vector<32xbf16> to vector<16xi32>
    %shift_left3A_494 = arith.constant 16 : i32
    %shift_left3A_495 = vector.broadcast %shift_left3A_494 : i32 to vector<16xi32>
    %shift_left3A_496 = arith.shli %bitcast3A_493, %shift_left3A_495 : vector<16xi32>
    %bitcast3A_497 = vector.bitcast %shift_left3A_496 : vector<16xi32> to vector<16xf32>
    %and3A_498 = arith.constant -65536 : i32
    %and3A_499 = vector.broadcast %and3A_498 : i32 to vector<16xi32>
    %and3A_500 = arith.andi %bitcast3A_493, %and3A_499 : vector<16xi32>
    %bitcast3A_501 = vector.bitcast %and3A_500 : vector<16xi32> to vector<16xf32>
    %mul3A_502 = arith.mulf %gather3A_467, %bitcast3A_497 : vector<16xf32>
    %mul3A_503 = arith.mulf %gather3A_467, %bitcast3A_501 : vector<16xf32>
    %get3A_504 = arith.constant 0 : i32
    %get3A_505 = arith.index_cast %get3A_504 : i32 to index
    %get3A_506 = arith.index_cast %add3A_465 : i32 to index
    %get3A_507 = arith.constant 64 : index
    %get3A_508 = tpu.vector_load %arg12[%get3A_505, %get3A_506, %get3A_507] {strides = array<i32>} : memref<2x80x320xbf16, #tpu.memory_space<vmem>>, vector<32xbf16>,
    %bitcast3A_509 = vector.bitcast %get3A_508 : vector<32xbf16> to vector<16xi32>
    %shift_left3A_510 = arith.constant 16 : i32
    %shift_left3A_511 = vector.broadcast %shift_left3A_510 : i32 to vector<16xi32>
    %shift_left3A_512 = arith.shli %bitcast3A_509, %shift_left3A_511 : vector<16xi32>
    %bitcast3A_513 = vector.bitcast %shift_left3A_512 : vector<16xi32> to vector<16xf32>
    %and3A_514 = arith.constant -65536 : i32
    %and3A_515 = vector.broadcast %and3A_514 : i32 to vector<16xi32>
    %and3A_516 = arith.andi %bitcast3A_509, %and3A_515 : vector<16xi32>
    %bitcast3A_517 = vector.bitcast %and3A_516 : vector<16xi32> to vector<16xf32>
    %mul3A_518 = arith.mulf %gather3A_468, %bitcast3A_513 : vector<16xf32>
    %mul3A_519 = arith.mulf %gather3A_468, %bitcast3A_517 : vector<16xf32>
    %get3A_520 = arith.constant 0 : i32
    %get3A_521 = arith.index_cast %get3A_520 : i32 to index
    %get3A_522 = arith.index_cast %add3A_465 : i32 to index
    %get3A_523 = arith.constant 96 : index
    %get3A_524 = tpu.vector_load %arg12[%get3A_521, %get3A_522, %get3A_523] {strides = array<i32>} : memref<2x80x320xbf16, #tpu.memory_space<vmem>>, vector<32xbf16>,
    %bitcast3A_525 = vector.bitcast %get3A_524 : vector<32xbf16> to vector<16xi32>
    %shift_left3A_526 = arith.constant 16 : i32
    %shift_left3A_527 = vector.broadcast %shift_left3A_526 : i32 to vector<16xi32>
    %shift_left3A_528 = arith.shli %bitcast3A_525, %shift_left3A_527 : vector<16xi32>
    %bitcast3A_529 = vector.bitcast %shift_left3A_528 : vector<16xi32> to vector<16xf32>
    %and3A_530 = arith.constant -65536 : i32
    %and3A_531 = vector.broadcast %and3A_530 : i32 to vector<16xi32>
    %and3A_532 = arith.andi %bitcast3A_525, %and3A_531 : vector<16xi32>
    %bitcast3A_533 = vector.bitcast %and3A_532 : vector<16xi32> to vector<16xf32>
    %mul3A_534 = arith.mulf %gather3A_468, %bitcast3A_529 : vector<16xf32>
    %mul3A_535 = arith.mulf %gather3A_468, %bitcast3A_533 : vector<16xf32>
    %get3A_536 = arith.constant 0 : i32
    %get3A_537 = arith.index_cast %get3A_536 : i32 to index
    %get3A_538 = arith.index_cast %add3A_465 : i32 to index
    %get3A_539 = arith.constant 128 : index
    %get3A_540 = tpu.vector_load %arg12[%get3A_537, %get3A_538, %get3A_539] {strides = array<i32>} : memref<2x80x320xbf16, #tpu.memory_space<vmem>>, vector<32xbf16>,
    %bitcast3A_541 = vector.bitcast %get3A_540 : vector<32xbf16> to vector<16xi32>
    %shift_left3A_542 = arith.constant 16 : i32
    %shift_left3A_543 = vector.broadcast %shift_left3A_542 : i32 to vector<16xi32>
    %shift_left3A_544 = arith.shli %bitcast3A_541, %shift_left3A_543 : vector<16xi32>
    %bitcast3A_545 = vector.bitcast %shift_left3A_544 : vector<16xi32> to vector<16xf32>
    %and3A_546 = arith.constant -65536 : i32
    %and3A_547 = vector.broadcast %and3A_546 : i32 to vector<16xi32>
    %and3A_548 = arith.andi %bitcast3A_541, %and3A_547 : vector<16xi32>
    %bitcast3A_549 = vector.bitcast %and3A_548 : vector<16xi32> to vector<16xf32>
    %mul3A_550 = arith.mulf %gather3A_469, %bitcast3A_545 : vector<16xf32>
    %mul3A_551 = arith.mulf %gather3A_469, %bitcast3A_549 : vector<16xf32>
    %get3A_552 = arith.constant 0 : i32
    %get3A_553 = arith.index_cast %get3A_552 : i32 to index
    %get3A_554 = arith.index_cast %add3A_465 : i32 to index
    %get3A_555 = arith.constant 160 : index
    %get3A_556 = tpu.vector_load %arg12[%get3A_553, %get3A_554, %get3A_555] {strides = array<i32>} : memref<2x80x320xbf16, #tpu.memory_space<vmem>>, vector<32xbf16>,
    %bitcast3A_557 = vector.bitcast %get3A_556 : vector<32xbf16> to vector<16xi32>
    %shift_left3A_558 = arith.constant 16 : i32
    %shift_left3A_559 = vector.broadcast %shift_left3A_558 : i32 to vector<16xi32>
    %shift_left3A_560 = arith.shli %bitcast3A_557, %shift_left3A_559 : vector<16xi32>
    %bitcast3A_561 = vector.bitcast %shift_left3A_560 : vector<16xi32> to vector<16xf32>
    %and3A_562 = arith.constant -65536 : i32
    %and3A_563 = vector.broadcast %and3A_562 : i32 to vector<16xi32>
    %and3A_564 = arith.andi %bitcast3A_557, %and3A_563 : vector<16xi32>
    %bitcast3A_565 = vector.bitcast %and3A_564 : vector<16xi32> to vector<16xf32>
    %mul3A_566 = arith.mulf %gather3A_469, %bitcast3A_561 : vector<16xf32>
    %mul3A_567 = arith.mulf %gather3A_469, %bitcast3A_565 : vector<16xf32>
    %get3A_568 = arith.constant 0 : i32
    %get3A_569 = arith.index_cast %get3A_568 : i32 to index
    %get3A_570 = arith.index_cast %add3A_465 : i32 to index
    %get3A_571 = arith.constant 192 : index
    %get3A_572 = tpu.vector_load %arg12[%get3A_569, %get3A_570, %get3A_571] {strides = array<i32>} : memref<2x80x320xbf16, #tpu.memory_space<vmem>>, vector<32xbf16>,
    %bitcast3A_573 = vector.bitcast %get3A_572 : vector<32xbf16> to vector<16xi32>
    %shift_left3A_574 = arith.constant 16 : i32
    %shift_left3A_575 = vector.broadcast %shift_left3A_574 : i32 to vector<16xi32>
    %shift_left3A_576 = arith.shli %bitcast3A_573, %shift_left3A_575 : vector<16xi32>
    %bitcast3A_577 = vector.bitcast %shift_left3A_576 : vector<16xi32> to vector<16xf32>
    %and3A_578 = arith.constant -65536 : i32
    %and3A_579 = vector.broadcast %and3A_578 : i32 to vector<16xi32>
    %and3A_580 = arith.andi %bitcast3A_573, %and3A_579 : vector<16xi32>
    %bitcast3A_581 = vector.bitcast %and3A_580 : vector<16xi32> to vector<16xf32>
    %mul3A_582 = arith.mulf %gather3A_470, %bitcast3A_577 : vector<16xf32>
    %mul3A_583 = arith.mulf %gather3A_470, %bitcast3A_581 : vector<16xf32>
    %get3A_584 = arith.constant 0 : i32
    %get3A_585 = arith.index_cast %get3A_584 : i32 to index
    %get3A_586 = arith.index_cast %add3A_465 : i32 to index
    %get3A_587 = arith.constant 224 : index
    %get3A_588 = tpu.vector_load %arg12[%get3A_585, %get3A_586, %get3A_587] {strides = array<i32>} : memref<2x80x320xbf16, #tpu.memory_space<vmem>>, vector<32xbf16>,
    %bitcast3A_589 = vector.bitcast %get3A_588 : vector<32xbf16> to vector<16xi32>
    %shift_left3A_590 = arith.constant 16 : i32
    %shift_left3A_591 = vector.broadcast %shift_left3A_590 : i32 to vector<16xi32>
    %shift_left3A_592 = arith.shli %bitcast3A_589, %shift_left3A_591 : vector<16xi32>
    %bitcast3A_593 = vector.bitcast %shift_left3A_592 : vector<16xi32> to vector<16xf32>
    %and3A_594 = arith.constant -65536 : i32
    %and3A_595 = vector.broadcast %and3A_594 : i32 to vector<16xi32>
    %and3A_596 = arith.andi %bitcast3A_589, %and3A_595 : vector<16xi32>
    %bitcast3A_597 = vector.bitcast %and3A_596 : vector<16xi32> to vector<16xf32>
    %mul3A_598 = arith.mulf %gather3A_470, %bitcast3A_593 : vector<16xf32>
    %mul3A_599 = arith.mulf %gather3A_470, %bitcast3A_597 : vector<16xf32>
    %get3A_600 = arith.constant 0 : i32
    %get3A_601 = arith.index_cast %get3A_600 : i32 to index
    %get3A_602 = arith.index_cast %add3A_465 : i32 to index
    %get3A_603 = arith.constant 256 : index
    %get3A_604 = tpu.vector_load %arg12[%get3A_601, %get3A_602, %get3A_603] {strides = array<i32>} : memref<2x80x320xbf16, #tpu.memory_space<vmem>>, vector<32xbf16>,
    %bitcast3A_605 = vector.bitcast %get3A_604 : vector<32xbf16> to vector<16xi32>
    %shift_left3A_606 = arith.constant 16 : i32
    %shift_left3A_607 = vector.broadcast %shift_left3A_606 : i32 to vector<16xi32>
    %shift_left3A_608 = arith.shli %bitcast3A_605, %shift_left3A_607 : vector<16xi32>
    %bitcast3A_609 = vector.bitcast %shift_left3A_608 : vector<16xi32> to vector<16xf32>
    %and3A_610 = arith.constant -65536 : i32
    %and3A_611 = vector.broadcast %and3A_610 : i32 to vector<16xi32>
    %and3A_612 = arith.andi %bitcast3A_605, %and3A_611 : vector<16xi32>
    %bitcast3A_613 = vector.bitcast %and3A_612 : vector<16xi32> to vector<16xf32>
    %mul3A_614 = arith.mulf %gather3A_471, %bitcast3A_609 : vector<16xf32>
    %mul3A_615 = arith.mulf %gather3A_471, %bitcast3A_613 : vector<16xf32>
    %get3A_616 = arith.constant 0 : i32
    %get3A_617 = arith.index_cast %get3A_616 : i32 to index
    %get3A_618 = arith.index_cast %add3A_465 : i32 to index
    %get3A_619 = arith.constant 288 : index
    %get3A_620 = tpu.vector_load %arg12[%get3A_617, %get3A_618, %get3A_619] {strides = array<i32>} : memref<2x80x320xbf16, #tpu.memory_space<vmem>>, vector<32xbf16>,
    %bitcast3A_621 = vector.bitcast %get3A_620 : vector<32xbf16> to vector<16xi32>
    %shift_left3A_622 = arith.constant 16 : i32
    %shift_left3A_623 = vector.broadcast %shift_left3A_622 : i32 to vector<16xi32>
    %shift_left3A_624 = arith.shli %bitcast3A_621, %shift_left3A_623 : vector<16xi32>
    %bitcast3A_625 = vector.bitcast %shift_left3A_624 : vector<16xi32> to vector<16xf32>
    %and3A_626 = arith.constant -65536 : i32
    %and3A_627 = vector.broadcast %and3A_626 : i32 to vector<16xi32>
    %and3A_628 = arith.andi %bitcast3A_621, %and3A_627 : vector<16xi32>
    %bitcast3A_629 = vector.bitcast %and3A_628 : vector<16xi32> to vector<16xf32>
    %mul3A_630 = arith.mulf %gather3A_471, %bitcast3A_625 : vector<16xf32>
    %mul3A_631 = arith.mulf %gather3A_471, %bitcast3A_629 : vector<16xf32>
    %add3A_632 = arith.addf %mul3A_486, %mul3A_518 : vector<16xf32>
    %add3A_633 = arith.addf %mul3A_550, %mul3A_582 : vector<16xf32>
    %add3A_634 = arith.addf %add3A_632, %add3A_633 : vector<16xf32>
    %add3A_635 = arith.addf %add3A_634, %mul3A_614 : vector<16xf32>
    %swap3A_636 = arith.index_cast %add3A_465 : i32 to index
    %swap3A_637 = arith.constant 0 : index
    %swap3A_638 = tpu.vector_load %arg13[%swap3A_636, %swap3A_637] {strides = array<i32>} : memref<80x64xf32, #tpu.memory_space<vmem>>, vector<16xf32>,
    tpu.vector_store %arg13[%swap3A_636, %swap3A_637], %add3A_635 {strides = array<i32>} : memref<80x64xf32, #tpu.memory_space<vmem>>, vector<16xf32>,
    %add3A_639 = arith.addf %mul3A_487, %mul3A_519 : vector<16xf32>
    %add3A_640 = arith.addf %mul3A_551, %mul3A_583 : vector<16xf32>
    %add3A_641 = arith.addf %add3A_639, %add3A_640 : vector<16xf32>
    %add3A_642 = arith.addf %add3A_641, %mul3A_615 : vector<16xf32>
    %swap3A_643 = arith.index_cast %add3A_465 : i32 to index
    %swap3A_644 = arith.constant 16 : index
    %swap3A_645 = tpu.vector_load %arg13[%swap3A_643, %swap3A_644] {strides = array<i32>} : memref<80x64xf32, #tpu.memory_space<vmem>>, vector<16xf32>,
    tpu.vector_store %arg13[%swap3A_643, %swap3A_644], %add3A_642 {strides = array<i32>} : memref<80x64xf32, #tpu.memory_space<vmem>>, vector<16xf32>,
    %add3A_646 = arith.addf %mul3A_502, %mul3A_534 : vector<16xf32>
    %add3A_647 = arith.addf %mul3A_566, %mul3A_598 : vector<16xf32>
    %add3A_648 = arith.addf %add3A_646, %add3A_647 : vector<16xf32>
    %add3A_649 = arith.addf %add3A_648, %mul3A_630 : vector<16xf32>
    %swap3A_650 = arith.index_cast %add3A_465 : i32 to index
    %swap3A_651 = arith.constant 32 : index
    %swap3A_652 = tpu.vector_load %arg13[%swap3A_650, %swap3A_651] {strides = array<i32>} : memref<80x64xf32, #tpu.memory_space<vmem>>, vector<16xf32>,
    tpu.vector_store %arg13[%swap3A_650, %swap3A_651], %add3A_649 {strides = array<i32>} : memref<80x64xf32, #tpu.memory_space<vmem>>, vector<16xf32>,
    %add3A_653 = arith.addf %mul3A_503, %mul3A_535 : vector<16xf32>
    %add3A_654 = arith.addf %mul3A_567, %mul3A_599 : vector<16xf32>
    %add3A_655 = arith.addf %add3A_653, %add3A_654 : vector<16xf32>
    %add3A_656 = arith.addf %add3A_655, %mul3A_631 : vector<16xf32>
    %swap3A_657 = arith.index_cast %add3A_465 : i32 to index
    %swap3A_658 = arith.constant 48 : index
    %swap3A_659 = tpu.vector_load %arg13[%swap3A_657, %swap3A_658] {strides = array<i32>} : memref<80x64xf32, #tpu.memory_space<vmem>>, vector<16xf32>,
    tpu.vector_store %arg13[%swap3A_657, %swap3A_658], %add3A_656 {strides = array<i32>} : memref<80x64xf32, #tpu.memory_space<vmem>>, vector<16xf32>,
    %scan3A_660 = arith.constant 0 : i32
    %scan3A_661 = arith.constant 1 : i32
    %add3A_662 = arith.constant 1 : i32
    %add3A_663 = arith.addi %mul3A_153, %add3A_662 : i32
    %add3A_664 = arith.constant 2 : i32
    %add3A_665 = arith.addi %mul3A_153, %add3A_664 : i32
    %add3A_666 = arith.constant 1 : i32
    %add3A_667 = arith.addi %mul3A_153, %add3A_666 : i32
    %scan3A_668 = arith.constant 0 : i32
    %scan3A_669 = arith.constant 0 : i32
    %mul3A_670 = arith.constant 16 : i32
    %mul3A_671 = arith.muli %scan3A_669, %mul3A_670 : i32
    %broadcast_in_dim3A_672 = arith.constant 1 : i32
    %broadcast_in_dim3A_673 = vector.broadcast %broadcast_in_dim3A_672 : i32 to vector<16xi32>
    %mul3A_674 = arith.constant 3 : i32
    %mul3A_675 = arith.muli %mul3A_671, %mul3A_674 : i32
    %add3A_676 = arith.constant 0 : i32
    %add3A_677 = arith.addi %mul3A_675, %add3A_676 : i32
    %add3A_678 = vector.broadcast %add3A_677 : i32 to vector<16xi32>
    %add3A_679 = arith.addi %mul3A_149, %add3A_678 : vector<16xi32>
    %gather3A_680 = tpu.vector_load_idx %arg11[%broadcast_in_dim3A_673, %add3A_679] : memref<2x240xf32, #tpu.memory_space<vmem>>[vector<16xi32>, vector<16xi32>], vector<16xf32>,
    %broadcast_in_dim3A_681 = arith.constant 1 : i32
    %broadcast_in_dim3A_682 = vector.broadcast %broadcast_in_dim3A_681 : i32 to vector<16xi32>
    %mul3A_683 = arith.constant 3 : i32
    %mul3A_684 = arith.muli %mul3A_671, %mul3A_683 : i32
    %add3A_685 = arith.constant 1 : i32
    %add3A_686 = arith.addi %mul3A_684, %add3A_685 : i32
    %add3A_687 = vector.broadcast %add3A_686 : i32 to vector<16xi32>
    %add3A_688 = arith.addi %mul3A_149, %add3A_687 : vector<16xi32>
    %gather3A_689 = tpu.vector_load_idx %arg11[%broadcast_in_dim3A_682, %add3A_688] : memref<2x240xf32, #tpu.memory_space<vmem>>[vector<16xi32>, vector<16xi32>], vector<16xf32>,
    %broadcast_in_dim3A_690 = arith.constant 1 : i32
    %broadcast_in_dim3A_691 = vector.broadcast %broadcast_in_dim3A_690 : i32 to vector<16xi32>
    %mul3A_692 = arith.constant 3 : i32
    %mul3A_693 = arith.muli %mul3A_671, %mul3A_692 : i32
    %add3A_694 = arith.constant 2 : i32
    %add3A_695 = arith.addi %mul3A_693, %add3A_694 : i32
    %add3A_696 = vector.broadcast %add3A_695 : i32 to vector<16xi32>
    %add3A_697 = arith.addi %mul3A_149, %add3A_696 : vector<16xi32>
    %gather3A_698 = tpu.vector_load_idx %arg11[%broadcast_in_dim3A_691, %add3A_697] : memref<2x240xf32, #tpu.memory_space<vmem>>[vector<16xi32>, vector<16xi32>], vector<16xf32>,
    %sub3A_699 = arith.subf %gather3A_680, %broadcast_in_dim3A_49 : vector<16xf32>
    %mul3A_700 = arith.mulf %sub3A_699, %sub3A_699 : vector<16xf32>
    %mul3A_701 = arith.mulf %mul3A_700, %broadcast_in_dim3A_94 : vector<16xf32>
    %sub3A_702 = arith.subf %gather3A_689, %broadcast_in_dim3A_52 : vector<16xf32>
    %mul3A_703 = arith.mulf %sub3A_702, %sub3A_702 : vector<16xf32>
    %mul3A_704 = arith.mulf %mul3A_703, %broadcast_in_dim3A_97 : vector<16xf32>
    %add3A_705 = arith.addf %mul3A_701, %mul3A_704 : vector<16xf32>
    %sub3A_706 = arith.subf %gather3A_698, %broadcast_in_dim3A_55 : vector<16xf32>
    %mul3A_707 = arith.mulf %sub3A_706, %sub3A_706 : vector<16xf32>
    %mul3A_708 = arith.mulf %mul3A_707, %broadcast_in_dim3A_100 : vector<16xf32>
    %add3A_709 = arith.addf %add3A_705, %mul3A_708 : vector<16xf32>
    %exp3A_710 = math.exp %add3A_709 : vector<16xf32>
    %swap3A_711 = arith.constant 0 : i32
    %swap3A_712 = arith.index_cast %swap3A_711 : i32 to index
    %swap3A_713 = arith.index_cast %mul3A_671 : i32 to index
    %swap3A_714 = tpu.vector_load %arg16[%swap3A_712, %swap3A_713] {strides = array<i32>} : memref<5x80xf32, #tpu.memory_space<vmem>>, vector<16xf32>,
    tpu.vector_store %arg16[%swap3A_712, %swap3A_713], %exp3A_710 {strides = array<i32>} : memref<5x80xf32, #tpu.memory_space<vmem>>, vector<16xf32>,
    %sub3A_715 = arith.subf %gather3A_680, %broadcast_in_dim3A_58 : vector<16xf32>
    %mul3A_716 = arith.mulf %sub3A_715, %sub3A_715 : vector<16xf32>
    %mul3A_717 = arith.mulf %mul3A_716, %broadcast_in_dim3A_103 : vector<16xf32>
    %sub3A_718 = arith.subf %gather3A_689, %broadcast_in_dim3A_61 : vector<16xf32>
    %mul3A_719 = arith.mulf %sub3A_718, %sub3A_718 : vector<16xf32>
    %mul3A_720 = arith.mulf %mul3A_719, %broadcast_in_dim3A_106 : vector<16xf32>
    %add3A_721 = arith.addf %mul3A_717, %mul3A_720 : vector<16xf32>
    %sub3A_722 = arith.subf %gather3A_698, %broadcast_in_dim3A_64 : vector<16xf32>
    %mul3A_723 = arith.mulf %sub3A_722, %sub3A_722 : vector<16xf32>
    %mul3A_724 = arith.mulf %mul3A_723, %broadcast_in_dim3A_109 : vector<16xf32>
    %add3A_725 = arith.addf %add3A_721, %mul3A_724 : vector<16xf32>
    %exp3A_726 = math.exp %add3A_725 : vector<16xf32>
    %swap3A_727 = arith.constant 1 : i32
    %swap3A_728 = arith.index_cast %swap3A_727 : i32 to index
    %swap3A_729 = arith.index_cast %mul3A_671 : i32 to index
    %swap3A_730 = tpu.vector_load %arg16[%swap3A_728, %swap3A_729] {strides = array<i32>} : memref<5x80xf32, #tpu.memory_space<vmem>>, vector<16xf32>,
    tpu.vector_store %arg16[%swap3A_728, %swap3A_729], %exp3A_726 {strides = array<i32>} : memref<5x80xf32, #tpu.memory_space<vmem>>, vector<16xf32>,
    %sub3A_731 = arith.subf %gather3A_680, %broadcast_in_dim3A_67 : vector<16xf32>
    %mul3A_732 = arith.mulf %sub3A_731, %sub3A_731 : vector<16xf32>
    %mul3A_733 = arith.mulf %mul3A_732, %broadcast_in_dim3A_112 : vector<16xf32>
    %sub3A_734 = arith.subf %gather3A_689, %broadcast_in_dim3A_70 : vector<16xf32>
    %mul3A_735 = arith.mulf %sub3A_734, %sub3A_734 : vector<16xf32>
    %mul3A_736 = arith.mulf %mul3A_735, %broadcast_in_dim3A_115 : vector<16xf32>
    %add3A_737 = arith.addf %mul3A_733, %mul3A_736 : vector<16xf32>
    %sub3A_738 = arith.subf %gather3A_698, %broadcast_in_dim3A_73 : vector<16xf32>
    %mul3A_739 = arith.mulf %sub3A_738, %sub3A_738 : vector<16xf32>
    %mul3A_740 = arith.mulf %mul3A_739, %broadcast_in_dim3A_118 : vector<16xf32>
    %add3A_741 = arith.addf %add3A_737, %mul3A_740 : vector<16xf32>
    %exp3A_742 = math.exp %add3A_741 : vector<16xf32>
    %swap3A_743 = arith.constant 2 : i32
    %swap3A_744 = arith.index_cast %swap3A_743 : i32 to index
    %swap3A_745 = arith.index_cast %mul3A_671 : i32 to index
    %swap3A_746 = tpu.vector_load %arg16[%swap3A_744, %swap3A_745] {strides = array<i32>} : memref<5x80xf32, #tpu.memory_space<vmem>>, vector<16xf32>,
    tpu.vector_store %arg16[%swap3A_744, %swap3A_745], %exp3A_742 {strides = array<i32>} : memref<5x80xf32, #tpu.memory_space<vmem>>, vector<16xf32>,
    %sub3A_747 = arith.subf %gather3A_680, %broadcast_in_dim3A_76 : vector<16xf32>
    %mul3A_748 = arith.mulf %sub3A_747, %sub3A_747 : vector<16xf32>
    %mul3A_749 = arith.mulf %mul3A_748, %broadcast_in_dim3A_121 : vector<16xf32>
    %sub3A_750 = arith.subf %gather3A_689, %broadcast_in_dim3A_79 : vector<16xf32>
    %mul3A_751 = arith.mulf %sub3A_750, %sub3A_750 : vector<16xf32>
    %mul3A_752 = arith.mulf %mul3A_751, %broadcast_in_dim3A_124 : vector<16xf32>
    %add3A_753 = arith.addf %mul3A_749, %mul3A_752 : vector<16xf32>
    %sub3A_754 = arith.subf %gather3A_698, %broadcast_in_dim3A_82 : vector<16xf32>
    %mul3A_755 = arith.mulf %sub3A_754, %sub3A_754 : vector<16xf32>
    %mul3A_756 = arith.mulf %mul3A_755, %broadcast_in_dim3A_127 : vector<16xf32>
    %add3A_757 = arith.addf %add3A_753, %mul3A_756 : vector<16xf32>
    %exp3A_758 = math.exp %add3A_757 : vector<16xf32>
    %swap3A_759 = arith.constant 3 : i32
    %swap3A_760 = arith.index_cast %swap3A_759 : i32 to index
    %swap3A_761 = arith.index_cast %mul3A_671 : i32 to index
    %swap3A_762 = tpu.vector_load %arg16[%swap3A_760, %swap3A_761] {strides = array<i32>} : memref<5x80xf32, #tpu.memory_space<vmem>>, vector<16xf32>,
    tpu.vector_store %arg16[%swap3A_760, %swap3A_761], %exp3A_758 {strides = array<i32>} : memref<5x80xf32, #tpu.memory_space<vmem>>, vector<16xf32>,
    %sub3A_763 = arith.subf %gather3A_680, %broadcast_in_dim3A_85 : vector<16xf32>
    %mul3A_764 = arith.mulf %sub3A_763, %sub3A_763 : vector<16xf32>
    %mul3A_765 = arith.mulf %mul3A_764, %broadcast_in_dim3A_130 : vector<16xf32>
    %sub3A_766 = arith.subf %gather3A_689, %broadcast_in_dim3A_88 : vector<16xf32>
    %mul3A_767 = arith.mulf %sub3A_766, %sub3A_766 : vector<16xf32>
    %mul3A_768 = arith.mulf %mul3A_767, %broadcast_in_dim3A_133 : vector<16xf32>
    %add3A_769 = arith.addf %mul3A_765, %mul3A_768 : vector<16xf32>
    %sub3A_770 = arith.subf %gather3A_698, %broadcast_in_dim3A_91 : vector<16xf32>
    %mul3A_771 = arith.mulf %sub3A_770, %sub3A_770 : vector<16xf32>
    %mul3A_772 = arith.mulf %mul3A_771, %broadcast_in_dim3A_136 : vector<16xf32>
    %add3A_773 = arith.addf %add3A_769, %mul3A_772 : vector<16xf32>
    %exp3A_774 = math.exp %add3A_773 : vector<16xf32>
    %swap3A_775 = arith.constant 4 : i32
    %swap3A_776 = arith.index_cast %swap3A_775 : i32 to index
    %swap3A_777 = arith.index_cast %mul3A_671 : i32 to index
    %swap3A_778 = tpu.vector_load %arg16[%swap3A_776, %swap3A_777] {strides = array<i32>} : memref<5x80xf32, #tpu.memory_space<vmem>>, vector<16xf32>,
    tpu.vector_store %arg16[%swap3A_776, %swap3A_777], %exp3A_774 {strides = array<i32>} : memref<5x80xf32, #tpu.memory_space<vmem>>, vector<16xf32>,
    %scan3A_779 = arith.constant 0 : i32
    %scan3A_780 = arith.constant 1 : i32
    %scan3A_781 = arith.constant 0 : i32
    %scan3A_782 = arith.constant 0 : i32
    %mul3A_783 = arith.constant 2 : i32
    %mul3A_784 = arith.muli %scan3A_782, %mul3A_783 : i32
    %add3A_785 = arith.constant 0 : i32
    %add3A_786 = arith.addi %mul3A_784, %add3A_785 : i32
    %broadcast_in_dim3A_787 = vector.broadcast %add3A_786 : i32 to vector<16xi32>
    %gather3A_788 = tpu.vector_load_idx %arg16[%broadcast_in_dim3A_138, %broadcast_in_dim3A_787] : memref<5x80xf32, #tpu.memory_space<vmem>>[vector<16xi32>, vector<16xi32>], vector<16xf32>,
    %gather3A_789 = tpu.vector_load_idx %arg16[%broadcast_in_dim3A_140, %broadcast_in_dim3A_787] : memref<5x80xf32, #tpu.memory_space<vmem>>[vector<16xi32>, vector<16xi32>], vector<16xf32>,
    %gather3A_790 = tpu.vector_load_idx %arg16[%broadcast_in_dim3A_142, %broadcast_in_dim3A_787] : memref<5x80xf32, #tpu.memory_space<vmem>>[vector<16xi32>, vector<16xi32>], vector<16xf32>,
    %gather3A_791 = tpu.vector_load_idx %arg16[%broadcast_in_dim3A_144, %broadcast_in_dim3A_787] : memref<5x80xf32, #tpu.memory_space<vmem>>[vector<16xi32>, vector<16xi32>], vector<16xf32>,
    %gather3A_792 = tpu.vector_load_idx %arg16[%broadcast_in_dim3A_146, %broadcast_in_dim3A_787] : memref<5x80xf32, #tpu.memory_space<vmem>>[vector<16xi32>, vector<16xi32>], vector<16xf32>,
    %get3A_793 = arith.constant 1 : i32
    %get3A_794 = arith.index_cast %get3A_793 : i32 to index
    %get3A_795 = arith.index_cast %add3A_786 : i32 to index
    %get3A_796 = arith.constant 0 : index
    %get3A_797 = tpu.vector_load %arg12[%get3A_794, %get3A_795, %get3A_796] {strides = array<i32>} : memref<2x80x320xbf16, #tpu.memory_space<vmem>>, vector<32xbf16>,
    %bitcast3A_798 = vector.bitcast %get3A_797 : vector<32xbf16> to vector<16xi32>
    %shift_left3A_799 = arith.constant 16 : i32
    %shift_left3A_800 = vector.broadcast %shift_left3A_799 : i32 to vector<16xi32>
    %shift_left3A_801 = arith.shli %bitcast3A_798, %shift_left3A_800 : vector<16xi32>
    %bitcast3A_802 = vector.bitcast %shift_left3A_801 : vector<16xi32> to vector<16xf32>
    %and3A_803 = arith.constant -65536 : i32
    %and3A_804 = vector.broadcast %and3A_803 : i32 to vector<16xi32>
    %and3A_805 = arith.andi %bitcast3A_798, %and3A_804 : vector<16xi32>
    %bitcast3A_806 = vector.bitcast %and3A_805 : vector<16xi32> to vector<16xf32>
    %mul3A_807 = arith.mulf %gather3A_788, %bitcast3A_802 : vector<16xf32>
    %mul3A_808 = arith.mulf %gather3A_788, %bitcast3A_806 : vector<16xf32>
    %get3A_809 = arith.constant 1 : i32
    %get3A_810 = arith.index_cast %get3A_809 : i32 to index
    %get3A_811 = arith.index_cast %add3A_786 : i32 to index
    %get3A_812 = arith.constant 32 : index
    %get3A_813 = tpu.vector_load %arg12[%get3A_810, %get3A_811, %get3A_812] {strides = array<i32>} : memref<2x80x320xbf16, #tpu.memory_space<vmem>>, vector<32xbf16>,
    %bitcast3A_814 = vector.bitcast %get3A_813 : vector<32xbf16> to vector<16xi32>
    %shift_left3A_815 = arith.constant 16 : i32
    %shift_left3A_816 = vector.broadcast %shift_left3A_815 : i32 to vector<16xi32>
    %shift_left3A_817 = arith.shli %bitcast3A_814, %shift_left3A_816 : vector<16xi32>
    %bitcast3A_818 = vector.bitcast %shift_left3A_817 : vector<16xi32> to vector<16xf32>
    %and3A_819 = arith.constant -65536 : i32
    %and3A_820 = vector.broadcast %and3A_819 : i32 to vector<16xi32>
    %and3A_821 = arith.andi %bitcast3A_814, %and3A_820 : vector<16xi32>
    %bitcast3A_822 = vector.bitcast %and3A_821 : vector<16xi32> to vector<16xf32>
    %mul3A_823 = arith.mulf %gather3A_788, %bitcast3A_818 : vector<16xf32>
    %mul3A_824 = arith.mulf %gather3A_788, %bitcast3A_822 : vector<16xf32>
    %get3A_825 = arith.constant 1 : i32
    %get3A_826 = arith.index_cast %get3A_825 : i32 to index
    %get3A_827 = arith.index_cast %add3A_786 : i32 to index
    %get3A_828 = arith.constant 64 : index
    %get3A_829 = tpu.vector_load %arg12[%get3A_826, %get3A_827, %get3A_828] {strides = array<i32>} : memref<2x80x320xbf16, #tpu.memory_space<vmem>>, vector<32xbf16>,
    %bitcast3A_830 = vector.bitcast %get3A_829 : vector<32xbf16> to vector<16xi32>
    %shift_left3A_831 = arith.constant 16 : i32
    %shift_left3A_832 = vector.broadcast %shift_left3A_831 : i32 to vector<16xi32>
    %shift_left3A_833 = arith.shli %bitcast3A_830, %shift_left3A_832 : vector<16xi32>
    %bitcast3A_834 = vector.bitcast %shift_left3A_833 : vector<16xi32> to vector<16xf32>
    %and3A_835 = arith.constant -65536 : i32
    %and3A_836 = vector.broadcast %and3A_835 : i32 to vector<16xi32>
    %and3A_837 = arith.andi %bitcast3A_830, %and3A_836 : vector<16xi32>
    %bitcast3A_838 = vector.bitcast %and3A_837 : vector<16xi32> to vector<16xf32>
    %mul3A_839 = arith.mulf %gather3A_789, %bitcast3A_834 : vector<16xf32>
    %mul3A_840 = arith.mulf %gather3A_789, %bitcast3A_838 : vector<16xf32>
    %get3A_841 = arith.constant 1 : i32
    %get3A_842 = arith.index_cast %get3A_841 : i32 to index
    %get3A_843 = arith.index_cast %add3A_786 : i32 to index
    %get3A_844 = arith.constant 96 : index
    %get3A_845 = tpu.vector_load %arg12[%get3A_842, %get3A_843, %get3A_844] {strides = array<i32>} : memref<2x80x320xbf16, #tpu.memory_space<vmem>>, vector<32xbf16>,
    %bitcast3A_846 = vector.bitcast %get3A_845 : vector<32xbf16> to vector<16xi32>
    %shift_left3A_847 = arith.constant 16 : i32
    %shift_left3A_848 = vector.broadcast %shift_left3A_847 : i32 to vector<16xi32>
    %shift_left3A_849 = arith.shli %bitcast3A_846, %shift_left3A_848 : vector<16xi32>
    %bitcast3A_850 = vector.bitcast %shift_left3A_849 : vector<16xi32> to vector<16xf32>
    %and3A_851 = arith.constant -65536 : i32
    %and3A_852 = vector.broadcast %and3A_851 : i32 to vector<16xi32>
    %and3A_853 = arith.andi %bitcast3A_846, %and3A_852 : vector<16xi32>
    %bitcast3A_854 = vector.bitcast %and3A_853 : vector<16xi32> to vector<16xf32>
    %mul3A_855 = arith.mulf %gather3A_789, %bitcast3A_850 : vector<16xf32>
    %mul3A_856 = arith.mulf %gather3A_789, %bitcast3A_854 : vector<16xf32>
    %get3A_857 = arith.constant 1 : i32
    %get3A_858 = arith.index_cast %get3A_857 : i32 to index
    %get3A_859 = arith.index_cast %add3A_786 : i32 to index
    %get3A_860 = arith.constant 128 : index
    %get3A_861 = tpu.vector_load %arg12[%get3A_858, %get3A_859, %get3A_860] {strides = array<i32>} : memref<2x80x320xbf16, #tpu.memory_space<vmem>>, vector<32xbf16>,
    %bitcast3A_862 = vector.bitcast %get3A_861 : vector<32xbf16> to vector<16xi32>
    %shift_left3A_863 = arith.constant 16 : i32
    %shift_left3A_864 = vector.broadcast %shift_left3A_863 : i32 to vector<16xi32>
    %shift_left3A_865 = arith.shli %bitcast3A_862, %shift_left3A_864 : vector<16xi32>
    %bitcast3A_866 = vector.bitcast %shift_left3A_865 : vector<16xi32> to vector<16xf32>
    %and3A_867 = arith.constant -65536 : i32
    %and3A_868 = vector.broadcast %and3A_867 : i32 to vector<16xi32>
    %and3A_869 = arith.andi %bitcast3A_862, %and3A_868 : vector<16xi32>
    %bitcast3A_870 = vector.bitcast %and3A_869 : vector<16xi32> to vector<16xf32>
    %mul3A_871 = arith.mulf %gather3A_790, %bitcast3A_866 : vector<16xf32>
    %mul3A_872 = arith.mulf %gather3A_790, %bitcast3A_870 : vector<16xf32>
    %get3A_873 = arith.constant 1 : i32
    %get3A_874 = arith.index_cast %get3A_873 : i32 to index
    %get3A_875 = arith.index_cast %add3A_786 : i32 to index
    %get3A_876 = arith.constant 160 : index
    %get3A_877 = tpu.vector_load %arg12[%get3A_874, %get3A_875, %get3A_876] {strides = array<i32>} : memref<2x80x320xbf16, #tpu.memory_space<vmem>>, vector<32xbf16>,
    %bitcast3A_878 = vector.bitcast %get3A_877 : vector<32xbf16> to vector<16xi32>
    %shift_left3A_879 = arith.constant 16 : i32
    %shift_left3A_880 = vector.broadcast %shift_left3A_879 : i32 to vector<16xi32>
    %shift_left3A_881 = arith.shli %bitcast3A_878, %shift_left3A_880 : vector<16xi32>
    %bitcast3A_882 = vector.bitcast %shift_left3A_881 : vector<16xi32> to vector<16xf32>
    %and3A_883 = arith.constant -65536 : i32
    %and3A_884 = vector.broadcast %and3A_883 : i32 to vector<16xi32>
    %and3A_885 = arith.andi %bitcast3A_878, %and3A_884 : vector<16xi32>
    %bitcast3A_886 = vector.bitcast %and3A_885 : vector<16xi32> to vector<16xf32>
    %mul3A_887 = arith.mulf %gather3A_790, %bitcast3A_882 : vector<16xf32>
    %mul3A_888 = arith.mulf %gather3A_790, %bitcast3A_886 : vector<16xf32>
    %get3A_889 = arith.constant 1 : i32
    %get3A_890 = arith.index_cast %get3A_889 : i32 to index
    %get3A_891 = arith.index_cast %add3A_786 : i32 to index
    %get3A_892 = arith.constant 192 : index
    %get3A_893 = tpu.vector_load %arg12[%get3A_890, %get3A_891, %get3A_892] {strides = array<i32>} : memref<2x80x320xbf16, #tpu.memory_space<vmem>>, vector<32xbf16>,
    %bitcast3A_894 = vector.bitcast %get3A_893 : vector<32xbf16> to vector<16xi32>
    %shift_left3A_895 = arith.constant 16 : i32
    %shift_left3A_896 = vector.broadcast %shift_left3A_895 : i32 to vector<16xi32>
    %shift_left3A_897 = arith.shli %bitcast3A_894, %shift_left3A_896 : vector<16xi32>
    %bitcast3A_898 = vector.bitcast %shift_left3A_897 : vector<16xi32> to vector<16xf32>
    %and3A_899 = arith.constant -65536 : i32
    %and3A_900 = vector.broadcast %and3A_899 : i32 to vector<16xi32>
    %and3A_901 = arith.andi %bitcast3A_894, %and3A_900 : vector<16xi32>
    %bitcast3A_902 = vector.bitcast %and3A_901 : vector<16xi32> to vector<16xf32>
    %mul3A_903 = arith.mulf %gather3A_791, %bitcast3A_898 : vector<16xf32>
    %mul3A_904 = arith.mulf %gather3A_791, %bitcast3A_902 : vector<16xf32>
    %get3A_905 = arith.constant 1 : i32
    %get3A_906 = arith.index_cast %get3A_905 : i32 to index
    %get3A_907 = arith.index_cast %add3A_786 : i32 to index
    %get3A_908 = arith.constant 224 : index
    %get3A_909 = tpu.vector_load %arg12[%get3A_906, %get3A_907, %get3A_908] {strides = array<i32>} : memref<2x80x320xbf16, #tpu.memory_space<vmem>>, vector<32xbf16>,
    %bitcast3A_910 = vector.bitcast %get3A_909 : vector<32xbf16> to vector<16xi32>
    %shift_left3A_911 = arith.constant 16 : i32
    %shift_left3A_912 = vector.broadcast %shift_left3A_911 : i32 to vector<16xi32>
    %shift_left3A_913 = arith.shli %bitcast3A_910, %shift_left3A_912 : vector<16xi32>
    %bitcast3A_914 = vector.bitcast %shift_left3A_913 : vector<16xi32> to vector<16xf32>
    %and3A_915 = arith.constant -65536 : i32
    %and3A_916 = vector.broadcast %and3A_915 : i32 to vector<16xi32>
    %and3A_917 = arith.andi %bitcast3A_910, %and3A_916 : vector<16xi32>
    %bitcast3A_918 = vector.bitcast %and3A_917 : vector<16xi32> to vector<16xf32>
    %mul3A_919 = arith.mulf %gather3A_791, %bitcast3A_914 : vector<16xf32>
    %mul3A_920 = arith.mulf %gather3A_791, %bitcast3A_918 : vector<16xf32>
    %get3A_921 = arith.constant 1 : i32
    %get3A_922 = arith.index_cast %get3A_921 : i32 to index
    %get3A_923 = arith.index_cast %add3A_786 : i32 to index
    %get3A_924 = arith.constant 256 : index
    %get3A_925 = tpu.vector_load %arg12[%get3A_922, %get3A_923, %get3A_924] {strides = array<i32>} : memref<2x80x320xbf16, #tpu.memory_space<vmem>>, vector<32xbf16>,
    %bitcast3A_926 = vector.bitcast %get3A_925 : vector<32xbf16> to vector<16xi32>
    %shift_left3A_927 = arith.constant 16 : i32
    %shift_left3A_928 = vector.broadcast %shift_left3A_927 : i32 to vector<16xi32>
    %shift_left3A_929 = arith.shli %bitcast3A_926, %shift_left3A_928 : vector<16xi32>
    %bitcast3A_930 = vector.bitcast %shift_left3A_929 : vector<16xi32> to vector<16xf32>
    %and3A_931 = arith.constant -65536 : i32
    %and3A_932 = vector.broadcast %and3A_931 : i32 to vector<16xi32>
    %and3A_933 = arith.andi %bitcast3A_926, %and3A_932 : vector<16xi32>
    %bitcast3A_934 = vector.bitcast %and3A_933 : vector<16xi32> to vector<16xf32>
    %mul3A_935 = arith.mulf %gather3A_792, %bitcast3A_930 : vector<16xf32>
    %mul3A_936 = arith.mulf %gather3A_792, %bitcast3A_934 : vector<16xf32>
    %get3A_937 = arith.constant 1 : i32
    %get3A_938 = arith.index_cast %get3A_937 : i32 to index
    %get3A_939 = arith.index_cast %add3A_786 : i32 to index
    %get3A_940 = arith.constant 288 : index
    %get3A_941 = tpu.vector_load %arg12[%get3A_938, %get3A_939, %get3A_940] {strides = array<i32>} : memref<2x80x320xbf16, #tpu.memory_space<vmem>>, vector<32xbf16>,
    %bitcast3A_942 = vector.bitcast %get3A_941 : vector<32xbf16> to vector<16xi32>
    %shift_left3A_943 = arith.constant 16 : i32
    %shift_left3A_944 = vector.broadcast %shift_left3A_943 : i32 to vector<16xi32>
    %shift_left3A_945 = arith.shli %bitcast3A_942, %shift_left3A_944 : vector<16xi32>
    %bitcast3A_946 = vector.bitcast %shift_left3A_945 : vector<16xi32> to vector<16xf32>
    %and3A_947 = arith.constant -65536 : i32
    %and3A_948 = vector.broadcast %and3A_947 : i32 to vector<16xi32>
    %and3A_949 = arith.andi %bitcast3A_942, %and3A_948 : vector<16xi32>
    %bitcast3A_950 = vector.bitcast %and3A_949 : vector<16xi32> to vector<16xf32>
    %mul3A_951 = arith.mulf %gather3A_792, %bitcast3A_946 : vector<16xf32>
    %mul3A_952 = arith.mulf %gather3A_792, %bitcast3A_950 : vector<16xf32>
    %add3A_953 = arith.addf %mul3A_807, %mul3A_839 : vector<16xf32>
    %add3A_954 = arith.addf %mul3A_871, %mul3A_903 : vector<16xf32>
    %add3A_955 = arith.addf %add3A_953, %add3A_954 : vector<16xf32>
    %add3A_956 = arith.addf %add3A_955, %mul3A_935 : vector<16xf32>
    %swap3A_957 = arith.index_cast %add3A_786 : i32 to index
    %swap3A_958 = arith.constant 0 : index
    %swap3A_959 = tpu.vector_load %arg13[%swap3A_957, %swap3A_958] {strides = array<i32>} : memref<80x64xf32, #tpu.memory_space<vmem>>, vector<16xf32>,
    tpu.vector_store %arg13[%swap3A_957, %swap3A_958], %add3A_956 {strides = array<i32>} : memref<80x64xf32, #tpu.memory_space<vmem>>, vector<16xf32>,
    %add3A_960 = arith.addf %mul3A_808, %mul3A_840 : vector<16xf32>
    %add3A_961 = arith.addf %mul3A_872, %mul3A_904 : vector<16xf32>
    %add3A_962 = arith.addf %add3A_960, %add3A_961 : vector<16xf32>
    %add3A_963 = arith.addf %add3A_962, %mul3A_936 : vector<16xf32>
    %swap3A_964 = arith.index_cast %add3A_786 : i32 to index
    %swap3A_965 = arith.constant 16 : index
    %swap3A_966 = tpu.vector_load %arg13[%swap3A_964, %swap3A_965] {strides = array<i32>} : memref<80x64xf32, #tpu.memory_space<vmem>>, vector<16xf32>,
    tpu.vector_store %arg13[%swap3A_964, %swap3A_965], %add3A_963 {strides = array<i32>} : memref<80x64xf32, #tpu.memory_space<vmem>>, vector<16xf32>,
    %add3A_967 = arith.addf %mul3A_823, %mul3A_855 : vector<16xf32>
    %add3A_968 = arith.addf %mul3A_887, %mul3A_919 : vector<16xf32>
    %add3A_969 = arith.addf %add3A_967, %add3A_968 : vector<16xf32>
    %add3A_970 = arith.addf %add3A_969, %mul3A_951 : vector<16xf32>
    %swap3A_971 = arith.index_cast %add3A_786 : i32 to index
    %swap3A_972 = arith.constant 32 : index
    %swap3A_973 = tpu.vector_load %arg13[%swap3A_971, %swap3A_972] {strides = array<i32>} : memref<80x64xf32, #tpu.memory_space<vmem>>, vector<16xf32>,
    tpu.vector_store %arg13[%swap3A_971, %swap3A_972], %add3A_970 {strides = array<i32>} : memref<80x64xf32, #tpu.memory_space<vmem>>, vector<16xf32>,
    %add3A_974 = arith.addf %mul3A_824, %mul3A_856 : vector<16xf32>
    %add3A_975 = arith.addf %mul3A_888, %mul3A_920 : vector<16xf32>
    %add3A_976 = arith.addf %add3A_974, %add3A_975 : vector<16xf32>
    %add3A_977 = arith.addf %add3A_976, %mul3A_952 : vector<16xf32>
    %swap3A_978 = arith.index_cast %add3A_786 : i32 to index
    %swap3A_979 = arith.constant 48 : index
    %swap3A_980 = tpu.vector_load %arg13[%swap3A_978, %swap3A_979] {strides = array<i32>} : memref<80x64xf32, #tpu.memory_space<vmem>>, vector<16xf32>,
    tpu.vector_store %arg13[%swap3A_978, %swap3A_979], %add3A_977 {strides = array<i32>} : memref<80x64xf32, #tpu.memory_space<vmem>>, vector<16xf32>,
    %mul3A_981 = arith.constant 2 : i32
    %mul3A_982 = arith.muli %scan3A_782, %mul3A_981 : i32
    %add3A_983 = arith.constant 1 : i32
    %add3A_984 = arith.addi %mul3A_982, %add3A_983 : i32
    %broadcast_in_dim3A_985 = vector.broadcast %add3A_984 : i32 to vector<16xi32>
    %gather3A_986 = tpu.vector_load_idx %arg16[%broadcast_in_dim3A_138, %broadcast_in_dim3A_985] : memref<5x80xf32, #tpu.memory_space<vmem>>[vector<16xi32>, vector<16xi32>], vector<16xf32>,
    %gather3A_987 = tpu.vector_load_idx %arg16[%broadcast_in_dim3A_140, %broadcast_in_dim3A_985] : memref<5x80xf32, #tpu.memory_space<vmem>>[vector<16xi32>, vector<16xi32>], vector<16xf32>,
    %gather3A_988 = tpu.vector_load_idx %arg16[%broadcast_in_dim3A_142, %broadcast_in_dim3A_985] : memref<5x80xf32, #tpu.memory_space<vmem>>[vector<16xi32>, vector<16xi32>], vector<16xf32>,
    %gather3A_989 = tpu.vector_load_idx %arg16[%broadcast_in_dim3A_144, %broadcast_in_dim3A_985] : memref<5x80xf32, #tpu.memory_space<vmem>>[vector<16xi32>, vector<16xi32>], vector<16xf32>,
    %gather3A_990 = tpu.vector_load_idx %arg16[%broadcast_in_dim3A_146, %broadcast_in_dim3A_985] : memref<5x80xf32, #tpu.memory_space<vmem>>[vector<16xi32>, vector<16xi32>], vector<16xf32>,
    %get3A_991 = arith.constant 1 : i32
    %get3A_992 = arith.index_cast %get3A_991 : i32 to index
    %get3A_993 = arith.index_cast %add3A_984 : i32 to index
    %get3A_994 = arith.constant 0 : index
    %get3A_995 = tpu.vector_load %arg12[%get3A_992, %get3A_993, %get3A_994] {strides = array<i32>} : memref<2x80x320xbf16, #tpu.memory_space<vmem>>, vector<32xbf16>,
    %bitcast3A_996 = vector.bitcast %get3A_995 : vector<32xbf16> to vector<16xi32>
    %shift_left3A_997 = arith.constant 16 : i32
    %shift_left3A_998 = vector.broadcast %shift_left3A_997 : i32 to vector<16xi32>
    %shift_left3A_999 = arith.shli %bitcast3A_996, %shift_left3A_998 : vector<16xi32>
    %bitcast3A_1000 = vector.bitcast %shift_left3A_999 : vector<16xi32> to vector<16xf32>
    %and3A_1001 = arith.constant -65536 : i32
    %and3A_1002 = vector.broadcast %and3A_1001 : i32 to vector<16xi32>
    %and3A_1003 = arith.andi %bitcast3A_996, %and3A_1002 : vector<16xi32>
    %bitcast3A_1004 = vector.bitcast %and3A_1003 : vector<16xi32> to vector<16xf32>
    %mul3A_1005 = arith.mulf %gather3A_986, %bitcast3A_1000 : vector<16xf32>
    %mul3A_1006 = arith.mulf %gather3A_986, %bitcast3A_1004 : vector<16xf32>
    %get3A_1007 = arith.constant 1 : i32
    %get3A_1008 = arith.index_cast %get3A_1007 : i32 to index
    %get3A_1009 = arith.index_cast %add3A_984 : i32 to index
    %get3A_1010 = arith.constant 32 : index
    %get3A_1011 = tpu.vector_load %arg12[%get3A_1008, %get3A_1009, %get3A_1010] {strides = array<i32>} : memref<2x80x320xbf16, #tpu.memory_space<vmem>>, vector<32xbf16>,
    %bitcast3A_1012 = vector.bitcast %get3A_1011 : vector<32xbf16> to vector<16xi32>
    %shift_left3A_1013 = arith.constant 16 : i32
    %shift_left3A_1014 = vector.broadcast %shift_left3A_1013 : i32 to vector<16xi32>
    %shift_left3A_1015 = arith.shli %bitcast3A_1012, %shift_left3A_1014 : vector<16xi32>
    %bitcast3A_1016 = vector.bitcast %shift_left3A_1015 : vector<16xi32> to vector<16xf32>
    %and3A_1017 = arith.constant -65536 : i32
    %and3A_1018 = vector.broadcast %and3A_1017 : i32 to vector<16xi32>
    %and3A_1019 = arith.andi %bitcast3A_1012, %and3A_1018 : vector<16xi32>
    %bitcast3A_1020 = vector.bitcast %and3A_1019 : vector<16xi32> to vector<16xf32>
    %mul3A_1021 = arith.mulf %gather3A_986, %bitcast3A_1016 : vector<16xf32>
    %mul3A_1022 = arith.mulf %gather3A_986, %bitcast3A_1020 : vector<16xf32>
    %get3A_1023 = arith.constant 1 : i32
    %get3A_1024 = arith.index_cast %get3A_1023 : i32 to index
    %get3A_1025 = arith.index_cast %add3A_984 : i32 to index
    %get3A_1026 = arith.constant 64 : index
    %get3A_1027 = tpu.vector_load %arg12[%get3A_1024, %get3A_1025, %get3A_1026] {strides = array<i32>} : memref<2x80x320xbf16, #tpu.memory_space<vmem>>, vector<32xbf16>,
    %bitcast3A_1028 = vector.bitcast %get3A_1027 : vector<32xbf16> to vector<16xi32>
    %shift_left3A_1029 = arith.constant 16 : i32
    %shift_left3A_1030 = vector.broadcast %shift_left3A_1029 : i32 to vector<16xi32>
    %shift_left3A_1031 = arith.shli %bitcast3A_1028, %shift_left3A_1030 : vector<16xi32>
    %bitcast3A_1032 = vector.bitcast %shift_left3A_1031 : vector<16xi32> to vector<16xf32>
    %and3A_1033 = arith.constant -65536 : i32
    %and3A_1034 = vector.broadcast %and3A_1033 : i32 to vector<16xi32>
    %and3A_1035 = arith.andi %bitcast3A_1028, %and3A_1034 : vector<16xi32>
    %bitcast3A_1036 = vector.bitcast %and3A_1035 : vector<16xi32> to vector<16xf32>
    %mul3A_1037 = arith.mulf %gather3A_987, %bitcast3A_1032 : vector<16xf32>
    %mul3A_1038 = arith.mulf %gather3A_987, %bitcast3A_1036 : vector<16xf32>
    %get3A_1039 = arith.constant 1 : i32
    %get3A_1040 = arith.index_cast %get3A_1039 : i32 to index
    %get3A_1041 = arith.index_cast %add3A_984 : i32 to index
    %get3A_1042 = arith.constant 96 : index
    %get3A_1043 = tpu.vector_load %arg12[%get3A_1040, %get3A_1041, %get3A_1042] {strides = array<i32>} : memref<2x80x320xbf16, #tpu.memory_space<vmem>>, vector<32xbf16>,
    %bitcast3A_1044 = vector.bitcast %get3A_1043 : vector<32xbf16> to vector<16xi32>
    %shift_left3A_1045 = arith.constant 16 : i32
    %shift_left3A_1046 = vector.broadcast %shift_left3A_1045 : i32 to vector<16xi32>
    %shift_left3A_1047 = arith.shli %bitcast3A_1044, %shift_left3A_1046 : vector<16xi32>
    %bitcast3A_1048 = vector.bitcast %shift_left3A_1047 : vector<16xi32> to vector<16xf32>
    %and3A_1049 = arith.constant -65536 : i32
    %and3A_1050 = vector.broadcast %and3A_1049 : i32 to vector<16xi32>
    %and3A_1051 = arith.andi %bitcast3A_1044, %and3A_1050 : vector<16xi32>
    %bitcast3A_1052 = vector.bitcast %and3A_1051 : vector<16xi32> to vector<16xf32>
    %mul3A_1053 = arith.mulf %gather3A_987, %bitcast3A_1048 : vector<16xf32>
    %mul3A_1054 = arith.mulf %gather3A_987, %bitcast3A_1052 : vector<16xf32>
    %get3A_1055 = arith.constant 1 : i32
    %get3A_1056 = arith.index_cast %get3A_1055 : i32 to index
    %get3A_1057 = arith.index_cast %add3A_984 : i32 to index
    %get3A_1058 = arith.constant 128 : index
    %get3A_1059 = tpu.vector_load %arg12[%get3A_1056, %get3A_1057, %get3A_1058] {strides = array<i32>} : memref<2x80x320xbf16, #tpu.memory_space<vmem>>, vector<32xbf16>,
    %bitcast3A_1060 = vector.bitcast %get3A_1059 : vector<32xbf16> to vector<16xi32>
    %shift_left3A_1061 = arith.constant 16 : i32
    %shift_left3A_1062 = vector.broadcast %shift_left3A_1061 : i32 to vector<16xi32>
    %shift_left3A_1063 = arith.shli %bitcast3A_1060, %shift_left3A_1062 : vector<16xi32>
    %bitcast3A_1064 = vector.bitcast %shift_left3A_1063 : vector<16xi32> to vector<16xf32>
    %and3A_1065 = arith.constant -65536 : i32
    %and3A_1066 = vector.broadcast %and3A_1065 : i32 to vector<16xi32>
    %and3A_1067 = arith.andi %bitcast3A_1060, %and3A_1066 : vector<16xi32>
    %bitcast3A_1068 = vector.bitcast %and3A_1067 : vector<16xi32> to vector<16xf32>
    %mul3A_1069 = arith.mulf %gather3A_988, %bitcast3A_1064 : vector<16xf32>
    %mul3A_1070 = arith.mulf %gather3A_988, %bitcast3A_1068 : vector<16xf32>
    %get3A_1071 = arith.constant 1 : i32
    %get3A_1072 = arith.index_cast %get3A_1071 : i32 to index
    %get3A_1073 = arith.index_cast %add3A_984 : i32 to index
    %get3A_1074 = arith.constant 160 : index
    %get3A_1075 = tpu.vector_load %arg12[%get3A_1072, %get3A_1073, %get3A_1074] {strides = array<i32>} : memref<2x80x320xbf16, #tpu.memory_space<vmem>>, vector<32xbf16>,
    %bitcast3A_1076 = vector.bitcast %get3A_1075 : vector<32xbf16> to vector<16xi32>
    %shift_left3A_1077 = arith.constant 16 : i32
    %shift_left3A_1078 = vector.broadcast %shift_left3A_1077 : i32 to vector<16xi32>
    %shift_left3A_1079 = arith.shli %bitcast3A_1076, %shift_left3A_1078 : vector<16xi32>
    %bitcast3A_1080 = vector.bitcast %shift_left3A_1079 : vector<16xi32> to vector<16xf32>
    %and3A_1081 = arith.constant -65536 : i32
    %and3A_1082 = vector.broadcast %and3A_1081 : i32 to vector<16xi32>
    %and3A_1083 = arith.andi %bitcast3A_1076, %and3A_1082 : vector<16xi32>
    %bitcast3A_1084 = vector.bitcast %and3A_1083 : vector<16xi32> to vector<16xf32>
    %mul3A_1085 = arith.mulf %gather3A_988, %bitcast3A_1080 : vector<16xf32>
    %mul3A_1086 = arith.mulf %gather3A_988, %bitcast3A_1084 : vector<16xf32>
    %get3A_1087 = arith.constant 1 : i32
    %get3A_1088 = arith.index_cast %get3A_1087 : i32 to index
    %get3A_1089 = arith.index_cast %add3A_984 : i32 to index
    %get3A_1090 = arith.constant 192 : index
    %get3A_1091 = tpu.vector_load %arg12[%get3A_1088, %get3A_1089, %get3A_1090] {strides = array<i32>} : memref<2x80x320xbf16, #tpu.memory_space<vmem>>, vector<32xbf16>,
    %bitcast3A_1092 = vector.bitcast %get3A_1091 : vector<32xbf16> to vector<16xi32>
    %shift_left3A_1093 = arith.constant 16 : i32
    %shift_left3A_1094 = vector.broadcast %shift_left3A_1093 : i32 to vector<16xi32>
    %shift_left3A_1095 = arith.shli %bitcast3A_1092, %shift_left3A_1094 : vector<16xi32>
    %bitcast3A_1096 = vector.bitcast %shift_left3A_1095 : vector<16xi32> to vector<16xf32>
    %and3A_1097 = arith.constant -65536 : i32
    %and3A_1098 = vector.broadcast %and3A_1097 : i32 to vector<16xi32>
    %and3A_1099 = arith.andi %bitcast3A_1092, %and3A_1098 : vector<16xi32>
    %bitcast3A_1100 = vector.bitcast %and3A_1099 : vector<16xi32> to vector<16xf32>
    %mul3A_1101 = arith.mulf %gather3A_989, %bitcast3A_1096 : vector<16xf32>
    %mul3A_1102 = arith.mulf %gather3A_989, %bitcast3A_1100 : vector<16xf32>
    %get3A_1103 = arith.constant 1 : i32
    %get3A_1104 = arith.index_cast %get3A_1103 : i32 to index
    %get3A_1105 = arith.index_cast %add3A_984 : i32 to index
    %get3A_1106 = arith.constant 224 : index
    %get3A_1107 = tpu.vector_load %arg12[%get3A_1104, %get3A_1105, %get3A_1106] {strides = array<i32>} : memref<2x80x320xbf16, #tpu.memory_space<vmem>>, vector<32xbf16>,
    %bitcast3A_1108 = vector.bitcast %get3A_1107 : vector<32xbf16> to vector<16xi32>
    %shift_left3A_1109 = arith.constant 16 : i32
    %shift_left3A_1110 = vector.broadcast %shift_left3A_1109 : i32 to vector<16xi32>
    %shift_left3A_1111 = arith.shli %bitcast3A_1108, %shift_left3A_1110 : vector<16xi32>
    %bitcast3A_1112 = vector.bitcast %shift_left3A_1111 : vector<16xi32> to vector<16xf32>
    %and3A_1113 = arith.constant -65536 : i32
    %and3A_1114 = vector.broadcast %and3A_1113 : i32 to vector<16xi32>
    %and3A_1115 = arith.andi %bitcast3A_1108, %and3A_1114 : vector<16xi32>
    %bitcast3A_1116 = vector.bitcast %and3A_1115 : vector<16xi32> to vector<16xf32>
    %mul3A_1117 = arith.mulf %gather3A_989, %bitcast3A_1112 : vector<16xf32>
    %mul3A_1118 = arith.mulf %gather3A_989, %bitcast3A_1116 : vector<16xf32>
    %get3A_1119 = arith.constant 1 : i32
    %get3A_1120 = arith.index_cast %get3A_1119 : i32 to index
    %get3A_1121 = arith.index_cast %add3A_984 : i32 to index
    %get3A_1122 = arith.constant 256 : index
    %get3A_1123 = tpu.vector_load %arg12[%get3A_1120, %get3A_1121, %get3A_1122] {strides = array<i32>} : memref<2x80x320xbf16, #tpu.memory_space<vmem>>, vector<32xbf16>,
    %bitcast3A_1124 = vector.bitcast %get3A_1123 : vector<32xbf16> to vector<16xi32>
    %shift_left3A_1125 = arith.constant 16 : i32
    %shift_left3A_1126 = vector.broadcast %shift_left3A_1125 : i32 to vector<16xi32>
    %shift_left3A_1127 = arith.shli %bitcast3A_1124, %shift_left3A_1126 : vector<16xi32>
    %bitcast3A_1128 = vector.bitcast %shift_left3A_1127 : vector<16xi32> to vector<16xf32>
    %and3A_1129 = arith.constant -65536 : i32
    %and3A_1130 = vector.broadcast %and3A_1129 : i32 to vector<16xi32>
    %and3A_1131 = arith.andi %bitcast3A_1124, %and3A_1130 : vector<16xi32>
    %bitcast3A_1132 = vector.bitcast %and3A_1131 : vector<16xi32> to vector<16xf32>
    %mul3A_1133 = arith.mulf %gather3A_990, %bitcast3A_1128 : vector<16xf32>
    %mul3A_1134 = arith.mulf %gather3A_990, %bitcast3A_1132 : vector<16xf32>
    %get3A_1135 = arith.constant 1 : i32
    %get3A_1136 = arith.index_cast %get3A_1135 : i32 to index
    %get3A_1137 = arith.index_cast %add3A_984 : i32 to index
    %get3A_1138 = arith.constant 288 : index
    %get3A_1139 = tpu.vector_load %arg12[%get3A_1136, %get3A_1137, %get3A_1138] {strides = array<i32>} : memref<2x80x320xbf16, #tpu.memory_space<vmem>>, vector<32xbf16>,
    %bitcast3A_1140 = vector.bitcast %get3A_1139 : vector<32xbf16> to vector<16xi32>
    %shift_left3A_1141 = arith.constant 16 : i32
    %shift_left3A_1142 = vector.broadcast %shift_left3A_1141 : i32 to vector<16xi32>
    %shift_left3A_1143 = arith.shli %bitcast3A_1140, %shift_left3A_1142 : vector<16xi32>
    %bitcast3A_1144 = vector.bitcast %shift_left3A_1143 : vector<16xi32> to vector<16xf32>
    %and3A_1145 = arith.constant -65536 : i32
    %and3A_1146 = vector.broadcast %and3A_1145 : i32 to vector<16xi32>
    %and3A_1147 = arith.andi %bitcast3A_1140, %and3A_1146 : vector<16xi32>
    %bitcast3A_1148 = vector.bitcast %and3A_1147 : vector<16xi32> to vector<16xf32>
    %mul3A_1149 = arith.mulf %gather3A_990, %bitcast3A_1144 : vector<16xf32>
    %mul3A_1150 = arith.mulf %gather3A_990, %bitcast3A_1148 : vector<16xf32>
    %add3A_1151 = arith.addf %mul3A_1005, %mul3A_1037 : vector<16xf32>
    %add3A_1152 = arith.addf %mul3A_1069, %mul3A_1101 : vector<16xf32>
    %add3A_1153 = arith.addf %add3A_1151, %add3A_1152 : vector<16xf32>
    %add3A_1154 = arith.addf %add3A_1153, %mul3A_1133 : vector<16xf32>
    %swap3A_1155 = arith.index_cast %add3A_984 : i32 to index
    %swap3A_1156 = arith.constant 0 : index
    %swap3A_1157 = tpu.vector_load %arg13[%swap3A_1155, %swap3A_1156] {strides = array<i32>} : memref<80x64xf32, #tpu.memory_space<vmem>>, vector<16xf32>,
    tpu.vector_store %arg13[%swap3A_1155, %swap3A_1156], %add3A_1154 {strides = array<i32>} : memref<80x64xf32, #tpu.memory_space<vmem>>, vector<16xf32>,
    %add3A_1158 = arith.addf %mul3A_1006, %mul3A_1038 : vector<16xf32>
    %add3A_1159 = arith.addf %mul3A_1070, %mul3A_1102 : vector<16xf32>
    %add3A_1160 = arith.addf %add3A_1158, %add3A_1159 : vector<16xf32>
    %add3A_1161 = arith.addf %add3A_1160, %mul3A_1134 : vector<16xf32>
    %swap3A_1162 = arith.index_cast %add3A_984 : i32 to index
    %swap3A_1163 = arith.constant 16 : index
    %swap3A_1164 = tpu.vector_load %arg13[%swap3A_1162, %swap3A_1163] {strides = array<i32>} : memref<80x64xf32, #tpu.memory_space<vmem>>, vector<16xf32>,
    tpu.vector_store %arg13[%swap3A_1162, %swap3A_1163], %add3A_1161 {strides = array<i32>} : memref<80x64xf32, #tpu.memory_space<vmem>>, vector<16xf32>,
    %add3A_1165 = arith.addf %mul3A_1021, %mul3A_1053 : vector<16xf32>
    %add3A_1166 = arith.addf %mul3A_1085, %mul3A_1117 : vector<16xf32>
    %add3A_1167 = arith.addf %add3A_1165, %add3A_1166 : vector<16xf32>
    %add3A_1168 = arith.addf %add3A_1167, %mul3A_1149 : vector<16xf32>
    %swap3A_1169 = arith.index_cast %add3A_984 : i32 to index
    %swap3A_1170 = arith.constant 32 : index
    %swap3A_1171 = tpu.vector_load %arg13[%swap3A_1169, %swap3A_1170] {strides = array<i32>} : memref<80x64xf32, #tpu.memory_space<vmem>>, vector<16xf32>,
    tpu.vector_store %arg13[%swap3A_1169, %swap3A_1170], %add3A_1168 {strides = array<i32>} : memref<80x64xf32, #tpu.memory_space<vmem>>, vector<16xf32>,
    %add3A_1172 = arith.addf %mul3A_1022, %mul3A_1054 : vector<16xf32>
    %add3A_1173 = arith.addf %mul3A_1086, %mul3A_1118 : vector<16xf32>
    %add3A_1174 = arith.addf %add3A_1172, %add3A_1173 : vector<16xf32>
    %add3A_1175 = arith.addf %add3A_1174, %mul3A_1150 : vector<16xf32>
    %swap3A_1176 = arith.index_cast %add3A_984 : i32 to index
    %swap3A_1177 = arith.constant 48 : index
    %swap3A_1178 = tpu.vector_load %arg13[%swap3A_1176, %swap3A_1177] {strides = array<i32>} : memref<80x64xf32, #tpu.memory_space<vmem>>, vector<16xf32>,
    tpu.vector_store %arg13[%swap3A_1176, %swap3A_1177], %add3A_1175 {strides = array<i32>} : memref<80x64xf32, #tpu.memory_space<vmem>>, vector<16xf32>,
    %scan3A_1179 = arith.constant 0 : i32
    %scan3A_1180 = arith.constant 1 : i32
    %scan3A_1181 = arith.constant 0 : i32
    %scan3A_1182 = arith.constant 1 : i32
    %scan3A_1183 = arith.constant 0 : i32
    %scan3A_1184 = arith.constant 0 : i32
    %mul3A_1185 = arith.constant 16 : i32
    %mul3A_1186 = arith.muli %scan3A_1184, %mul3A_1185 : i32
    %broadcast_in_dim3A_1187 = arith.constant 0 : i32
    %broadcast_in_dim3A_1188 = vector.broadcast %broadcast_in_dim3A_1187 : i32 to vector<16xi32>
    %mul3A_1189 = arith.constant 3 : i32
    %mul3A_1190 = arith.muli %mul3A_1186, %mul3A_1189 : i32
    %add3A_1191 = arith.constant 0 : i32
    %add3A_1192 = arith.addi %mul3A_1190, %add3A_1191 : i32
    %add3A_1193 = vector.broadcast %add3A_1192 : i32 to vector<16xi32>
    %add3A_1194 = arith.addi %mul3A_149, %add3A_1193 : vector<16xi32>
    %gather3A_1195 = tpu.vector_load_idx %arg11[%broadcast_in_dim3A_1188, %add3A_1194] : memref<2x240xf32, #tpu.memory_space<vmem>>[vector<16xi32>, vector<16xi32>], vector<16xf32>,
    %broadcast_in_dim3A_1196 = arith.constant 0 : i32
    %broadcast_in_dim3A_1197 = vector.broadcast %broadcast_in_dim3A_1196 : i32 to vector<16xi32>
    %mul3A_1198 = arith.constant 3 : i32
    %mul3A_1199 = arith.muli %mul3A_1186, %mul3A_1198 : i32
    %add3A_1200 = arith.constant 1 : i32
    %add3A_1201 = arith.addi %mul3A_1199, %add3A_1200 : i32
    %add3A_1202 = vector.broadcast %add3A_1201 : i32 to vector<16xi32>
    %add3A_1203 = arith.addi %mul3A_149, %add3A_1202 : vector<16xi32>
    %gather3A_1204 = tpu.vector_load_idx %arg11[%broadcast_in_dim3A_1197, %add3A_1203] : memref<2x240xf32, #tpu.memory_space<vmem>>[vector<16xi32>, vector<16xi32>], vector<16xf32>,
    %broadcast_in_dim3A_1205 = arith.constant 0 : i32
    %broadcast_in_dim3A_1206 = vector.broadcast %broadcast_in_dim3A_1205 : i32 to vector<16xi32>
    %mul3A_1207 = arith.constant 3 : i32
    %mul3A_1208 = arith.muli %mul3A_1186, %mul3A_1207 : i32
    %add3A_1209 = arith.constant 2 : i32
    %add3A_1210 = arith.addi %mul3A_1208, %add3A_1209 : i32
    %add3A_1211 = vector.broadcast %add3A_1210 : i32 to vector<16xi32>
    %add3A_1212 = arith.addi %mul3A_149, %add3A_1211 : vector<16xi32>
    %gather3A_1213 = tpu.vector_load_idx %arg11[%broadcast_in_dim3A_1206, %add3A_1212] : memref<2x240xf32, #tpu.memory_space<vmem>>[vector<16xi32>, vector<16xi32>], vector<16xf32>,
    %sub3A_1214 = arith.subf %gather3A_1195, %broadcast_in_dim3A_49 : vector<16xf32>
    %mul3A_1215 = arith.mulf %sub3A_1214, %sub3A_1214 : vector<16xf32>
    %mul3A_1216 = arith.mulf %mul3A_1215, %broadcast_in_dim3A_94 : vector<16xf32>
    %sub3A_1217 = arith.subf %gather3A_1204, %broadcast_in_dim3A_52 : vector<16xf32>
    %mul3A_1218 = arith.mulf %sub3A_1217, %sub3A_1217 : vector<16xf32>
    %mul3A_1219 = arith.mulf %mul3A_1218, %broadcast_in_dim3A_97 : vector<16xf32>
    %add3A_1220 = arith.addf %mul3A_1216, %mul3A_1219 : vector<16xf32>
    %sub3A_1221 = arith.subf %gather3A_1213, %broadcast_in_dim3A_55 : vector<16xf32>
    %mul3A_1222 = arith.mulf %sub3A_1221, %sub3A_1221 : vector<16xf32>
    %mul3A_1223 = arith.mulf %mul3A_1222, %broadcast_in_dim3A_100 : vector<16xf32>
    %add3A_1224 = arith.addf %add3A_1220, %mul3A_1223 : vector<16xf32>
    %exp3A_1225 = math.exp %add3A_1224 : vector<16xf32>
    %swap3A_1226 = arith.constant 0 : i32
    %swap3A_1227 = arith.index_cast %swap3A_1226 : i32 to index
    %swap3A_1228 = arith.index_cast %mul3A_1186 : i32 to index
    %swap3A_1229 = tpu.vector_load %arg16[%swap3A_1227, %swap3A_1228] {strides = array<i32>} : memref<5x80xf32, #tpu.memory_space<vmem>>, vector<16xf32>,
    tpu.vector_store %arg16[%swap3A_1227, %swap3A_1228], %exp3A_1225 {strides = array<i32>} : memref<5x80xf32, #tpu.memory_space<vmem>>, vector<16xf32>,
    %sub3A_1230 = arith.subf %gather3A_1195, %broadcast_in_dim3A_58 : vector<16xf32>
    %mul3A_1231 = arith.mulf %sub3A_1230, %sub3A_1230 : vector<16xf32>
    %mul3A_1232 = arith.mulf %mul3A_1231, %broadcast_in_dim3A_103 : vector<16xf32>
    %sub3A_1233 = arith.subf %gather3A_1204, %broadcast_in_dim3A_61 : vector<16xf32>
    %mul3A_1234 = arith.mulf %sub3A_1233, %sub3A_1233 : vector<16xf32>
    %mul3A_1235 = arith.mulf %mul3A_1234, %broadcast_in_dim3A_106 : vector<16xf32>
    %add3A_1236 = arith.addf %mul3A_1232, %mul3A_1235 : vector<16xf32>
    %sub3A_1237 = arith.subf %gather3A_1213, %broadcast_in_dim3A_64 : vector<16xf32>
    %mul3A_1238 = arith.mulf %sub3A_1237, %sub3A_1237 : vector<16xf32>
    %mul3A_1239 = arith.mulf %mul3A_1238, %broadcast_in_dim3A_109 : vector<16xf32>
    %add3A_1240 = arith.addf %add3A_1236, %mul3A_1239 : vector<16xf32>
    %exp3A_1241 = math.exp %add3A_1240 : vector<16xf32>
    %swap3A_1242 = arith.constant 1 : i32
    %swap3A_1243 = arith.index_cast %swap3A_1242 : i32 to index
    %swap3A_1244 = arith.index_cast %mul3A_1186 : i32 to index
    %swap3A_1245 = tpu.vector_load %arg16[%swap3A_1243, %swap3A_1244] {strides = array<i32>} : memref<5x80xf32, #tpu.memory_space<vmem>>, vector<16xf32>,
    tpu.vector_store %arg16[%swap3A_1243, %swap3A_1244], %exp3A_1241 {strides = array<i32>} : memref<5x80xf32, #tpu.memory_space<vmem>>, vector<16xf32>,
    %sub3A_1246 = arith.subf %gather3A_1195, %broadcast_in_dim3A_67 : vector<16xf32>
    %mul3A_1247 = arith.mulf %sub3A_1246, %sub3A_1246 : vector<16xf32>
    %mul3A_1248 = arith.mulf %mul3A_1247, %broadcast_in_dim3A_112 : vector<16xf32>
    %sub3A_1249 = arith.subf %gather3A_1204, %broadcast_in_dim3A_70 : vector<16xf32>
    %mul3A_1250 = arith.mulf %sub3A_1249, %sub3A_1249 : vector<16xf32>
    %mul3A_1251 = arith.mulf %mul3A_1250, %broadcast_in_dim3A_115 : vector<16xf32>
    %add3A_1252 = arith.addf %mul3A_1248, %mul3A_1251 : vector<16xf32>
    %sub3A_1253 = arith.subf %gather3A_1213, %broadcast_in_dim3A_73 : vector<16xf32>
    %mul3A_1254 = arith.mulf %sub3A_1253, %sub3A_1253 : vector<16xf32>
    %mul3A_1255 = arith.mulf %mul3A_1254, %broadcast_in_dim3A_118 : vector<16xf32>
    %add3A_1256 = arith.addf %add3A_1252, %mul3A_1255 : vector<16xf32>
    %exp3A_1257 = math.exp %add3A_1256 : vector<16xf32>
    %swap3A_1258 = arith.constant 2 : i32
    %swap3A_1259 = arith.index_cast %swap3A_1258 : i32 to index
    %swap3A_1260 = arith.index_cast %mul3A_1186 : i32 to index
    %swap3A_1261 = tpu.vector_load %arg16[%swap3A_1259, %swap3A_1260] {strides = array<i32>} : memref<5x80xf32, #tpu.memory_space<vmem>>, vector<16xf32>,
    tpu.vector_store %arg16[%swap3A_1259, %swap3A_1260], %exp3A_1257 {strides = array<i32>} : memref<5x80xf32, #tpu.memory_space<vmem>>, vector<16xf32>,
    %sub3A_1262 = arith.subf %gather3A_1195, %broadcast_in_dim3A_76 : vector<16xf32>
    %mul3A_1263 = arith.mulf %sub3A_1262, %sub3A_1262 : vector<16xf32>
    %mul3A_1264 = arith.mulf %mul3A_1263, %broadcast_in_dim3A_121 : vector<16xf32>
    %sub3A_1265 = arith.subf %gather3A_1204, %broadcast_in_dim3A_79 : vector<16xf32>
    %mul3A_1266 = arith.mulf %sub3A_1265, %sub3A_1265 : vector<16xf32>
    %mul3A_1267 = arith.mulf %mul3A_1266, %broadcast_in_dim3A_124 : vector<16xf32>
    %add3A_1268 = arith.addf %mul3A_1264, %mul3A_1267 : vector<16xf32>
    %sub3A_1269 = arith.subf %gather3A_1213, %broadcast_in_dim3A_82 : vector<16xf32>
    %mul3A_1270 = arith.mulf %sub3A_1269, %sub3A_1269 : vector<16xf32>
    %mul3A_1271 = arith.mulf %mul3A_1270, %broadcast_in_dim3A_127 : vector<16xf32>
    %add3A_1272 = arith.addf %add3A_1268, %mul3A_1271 : vector<16xf32>
    %exp3A_1273 = math.exp %add3A_1272 : vector<16xf32>
    %swap3A_1274 = arith.constant 3 : i32
    %swap3A_1275 = arith.index_cast %swap3A_1274 : i32 to index
    %swap3A_1276 = arith.index_cast %mul3A_1186 : i32 to index
    %swap3A_1277 = tpu.vector_load %arg16[%swap3A_1275, %swap3A_1276] {strides = array<i32>} : memref<5x80xf32, #tpu.memory_space<vmem>>, vector<16xf32>,
    tpu.vector_store %arg16[%swap3A_1275, %swap3A_1276], %exp3A_1273 {strides = array<i32>} : memref<5x80xf32, #tpu.memory_space<vmem>>, vector<16xf32>,
    %sub3A_1278 = arith.subf %gather3A_1195, %broadcast_in_dim3A_85 : vector<16xf32>
    %mul3A_1279 = arith.mulf %sub3A_1278, %sub3A_1278 : vector<16xf32>
    %mul3A_1280 = arith.mulf %mul3A_1279, %broadcast_in_dim3A_130 : vector<16xf32>
    %sub3A_1281 = arith.subf %gather3A_1204, %broadcast_in_dim3A_88 : vector<16xf32>
    %mul3A_1282 = arith.mulf %sub3A_1281, %sub3A_1281 : vector<16xf32>
    %mul3A_1283 = arith.mulf %mul3A_1282, %broadcast_in_dim3A_133 : vector<16xf32>
    %add3A_1284 = arith.addf %mul3A_1280, %mul3A_1283 : vector<16xf32>
    %sub3A_1285 = arith.subf %gather3A_1213, %broadcast_in_dim3A_91 : vector<16xf32>
    %mul3A_1286 = arith.mulf %sub3A_1285, %sub3A_1285 : vector<16xf32>
    %mul3A_1287 = arith.mulf %mul3A_1286, %broadcast_in_dim3A_136 : vector<16xf32>
    %add3A_1288 = arith.addf %add3A_1284, %mul3A_1287 : vector<16xf32>
    %exp3A_1289 = math.exp %add3A_1288 : vector<16xf32>
    %swap3A_1290 = arith.constant 4 : i32
    %swap3A_1291 = arith.index_cast %swap3A_1290 : i32 to index
    %swap3A_1292 = arith.index_cast %mul3A_1186 : i32 to index
    %swap3A_1293 = tpu.vector_load %arg16[%swap3A_1291, %swap3A_1292] {strides = array<i32>} : memref<5x80xf32, #tpu.memory_space<vmem>>, vector<16xf32>,
    tpu.vector_store %arg16[%swap3A_1291, %swap3A_1292], %exp3A_1289 {strides = array<i32>} : memref<5x80xf32, #tpu.memory_space<vmem>>, vector<16xf32>,
    %scan3A_1294 = arith.constant 0 : i32
    %scan3A_1295 = arith.constant 1 : i32
    %scan3A_1296 = arith.constant 0 : i32
    %scan3A_1297 = arith.constant 0 : i32
    %mul3A_1298 = arith.constant 2 : i32
    %mul3A_1299 = arith.muli %scan3A_1297, %mul3A_1298 : i32
    %add3A_1300 = arith.constant 0 : i32
    %add3A_1301 = arith.addi %mul3A_1299, %add3A_1300 : i32
    %broadcast_in_dim3A_1302 = vector.broadcast %add3A_1301 : i32 to vector<16xi32>
    %gather3A_1303 = tpu.vector_load_idx %arg16[%broadcast_in_dim3A_138, %broadcast_in_dim3A_1302] : memref<5x80xf32, #tpu.memory_space<vmem>>[vector<16xi32>, vector<16xi32>], vector<16xf32>,
    %gather3A_1304 = tpu.vector_load_idx %arg16[%broadcast_in_dim3A_140, %broadcast_in_dim3A_1302] : memref<5x80xf32, #tpu.memory_space<vmem>>[vector<16xi32>, vector<16xi32>], vector<16xf32>,
    %gather3A_1305 = tpu.vector_load_idx %arg16[%broadcast_in_dim3A_142, %broadcast_in_dim3A_1302] : memref<5x80xf32, #tpu.memory_space<vmem>>[vector<16xi32>, vector<16xi32>], vector<16xf32>,
    %gather3A_1306 = tpu.vector_load_idx %arg16[%broadcast_in_dim3A_144, %broadcast_in_dim3A_1302] : memref<5x80xf32, #tpu.memory_space<vmem>>[vector<16xi32>, vector<16xi32>], vector<16xf32>,
    %gather3A_1307 = tpu.vector_load_idx %arg16[%broadcast_in_dim3A_146, %broadcast_in_dim3A_1302] : memref<5x80xf32, #tpu.memory_space<vmem>>[vector<16xi32>, vector<16xi32>], vector<16xf32>,
    %get3A_1308 = arith.constant 0 : i32
    %get3A_1309 = arith.index_cast %get3A_1308 : i32 to index
    %get3A_1310 = arith.index_cast %add3A_1301 : i32 to index
    %get3A_1311 = arith.constant 0 : index
    %get3A_1312 = tpu.vector_load %arg12[%get3A_1309, %get3A_1310, %get3A_1311] {strides = array<i32>} : memref<2x80x320xbf16, #tpu.memory_space<vmem>>, vector<32xbf16>,
    %bitcast3A_1313 = vector.bitcast %get3A_1312 : vector<32xbf16> to vector<16xi32>
    %shift_left3A_1314 = arith.constant 16 : i32
    %shift_left3A_1315 = vector.broadcast %shift_left3A_1314 : i32 to vector<16xi32>
    %shift_left3A_1316 = arith.shli %bitcast3A_1313, %shift_left3A_1315 : vector<16xi32>
    %bitcast3A_1317 = vector.bitcast %shift_left3A_1316 : vector<16xi32> to vector<16xf32>
    %and3A_1318 = arith.constant -65536 : i32
    %and3A_1319 = vector.broadcast %and3A_1318 : i32 to vector<16xi32>
    %and3A_1320 = arith.andi %bitcast3A_1313, %and3A_1319 : vector<16xi32>
    %bitcast3A_1321 = vector.bitcast %and3A_1320 : vector<16xi32> to vector<16xf32>
    %mul3A_1322 = arith.mulf %gather3A_1303, %bitcast3A_1317 : vector<16xf32>
    %mul3A_1323 = arith.mulf %gather3A_1303, %bitcast3A_1321 : vector<16xf32>
    %get3A_1324 = arith.constant 0 : i32
    %get3A_1325 = arith.index_cast %get3A_1324 : i32 to index
    %get3A_1326 = arith.index_cast %add3A_1301 : i32 to index
    %get3A_1327 = arith.constant 32 : index
    %get3A_1328 = tpu.vector_load %arg12[%get3A_1325, %get3A_1326, %get3A_1327] {strides = array<i32>} : memref<2x80x320xbf16, #tpu.memory_space<vmem>>, vector<32xbf16>,
    %bitcast3A_1329 = vector.bitcast %get3A_1328 : vector<32xbf16> to vector<16xi32>
    %shift_left3A_1330 = arith.constant 16 : i32
    %shift_left3A_1331 = vector.broadcast %shift_left3A_1330 : i32 to vector<16xi32>
    %shift_left3A_1332 = arith.shli %bitcast3A_1329, %shift_left3A_1331 : vector<16xi32>
    %bitcast3A_1333 = vector.bitcast %shift_left3A_1332 : vector<16xi32> to vector<16xf32>
    %and3A_1334 = arith.constant -65536 : i32
    %and3A_1335 = vector.broadcast %and3A_1334 : i32 to vector<16xi32>
    %and3A_1336 = arith.andi %bitcast3A_1329, %and3A_1335 : vector<16xi32>
    %bitcast3A_1337 = vector.bitcast %and3A_1336 : vector<16xi32> to vector<16xf32>
    %mul3A_1338 = arith.mulf %gather3A_1303, %bitcast3A_1333 : vector<16xf32>
    %mul3A_1339 = arith.mulf %gather3A_1303, %bitcast3A_1337 : vector<16xf32>
    %get3A_1340 = arith.constant 0 : i32
    %get3A_1341 = arith.index_cast %get3A_1340 : i32 to index
    %get3A_1342 = arith.index_cast %add3A_1301 : i32 to index
    %get3A_1343 = arith.constant 64 : index
    %get3A_1344 = tpu.vector_load %arg12[%get3A_1341, %get3A_1342, %get3A_1343] {strides = array<i32>} : memref<2x80x320xbf16, #tpu.memory_space<vmem>>, vector<32xbf16>,
    %bitcast3A_1345 = vector.bitcast %get3A_1344 : vector<32xbf16> to vector<16xi32>
    %shift_left3A_1346 = arith.constant 16 : i32
    %shift_left3A_1347 = vector.broadcast %shift_left3A_1346 : i32 to vector<16xi32>
    %shift_left3A_1348 = arith.shli %bitcast3A_1345, %shift_left3A_1347 : vector<16xi32>
    %bitcast3A_1349 = vector.bitcast %shift_left3A_1348 : vector<16xi32> to vector<16xf32>
    %and3A_1350 = arith.constant -65536 : i32
    %and3A_1351 = vector.broadcast %and3A_1350 : i32 to vector<16xi32>
    %and3A_1352 = arith.andi %bitcast3A_1345, %and3A_1351 : vector<16xi32>
    %bitcast3A_1353 = vector.bitcast %and3A_1352 : vector<16xi32> to vector<16xf32>
    %mul3A_1354 = arith.mulf %gather3A_1304, %bitcast3A_1349 : vector<16xf32>
    %mul3A_1355 = arith.mulf %gather3A_1304, %bitcast3A_1353 : vector<16xf32>
    %get3A_1356 = arith.constant 0 : i32
    %get3A_1357 = arith.index_cast %get3A_1356 : i32 to index
    %get3A_1358 = arith.index_cast %add3A_1301 : i32 to index
    %get3A_1359 = arith.constant 96 : index
    %get3A_1360 = tpu.vector_load %arg12[%get3A_1357, %get3A_1358, %get3A_1359] {strides = array<i32>} : memref<2x80x320xbf16, #tpu.memory_space<vmem>>, vector<32xbf16>,
    %bitcast3A_1361 = vector.bitcast %get3A_1360 : vector<32xbf16> to vector<16xi32>
    %shift_left3A_1362 = arith.constant 16 : i32
    %shift_left3A_1363 = vector.broadcast %shift_left3A_1362 : i32 to vector<16xi32>
    %shift_left3A_1364 = arith.shli %bitcast3A_1361, %shift_left3A_1363 : vector<16xi32>
    %bitcast3A_1365 = vector.bitcast %shift_left3A_1364 : vector<16xi32> to vector<16xf32>
    %and3A_1366 = arith.constant -65536 : i32
    %and3A_1367 = vector.broadcast %and3A_1366 : i32 to vector<16xi32>
    %and3A_1368 = arith.andi %bitcast3A_1361, %and3A_1367 : vector<16xi32>
    %bitcast3A_1369 = vector.bitcast %and3A_1368 : vector<16xi32> to vector<16xf32>
    %mul3A_1370 = arith.mulf %gather3A_1304, %bitcast3A_1365 : vector<16xf32>
    %mul3A_1371 = arith.mulf %gather3A_1304, %bitcast3A_1369 : vector<16xf32>
    %get3A_1372 = arith.constant 0 : i32
    %get3A_1373 = arith.index_cast %get3A_1372 : i32 to index
    %get3A_1374 = arith.index_cast %add3A_1301 : i32 to index
    %get3A_1375 = arith.constant 128 : index
    %get3A_1376 = tpu.vector_load %arg12[%get3A_1373, %get3A_1374, %get3A_1375] {strides = array<i32>} : memref<2x80x320xbf16, #tpu.memory_space<vmem>>, vector<32xbf16>,
    %bitcast3A_1377 = vector.bitcast %get3A_1376 : vector<32xbf16> to vector<16xi32>
    %shift_left3A_1378 = arith.constant 16 : i32
    %shift_left3A_1379 = vector.broadcast %shift_left3A_1378 : i32 to vector<16xi32>
    %shift_left3A_1380 = arith.shli %bitcast3A_1377, %shift_left3A_1379 : vector<16xi32>
    %bitcast3A_1381 = vector.bitcast %shift_left3A_1380 : vector<16xi32> to vector<16xf32>
    %and3A_1382 = arith.constant -65536 : i32
    %and3A_1383 = vector.broadcast %and3A_1382 : i32 to vector<16xi32>
    %and3A_1384 = arith.andi %bitcast3A_1377, %and3A_1383 : vector<16xi32>
    %bitcast3A_1385 = vector.bitcast %and3A_1384 : vector<16xi32> to vector<16xf32>
    %mul3A_1386 = arith.mulf %gather3A_1305, %bitcast3A_1381 : vector<16xf32>
    %mul3A_1387 = arith.mulf %gather3A_1305, %bitcast3A_1385 : vector<16xf32>
    %get3A_1388 = arith.constant 0 : i32
    %get3A_1389 = arith.index_cast %get3A_1388 : i32 to index
    %get3A_1390 = arith.index_cast %add3A_1301 : i32 to index
    %get3A_1391 = arith.constant 160 : index
    %get3A_1392 = tpu.vector_load %arg12[%get3A_1389, %get3A_1390, %get3A_1391] {strides = array<i32>} : memref<2x80x320xbf16, #tpu.memory_space<vmem>>, vector<32xbf16>,
    %bitcast3A_1393 = vector.bitcast %get3A_1392 : vector<32xbf16> to vector<16xi32>
    %shift_left3A_1394 = arith.constant 16 : i32
    %shift_left3A_1395 = vector.broadcast %shift_left3A_1394 : i32 to vector<16xi32>
    %shift_left3A_1396 = arith.shli %bitcast3A_1393, %shift_left3A_1395 : vector<16xi32>
    %bitcast3A_1397 = vector.bitcast %shift_left3A_1396 : vector<16xi32> to vector<16xf32>
    %and3A_1398 = arith.constant -65536 : i32
    %and3A_1399 = vector.broadcast %and3A_1398 : i32 to vector<16xi32>
    %and3A_1400 = arith.andi %bitcast3A_1393, %and3A_1399 : vector<16xi32>
    %bitcast3A_1401 = vector.bitcast %and3A_1400 : vector<16xi32> to vector<16xf32>
    %mul3A_1402 = arith.mulf %gather3A_1305, %bitcast3A_1397 : vector<16xf32>
    %mul3A_1403 = arith.mulf %gather3A_1305, %bitcast3A_1401 : vector<16xf32>
    %get3A_1404 = arith.constant 0 : i32
    %get3A_1405 = arith.index_cast %get3A_1404 : i32 to index
    %get3A_1406 = arith.index_cast %add3A_1301 : i32 to index
    %get3A_1407 = arith.constant 192 : index
    %get3A_1408 = tpu.vector_load %arg12[%get3A_1405, %get3A_1406, %get3A_1407] {strides = array<i32>} : memref<2x80x320xbf16, #tpu.memory_space<vmem>>, vector<32xbf16>,
    %bitcast3A_1409 = vector.bitcast %get3A_1408 : vector<32xbf16> to vector<16xi32>
    %shift_left3A_1410 = arith.constant 16 : i32
    %shift_left3A_1411 = vector.broadcast %shift_left3A_1410 : i32 to vector<16xi32>
    %shift_left3A_1412 = arith.shli %bitcast3A_1409, %shift_left3A_1411 : vector<16xi32>
    %bitcast3A_1413 = vector.bitcast %shift_left3A_1412 : vector<16xi32> to vector<16xf32>
    %and3A_1414 = arith.constant -65536 : i32
    %and3A_1415 = vector.broadcast %and3A_1414 : i32 to vector<16xi32>
    %and3A_1416 = arith.andi %bitcast3A_1409, %and3A_1415 : vector<16xi32>
    %bitcast3A_1417 = vector.bitcast %and3A_1416 : vector<16xi32> to vector<16xf32>
    %mul3A_1418 = arith.mulf %gather3A_1306, %bitcast3A_1413 : vector<16xf32>
    %mul3A_1419 = arith.mulf %gather3A_1306, %bitcast3A_1417 : vector<16xf32>
    %get3A_1420 = arith.constant 0 : i32
    %get3A_1421 = arith.index_cast %get3A_1420 : i32 to index
    %get3A_1422 = arith.index_cast %add3A_1301 : i32 to index
    %get3A_1423 = arith.constant 224 : index
    %get3A_1424 = tpu.vector_load %arg12[%get3A_1421, %get3A_1422, %get3A_1423] {strides = array<i32>} : memref<2x80x320xbf16, #tpu.memory_space<vmem>>, vector<32xbf16>,
    %bitcast3A_1425 = vector.bitcast %get3A_1424 : vector<32xbf16> to vector<16xi32>
    %shift_left3A_1426 = arith.constant 16 : i32
    %shift_left3A_1427 = vector.broadcast %shift_left3A_1426 : i32 to vector<16xi32>
    %shift_left3A_1428 = arith.shli %bitcast3A_1425, %shift_left3A_1427 : vector<16xi32>
    %bitcast3A_1429 = vector.bitcast %shift_left3A_1428 : vector<16xi32> to vector<16xf32>
    %and3A_1430 = arith.constant -65536 : i32
    %and3A_1431 = vector.broadcast %and3A_1430 : i32 to vector<16xi32>
    %and3A_1432 = arith.andi %bitcast3A_1425, %and3A_1431 : vector<16xi32>
    %bitcast3A_1433 = vector.bitcast %and3A_1432 : vector<16xi32> to vector<16xf32>
    %mul3A_1434 = arith.mulf %gather3A_1306, %bitcast3A_1429 : vector<16xf32>
    %mul3A_1435 = arith.mulf %gather3A_1306, %bitcast3A_1433 : vector<16xf32>
    %get3A_1436 = arith.constant 0 : i32
    %get3A_1437 = arith.index_cast %get3A_1436 : i32 to index
    %get3A_1438 = arith.index_cast %add3A_1301 : i32 to index
    %get3A_1439 = arith.constant 256 : index
    %get3A_1440 = tpu.vector_load %arg12[%get3A_1437, %get3A_1438, %get3A_1439] {strides = array<i32>} : memref<2x80x320xbf16, #tpu.memory_space<vmem>>, vector<32xbf16>,
    %bitcast3A_1441 = vector.bitcast %get3A_1440 : vector<32xbf16> to vector<16xi32>
    %shift_left3A_1442 = arith.constant 16 : i32
    %shift_left3A_1443 = vector.broadcast %shift_left3A_1442 : i32 to vector<16xi32>
    %shift_left3A_1444 = arith.shli %bitcast3A_1441, %shift_left3A_1443 : vector<16xi32>
    %bitcast3A_1445 = vector.bitcast %shift_left3A_1444 : vector<16xi32> to vector<16xf32>
    %and3A_1446 = arith.constant -65536 : i32
    %and3A_1447 = vector.broadcast %and3A_1446 : i32 to vector<16xi32>
    %and3A_1448 = arith.andi %bitcast3A_1441, %and3A_1447 : vector<16xi32>
    %bitcast3A_1449 = vector.bitcast %and3A_1448 : vector<16xi32> to vector<16xf32>
    %mul3A_1450 = arith.mulf %gather3A_1307, %bitcast3A_1445 : vector<16xf32>
    %mul3A_1451 = arith.mulf %gather3A_1307, %bitcast3A_1449 : vector<16xf32>
    %get3A_1452 = arith.constant 0 : i32
    %get3A_1453 = arith.index_cast %get3A_1452 : i32 to index
    %get3A_1454 = arith.index_cast %add3A_1301 : i32 to index
    %get3A_1455 = arith.constant 288 : index
    %get3A_1456 = tpu.vector_load %arg12[%get3A_1453, %get3A_1454, %get3A_1455] {strides = array<i32>} : memref<2x80x320xbf16, #tpu.memory_space<vmem>>, vector<32xbf16>,
    %bitcast3A_1457 = vector.bitcast %get3A_1456 : vector<32xbf16> to vector<16xi32>
    %shift_left3A_1458 = arith.constant 16 : i32
    %shift_left3A_1459 = vector.broadcast %shift_left3A_1458 : i32 to vector<16xi32>
    %shift_left3A_1460 = arith.shli %bitcast3A_1457, %shift_left3A_1459 : vector<16xi32>
    %bitcast3A_1461 = vector.bitcast %shift_left3A_1460 : vector<16xi32> to vector<16xf32>
    %and3A_1462 = arith.constant -65536 : i32
    %and3A_1463 = vector.broadcast %and3A_1462 : i32 to vector<16xi32>
    %and3A_1464 = arith.andi %bitcast3A_1457, %and3A_1463 : vector<16xi32>
    %bitcast3A_1465 = vector.bitcast %and3A_1464 : vector<16xi32> to vector<16xf32>
    %mul3A_1466 = arith.mulf %gather3A_1307, %bitcast3A_1461 : vector<16xf32>
    %mul3A_1467 = arith.mulf %gather3A_1307, %bitcast3A_1465 : vector<16xf32>
    %add3A_1468 = arith.addf %mul3A_1322, %mul3A_1354 : vector<16xf32>
    %add3A_1469 = arith.addf %mul3A_1386, %mul3A_1418 : vector<16xf32>
    %add3A_1470 = arith.addf %add3A_1468, %add3A_1469 : vector<16xf32>
    %add3A_1471 = arith.addf %add3A_1470, %mul3A_1450 : vector<16xf32>
    %swap3A_1472 = arith.index_cast %add3A_1301 : i32 to index
    %swap3A_1473 = arith.constant 0 : index
    %swap3A_1474 = tpu.vector_load %arg13[%swap3A_1472, %swap3A_1473] {strides = array<i32>} : memref<80x64xf32, #tpu.memory_space<vmem>>, vector<16xf32>,
    tpu.vector_store %arg13[%swap3A_1472, %swap3A_1473], %add3A_1471 {strides = array<i32>} : memref<80x64xf32, #tpu.memory_space<vmem>>, vector<16xf32>,
    %add3A_1475 = arith.addf %mul3A_1323, %mul3A_1355 : vector<16xf32>
    %add3A_1476 = arith.addf %mul3A_1387, %mul3A_1419 : vector<16xf32>
    %add3A_1477 = arith.addf %add3A_1475, %add3A_1476 : vector<16xf32>
    %add3A_1478 = arith.addf %add3A_1477, %mul3A_1451 : vector<16xf32>
    %swap3A_1479 = arith.index_cast %add3A_1301 : i32 to index
    %swap3A_1480 = arith.constant 16 : index
    %swap3A_1481 = tpu.vector_load %arg13[%swap3A_1479, %swap3A_1480] {strides = array<i32>} : memref<80x64xf32, #tpu.memory_space<vmem>>, vector<16xf32>,
    tpu.vector_store %arg13[%swap3A_1479, %swap3A_1480], %add3A_1478 {strides = array<i32>} : memref<80x64xf32, #tpu.memory_space<vmem>>, vector<16xf32>,
    %add3A_1482 = arith.addf %mul3A_1338, %mul3A_1370 : vector<16xf32>
    %add3A_1483 = arith.addf %mul3A_1402, %mul3A_1434 : vector<16xf32>
    %add3A_1484 = arith.addf %add3A_1482, %add3A_1483 : vector<16xf32>
    %add3A_1485 = arith.addf %add3A_1484, %mul3A_1466 : vector<16xf32>
    %swap3A_1486 = arith.index_cast %add3A_1301 : i32 to index
    %swap3A_1487 = arith.constant 32 : index
    %swap3A_1488 = tpu.vector_load %arg13[%swap3A_1486, %swap3A_1487] {strides = array<i32>} : memref<80x64xf32, #tpu.memory_space<vmem>>, vector<16xf32>,
    tpu.vector_store %arg13[%swap3A_1486, %swap3A_1487], %add3A_1485 {strides = array<i32>} : memref<80x64xf32, #tpu.memory_space<vmem>>, vector<16xf32>,
    %add3A_1489 = arith.addf %mul3A_1339, %mul3A_1371 : vector<16xf32>
    %add3A_1490 = arith.addf %mul3A_1403, %mul3A_1435 : vector<16xf32>
    %add3A_1491 = arith.addf %add3A_1489, %add3A_1490 : vector<16xf32>
    %add3A_1492 = arith.addf %add3A_1491, %mul3A_1467 : vector<16xf32>
    %swap3A_1493 = arith.index_cast %add3A_1301 : i32 to index
    %swap3A_1494 = arith.constant 48 : index
    %swap3A_1495 = tpu.vector_load %arg13[%swap3A_1493, %swap3A_1494] {strides = array<i32>} : memref<80x64xf32, #tpu.memory_space<vmem>>, vector<16xf32>,
    tpu.vector_store %arg13[%swap3A_1493, %swap3A_1494], %add3A_1492 {strides = array<i32>} : memref<80x64xf32, #tpu.memory_space<vmem>>, vector<16xf32>,
    %mul3A_1496 = arith.constant 2 : i32
    %mul3A_1497 = arith.muli %scan3A_1297, %mul3A_1496 : i32
    %add3A_1498 = arith.constant 1 : i32
    %add3A_1499 = arith.addi %mul3A_1497, %add3A_1498 : i32
    %broadcast_in_dim3A_1500 = vector.broadcast %add3A_1499 : i32 to vector<16xi32>
    %gather3A_1501 = tpu.vector_load_idx %arg16[%broadcast_in_dim3A_138, %broadcast_in_dim3A_1500] : memref<5x80xf32, #tpu.memory_space<vmem>>[vector<16xi32>, vector<16xi32>], vector<16xf32>,
    %gather3A_1502 = tpu.vector_load_idx %arg16[%broadcast_in_dim3A_140, %broadcast_in_dim3A_1500] : memref<5x80xf32, #tpu.memory_space<vmem>>[vector<16xi32>, vector<16xi32>], vector<16xf32>,
    %gather3A_1503 = tpu.vector_load_idx %arg16[%broadcast_in_dim3A_142, %broadcast_in_dim3A_1500] : memref<5x80xf32, #tpu.memory_space<vmem>>[vector<16xi32>, vector<16xi32>], vector<16xf32>,
    %gather3A_1504 = tpu.vector_load_idx %arg16[%broadcast_in_dim3A_144, %broadcast_in_dim3A_1500] : memref<5x80xf32, #tpu.memory_space<vmem>>[vector<16xi32>, vector<16xi32>], vector<16xf32>,
    %gather3A_1505 = tpu.vector_load_idx %arg16[%broadcast_in_dim3A_146, %broadcast_in_dim3A_1500] : memref<5x80xf32, #tpu.memory_space<vmem>>[vector<16xi32>, vector<16xi32>], vector<16xf32>,
    %get3A_1506 = arith.constant 0 : i32
    %get3A_1507 = arith.index_cast %get3A_1506 : i32 to index
    %get3A_1508 = arith.index_cast %add3A_1499 : i32 to index
    %get3A_1509 = arith.constant 0 : index
    %get3A_1510 = tpu.vector_load %arg12[%get3A_1507, %get3A_1508, %get3A_1509] {strides = array<i32>} : memref<2x80x320xbf16, #tpu.memory_space<vmem>>, vector<32xbf16>,
    %bitcast3A_1511 = vector.bitcast %get3A_1510 : vector<32xbf16> to vector<16xi32>
    %shift_left3A_1512 = arith.constant 16 : i32
    %shift_left3A_1513 = vector.broadcast %shift_left3A_1512 : i32 to vector<16xi32>
    %shift_left3A_1514 = arith.shli %bitcast3A_1511, %shift_left3A_1513 : vector<16xi32>
    %bitcast3A_1515 = vector.bitcast %shift_left3A_1514 : vector<16xi32> to vector<16xf32>
    %and3A_1516 = arith.constant -65536 : i32
    %and3A_1517 = vector.broadcast %and3A_1516 : i32 to vector<16xi32>
    %and3A_1518 = arith.andi %bitcast3A_1511, %and3A_1517 : vector<16xi32>
    %bitcast3A_1519 = vector.bitcast %and3A_1518 : vector<16xi32> to vector<16xf32>
    %mul3A_1520 = arith.mulf %gather3A_1501, %bitcast3A_1515 : vector<16xf32>
    %mul3A_1521 = arith.mulf %gather3A_1501, %bitcast3A_1519 : vector<16xf32>
    %get3A_1522 = arith.constant 0 : i32
    %get3A_1523 = arith.index_cast %get3A_1522 : i32 to index
    %get3A_1524 = arith.index_cast %add3A_1499 : i32 to index
    %get3A_1525 = arith.constant 32 : index
    %get3A_1526 = tpu.vector_load %arg12[%get3A_1523, %get3A_1524, %get3A_1525] {strides = array<i32>} : memref<2x80x320xbf16, #tpu.memory_space<vmem>>, vector<32xbf16>,
    %bitcast3A_1527 = vector.bitcast %get3A_1526 : vector<32xbf16> to vector<16xi32>
    %shift_left3A_1528 = arith.constant 16 : i32
    %shift_left3A_1529 = vector.broadcast %shift_left3A_1528 : i32 to vector<16xi32>
    %shift_left3A_1530 = arith.shli %bitcast3A_1527, %shift_left3A_1529 : vector<16xi32>
    %bitcast3A_1531 = vector.bitcast %shift_left3A_1530 : vector<16xi32> to vector<16xf32>
    %and3A_1532 = arith.constant -65536 : i32
    %and3A_1533 = vector.broadcast %and3A_1532 : i32 to vector<16xi32>
    %and3A_1534 = arith.andi %bitcast3A_1527, %and3A_1533 : vector<16xi32>
    %bitcast3A_1535 = vector.bitcast %and3A_1534 : vector<16xi32> to vector<16xf32>
    %mul3A_1536 = arith.mulf %gather3A_1501, %bitcast3A_1531 : vector<16xf32>
    %mul3A_1537 = arith.mulf %gather3A_1501, %bitcast3A_1535 : vector<16xf32>
    %get3A_1538 = arith.constant 0 : i32
    %get3A_1539 = arith.index_cast %get3A_1538 : i32 to index
    %get3A_1540 = arith.index_cast %add3A_1499 : i32 to index
    %get3A_1541 = arith.constant 64 : index
    %get3A_1542 = tpu.vector_load %arg12[%get3A_1539, %get3A_1540, %get3A_1541] {strides = array<i32>} : memref<2x80x320xbf16, #tpu.memory_space<vmem>>, vector<32xbf16>,
    %bitcast3A_1543 = vector.bitcast %get3A_1542 : vector<32xbf16> to vector<16xi32>
    %shift_left3A_1544 = arith.constant 16 : i32
    %shift_left3A_1545 = vector.broadcast %shift_left3A_1544 : i32 to vector<16xi32>
    %shift_left3A_1546 = arith.shli %bitcast3A_1543, %shift_left3A_1545 : vector<16xi32>
    %bitcast3A_1547 = vector.bitcast %shift_left3A_1546 : vector<16xi32> to vector<16xf32>
    %and3A_1548 = arith.constant -65536 : i32
    %and3A_1549 = vector.broadcast %and3A_1548 : i32 to vector<16xi32>
    %and3A_1550 = arith.andi %bitcast3A_1543, %and3A_1549 : vector<16xi32>
    %bitcast3A_1551 = vector.bitcast %and3A_1550 : vector<16xi32> to vector<16xf32>
    %mul3A_1552 = arith.mulf %gather3A_1502, %bitcast3A_1547 : vector<16xf32>
    %mul3A_1553 = arith.mulf %gather3A_1502, %bitcast3A_1551 : vector<16xf32>
    %get3A_1554 = arith.constant 0 : i32
    %get3A_1555 = arith.index_cast %get3A_1554 : i32 to index
    %get3A_1556 = arith.index_cast %add3A_1499 : i32 to index
    %get3A_1557 = arith.constant 96 : index
    %get3A_1558 = tpu.vector_load %arg12[%get3A_1555, %get3A_1556, %get3A_1557] {strides = array<i32>} : memref<2x80x320xbf16, #tpu.memory_space<vmem>>, vector<32xbf16>,
    %bitcast3A_1559 = vector.bitcast %get3A_1558 : vector<32xbf16> to vector<16xi32>
    %shift_left3A_1560 = arith.constant 16 : i32
    %shift_left3A_1561 = vector.broadcast %shift_left3A_1560 : i32 to vector<16xi32>
    %shift_left3A_1562 = arith.shli %bitcast3A_1559, %shift_left3A_1561 : vector<16xi32>
    %bitcast3A_1563 = vector.bitcast %shift_left3A_1562 : vector<16xi32> to vector<16xf32>
    %and3A_1564 = arith.constant -65536 : i32
    %and3A_1565 = vector.broadcast %and3A_1564 : i32 to vector<16xi32>
    %and3A_1566 = arith.andi %bitcast3A_1559, %and3A_1565 : vector<16xi32>
    %bitcast3A_1567 = vector.bitcast %and3A_1566 : vector<16xi32> to vector<16xf32>
    %mul3A_1568 = arith.mulf %gather3A_1502, %bitcast3A_1563 : vector<16xf32>
    %mul3A_1569 = arith.mulf %gather3A_1502, %bitcast3A_1567 : vector<16xf32>
    %get3A_1570 = arith.constant 0 : i32
    %get3A_1571 = arith.index_cast %get3A_1570 : i32 to index
    %get3A_1572 = arith.index_cast %add3A_1499 : i32 to index
    %get3A_1573 = arith.constant 128 : index
    %get3A_1574 = tpu.vector_load %arg12[%get3A_1571, %get3A_1572, %get3A_1573] {strides = array<i32>} : memref<2x80x320xbf16, #tpu.memory_space<vmem>>, vector<32xbf16>,
    %bitcast3A_1575 = vector.bitcast %get3A_1574 : vector<32xbf16> to vector<16xi32>
    %shift_left3A_1576 = arith.constant 16 : i32
    %shift_left3A_1577 = vector.broadcast %shift_left3A_1576 : i32 to vector<16xi32>
    %shift_left3A_1578 = arith.shli %bitcast3A_1575, %shift_left3A_1577 : vector<16xi32>
    %bitcast3A_1579 = vector.bitcast %shift_left3A_1578 : vector<16xi32> to vector<16xf32>
    %and3A_1580 = arith.constant -65536 : i32
    %and3A_1581 = vector.broadcast %and3A_1580 : i32 to vector<16xi32>
    %and3A_1582 = arith.andi %bitcast3A_1575, %and3A_1581 : vector<16xi32>
    %bitcast3A_1583 = vector.bitcast %and3A_1582 : vector<16xi32> to vector<16xf32>
    %mul3A_1584 = arith.mulf %gather3A_1503, %bitcast3A_1579 : vector<16xf32>
    %mul3A_1585 = arith.mulf %gather3A_1503, %bitcast3A_1583 : vector<16xf32>
    %get3A_1586 = arith.constant 0 : i32
    %get3A_1587 = arith.index_cast %get3A_1586 : i32 to index
    %get3A_1588 = arith.index_cast %add3A_1499 : i32 to index
    %get3A_1589 = arith.constant 160 : index
    %get3A_1590 = tpu.vector_load %arg12[%get3A_1587, %get3A_1588, %get3A_1589] {strides = array<i32>} : memref<2x80x320xbf16, #tpu.memory_space<vmem>>, vector<32xbf16>,
    %bitcast3A_1591 = vector.bitcast %get3A_1590 : vector<32xbf16> to vector<16xi32>
    %shift_left3A_1592 = arith.constant 16 : i32
    %shift_left3A_1593 = vector.broadcast %shift_left3A_1592 : i32 to vector<16xi32>
    %shift_left3A_1594 = arith.shli %bitcast3A_1591, %shift_left3A_1593 : vector<16xi32>
    %bitcast3A_1595 = vector.bitcast %shift_left3A_1594 : vector<16xi32> to vector<16xf32>
    %and3A_1596 = arith.constant -65536 : i32
    %and3A_1597 = vector.broadcast %and3A_1596 : i32 to vector<16xi32>
    %and3A_1598 = arith.andi %bitcast3A_1591, %and3A_1597 : vector<16xi32>
    %bitcast3A_1599 = vector.bitcast %and3A_1598 : vector<16xi32> to vector<16xf32>
    %mul3A_1600 = arith.mulf %gather3A_1503, %bitcast3A_1595 : vector<16xf32>
    %mul3A_1601 = arith.mulf %gather3A_1503, %bitcast3A_1599 : vector<16xf32>
    %get3A_1602 = arith.constant 0 : i32
    %get3A_1603 = arith.index_cast %get3A_1602 : i32 to index
    %get3A_1604 = arith.index_cast %add3A_1499 : i32 to index
    %get3A_1605 = arith.constant 192 : index
    %get3A_1606 = tpu.vector_load %arg12[%get3A_1603, %get3A_1604, %get3A_1605] {strides = array<i32>} : memref<2x80x320xbf16, #tpu.memory_space<vmem>>, vector<32xbf16>,
    %bitcast3A_1607 = vector.bitcast %get3A_1606 : vector<32xbf16> to vector<16xi32>
    %shift_left3A_1608 = arith.constant 16 : i32
    %shift_left3A_1609 = vector.broadcast %shift_left3A_1608 : i32 to vector<16xi32>
    %shift_left3A_1610 = arith.shli %bitcast3A_1607, %shift_left3A_1609 : vector<16xi32>
    %bitcast3A_1611 = vector.bitcast %shift_left3A_1610 : vector<16xi32> to vector<16xf32>
    %and3A_1612 = arith.constant -65536 : i32
    %and3A_1613 = vector.broadcast %and3A_1612 : i32 to vector<16xi32>
    %and3A_1614 = arith.andi %bitcast3A_1607, %and3A_1613 : vector<16xi32>
    %bitcast3A_1615 = vector.bitcast %and3A_1614 : vector<16xi32> to vector<16xf32>
    %mul3A_1616 = arith.mulf %gather3A_1504, %bitcast3A_1611 : vector<16xf32>
    %mul3A_1617 = arith.mulf %gather3A_1504, %bitcast3A_1615 : vector<16xf32>
    %get3A_1618 = arith.constant 0 : i32
    %get3A_1619 = arith.index_cast %get3A_1618 : i32 to index
    %get3A_1620 = arith.index_cast %add3A_1499 : i32 to index
    %get3A_1621 = arith.constant 224 : index
    %get3A_1622 = tpu.vector_load %arg12[%get3A_1619, %get3A_1620, %get3A_1621] {strides = array<i32>} : memref<2x80x320xbf16, #tpu.memory_space<vmem>>, vector<32xbf16>,
    %bitcast3A_1623 = vector.bitcast %get3A_1622 : vector<32xbf16> to vector<16xi32>
    %shift_left3A_1624 = arith.constant 16 : i32
    %shift_left3A_1625 = vector.broadcast %shift_left3A_1624 : i32 to vector<16xi32>
    %shift_left3A_1626 = arith.shli %bitcast3A_1623, %shift_left3A_1625 : vector<16xi32>
    %bitcast3A_1627 = vector.bitcast %shift_left3A_1626 : vector<16xi32> to vector<16xf32>
    %and3A_1628 = arith.constant -65536 : i32
    %and3A_1629 = vector.broadcast %and3A_1628 : i32 to vector<16xi32>
    %and3A_1630 = arith.andi %bitcast3A_1623, %and3A_1629 : vector<16xi32>
    %bitcast3A_1631 = vector.bitcast %and3A_1630 : vector<16xi32> to vector<16xf32>
    %mul3A_1632 = arith.mulf %gather3A_1504, %bitcast3A_1627 : vector<16xf32>
    %mul3A_1633 = arith.mulf %gather3A_1504, %bitcast3A_1631 : vector<16xf32>
    %get3A_1634 = arith.constant 0 : i32
    %get3A_1635 = arith.index_cast %get3A_1634 : i32 to index
    %get3A_1636 = arith.index_cast %add3A_1499 : i32 to index
    %get3A_1637 = arith.constant 256 : index
    %get3A_1638 = tpu.vector_load %arg12[%get3A_1635, %get3A_1636, %get3A_1637] {strides = array<i32>} : memref<2x80x320xbf16, #tpu.memory_space<vmem>>, vector<32xbf16>,
    %bitcast3A_1639 = vector.bitcast %get3A_1638 : vector<32xbf16> to vector<16xi32>
    %shift_left3A_1640 = arith.constant 16 : i32
    %shift_left3A_1641 = vector.broadcast %shift_left3A_1640 : i32 to vector<16xi32>
    %shift_left3A_1642 = arith.shli %bitcast3A_1639, %shift_left3A_1641 : vector<16xi32>
    %bitcast3A_1643 = vector.bitcast %shift_left3A_1642 : vector<16xi32> to vector<16xf32>
    %and3A_1644 = arith.constant -65536 : i32
    %and3A_1645 = vector.broadcast %and3A_1644 : i32 to vector<16xi32>
    %and3A_1646 = arith.andi %bitcast3A_1639, %and3A_1645 : vector<16xi32>
    %bitcast3A_1647 = vector.bitcast %and3A_1646 : vector<16xi32> to vector<16xf32>
    %mul3A_1648 = arith.mulf %gather3A_1505, %bitcast3A_1643 : vector<16xf32>
    %mul3A_1649 = arith.mulf %gather3A_1505, %bitcast3A_1647 : vector<16xf32>
    %get3A_1650 = arith.constant 0 : i32
    %get3A_1651 = arith.index_cast %get3A_1650 : i32 to index
    %get3A_1652 = arith.index_cast %add3A_1499 : i32 to index
    %get3A_1653 = arith.constant 288 : index
    %get3A_1654 = tpu.vector_load %arg12[%get3A_1651, %get3A_1652, %get3A_1653] {strides = array<i32>} : memref<2x80x320xbf16, #tpu.memory_space<vmem>>, vector<32xbf16>,
    %bitcast3A_1655 = vector.bitcast %get3A_1654 : vector<32xbf16> to vector<16xi32>
    %shift_left3A_1656 = arith.constant 16 : i32
    %shift_left3A_1657 = vector.broadcast %shift_left3A_1656 : i32 to vector<16xi32>
    %shift_left3A_1658 = arith.shli %bitcast3A_1655, %shift_left3A_1657 : vector<16xi32>
    %bitcast3A_1659 = vector.bitcast %shift_left3A_1658 : vector<16xi32> to vector<16xf32>
    %and3A_1660 = arith.constant -65536 : i32
    %and3A_1661 = vector.broadcast %and3A_1660 : i32 to vector<16xi32>
    %and3A_1662 = arith.andi %bitcast3A_1655, %and3A_1661 : vector<16xi32>
    %bitcast3A_1663 = vector.bitcast %and3A_1662 : vector<16xi32> to vector<16xf32>
    %mul3A_1664 = arith.mulf %gather3A_1505, %bitcast3A_1659 : vector<16xf32>
    %mul3A_1665 = arith.mulf %gather3A_1505, %bitcast3A_1663 : vector<16xf32>
    %add3A_1666 = arith.addf %mul3A_1520, %mul3A_1552 : vector<16xf32>
    %add3A_1667 = arith.addf %mul3A_1584, %mul3A_1616 : vector<16xf32>
    %add3A_1668 = arith.addf %add3A_1666, %add3A_1667 : vector<16xf32>
    %add3A_1669 = arith.addf %add3A_1668, %mul3A_1648 : vector<16xf32>
    %swap3A_1670 = arith.index_cast %add3A_1499 : i32 to index
    %swap3A_1671 = arith.constant 0 : index
    %swap3A_1672 = tpu.vector_load %arg13[%swap3A_1670, %swap3A_1671] {strides = array<i32>} : memref<80x64xf32, #tpu.memory_space<vmem>>, vector<16xf32>,
    tpu.vector_store %arg13[%swap3A_1670, %swap3A_1671], %add3A_1669 {strides = array<i32>} : memref<80x64xf32, #tpu.memory_space<vmem>>, vector<16xf32>,
    %add3A_1673 = arith.addf %mul3A_1521, %mul3A_1553 : vector<16xf32>
    %add3A_1674 = arith.addf %mul3A_1585, %mul3A_1617 : vector<16xf32>
    %add3A_1675 = arith.addf %add3A_1673, %add3A_1674 : vector<16xf32>
    %add3A_1676 = arith.addf %add3A_1675, %mul3A_1649 : vector<16xf32>
    %swap3A_1677 = arith.index_cast %add3A_1499 : i32 to index
    %swap3A_1678 = arith.constant 16 : index
    %swap3A_1679 = tpu.vector_load %arg13[%swap3A_1677, %swap3A_1678] {strides = array<i32>} : memref<80x64xf32, #tpu.memory_space<vmem>>, vector<16xf32>,
    tpu.vector_store %arg13[%swap3A_1677, %swap3A_1678], %add3A_1676 {strides = array<i32>} : memref<80x64xf32, #tpu.memory_space<vmem>>, vector<16xf32>,
    %add3A_1680 = arith.addf %mul3A_1536, %mul3A_1568 : vector<16xf32>
    %add3A_1681 = arith.addf %mul3A_1600, %mul3A_1632 : vector<16xf32>
    %add3A_1682 = arith.addf %add3A_1680, %add3A_1681 : vector<16xf32>
    %add3A_1683 = arith.addf %add3A_1682, %mul3A_1664 : vector<16xf32>
    %swap3A_1684 = arith.index_cast %add3A_1499 : i32 to index
    %swap3A_1685 = arith.constant 32 : index
    %swap3A_1686 = tpu.vector_load %arg13[%swap3A_1684, %swap3A_1685] {strides = array<i32>} : memref<80x64xf32, #tpu.memory_space<vmem>>, vector<16xf32>,
    tpu.vector_store %arg13[%swap3A_1684, %swap3A_1685], %add3A_1683 {strides = array<i32>} : memref<80x64xf32, #tpu.memory_space<vmem>>, vector<16xf32>,
    %add3A_1687 = arith.addf %mul3A_1537, %mul3A_1569 : vector<16xf32>
    %add3A_1688 = arith.addf %mul3A_1601, %mul3A_1633 : vector<16xf32>
    %add3A_1689 = arith.addf %add3A_1687, %add3A_1688 : vector<16xf32>
    %add3A_1690 = arith.addf %add3A_1689, %mul3A_1665 : vector<16xf32>
    %swap3A_1691 = arith.index_cast %add3A_1499 : i32 to index
    %swap3A_1692 = arith.constant 48 : index
    %swap3A_1693 = tpu.vector_load %arg13[%swap3A_1691, %swap3A_1692] {strides = array<i32>} : memref<80x64xf32, #tpu.memory_space<vmem>>, vector<16xf32>,
    tpu.vector_store %arg13[%swap3A_1691, %swap3A_1692], %add3A_1690 {strides = array<i32>} : memref<80x64xf32, #tpu.memory_space<vmem>>, vector<16xf32>,
    %scan3A_1694 = arith.constant 0 : i32
    %scan3A_1695 = arith.constant 1 : i32
    %barrier3A_1696 = arith.constant 0 : index
    tpu.barrier barrier_id(%barrier3A_1696)
    "tpu.region"() ({
      %run_scoped3A = tpu.sem_alloc : memref<!tpu.dma_semaphore, #tpu.memory_space<semaphore_mem>>
      %dma_start3A = arith.constant 0 : i32
      %dma_start3A_1697 = tpu.memref_slice %arg8[%arg0, %mul3A_9, %dma_start3A] : memref<2x10240x64xf32, #tpu.memory_space<hbm>> -> memref<1x640x64xf32, #tpu.memory_space<hbm>>
      %dma_start3A_1698 = tpu.memref_squeeze %dma_start3A_1697 : memref<1x640x64xf32, #tpu.memory_space<hbm>> -> memref<640x64xf32, #tpu.memory_space<hbm>>
      %dma_start3A_1699 = arith.constant 0 : i32
      %dma_start3A_1700 = tpu.memref_slice %arg17[%mul3A_9, %dma_start3A_1699] : memref<10240x64xf32, #tpu.memory_space<vmem_shared>> -> memref<640x64xf32, #tpu.memory_space<vmem_shared>>
      tpu.enqueue_dma source(%dma_start3A_1700 : memref<640x64xf32, #tpu.memory_space<vmem_shared>>) target(%dma_start3A_1698 : memref<640x64xf32, #tpu.memory_space<hbm>>) target_semaphore(%run_scoped3A : memref<!tpu.dma_semaphore, #tpu.memory_space<semaphore_mem>>)
      %dma_wait3A = arith.constant 0 : i32
      %dma_wait3A_1701 = tpu.memref_slice %arg8[%arg0, %mul3A_9, %dma_wait3A] : memref<2x10240x64xf32, #tpu.memory_space<hbm>> -> memref<1x640x64xf32, #tpu.memory_space<hbm>>
      %dma_wait3A_1702 = tpu.memref_squeeze %dma_wait3A_1701 : memref<1x640x64xf32, #tpu.memory_space<hbm>> -> memref<640x64xf32, #tpu.memory_space<hbm>>
      %dma_wait3A_1703 = arith.constant 0 : i32
      %dma_wait3A_1704 = tpu.memref_slice %arg17[%mul3A_9, %dma_wait3A_1703] : memref<10240x64xf32, #tpu.memory_space<vmem_shared>> -> memref<640x64xf32, #tpu.memory_space<vmem_shared>>
      tpu.wait_dma2 semaphore(%run_scoped3A : memref<!tpu.dma_semaphore, #tpu.memory_space<semaphore_mem>>) src(%dma_wait3A_1704 : memref<640x64xf32, #tpu.memory_space<vmem_shared>>) dst(%dma_wait3A_1702 : memref<640x64xf32, #tpu.memory_space<hbm>>)
      tpu.yield
    }) : () -> ()
    return
  }
}

module attributes {stable_mosaic.version = 14 : i64} {
  func.func @body(%arg0: memref<10000x128xf32, #tpu.memory_space<vmem>>, %arg1: memref<128x160xf32, #tpu.memory_space<vmem>>, %arg2: memref<128x32xf32, #tpu.memory_space<vmem>>, %arg3: memref<1x32xf32, #tpu.memory_space<vmem>>, %arg4: memref<10000x160xbf16, #tpu.memory_space<vmem>>, %arg5: memref<10000x32xf32, #tpu.memory_space<vmem>>) attributes {dimension_semantics = [], scalar_prefetch = 0 : i64, scratch_operands = 0 : i64, tpu.core_type = #tpu.core_type<tc>} {
    %get3A = arith.constant 0 : index
    %get3A_0 = arith.constant 0 : index
    %get3A_1 = vector.load %arg0[%get3A, %get3A_0] : memref<10000x128xf32, #tpu.memory_space<vmem>>, vector<10000x128xf32>
    %get3A_2 = arith.constant 0 : index
    %get3A_3 = arith.constant 0 : index
    %get3A_4 = vector.load %arg1[%get3A_2, %get3A_3] : memref<128x160xf32, #tpu.memory_space<vmem>>, vector<128x160xf32>
    %dot_general3A = arith.constant dense<0.000000e+00> : vector<10000x160xf32>
    %dot_general3A_5 = tpu.matmul %get3A_1, %get3A_4, %dot_general3A {dimension_numbers = #tpu.dot_dimension_numbers<[1], [0], [0], [1], [0, 0, 1, 1], [], []>, transpose_lhs_hint = false} : vector<10000x128xf32>, vector<128x160xf32>, vector<10000x160xf32> -> vector<10000x160xf32>
    %convert_element_type3A = arith.truncf %dot_general3A_5 : vector<10000x160xf32> to vector<10000x160xbf16>
    %swap3A = arith.constant 0 : index
    %swap3A_6 = arith.constant 0 : index
    %swap3A_7 = vector.load %arg4[%swap3A, %swap3A_6] : memref<10000x160xbf16, #tpu.memory_space<vmem>>, vector<10000x160xbf16>
    tpu.vector_store %arg4[%swap3A, %swap3A_6], %convert_element_type3A {strides = array<i32>} : memref<10000x160xbf16, #tpu.memory_space<vmem>>, vector<10000x160xbf16>,
    %get3A_8 = arith.constant 0 : index
    %get3A_9 = arith.constant 0 : index
    %get3A_10 = vector.load %arg2[%get3A_8, %get3A_9] : memref<128x32xf32, #tpu.memory_space<vmem>>, vector<128x32xf32>
    %dot_general3A_11 = arith.constant dense<0.000000e+00> : vector<10000x32xf32>
    %dot_general3A_12 = tpu.matmul %get3A_1, %get3A_10, %dot_general3A_11 {dimension_numbers = #tpu.dot_dimension_numbers<[1], [0], [0], [1], [0, 0, 1, 1], [], []>, transpose_lhs_hint = false} : vector<10000x128xf32>, vector<128x32xf32>, vector<10000x32xf32> -> vector<10000x32xf32>
    %get3A_13 = arith.constant 0 : index
    %get3A_14 = arith.constant 0 : index
    %get3A_15 = vector.load %arg3[%get3A_13, %get3A_14] : memref<1x32xf32, #tpu.memory_space<vmem>>, vector<1x32xf32>
    %add3A = vector.broadcast %get3A_15 : vector<1x32xf32> to vector<10000x32xf32>
    %add3A_16 = arith.addf %dot_general3A_12, %add3A : vector<10000x32xf32>
    %swap3A_17 = arith.constant 0 : index
    %swap3A_18 = arith.constant 0 : index
    %swap3A_19 = vector.load %arg5[%swap3A_17, %swap3A_18] : memref<10000x32xf32, #tpu.memory_space<vmem>>, vector<10000x32xf32>
    tpu.vector_store %arg5[%swap3A_17, %swap3A_18], %add3A_16 {strides = array<i32>} : memref<10000x32xf32, #tpu.memory_space<vmem>>, vector<10000x32xf32>,
    return
  }
}

module attributes {stable_mosaic.version = 14 : i64} {
  func.func @body(%arg0: memref<2x10240x48xf32, #tpu.memory_space<vmem>>, %arg1: memref<10000x32xf32, #tpu.memory_space<vmem>>, %arg2: memref<32x320xf32, #tpu.memory_space<vmem>>, %arg3: memref<32x64xf32, #tpu.memory_space<vmem>>, %arg4: memref<1x64xf32, #tpu.memory_space<vmem>>, %arg5: memref<10000x320xbf16, #tpu.memory_space<vmem>>, %arg6: memref<10000x64xf32, #tpu.memory_space<vmem>>) attributes {dimension_semantics = [], scalar_prefetch = 0 : i64, scratch_operands = 0 : i64, tpu.core_type = #tpu.core_type<tc>} {
    %get3A = arith.constant 0 : index
    %get3A_0 = arith.constant 0 : index
    %get3A_1 = arith.constant 0 : index
    %get3A_2 = vector.load %arg0[%get3A, %get3A_0, %get3A_1] : memref<2x10240x48xf32, #tpu.memory_space<vmem>>, vector<1x10000x48xf32>
    %get3A_3 = vector.shape_cast %get3A_2 : vector<1x10000x48xf32> to vector<10000x48xf32>
    %get3A_4 = arith.constant 1 : index
    %get3A_5 = arith.constant 0 : index
    %get3A_6 = arith.constant 0 : index
    %get3A_7 = vector.load %arg0[%get3A_4, %get3A_5, %get3A_6] : memref<2x10240x48xf32, #tpu.memory_space<vmem>>, vector<1x10000x48xf32>
    %get3A_8 = vector.shape_cast %get3A_7 : vector<1x10000x48xf32> to vector<10000x48xf32>
    %add3A = arith.addf %get3A_3, %get3A_8 : vector<10000x48xf32>
    %slice3A = vector.extract_strided_slice %add3A {offsets = [0, 32], sizes = [10000, 1], strides = [1, 1]} : vector<10000x48xf32> to vector<10000x1xf32>
    %max3A = arith.constant 1.000000e+00 : f32
    %max3A_9 = vector.broadcast %max3A : f32 to vector<10000x1xf32>
    %max3A_10 = arith.maximumf %slice3A, %max3A_9 : vector<10000x1xf32>
    %slice3A_11 = vector.extract_strided_slice %add3A {offsets = [0, 0], sizes = [10000, 32], strides = [1, 1]} : vector<10000x48xf32> to vector<10000x32xf32>
    %div3A = vector.broadcast %max3A_10 : vector<10000x1xf32> to vector<10000x32xf32>
    %div3A_12 = arith.divf %slice3A_11, %div3A : vector<10000x32xf32>
    %get3A_13 = arith.constant 0 : index
    %get3A_14 = arith.constant 0 : index
    %get3A_15 = vector.load %arg1[%get3A_13, %get3A_14] : memref<10000x32xf32, #tpu.memory_space<vmem>>, vector<10000x32xf32>
    %add3A_16 = arith.addf %div3A_12, %get3A_15 : vector<10000x32xf32>
    %gt3A = arith.constant 0.000000e+00 : f32
    %gt3A_17 = vector.broadcast %gt3A : f32 to vector<10000x32xf32>
    %gt3A_18 = arith.cmpf ogt, %add3A_16, %gt3A_17 : vector<10000x32xf32>
    %min3A = arith.constant 0.000000e+00 : f32
    %min3A_19 = vector.broadcast %min3A : f32 to vector<10000x32xf32>
    %min3A_20 = arith.minimumf %add3A_16, %min3A_19 : vector<10000x32xf32>
    %exp3A = math.exp %min3A_20 : vector<10000x32xf32>
    %sub3A = arith.constant 1.000000e+00 : f32
    %sub3A_21 = vector.broadcast %sub3A : f32 to vector<10000x32xf32>
    %sub3A_22 = arith.subf %exp3A, %sub3A_21 : vector<10000x32xf32>
    %select_n3A = arith.select %gt3A_18, %add3A_16, %sub3A_22 : vector<10000x32xi1>, vector<10000x32xf32>
    %get3A_23 = arith.constant 0 : index
    %get3A_24 = arith.constant 0 : index
    %get3A_25 = vector.load %arg2[%get3A_23, %get3A_24] : memref<32x320xf32, #tpu.memory_space<vmem>>, vector<32x320xf32>
    %dot_general3A = arith.constant dense<0.000000e+00> : vector<10000x320xf32>
    %dot_general3A_26 = tpu.matmul %select_n3A, %get3A_25, %dot_general3A {dimension_numbers = #tpu.dot_dimension_numbers<[1], [0], [0], [1], [0, 0, 1, 1], [], []>, transpose_lhs_hint = false} : vector<10000x32xf32>, vector<32x320xf32>, vector<10000x320xf32> -> vector<10000x320xf32>
    %convert_element_type3A = arith.truncf %dot_general3A_26 : vector<10000x320xf32> to vector<10000x320xbf16>
    %swap3A = arith.constant 0 : index
    %swap3A_27 = arith.constant 0 : index
    %swap3A_28 = vector.load %arg5[%swap3A, %swap3A_27] : memref<10000x320xbf16, #tpu.memory_space<vmem>>, vector<10000x320xbf16>
    tpu.vector_store %arg5[%swap3A, %swap3A_27], %convert_element_type3A {strides = array<i32>} : memref<10000x320xbf16, #tpu.memory_space<vmem>>, vector<10000x320xbf16>,
    %get3A_29 = arith.constant 0 : index
    %get3A_30 = arith.constant 0 : index
    %get3A_31 = vector.load %arg3[%get3A_29, %get3A_30] : memref<32x64xf32, #tpu.memory_space<vmem>>, vector<32x64xf32>
    %dot_general3A_32 = arith.constant dense<0.000000e+00> : vector<10000x64xf32>
    %dot_general3A_33 = tpu.matmul %select_n3A, %get3A_31, %dot_general3A_32 {dimension_numbers = #tpu.dot_dimension_numbers<[1], [0], [0], [1], [0, 0, 1, 1], [], []>, transpose_lhs_hint = false} : vector<10000x32xf32>, vector<32x64xf32>, vector<10000x64xf32> -> vector<10000x64xf32>
    %get3A_34 = arith.constant 0 : index
    %get3A_35 = arith.constant 0 : index
    %get3A_36 = vector.load %arg4[%get3A_34, %get3A_35] : memref<1x64xf32, #tpu.memory_space<vmem>>, vector<1x64xf32>
    %add3A_37 = vector.broadcast %get3A_36 : vector<1x64xf32> to vector<10000x64xf32>
    %add3A_38 = arith.addf %dot_general3A_33, %add3A_37 : vector<10000x64xf32>
    %swap3A_39 = arith.constant 0 : index
    %swap3A_40 = arith.constant 0 : index
    %swap3A_41 = vector.load %arg6[%swap3A_39, %swap3A_40] : memref<10000x64xf32, #tpu.memory_space<vmem>>, vector<10000x64xf32>
    tpu.vector_store %arg6[%swap3A_39, %swap3A_40], %add3A_38 {strides = array<i32>} : memref<10000x64xf32, #tpu.memory_space<vmem>>, vector<10000x64xf32>,
    return
  }
}

module attributes {stable_mosaic.version = 14 : i64} {
  func.func @body(%arg0: memref<2x10240x64xf32, #tpu.memory_space<vmem>>, %arg1: memref<10000x64xf32, #tpu.memory_space<vmem>>, %arg2: memref<2x10240x48xf32, #tpu.memory_space<vmem>>, %arg3: memref<1x10000xi32, #tpu.memory_space<vmem>>, %arg4: memref<64x128xf32, #tpu.memory_space<vmem>>, %arg5: memref<1x128xf32, #tpu.memory_space<vmem>>, %arg6: memref<128x2xf32, #tpu.memory_space<vmem>>, %arg7: memref<1x2xf32, #tpu.memory_space<vmem>>, %arg8: memref<64x2xf32, #tpu.memory_space<vmem>>) attributes {dimension_semantics = [], scalar_prefetch = 0 : i64, scratch_operands = 0 : i64, tpu.core_type = #tpu.core_type<tc>} {
    %get3A = arith.constant 0 : index
    %get3A_0 = arith.constant 0 : index
    %get3A_1 = arith.constant 32 : index
    %get3A_2 = vector.load %arg2[%get3A, %get3A_0, %get3A_1] : memref<2x10240x48xf32, #tpu.memory_space<vmem>>, vector<1x10000x1xf32>
    %get3A_3 = vector.shape_cast %get3A_2 : vector<1x10000x1xf32> to vector<10000x1xf32>
    %get3A_4 = arith.constant 1 : index
    %get3A_5 = arith.constant 0 : index
    %get3A_6 = arith.constant 32 : index
    %get3A_7 = vector.load %arg2[%get3A_4, %get3A_5, %get3A_6] : memref<2x10240x48xf32, #tpu.memory_space<vmem>>, vector<1x10000x1xf32>
    %get3A_8 = vector.shape_cast %get3A_7 : vector<1x10000x1xf32> to vector<10000x1xf32>
    %add3A = arith.addf %get3A_3, %get3A_8 : vector<10000x1xf32>
    %max3A = arith.constant 1.000000e+00 : f32
    %max3A_9 = vector.broadcast %max3A : f32 to vector<10000x1xf32>
    %max3A_10 = arith.maximumf %add3A, %max3A_9 : vector<10000x1xf32>
    %get3A_11 = arith.constant 0 : index
    %get3A_12 = arith.constant 0 : index
    %get3A_13 = arith.constant 0 : index
    %get3A_14 = vector.load %arg0[%get3A_11, %get3A_12, %get3A_13] : memref<2x10240x64xf32, #tpu.memory_space<vmem>>, vector<1x10000x64xf32>
    %get3A_15 = vector.shape_cast %get3A_14 : vector<1x10000x64xf32> to vector<10000x64xf32>
    %get3A_16 = arith.constant 1 : index
    %get3A_17 = arith.constant 0 : index
    %get3A_18 = arith.constant 0 : index
    %get3A_19 = vector.load %arg0[%get3A_16, %get3A_17, %get3A_18] : memref<2x10240x64xf32, #tpu.memory_space<vmem>>, vector<1x10000x64xf32>
    %get3A_20 = vector.shape_cast %get3A_19 : vector<1x10000x64xf32> to vector<10000x64xf32>
    %add3A_21 = arith.addf %get3A_15, %get3A_20 : vector<10000x64xf32>
    %div3A = vector.broadcast %max3A_10 : vector<10000x1xf32> to vector<10000x64xf32>
    %div3A_22 = arith.divf %add3A_21, %div3A : vector<10000x64xf32>
    %get3A_23 = arith.constant 0 : index
    %get3A_24 = arith.constant 0 : index
    %get3A_25 = vector.load %arg1[%get3A_23, %get3A_24] : memref<10000x64xf32, #tpu.memory_space<vmem>>, vector<10000x64xf32>
    %add3A_26 = arith.addf %div3A_22, %get3A_25 : vector<10000x64xf32>
    %gt3A = arith.constant 0.000000e+00 : f32
    %gt3A_27 = vector.broadcast %gt3A : f32 to vector<10000x64xf32>
    %gt3A_28 = arith.cmpf ogt, %add3A_26, %gt3A_27 : vector<10000x64xf32>
    %min3A = arith.constant 0.000000e+00 : f32
    %min3A_29 = vector.broadcast %min3A : f32 to vector<10000x64xf32>
    %min3A_30 = arith.minimumf %add3A_26, %min3A_29 : vector<10000x64xf32>
    %exp3A = math.exp %min3A_30 : vector<10000x64xf32>
    %sub3A = arith.constant 1.000000e+00 : f32
    %sub3A_31 = vector.broadcast %sub3A : f32 to vector<10000x64xf32>
    %sub3A_32 = arith.subf %exp3A, %sub3A_31 : vector<10000x64xf32>
    %select_n3A = arith.select %gt3A_28, %add3A_26, %sub3A_32 : vector<10000x64xi1>, vector<10000x64xf32>
    %iota3A = tpu.iota {dimensions = array<i32: 0>} : vector<64x10000xi32>
    %get3A_33 = arith.constant 0 : index
    %get3A_34 = arith.constant 0 : index
    %get3A_35 = vector.load %arg3[%get3A_33, %get3A_34] : memref<1x10000xi32, #tpu.memory_space<vmem>>, vector<1x10000xi32>
    %eq3A = vector.broadcast %get3A_35 : vector<1x10000xi32> to vector<64x10000xi32>
    %eq3A_36 = arith.cmpi eq, %iota3A, %eq3A : vector<64x10000xi32>
    %convert_element_type3A = arith.extui %eq3A_36 : vector<64x10000xi1> to vector<64x10000xi32>
    %convert_element_type3A_37 = arith.sitofp %convert_element_type3A : vector<64x10000xi32> to vector<64x10000xf32>
    %reduce_sum3A = arith.constant dense<0.000000e+00> : vector<64xf32>
    %reduce_sum3A_38 = vector.multi_reduction <add>, %convert_element_type3A_37, %reduce_sum3A [1] : vector<64x10000xf32> to vector<64xf32>
    %broadcast_in_dim3A = vector.shape_cast %reduce_sum3A_38 : vector<64xf32> to vector<64x1xf32>
    %max3A_39 = arith.constant 1.000000e+00 : f32
    %max3A_40 = vector.broadcast %max3A_39 : f32 to vector<64x1xf32>
    %max3A_41 = arith.maximumf %broadcast_in_dim3A, %max3A_40 : vector<64x1xf32>
    %dot_general3A = arith.constant dense<0.000000e+00> : vector<64x64xf32>
    %dot_general3A_42 = tpu.matmul %convert_element_type3A_37, %select_n3A, %dot_general3A {dimension_numbers = #tpu.dot_dimension_numbers<[1], [0], [0], [1], [0, 0, 1, 1], [], []>, transpose_lhs_hint = false} : vector<64x10000xf32>, vector<10000x64xf32>, vector<64x64xf32> -> vector<64x64xf32>
    %div3A_43 = vector.broadcast %max3A_41 : vector<64x1xf32> to vector<64x64xf32>
    %div3A_44 = arith.divf %dot_general3A_42, %div3A_43 : vector<64x64xf32>
    %get3A_45 = arith.constant 0 : index
    %get3A_46 = arith.constant 0 : index
    %get3A_47 = vector.load %arg4[%get3A_45, %get3A_46] : memref<64x128xf32, #tpu.memory_space<vmem>>, vector<64x128xf32>
    %dot_general3A_48 = arith.constant dense<0.000000e+00> : vector<64x128xf32>
    %dot_general3A_49 = tpu.matmul %div3A_44, %get3A_47, %dot_general3A_48 {dimension_numbers = #tpu.dot_dimension_numbers<[1], [0], [0], [1], [0, 0, 1, 1], [], []>, transpose_lhs_hint = false} : vector<64x64xf32>, vector<64x128xf32>, vector<64x128xf32> -> vector<64x128xf32>
    %get3A_50 = arith.constant 0 : index
    %get3A_51 = arith.constant 0 : index
    %get3A_52 = vector.load %arg5[%get3A_50, %get3A_51] : memref<1x128xf32, #tpu.memory_space<vmem>>, vector<1x128xf32>
    %add3A_53 = vector.broadcast %get3A_52 : vector<1x128xf32> to vector<64x128xf32>
    %add3A_54 = arith.addf %dot_general3A_49, %add3A_53 : vector<64x128xf32>
    %gt3A_55 = arith.constant 0.000000e+00 : f32
    %gt3A_56 = vector.broadcast %gt3A_55 : f32 to vector<64x128xf32>
    %gt3A_57 = arith.cmpf ogt, %add3A_54, %gt3A_56 : vector<64x128xf32>
    %min3A_58 = arith.constant 0.000000e+00 : f32
    %min3A_59 = vector.broadcast %min3A_58 : f32 to vector<64x128xf32>
    %min3A_60 = arith.minimumf %add3A_54, %min3A_59 : vector<64x128xf32>
    %exp3A_61 = math.exp %min3A_60 : vector<64x128xf32>
    %sub3A_62 = arith.constant 1.000000e+00 : f32
    %sub3A_63 = vector.broadcast %sub3A_62 : f32 to vector<64x128xf32>
    %sub3A_64 = arith.subf %exp3A_61, %sub3A_63 : vector<64x128xf32>
    %select_n3A_65 = arith.select %gt3A_57, %add3A_54, %sub3A_64 : vector<64x128xi1>, vector<64x128xf32>
    %get3A_66 = arith.constant 0 : index
    %get3A_67 = arith.constant 0 : index
    %get3A_68 = vector.load %arg6[%get3A_66, %get3A_67] : memref<128x2xf32, #tpu.memory_space<vmem>>, vector<128x2xf32>
    %dot_general3A_69 = arith.constant dense<0.000000e+00> : vector<64x2xf32>
    %dot_general3A_70 = tpu.matmul %select_n3A_65, %get3A_68, %dot_general3A_69 {dimension_numbers = #tpu.dot_dimension_numbers<[1], [0], [0], [1], [0, 0, 1, 1], [], []>, transpose_lhs_hint = false} : vector<64x128xf32>, vector<128x2xf32>, vector<64x2xf32> -> vector<64x2xf32>
    %get3A_71 = arith.constant 0 : index
    %get3A_72 = arith.constant 0 : index
    %get3A_73 = vector.load %arg7[%get3A_71, %get3A_72] : memref<1x2xf32, #tpu.memory_space<vmem>>, vector<1x2xf32>
    %add3A_74 = vector.broadcast %get3A_73 : vector<1x2xf32> to vector<64x2xf32>
    %add3A_75 = arith.addf %dot_general3A_70, %add3A_74 : vector<64x2xf32>
    %reduce_max3A = arith.constant dense<0xFF800000> : vector<64xf32>
    %reduce_max3A_76 = vector.multi_reduction <maximumf>, %add3A_75, %reduce_max3A [1] : vector<64x2xf32> to vector<64xf32>
    %broadcast_in_dim3A_77 = vector.shape_cast %reduce_max3A_76 : vector<64xf32> to vector<64x1xf32>
    %sub3A_78 = vector.broadcast %broadcast_in_dim3A_77 : vector<64x1xf32> to vector<64x2xf32>
    %sub3A_79 = arith.subf %add3A_75, %sub3A_78 : vector<64x2xf32>
    %exp3A_80 = math.exp %sub3A_79 : vector<64x2xf32>
    %reduce_sum3A_81 = arith.constant dense<0.000000e+00> : vector<64xf32>
    %reduce_sum3A_82 = vector.multi_reduction <add>, %exp3A_80, %reduce_sum3A_81 [1] : vector<64x2xf32> to vector<64xf32>
    %broadcast_in_dim3A_83 = vector.shape_cast %reduce_sum3A_82 : vector<64xf32> to vector<64x1xf32>
    %log3A = math.log %broadcast_in_dim3A_83 : vector<64x1xf32>
    %sub3A_84 = vector.broadcast %log3A : vector<64x1xf32> to vector<64x2xf32>
    %sub3A_85 = arith.subf %sub3A_79, %sub3A_84 : vector<64x2xf32>
    %swap3A = arith.constant 0 : index
    %swap3A_86 = arith.constant 0 : index
    %swap3A_87 = vector.load %arg8[%swap3A, %swap3A_86] : memref<64x2xf32, #tpu.memory_space<vmem>>, vector<64x2xf32>
    tpu.vector_store %arg8[%swap3A, %swap3A_86], %sub3A_85 {strides = array<i32>} : memref<64x2xf32, #tpu.memory_space<vmem>>, vector<64x2xf32>,
    return
  }
}

</mosaic_0001>

<sc_bundles>
// kernel: kernel.10.cloned.1.call-start
scs
__scs_entry_jumppad:
0x0: {  	(pc) =	sbr.rel $0x88, $3  }
0x1: {  	(tag) =	ssettag $0x0;
	lr =	simm.s32 $0x1  }
0x2: {  	[smem:$0x3F8F] =	sst lr;
	_ =	strace $0xD0000000  }
0x3: {  	_ = 	snop  }
0x4: {  	_ = 	snop  }
0x5: {  	_ = 	snop  }
0x6: {  	_ = 	snop  }
0x7: {  	_ = 	snop  }
__scs_overlays_trampoline_lowered:
0x8: {  	[smem:$0x3F9E] =	sst s0  }
0x9: {  	[smem:$0x3F9F] =	sst s1  }
0xa: {  	[smem:$0x3FA0] =	sst s2  }
0xb: {  	[smem:$0x3FA1] =	sst s3  }
0xc: {  	[smem:$0x3FA2] =	sst s4  }
0xd: {  	[smem:$0x3FA3] =	sst s5  }
0xe: {  	[smem:$0x3FA4] =	sst s6  }
0xf: {  	[smem:$0x3FA5] =	sst s7  }
0x10: {  	[smem:$0x3FA6] =	sst s8  }
0x11: {  	[smem:$0x3FA7] =	sst s9;
	s0 =	simm.s32 @!p0 $0x0  }
0x12: {  	s1 =	sld [smem:$0x3F8D];
	s0 =	simm.s32 @p0 $0x1  }
0x13: {  	[smem:$0x3FA8] =	sst s0;
	s0 =	simm.s32 @!p1 $0x0  }
0x14: {  	s2 =	sld [smem:$0x3F8C];
	s0 =	simm.s32 @p1 $0x1  }
0x15: {  	[smem:$0x3FA9] =	sst s0;
	s0 =	simm.s32 @!p2 $0x0  }
0x16: {  	s3 =	sld [smem:$0x3FDB];
	s0 =	simm.s32 @p2 $0x1  }
0x17: {  	s4 =	simm.s32 $0x1BF5;
	[smem:$0x3FAB] =	sst s0  }
0x18: {  	s0 =	sld [smem:$0x3F8E];
	_ =	swait.ge [sflag:s4], $0x0  }
0x19: {  	s7 =	sld [smem:$0x3F8F]  }
0x1a: {  	s8 =	sadd.s32 $0xFFFFE003, lr  }
0x1b: {  	s9 =	sadd.s32 $0xFFFFFEF7, lr;
	s5 =	simm.s32 $0xFFFFFFFF;
	p2 =	slt.u32 s8, $0xFFFFF086  }
0x1c: {  	p1 =	slt.u32 s9, $0xF7A;
	s5 =	simm.s32 @!p2 $0x0  }
0x1d: {  	s5 =	simm.s32 @p1 $0x1;
	p0 =	seq.s32 s7, s2  }
0x1e: {  	s7 =	smul.u32 @!p0 $0xF7A, s2;
	p2 =	seq.s32 @!p0 s5, $0x0  }
0x1f: {  	s9 =	smul.u32 $0xF7A, s1;
	s8 =	simm.s32 @!p0 $0x1BF5;
	p2 =	por !p2, p0  }
0x20: {  	[sflag:s8] =	ssyncset.s32 @!p0 $0xFFFFF086;
	s6 =	sadd.s32 @!p0 s3, s7;
	s7 =	simm.s32 @!p0 $0x108  }
0x21: {  	s3 =	sadd.s32 s3, s9;
	s6 =	sadd.s32 @!p0 $0x88, s6;
	s7 =	simm.s32 @p2 $0x1082  }
0x22: {  	[simem:s7], [sflag:s8] =	dma.local @!p0 [hbm:s6], $0xF7A  }
0x23: {  	s9 =	sor.u32 $0xD0000000, s2;
	s6 =	simm.s32 $0x108;
	_ =	swait.ge @!p0 [sflag:s8], $0x0  }
0x24: {  	s3 =	sadd.s32 $0x88, s3;
	s6 =	simm.s32 @!p1 $0x1082;
	[sflag:s4] =	ssyncset.s32 $0xFFFFF086  }
0x25: {  	[simem:s6], [sflag:s4] =	dma.local [hbm:s3], $0xF7A  }
0x26: {  	[smem:$0x3F8F] =	sst s1;
	(tag) =	ssettag s2;
	_ =	strace s9  }
0x27: {  	s1 =	sld [smem:$0x3F9F]  }
0x28: {  	s2 =	sld [smem:$0x3FA0]  }
0x29: {  	s4 =	sld [smem:$0x3FA2]  }
0x2a: {  	p0 =	seq.s32 s5, $0x0;
	s5 =	sld [smem:$0x3FA3]  }
0x2b: {  	s6 =	sld [smem:$0x3FA4]  }
0x2c: {  	s7 =	sld [smem:$0x3FA5]  }
0x2d: {  	s3 =	simm.s32 $0x108;
	s8 =	sld [smem:$0x3FA6]  }
0x2e: {  	s3 =	simm.s32 @!p0 $0x1082;
	s9 =	sld [smem:$0x3FA7]  }
0x2f: {  	lr =	sadd.s32 s0, s3;
	s0 =	sld [smem:$0x3F9E]  }
0x30: {  	s3 =	sld [smem:$0x3FA1]  }
0x31: {  	[smem:$0x3FAA] =	sst s10  }
0x32: {  	s10 =	sld [smem:$0x3FA8];
	_ =	sdelay $0x3  }
0x33: {  	p0 =	seq.s32 s10, $0x1;
	s10 =	sld [smem:$0x3FAA];
	_ =	sdelay $0x3  }
0x34: {  	[smem:$0x3FAA] =	sst s10  }
0x35: {  	s10 =	sld [smem:$0x3FA9];
	_ =	sdelay $0x3  }
0x36: {  	p1 =	seq.s32 s10, $0x1;
	s10 =	sld [smem:$0x3FAA];
	_ =	sdelay $0x3  }
0x37: {  	[smem:$0x3FAA] =	sst s10  }
0x38: {  	s10 =	sld [smem:$0x3FAB]  }
0x39: {  	_ = 	snop;
	(pc) =	sbr.ind lr, $3  }
0x3a: {  	_ = 	snop  }
0x3b: {  	_ = 	snop  }
0x3c: {  	p2 =	seq.s32 s10, $0x1;
	s10 =	sld [smem:$0x3FAA]  }
0x3d: {  	_ =	shalt  }
0x3e: {  	_ =	shalt  }
0x3f: {  	_ =	shalt  }
0x40: {  	_ =	shalt  }
0x41: {  	_ =	shalt  }
0x42: {  	_ =	shalt  }
0x43: {  	_ =	shalt  }
0x44: {  	_ =	shalt  }
0x45: {  	_ =	shalt  }
0x46: {  	_ =	shalt  }
0x47: {  	_ =	shalt  }
0x48: {  	_ =	shalt  }
0x49: {  	_ =	shalt  }
0x4a: {  	_ =	shalt  }
0x4b: {  	_ =	shalt  }
0x4c: {  	_ =	shalt  }
0x4d: {  	_ =	shalt  }
0x4e: {  	_ =	shalt  }
0x4f: {  	_ =	shalt  }
0x50: {  	_ =	shalt  }
0x51: {  	_ =	shalt  }
0x52: {  	_ =	shalt  }
0x53: {  	_ =	shalt  }
0x54: {  	_ =	shalt  }
0x55: {  	_ =	shalt  }
0x56: {  	_ =	shalt  }
0x57: {  	_ =	shalt  }
0x58: {  	_ =	shalt  }
0x59: {  	_ =	shalt  }
0x5a: {  	_ =	shalt  }
0x5b: {  	_ =	shalt  }
0x5c: {  	_ =	shalt  }
0x5d: {  	_ =	shalt  }
0x5e: {  	_ =	shalt  }
0x5f: {  	_ =	shalt  }
0x60: {  	_ =	shalt  }
0x61: {  	_ =	shalt  }
0x62: {  	_ =	shalt  }
0x63: {  	_ =	shalt  }
0x64: {  	_ =	shalt  }
0x65: {  	_ =	shalt  }
0x66: {  	_ =	shalt  }
0x67: {  	_ =	shalt  }
0x68: {  	_ =	shalt  }
0x69: {  	_ =	shalt  }
0x6a: {  	_ =	shalt  }
0x6b: {  	_ =	shalt  }
0x6c: {  	_ =	shalt  }
0x6d: {  	_ =	shalt  }
0x6e: {  	_ =	shalt  }
0x6f: {  	_ =	shalt  }
0x70: {  	_ =	shalt  }
0x71: {  	_ =	shalt  }
0x72: {  	_ =	shalt  }
0x73: {  	_ =	shalt  }
0x74: {  	_ =	shalt  }
0x75: {  	_ =	shalt  }
0x76: {  	_ =	shalt  }
0x77: {  	_ =	shalt  }
0x78: {  	_ =	shalt  }
0x79: {  	_ =	shalt  }
0x7a: {  	_ =	shalt  }
0x7b: {  	_ =	shalt  }
0x7c: {  	_ =	shalt  }
0x7d: {  	_ =	shalt  }
0x7e: {  	_ =	shalt  }
0x7f: {  	_ =	shalt  }
0x80: {  	_ =	shalt  }
0x81: {  	_ =	shalt  }
0x82: {  	_ =	shalt  }
0x83: {  	_ =	shalt  }
0x84: {  	_ =	shalt  }
0x85: {  	_ =	shalt  }
0x86: {  	_ =	shalt  }
0x87: {  	_ =	shalt  }
.Lfunc_end0:
.L_simem_size_0:
called_computation.1_lowered:
.L_overlay_start_0:
0x88: {  	s2 =	sld [smem:$0x3FD9]  }
0x89: {  	s3 =	sld [smem:$0x3FFE];
	_ =	sdelay $0x1  }
0x8a: {  	s1 =	srdreg.scid  }
0x8b: {  	s0 =	sand.u32 $0x1, s1  }
0x8c: {  	s17 =	sshll.u32 s0, $0xA;
	s2 =	sadd.s32 s3, s2  }
0x8d: {  	s2 =	sadd.s32 s2, s17  }
0x8e: {  	[smem:$0x3FB6] =	sst s2  }
0x8f: {  	_ = 	snop  }
0x90: {  	s2 =	sld [smem:$0x3FD0];
	(tm) =	ssettm $0x1  }
0x91: {  	s18 =	sld [smem:$0x3FFB];
	_ =	sdelay $0x3  }
0x92: {  	_ =	strace s18  }
0x93: {  	s3 =	sld [smem:$0x3FFC];
	_ =	sdelay $0x3  }
0x94: {  	_ =	strace s3  }
0x95: {  	s3 =	sld [smem:$0x3FFD];
	_ =	sdelay $0x3  }
0x96: {  	_ =	strace s3  }
0x97: {  	_ =	strace $0x8FFFFFFF  }
0x98: {  	s19 =	sld [smem:$0x3FDB];
	_ =	sdelay $0x1  }
0x99: {  	s4 =	simm.s32 $_scs_section_size  }
0x9a: {  	s5 =	simm.s32 $_size__tile_overlayer_lowered;
	s6 =	simm.s32 $_tile_overlayer_lowered  }
0x9b: {  	s22 =	simm.s32 $0x1BFF;
	s21 =	sshll.u32 s6, $0x1;
	s3 =	sadd.s32 s4, s19  }
0x9c: {  	s7 =	simm.s32 $0x0;
	s20 =	sshll.u32 s5, $0x1;
	s5 =	sadd.s32 s21, s3  }
0x9d: {  	[timem:s7], [sflag:s22] =	dma.local [hbm:s5], s20  }
0x9e: {  	_ =	swait.ge [sflag:s22], s20  }
0x9f: {  	s4 =	ssub.s32 $0x0, s20;
	[sflag:s22] =	ssyncset.done $0x0  }
0xa0: {  	[sflag:s22] =	ssyncadd.s32 s4;
	_ =	sdelay $0x1  }
0xa1: {  	s23 =	simm.s32 $0x1B8B  }
0xa2: {  	_ =	swait.ge [sflag:s23], $0x1  }
0xa3: {  	[sflag:s23] =	ssyncset.done $0x0  }
0xa4: {  	s25 =	simm.s32 $0x1B8E;
	s24 =	sld [smem:$0x3FFE];
	[sflag:s23] =	ssyncadd.s32 $0xFFFFFFFF  }
0xa5: {  	s26 =	simm.s32 $execute0_lowered;
	[smem:$0x3FD2] =	sst s25  }
0xa6: {  	s5 =	sshll.u32 s26, $0x1;
	_ =	strace $0x80000049;
	[dreg:$0x1] =	wrdreg $0xFFFFFFFF  }
0xa7: {  	s28 =	simm.s32 $_size_execute0_lowered;
	s3 =	sadd.s32 s3, s5;
	[dreg:$0x0] =	wrdreg $0x0  }
0xa8: {  	s5 =	sshll.u32 s28, $0x1;
	[dreg:$0x2] =	wrdreg s3  }
0xa9: {  	[dreg:$0x3] =	wrdreg s5  }
0xaa: {  	[dreg:$0x4] =	wrdreg $0xC0  }
0xab: {  	_ =	task [dreg:s7], $0x5FFFF  }
0xac: {  	[dreg:$0x1] =	wrdreg $0xFFFFFFFF  }
0xad: {  	[dreg:$0x0] =	wrdreg $0x60  }
0xae: {  	[dreg:$0x2] =	wrdreg s24  }
0xaf: {  	[dreg:$0x3] =	wrdreg s2  }
0xb0: {  	[dreg:$0x4] =	wrdreg $0xC9F00  }
0xb1: {  	[dreg:$0x5] =	wrdreg $0x9  }
0xb2: {  	_ =	task.clear_ibuf [dreg:s7], $0x6FFFF;
	_ =	strace $0x90000049  }
0xb3: {  	s29 =	simm.s32 $0x9;
	_ =	strace $0x8000004B  }
0xb4: {  	_ =	swait.ge [sflag:s29], $0x1  }
0xb5: {  	[sflag:s29] =	ssyncadd.s32 $0xFFFFFFFF  }
0xb6: {  	_ =	strace $0x9000004B  }
0xb7: {  	_ =	sfence  }
0xb8: {  	s30 =	sld [smem:$0x0];
	_ =	sdelay $0x2  }
0xb9: {  	s31 =	sshll.u32 s1, $0xD;
	s1 =	sshrl.u32 s1, $0x2  }
0xba: {  	s3 =	sand.u32 $0x4000, s31;
	s1 =	sadd.s32 s1, s30  }
0xbb: {  	s0 =	sor.u32 s3, s0;
	s1 =	sshll.u32 s1, $0x11  }
0xbc: {  	s0 =	sor.u32 s1, s0  }
0xbd: {  	s0 =	sadd.s32 $0x8F2B, s0  }
0xbe: {  	[sflag:s0] =	ssyncadd.remote.s32 $0x1  }
0xbf: {  	_ =	sfence.sel $0xFFFF  }
0xc0: {  	[dreg:$0x0] =	wrdreg $0xFFFFFFFF;
	(pc) =	sbr.abs _section_cstart, $3  }
0xc1: {  	[dreg:$0x1] =	wrdreg $0xFFFFFFFF  }
0xc2: {  	_ =	task.clear_ibuf [dreg:s7], $0x2FFFF;
	_ =	strace $0x9FFFFFFF  }
0xc3: {  	(tm) =	ssettm $0x7FFFFFFF  }
tec
execute0_lowered:
.L_overlay_start_1:
0x0: {  	(tag) =	ssettag $0x1  }
0x1: {  	s1 =	srdreg.scid;
	s5 =	rddreg [dreg:$0x0]  }
0x2: {  	s0 =	stileid.u32;
	s2 =	rddreg [dreg:$0x1]  }
0x3: {  	s7 =	rddreg [dreg:$0x2];
	s3 =	simm.s32 $0x0;
	s17 =	simm.s32 $0xC800  }
0x4: {  	s18 =	simm.s32 $0x1;
	s19 =	simm.s32 $0xC830;
	s20 =	simm.s32 $0x2710  }
0x5: {  	s21 =	simm.s32 $0xB400;
	s22 =	simm.s32 $0x4E20;
	s23 =	simm.s32 $0xC860  }
0x6: {  	s24 =	simm.s32 $0x0;
	s4 =	sand.u32 $0x1, s1;
	s8 =	smul.u32 $0xA000, s0  }
0x7: {  	s30 =	sshll.u32 s0, $0x1;
	[smem:$0x7FF] =	sst s3;
	s11 =	smul.u32 $0x28000, s0  }
0x8: {  	s1 =	sor.u32 s4, s30;
	s9 =	smul.u32 $0xA0000, s4;
	s10 =	ssub.s32 $0x2, s4  }
0x9: {  	s4 =	sadd.s32 $0x4D800, s5;
	s6 =	smul.u32 $0x4E2, s1;
	s1 =	rddreg [dreg:$0x3]  }
0xa: {  	_ =	strace $0x8000004A;
	s12 =	sshrl.u32 s10, $0x1;
	s31 =	sshrl.u32 s11, $0x2  }
0xb: {  	v0 =	vlaneseq.u32;
	v1 =	vimm.f32 $0.0e+00;
	s9 =	sadd.s32 s8, s9;
	s16 =	ssub.s32 s10, s12;
	s14 =	sadd.s32 s31, s7  }
0xc: {  	v4 =	vimm.s32 $0x50;
	v5 =	vimm.s32 $0xA0;
	v6 =	vimm.s32 $0xF0;
	s7 =	sadd.s32 s8, s7;
	s6 =	sadd.s32 s6, s5;
	s9 =	sshrl.u32 s9, $0x3  }
0xd: {  	v7 =	vimm.s32 $0x140;
	v8 =	vimm.s32 $0x1;
	v0 =	vmul.u32 $0x3, v0;
	s8 =	sadd.s32 $0x1400, s14;
	s10 =	sadd.s32 $0x3C00, s14;
	s11 =	sadd.s32 $0x5000, s14  }
0xe: {  	v9 =	vimm.s32 $0x51;
	v10 =	vimm.s32 $0xA1;
	v11 =	vimm.s32 $0xF1;
	s12 =	sadd.s32 $0x6400, s14;
	s13 =	sadd.s32 $0x7800, s14;
	s16 =	smax.u32 s16, $0x1  }
0xf: {  	v12 =	vimm.s32 $0x141;
	v2 =	vadd.s32 $0x1, v0;
	v13 =	vadd.s32 $0xF0, v0;
	s15 =	sadd.s32 s9, s5;
	s5 =	sadd.s32 $0xCE00, s6;
	s6 =	sadd.s32 $0x3000, s6  }
0x10: {  	v3 =	vadd.s32 $0x2, v0;
	v14 =	vadd.s32 $0xF1, v0;
	v15 =	vadd.s32 $0xF2, v0;
	[tilespmem:$0x1FFF0] =	vst v13;
	s9 =	sadd.s32 $0x2800, s14;
	s14 =	sadd.s32 $0x8C00, s14;
	s15 =	sadd.s32 $0x9DA00, s15  }
.LBB2_1:
0x11: {  	[tilespmem:s17], [sflag:$0x1] =	stream.linear.gather [hbm4b:s2+s3], $0x30, $0x38;
	[tilespmem:$0x169F0] =	vst v63  }
0x12: {  	_ =	swait.ge [sflag:s18], $0x30  }
0x13: {  	[sflag:s18] =	ssyncset.done $0x0  }
0x14: {  	[sflag:s18] =	ssyncadd.s32 $0xFFFFFFD0  }
0x15: {  	[tilespmem:s19], [sflag:$0x1] =	stream.linear.gather [hbm4b:s4+s3], $0x30, $0x38;
	[tilespmem:$0x169F0] =	vst v63  }
0x16: {  	_ =	swait.ge [sflag:s18], $0x30  }
0x17: {  	[sflag:s18] =	ssyncset.done $0x0  }
0x18: {  	[sflag:s18] =	ssyncadd.s32 $0xFFFFFFD0  }
0x19: {  	[tilespmem:s3], [sflag:$0x1] =	stream.linear.gather [hbm4b:s5+s3], $0x2710, $0x38;
	[tilespmem:$0x169F0] =	vst v63  }
0x1a: {  	_ =	swait.ge [sflag:s18], $0x2710  }
0x1b: {  	[sflag:s18] =	ssyncset.done $0x0  }
0x1c: {  	[sflag:s18] =	ssyncadd.s32 $0xFFFFD8F0  }
0x1d: {  	[tilespmem:s20], [sflag:$0x1] =	stream.linear.gather [hbm4b:s6+s3], $0x2710, $0x38;
	[tilespmem:$0x169F0] =	vst v63  }
0x1e: {  	_ =	swait.ge [sflag:s18], $0x2710  }
0x1f: {  	[sflag:s18] =	ssyncset.done $0x0  }
0x20: {  	s26 =	simm.s32 $0x100;
	s25 =	simm.s32 $0x0;
	[sflag:s18] =	ssyncadd.s32 $0xFFFFD8F0  }
.LBB2_2:
0x21: {  	p0 =	sne.s32 s26, $0x4F00;
	[tilespmem:s25+$0xB430] =	vst v1;
	s28 =	smov.u32 s26;
	s26 =	sadd.s32 $0x100, s26  }
.Ltmp0:
0x22: {  	[tilespmem:s25+$0xB420] =	vst v1;
	(pc) =	sbr.rel @p0 .LBB2_2-.Ltmp0, $3  }
0x23: {  	[tilespmem:s25+$0xB400] =	vst v1  }
0x24: {  	[tilespmem:s25+$0xB410] =	vst v1;
	_ =	sdelay $0x1  }
0x25: {  	s25 =	sshra.s32 s28, $0x2  }
0x26: {  	[tilespmem:s25+$0xB430] =	vst v1  }
0x27: {  	[tilespmem:s25+$0xB420] =	vst v1  }
0x28: {  	[tilespmem:s25+$0xB400] =	vst v1  }
0x29: {  	[tilespmem:s25+$0xB410] =	vst v1  }
0x2a: {  	[spmem:s7] =	stream.linear.scatter [tilespmem:s21], [sflag:$0x1], $0x1400, $0x38;
	[tilespmem:$0x169F0] =	vst v63  }
0x2b: {  	_ =	swait.ge [sflag:s18], $0x1400  }
0x2c: {  	[sflag:s18] =	ssyncset.done $0x0  }
0x2d: {  	[sflag:s18] =	ssyncadd.s32 $0xFFFFEC00  }
0x2e: {  	[spmem:s8] =	stream.linear.scatter [tilespmem:s21], [sflag:$0x1], $0x1400, $0x38;
	[tilespmem:$0x169F0] =	vst v63  }
0x2f: {  	_ =	swait.ge [sflag:s18], $0x1400  }
0x30: {  	[sflag:s18] =	ssyncset.done $0x0  }
0x31: {  	[sflag:s18] =	ssyncadd.s32 $0xFFFFEC00  }
0x32: {  	[spmem:s9] =	stream.linear.scatter [tilespmem:s21], [sflag:$0x1], $0x1400, $0x38;
	[tilespmem:$0x169F0] =	vst v63  }
0x33: {  	_ =	swait.ge [sflag:s18], $0x1400  }
0x34: {  	[sflag:s18] =	ssyncset.done $0x0  }
0x35: {  	[sflag:s18] =	ssyncadd.s32 $0xFFFFEC00  }
0x36: {  	[spmem:s10] =	stream.linear.scatter [tilespmem:s21], [sflag:$0x1], $0x1400, $0x38;
	[tilespmem:$0x169F0] =	vst v63  }
0x37: {  	_ =	swait.ge [sflag:s18], $0x1400  }
0x38: {  	[sflag:s18] =	ssyncset.done $0x0  }
0x39: {  	[sflag:s18] =	ssyncadd.s32 $0xFFFFEC00  }
0x3a: {  	[spmem:s11] =	stream.linear.scatter [tilespmem:s21], [sflag:$0x1], $0x1400, $0x38;
	[tilespmem:$0x169F0] =	vst v63  }
0x3b: {  	_ =	swait.ge [sflag:s18], $0x1400  }
0x3c: {  	[sflag:s18] =	ssyncset.done $0x0  }
0x3d: {  	[sflag:s18] =	ssyncadd.s32 $0xFFFFEC00  }
0x3e: {  	[spmem:s12] =	stream.linear.scatter [tilespmem:s21], [sflag:$0x1], $0x1400, $0x38;
	[tilespmem:$0x169F0] =	vst v63  }
0x3f: {  	_ =	swait.ge [sflag:s18], $0x1400  }
0x40: {  	[sflag:s18] =	ssyncset.done $0x0  }
0x41: {  	[sflag:s18] =	ssyncadd.s32 $0xFFFFEC00  }
0x42: {  	[spmem:s13] =	stream.linear.scatter [tilespmem:s21], [sflag:$0x1], $0x1400, $0x38;
	[tilespmem:$0x169F0] =	vst v63  }
0x43: {  	_ =	swait.ge [sflag:s18], $0x1400  }
0x44: {  	[sflag:s18] =	ssyncset.done $0x0  }
0x45: {  	[sflag:s18] =	ssyncadd.s32 $0xFFFFEC00  }
0x46: {  	[spmem:s14] =	stream.linear.scatter [tilespmem:s21], [sflag:$0x1], $0x1400, $0x38;
	[tilespmem:$0x169F0] =	vst v63  }
0x47: {  	_ =	swait.ge [sflag:s18], $0x1400  }
0x48: {  	[sflag:s18] =	ssyncset.done $0x0  }
0x49: {  	[sflag:s18] =	ssyncadd.s32 $0xFFFFEC00  }
0x4a: {  	[bflag:$0x0] =	sbarrier.arrive $0xFFFF  }
0x4b: {  	v17 =	vld [tilespmem:$0xC800]  }
0x4c: {  	v18 =	vld [tilespmem:$0xC810]  }
0x4d: {  	v25 =	vld [tilespmem:$0xC820];
	_ =	sdelay $0x3  }
0x4e: {  	v34 =	vbroadcast v17, $0x0;
	v35 =	vbroadcast v18, $0x0  }
0x4f: {  	v26 =	vld [tilespmem:$0xC830];
	v32 =	vbroadcast v25, $0x0;
	v29 =	vbroadcast v17, $0x1  }
0x50: {  	v31 =	vld [tilespmem:$0xC840];
	v28 =	vbroadcast v18, $0x1;
	v27 =	vbroadcast v25, $0x1  }
0x51: {  	v46 =	vld [tilespmem:$0xC850];
	v23 =	vbroadcast v17, $0x2;
	v22 =	vbroadcast v18, $0x2  }
0x52: {  	v24 =	vbroadcast v25, $0x2;
	v21 =	vbroadcast v17, $0x3  }
0x53: {  	v47 =	vld.idx.msk [tilespmem:v0+s22+$0x0], $0xffff;
	v20 =	vbroadcast v18, $0x3;
	v16 =	vbroadcast v25, $0x3  }
0x54: {  	v48 =	vld.idx.msk [tilespmem:v2+s22+$0x0], $0xffff;
	v19 =	vbroadcast v17, $0x4;
	v18 =	vbroadcast v18, $0x4  }
0x55: {  	v49 =	vld.idx.msk [tilespmem:v3+s22+$0x0], $0xffff;
	v17 =	vbroadcast v25, $0x4;
	v45 =	vbroadcast v26, $0x0  }
0x56: {  	v44 =	vbroadcast v31, $0x0;
	v42 =	vbroadcast v46, $0x0  }
0x57: {  	v43 =	vbroadcast v26, $0x1;
	v41 =	vbroadcast v31, $0x1  }
0x58: {  	v40 =	vbroadcast v46, $0x1;
	v36 =	vbroadcast v26, $0x2  }
0x59: {  	v37 =	vbroadcast v31, $0x2;
	v39 =	vbroadcast v46, $0x2;
	v56 =	vsub.f32 v47, v34  }
0x5a: {  	v38 =	vbroadcast v26, $0x3;
	v30 =	vsub.f32 v48, v35;
	v33 =	vsub.f32 v49, v32  }
0x5b: {  	v52 =	vsub.f32 v47, v29;
	v59 =	vsub.f32 v49, v27;
	v25 =	vmul.f32 v56, v56  }
0x5c: {  	v53 =	vsub.f32 v47, v23;
	v30 =	vmul.f32 v30, v30;
	v50 =	vmul.f32 v33, v33  }
0x5d: {  	v54 =	vsub.f32 v48, v22;
	v33 =	vbroadcast v31, $0x3;
	v31 =	vbroadcast v31, $0x4  }
0x5e: {  	v55 =	vsub.f32 v49, v24;
	v58 =	vmul.f32 v52, v52;
	v52 =	vmul.f32 v59, v59  }
0x5f: {  	v53 =	vmul.f32 v53, v53;
	v54 =	vmul.f32 v54, v54  }
0x60: {  	v55 =	vmul.f32 v55, v55;
	v25 =	vmul.f32 v25, v45  }
0x61: {  	v56 =	vsub.f32 v47, v21;
	v30 =	vmul.f32 v30, v44;
	v50 =	vmul.f32 v50, v42  }
0x62: {  	v47 =	vsub.f32 v47, v19;
	v52 =	vmul.f32 v52, v40;
	v53 =	vmul.f32 v53, v36  }
0x63: {  	v54 =	vmul.f32 v54, v37;
	v56 =	vmul.f32 v56, v56  }
0x64: {  	v57 =	vsub.f32 v48, v28;
	v55 =	vmul.f32 v55, v39;
	v47 =	vmul.f32 v47, v47  }
0x65: {  	v51 =	vadd.f32 v30, v25;
	v25 =	vbroadcast v46, $0x3;
	v30 =	vbroadcast v26, $0x4  }
0x66: {  	v26 =	vbroadcast v46, $0x4;
	v46 =	vmul.f32 v58, v43  }
0x67: {  	v50 =	vadd.f32 v50, v51;
	v51 =	vmul.f32 v57, v57;
	v57 =	vsub.f32 v48, v20  }
0x68: {  	v56 =	vmul.f32 v56, v38;
	v58 =	vsub.f32 v49, v16;
	v48 =	vsub.f32 v48, v18  }
0x69: {  	v49 =	vsub.f32 v49, v17;
	v51 =	vmul.f32 v51, v41;
	v57 =	vmul.f32 v57, v57  }
0x6a: {  	v53 =	vadd.f32 v54, v53;
	v60 =	vmul.f32 v58, v58;
	v48 =	vmul.f32 v48, v48  }
0x6b: {  	v47 =	vmul.f32 v47, v30;
	v57 =	vmul.f32 v57, v33;
	v46 =	vadd.f32 v51, v46  }
0x6c: {  	v49 =	vmul.f32 v49, v49;
	v53 =	vadd.f32 v55, v53;
	v48 =	vmul.f32 v48, v31  }
0x6d: {  	v51 =	vmul.f32 v60, v25;
	v46 =	vadd.f32 v52, v46;
	v61 =	vadd.f32 v57, v56  }
0x6e: {  	v50 =	vmul.f32 $1.442695020e+00, v50;
	v62 =	vmul.f32 v49, v26;
	v47 =	vadd.f32 v48, v47  }
0x6f: {  	v46 =	vmul.f32 $1.442695020e+00, v46;
	v63 =	vadd.f32 v51, v61  }
0x70: {  	(erf) = vpow2.f32 v50;
	v52 =	vmul.f32 $1.442695020e+00, v53;
	v47 =	vadd.f32 v62, v47  }
0x71: {  	(erf) = vpow2.f32 v46;
	v53 =	vmul.f32 $1.442695020e+00, v63  }
0x72: {  	v47 =	vmul.f32 $1.442695020e+00, v47;
	(erf) = vpow2.f32 v52  }
0x73: {  	(erf) = vpow2.f32 v53  }
0x74: {  	(erf) = vpow2.f32 v47;
	_ =	sdelay $0x4  }
0x75: {  	v54 =	vpop (erf)  }
0x76: {  	v59 =	vld [tilespmem:$0x5000];
	[tilespmem:$0xC860] =	vst v54;
	v55 =	vpop (erf)  }
0x77: {  	v60 =	vld [tilespmem:$0x5010];
	[tilespmem:$0xC8B0] =	vst v55;
	v56 =	vpop (erf)  }
0x78: {  	v50 =	vld [tilespmem:$0x5020];
	[tilespmem:$0xC900] =	vst v56;
	v57 =	vpop (erf)  }
0x79: {  	v61 =	vld [tilespmem:$0x5030];
	[tilespmem:$0xC950] =	vst v57;
	v58 =	vpop (erf)  }
0x7a: {  	v54 =	vld [tilespmem:$0x5040];
	[tilespmem:$0xC9A0] =	vst v58  }
0x7b: {  	v46 =	vld.msk [tilespmem:s23+$0x0], $0xffff  }
0x7c: {  	v56 =	vld [tilespmem:$0x5050]  }
0x7d: {  	v48 =	vld.idx.msk [tilespmem:v4+s23+$0x0], $0xffff  }
0x7e: {  	v62 =	vshll.u32 v59, $0x10;
	v49 =	vand.u32 $0xFFFF0000, v60;
	v63 =	vshll.u32 v60, $0x10;
	v57 =	vld [tilespmem:$0x5060]  }
0x7f: {  	v60 =	vshll.u32 v50, $0x10;
	v50 =	vand.u32 $0xFFFF0000, v50;
	v47 =	vand.u32 $0xFFFF0000, v59;
	v52 =	vld.idx.msk [tilespmem:v5+s23+$0x0], $0xffff  }
0x80: {  	v59 =	vshll.u32 v61, $0x10;
	v58 =	vld.idx.msk [tilespmem:v6+s23+$0x0], $0xffff;
	v53 =	vmul.f32 v62, v46;
	v47 =	vmul.f32 v47, v46  }
0x81: {  	v51 =	vand.u32 $0xFFFF0000, v61;
	v55 =	vmul.f32 v63, v46;
	v46 =	vmul.f32 v49, v46  }
0x82: {  	v61 =	vshll.u32 v54, $0x10;
	v49 =	vmul.f32 v60, v48;
	v50 =	vmul.f32 v50, v48  }
0x83: {  	v54 =	vand.u32 $0xFFFF0000, v54;
	v59 =	vmul.f32 v59, v48;
	v48 =	vmul.f32 v51, v48  }
0x84: {  	v13 =	vshll.u32 v57, $0x10;
	v51 =	vmul.f32 v61, v52;
	v54 =	vmul.f32 v54, v52  }
0x85: {  	v60 =	vld [tilespmem:$0x5070];
	v61 =	vshll.u32 v56, $0x10;
	v56 =	vand.u32 $0xFFFF0000, v56;
	v13 =	vmul.f32 v13, v58  }
0x86: {  	v62 =	vld [tilespmem:$0x5080];
	v61 =	vmul.f32 v61, v52;
	v52 =	vmul.f32 v56, v52;
	v56 =	vand.u32 $0xFFFF0000, v57  }
0x87: {  	v63 =	vld.idx.msk [tilespmem:v7+s23+$0x0], $0xffff;
	v56 =	vmul.f32 v56, v58;
	v49 =	vadd.f32 v49, v53  }
0x88: {  	v13 =	vadd.f32 v13, v51;
	v47 =	vadd.f32 v50, v47  }
0x89: {  	v53 =	vld [tilespmem:$0x5090];
	v46 =	vadd.f32 v48, v46;
	v50 =	vadd.f32 v56, v54  }
0x8a: {  	v13 =	vadd.f32 v13, v49;
	v57 =	vshll.u32 v60, $0x10;
	v60 =	vand.u32 $0xFFFF0000, v60  }
0x8b: {  	v51 =	vshll.u32 v62, $0x10;
	v62 =	vand.u32 $0xFFFF0000, v62;
	v57 =	vmul.f32 v57, v58  }
0x8c: {  	v54 =	vmul.f32 v60, v58;
	v51 =	vmul.f32 v51, v63;
	v47 =	vadd.f32 v50, v47  }
0x8d: {  	v56 =	vmul.f32 v62, v63;
	v62 =	vadd.f32 v59, v55;
	v58 =	vadd.f32 v57, v61  }
0x8e: {  	v60 =	vshll.u32 v53, $0x10;
	v53 =	vand.u32 $0xFFFF0000, v53;
	v59 =	vadd.f32 v54, v52  }
0x8f: {  	v49 =	vmul.f32 v60, v63;
	v13 =	vadd.f32 v51, v13;
	v50 =	vadd.f32 v58, v62  }
0x90: {  	v60 =	vmul.f32 v53, v63;
	v47 =	vadd.f32 v56, v47;
	v46 =	vadd.f32 v59, v46  }
0x91: {  	v55 =	vld [tilespmem:$0x50F0];
	[tilespmem:$0xB400] =	vst v13;
	v13 =	vadd.f32 v49, v50  }
0x92: {  	v61 =	vld [tilespmem:$0x50A0];
	[tilespmem:$0xB410] =	vst v47;
	v46 =	vadd.f32 v60, v46  }
0x93: {  	v63 =	vld [tilespmem:$0x50C0];
	[tilespmem:$0xB420] =	vst v13  }
0x94: {  	v62 =	vld [tilespmem:$0x50B0];
	[tilespmem:$0xB430] =	vst v46  }
0x95: {  	v13 =	vld.idx.msk [tilespmem:v8+s23+$0x0], $0xffff  }
0x96: {  	v50 =	vld [tilespmem:$0x50D0]  }
0x97: {  	v47 =	vld.idx.msk [tilespmem:v9+s23+$0x0], $0xffff  }
0x98: {  	v53 =	vld [tilespmem:$0x50E0]  }
0x99: {  	v56 =	vld [tilespmem:$0x5100];
	v60 =	vshll.u32 v61, $0x10;
	v49 =	vand.u32 $0xFFFF0000, v63;
	v46 =	vand.u32 $0xFFFF0000, v61  }
0x9a: {  	v51 =	vld.idx.msk [tilespmem:v10+s23+$0x0], $0xffff;
	v61 =	vshll.u32 v62, $0x10;
	v48 =	vand.u32 $0xFFFF0000, v62;
	v52 =	vmul.f32 v60, v13  }
0x9b: {  	v62 =	vshll.u32 v63, $0x10;
	v46 =	vmul.f32 v46, v13;
	v54 =	vmul.f32 v61, v13  }
0x9c: {  	v57 =	vld.idx.msk [tilespmem:v11+s23+$0x0], $0xffff;
	v63 =	vshll.u32 v50, $0x10;
	v13 =	vmul.f32 v48, v13;
	v48 =	vmul.f32 v62, v47  }
0x9d: {  	v59 =	vld [tilespmem:$0x5110];
	v50 =	vand.u32 $0xFFFF0000, v50;
	v49 =	vmul.f32 v49, v47;
	v58 =	vmul.f32 v63, v47  }
0x9e: {  	v47 =	vmul.f32 v50, v47;
	v60 =	vshll.u32 v53, $0x10;
	v53 =	vand.u32 $0xFFFF0000, v53  }
0x9f: {  	v61 =	vld [tilespmem:$0x5120];
	v63 =	vshll.u32 v56, $0x10;
	v50 =	vmul.f32 v60, v51;
	v60 =	vshll.u32 v55, $0x10  }
0xa0: {  	v53 =	vmul.f32 v53, v51;
	v55 =	vand.u32 $0xFFFF0000, v55;
	v60 =	vmul.f32 v60, v51  }
0xa1: {  	v62 =	vld.idx.msk [tilespmem:v12+s23+$0x0], $0xffff;
	v51 =	vmul.f32 v55, v51;
	v55 =	vand.u32 $0xFFFF0000, v56;
	v56 =	vmul.f32 v63, v57  }
0xa2: {  	v63 =	vshll.u32 v59, $0x10;
	v48 =	vadd.f32 v48, v52;
	v59 =	vand.u32 $0xFFFF0000, v59  }
0xa3: {  	v52 =	vld [tilespmem:$0x5130];
	v46 =	vadd.f32 v49, v46;
	v13 =	vadd.f32 v47, v13;
	v55 =	vmul.f32 v55, v57  }
0xa4: {  	v63 =	vmul.f32 v63, v57;
	v50 =	vadd.f32 v56, v50;
	v56 =	vshll.u32 v61, $0x10  }
0xa5: {  	v49 =	vadd.f32 v55, v53;
	v53 =	vmul.f32 v59, v57;
	v61 =	vand.u32 $0xFFFF0000, v61  }
0xa6: {  	v59 =	vadd.f32 v58, v54;
	v60 =	vadd.f32 v63, v60;
	v56 =	vmul.f32 v56, v62  }
0xa7: {  	v55 =	vmul.f32 v61, v62;
	v48 =	vadd.f32 v50, v48;
	v61 =	vadd.f32 v53, v51  }
0xa8: {  	v46 =	vadd.f32 v49, v46;
	v57 =	vshll.u32 v52, $0x10;
	v52 =	vand.u32 $0xFFFF0000, v52  }
0xa9: {  	v48 =	vadd.f32 v56, v48;
	v63 =	vmul.f32 v52, v62;
	v13 =	vadd.f32 v61, v13  }
0xaa: {  	v50 =	vadd.f32 v60, v59;
	v49 =	vmul.f32 v57, v62;
	v46 =	vadd.f32 v55, v46  }
0xab: {  	[tilespmem:$0xB440] =	vst v48;
	v13 =	vadd.f32 v63, v13  }
0xac: {  	v52 =	vadd.f32 v49, v50;
	[tilespmem:$0xB450] =	vst v46  }
0xad: {  	[tilespmem:$0xB470] =	vst v13;
	v13 =	vld [tilespmem:$0x1FFF0]  }
0xae: {  	[tilespmem:$0xB460] =	vst v52  }
0xaf: {  	v46 =	vld.idx.msk [tilespmem:v14+s22+$0x0], $0xffff  }
0xb0: {  	v47 =	vld.idx.msk [tilespmem:v15+s22+$0x0], $0xffff;
	_ =	sdelay $0x4  }
0xb1: {  	v54 =	vsub.f32 v46, v35;
	v55 =	vsub.f32 v47, v32;
	v13 =	vld.idx.msk [tilespmem:v13+s22+$0x0], $0xffff  }
0xb2: {  	v59 =	vsub.f32 v47, v27;
	v62 =	vsub.f32 v47, v24  }
0xb3: {  	v49 =	vmul.f32 v54, v54;
	v50 =	vmul.f32 v55, v55  }
0xb4: {  	v58 =	vsub.f32 v46, v28;
	v51 =	vmul.f32 v59, v59;
	v54 =	vmul.f32 v62, v62  }
0xb5: {  	v61 =	vsub.f32 v46, v22;
	v49 =	vmul.f32 v49, v44;
	v56 =	vmul.f32 v50, v42  }
0xb6: {  	v51 =	vmul.f32 v51, v40;
	v53 =	vsub.f32 v13, v34;
	v57 =	vsub.f32 v13, v29  }
0xb7: {  	v54 =	vmul.f32 v54, v39;
	v60 =	vsub.f32 v13, v23;
	v63 =	vsub.f32 v13, v21  }
0xb8: {  	v13 =	vsub.f32 v13, v19;
	v48 =	vmul.f32 v53, v53;
	v50 =	vmul.f32 v57, v57  }
0xb9: {  	v52 =	vmul.f32 v60, v60;
	v53 =	vmul.f32 v61, v61;
	v60 =	vsub.f32 v46, v20  }
0xba: {  	v55 =	vmul.f32 v63, v63;
	v46 =	vsub.f32 v46, v18;
	v48 =	vmul.f32 v48, v45  }
0xbb: {  	v61 =	vsub.f32 v47, v16;
	v13 =	vmul.f32 v13, v13;
	v50 =	vmul.f32 v50, v43  }
0xbc: {  	v52 =	vmul.f32 v52, v36;
	v48 =	vadd.f32 v49, v48;
	v49 =	vmul.f32 v58, v58  }
0xbd: {  	v47 =	vsub.f32 v47, v17;
	v53 =	vmul.f32 v53, v37;
	v55 =	vmul.f32 v55, v38  }
0xbe: {  	v48 =	vadd.f32 v56, v48;
	v49 =	vmul.f32 v49, v41;
	v56 =	vmul.f32 v60, v60  }
0xbf: {  	v46 =	vmul.f32 v46, v46;
	v62 =	vmul.f32 v61, v61;
	v52 =	vadd.f32 v53, v52  }
0xc0: {  	v13 =	vmul.f32 v13, v30;
	v56 =	vmul.f32 v56, v33;
	v49 =	vadd.f32 v49, v50  }
0xc1: {  	v47 =	vmul.f32 v47, v47;
	v46 =	vmul.f32 v46, v31;
	v52 =	vadd.f32 v54, v52  }
0xc2: {  	v50 =	vmul.f32 v62, v25;
	v49 =	vadd.f32 v51, v49;
	v63 =	vadd.f32 v56, v55  }
0xc3: {  	v13 =	vadd.f32 v46, v13;
	v54 =	vmul.f32 v47, v26;
	v48 =	vmul.f32 $1.442695020e+00, v48  }
0xc4: {  	v55 =	vmul.f32 $1.442695020e+00, v49;
	v56 =	vadd.f32 v50, v63  }
0xc5: {  	v57 =	vmul.f32 $1.442695020e+00, v52;
	v13 =	vadd.f32 v54, v13;
	(erf) = vpow2.f32 v48  }
0xc6: {  	(erf) = vpow2.f32 v55;
	v58 =	vmul.f32 $1.442695020e+00, v56  }
0xc7: {  	v13 =	vmul.f32 $1.442695020e+00, v13;
	(erf) = vpow2.f32 v57  }
0xc8: {  	(erf) = vpow2.f32 v58  }
0xc9: {  	(erf) = vpow2.f32 v13;
	_ =	sdelay $0x4  }
0xca: {  	v13 =	vpop (erf)  }
0xcb: {  	[tilespmem:$0xC860] =	vst v13;
	v13 =	vpop (erf)  }
0xcc: {  	v59 =	vld [tilespmem:$0x8200];
	[tilespmem:$0xC8B0] =	vst v13;
	v13 =	vpop (erf)  }
0xcd: {  	v61 =	vld [tilespmem:$0x8220];
	[tilespmem:$0xC900] =	vst v13;
	v13 =	vpop (erf)  }
0xce: {  	v60 =	vld [tilespmem:$0x8210];
	[tilespmem:$0xC950] =	vst v13;
	v13 =	vpop (erf)  }
0xcf: {  	v50 =	vld [tilespmem:$0x8230];
	[tilespmem:$0xC9A0] =	vst v13  }
0xd0: {  	v13 =	vld.msk [tilespmem:s23+$0x0], $0xffff  }
0xd1: {  	v63 =	vld [tilespmem:$0x8240]  }
0xd2: {  	v47 =	vld.idx.msk [tilespmem:v4+s23+$0x0], $0xffff  }
0xd3: {  	v46 =	vand.u32 $0xFFFF0000, v59;
	v62 =	vshll.u32 v59, $0x10;
	v55 =	vld [tilespmem:$0x8250]  }
0xd4: {  	v59 =	vshll.u32 v60, $0x10;
	v48 =	vand.u32 $0xFFFF0000, v60;
	v60 =	vshll.u32 v61, $0x10;
	v51 =	vld.idx.msk [tilespmem:v5+s23+$0x0], $0xffff  }
0xd5: {  	v49 =	vand.u32 $0xFFFF0000, v61;
	v56 =	vld [tilespmem:$0x8260];
	v52 =	vmul.f32 v62, v13;
	v46 =	vmul.f32 v46, v13  }
0xd6: {  	v61 =	vshll.u32 v50, $0x10;
	v54 =	vmul.f32 v59, v13;
	v13 =	vmul.f32 v48, v13  }
0xd7: {  	v50 =	vand.u32 $0xFFFF0000, v50;
	v57 =	vld.idx.msk [tilespmem:v6+s23+$0x0], $0xffff;
	v48 =	vmul.f32 v60, v47;
	v49 =	vmul.f32 v49, v47  }
0xd8: {  	v53 =	vand.u32 $0xFFFF0000, v63;
	v58 =	vmul.f32 v61, v47;
	v47 =	vmul.f32 v50, v47  }
0xd9: {  	v59 =	vld [tilespmem:$0x8270];
	v62 =	vshll.u32 v63, $0x10;
	v53 =	vmul.f32 v53, v51;
	v60 =	vshll.u32 v55, $0x10  }
0xda: {  	v61 =	vld [tilespmem:$0x8280];
	v55 =	vand.u32 $0xFFFF0000, v55;
	v63 =	vshll.u32 v56, $0x10;
	v50 =	vmul.f32 v62, v51  }
0xdb: {  	v60 =	vmul.f32 v60, v51;
	v51 =	vmul.f32 v55, v51;
	v55 =	vand.u32 $0xFFFF0000, v56  }
0xdc: {  	v62 =	vld.idx.msk [tilespmem:v7+s23+$0x0], $0xffff;
	v56 =	vmul.f32 v63, v57;
	v55 =	vmul.f32 v55, v57;
	v48 =	vadd.f32 v48, v52  }
0xdd: {  	v46 =	vadd.f32 v49, v46;
	v13 =	vadd.f32 v47, v13  }
0xde: {  	v52 =	vld [tilespmem:$0x8290];
	v50 =	vadd.f32 v56, v50;
	v53 =	vadd.f32 v55, v53  }
0xdf: {  	v63 =	vshll.u32 v59, $0x10;
	v56 =	vand.u32 $0xFFFF0000, v59;
	v49 =	vshll.u32 v61, $0x10  }
0xe0: {  	v48 =	vadd.f32 v50, v48;
	v59 =	vmul.f32 v63, v57;
	v55 =	vmul.f32 v56, v57  }
0xe1: {  	v63 =	vand.u32 $0xFFFF0000, v61;
	v49 =	vmul.f32 v49, v62;
	v46 =	vadd.f32 v53, v46  }
0xe2: {  	v61 =	vadd.f32 v58, v54;
	v56 =	vmul.f32 v63, v62;
	v63 =	vadd.f32 v59, v60  }
0xe3: {  	v57 =	vshll.u32 v52, $0x10;
	v52 =	vand.u32 $0xFFFF0000, v52;
	v55 =	vadd.f32 v55, v51  }
0xe4: {  	v50 =	vmul.f32 v57, v62;
	v48 =	vadd.f32 v49, v48;
	v57 =	vadd.f32 v63, v61  }
0xe5: {  	v53 =	vld [tilespmem:$0x82E0];
	v58 =	vmul.f32 v52, v62;
	v46 =	vadd.f32 v56, v46;
	v13 =	vadd.f32 v55, v13  }
0xe6: {  	v54 =	vld [tilespmem:$0x8300];
	[tilespmem:$0xB400] =	vst v48;
	v59 =	vadd.f32 v50, v57  }
0xe7: {  	v60 =	vld [tilespmem:$0x82A0];
	[tilespmem:$0xB410] =	vst v46;
	v13 =	vadd.f32 v58, v13  }
0xe8: {  	v62 =	vld [tilespmem:$0x82C0];
	[tilespmem:$0xB420] =	vst v59  }
0xe9: {  	v61 =	vld [tilespmem:$0x82B0];
	[tilespmem:$0xB430] =	vst v13  }
0xea: {  	v13 =	vld.idx.msk [tilespmem:v8+s23+$0x0], $0xffff  }
0xeb: {  	v63 =	vld [tilespmem:$0x82D0]  }
0xec: {  	v46 =	vld.idx.msk [tilespmem:v9+s23+$0x0], $0xffff  }
0xed: {  	v57 =	vld [tilespmem:$0x82F0]  }
0xee: {  	v47 =	vand.u32 $0xFFFF0000, v60;
	v50 =	vand.u32 $0xFFFF0000, v62;
	v59 =	vshll.u32 v60, $0x10;
	v48 =	vld.idx.msk [tilespmem:v10+s23+$0x0], $0xffff  }
0xef: {  	v55 =	vld.idx.msk [tilespmem:v11+s23+$0x0], $0xffff;
	v60 =	vshll.u32 v61, $0x10;
	v49 =	vand.u32 $0xFFFF0000, v61;
	v52 =	vmul.f32 v59, v13  }
0xf0: {  	v61 =	vshll.u32 v62, $0x10;
	v47 =	vmul.f32 v47, v13;
	v56 =	vmul.f32 v60, v13  }
0xf1: {  	v62 =	vshll.u32 v63, $0x10;
	v13 =	vmul.f32 v49, v13;
	v49 =	vmul.f32 v61, v46  }
0xf2: {  	v51 =	vand.u32 $0xFFFF0000, v63;
	v50 =	vmul.f32 v50, v46;
	v58 =	vmul.f32 v62, v46;
	v59 =	vld [tilespmem:$0x8320]  }
0xf3: {  	v60 =	vld.idx.msk [tilespmem:v12+s23+$0x0], $0xffff;
	v46 =	vmul.f32 v51, v46;
	v51 =	vshll.u32 v53, $0x10;
	v61 =	vshll.u32 v54, $0x10  }
0xf4: {  	v63 =	vshll.u32 v57, $0x10;
	v62 =	vld [tilespmem:$0x8310];
	v51 =	vmul.f32 v51, v48;
	v61 =	vmul.f32 v61, v55  }
0xf5: {  	v57 =	vand.u32 $0xFFFF0000, v57;
	v53 =	vand.u32 $0xFFFF0000, v53;
	v54 =	vand.u32 $0xFFFF0000, v54  }
0xf6: {  	v53 =	vmul.f32 v53, v48;
	v49 =	vadd.f32 v49, v52;
	v51 =	vadd.f32 v61, v51  }
0xf7: {  	v54 =	vmul.f32 v54, v55;
	v52 =	vmul.f32 v63, v48;
	v61 =	vshll.u32 v59, $0x10  }
0xf8: {  	v48 =	vmul.f32 v57, v48;
	v49 =	vadd.f32 v51, v49;
	v51 =	vld [tilespmem:$0x8330];
	v63 =	vmul.f32 v61, v60  }
0xf9: {  	v47 =	vadd.f32 v50, v47;
	v50 =	vadd.f32 v54, v53;
	v61 =	vshll.u32 v62, $0x10  }
0xfa: {  	v53 =	vmul.f32 v61, v55;
	v49 =	vadd.f32 v63, v49;
	v63 =	vand.u32 $0xFFFF0000, v62  }
0xfb: {  	v57 =	vadd.f32 v58, v56;
	v13 =	vadd.f32 v46, v13;
	v54 =	vmul.f32 v63, v55  }
0xfc: {  	v47 =	vadd.f32 v50, v47;
	v58 =	vand.u32 $0xFFFF0000, v59;
	v52 =	vadd.f32 v53, v52  }
0xfd: {  	v46 =	vmul.f32 v58, v60;
	v59 =	vshll.u32 v51, $0x10;
	v48 =	vadd.f32 v54, v48  }
0xfe: {  	v51 =	vand.u32 $0xFFFF0000, v51;
	v50 =	vadd.f32 v52, v57;
	v61 =	vmul.f32 v59, v60  }
0xff: {  	v46 =	vadd.f32 v46, v47;
	v51 =	vmul.f32 v51, v60;
	v13 =	vadd.f32 v48, v13  }
0x100: {  	[tilespmem:$0xB440] =	vst v49;
	v62 =	vadd.f32 v61, v50  }
0x101: {  	[tilespmem:$0xB450] =	vst v46;
	v13 =	vadd.f32 v51, v13  }
0x102: {  	[tilespmem:$0xB460] =	vst v62  }
0x103: {  	[tilespmem:$0xB470] =	vst v13  }
0x104: {  	v13 =	vld.idx.msk [tilespmem:v0+s22+$0x0], $0xffff  }
0x105: {  	v46 =	vld.idx.msk [tilespmem:v2+s22+$0x0], $0xffff  }
0x106: {  	v47 =	vld.idx.msk [tilespmem:v3+s22+$0x0], $0xffff;
	_ =	sdelay $0x3  }
0x107: {  	v34 =	vsub.f32 v13, v34  }
0x108: {  	v35 =	vsub.f32 v46, v35;
	v32 =	vsub.f32 v47, v32  }
0x109: {  	v29 =	vsub.f32 v13, v29;
	v28 =	vsub.f32 v46, v28  }
0x10a: {  	v27 =	vsub.f32 v47, v27;
	v23 =	vsub.f32 v13, v23  }
0x10b: {  	v22 =	vsub.f32 v46, v22;
	v24 =	vsub.f32 v47, v24  }
0x10c: {  	v21 =	vsub.f32 v13, v21;
	v34 =	vmul.f32 v34, v34;
	v35 =	vmul.f32 v35, v35  }
0x10d: {  	v20 =	vsub.f32 v46, v20;
	v32 =	vmul.f32 v32, v32;
	v29 =	vmul.f32 v29, v29  }
0x10e: {  	v13 =	vsub.f32 v13, v19;
	v28 =	vmul.f32 v28, v28;
	v27 =	vmul.f32 v27, v27  }
0x10f: {  	v18 =	vsub.f32 v46, v18;
	v23 =	vmul.f32 v23, v23;
	v22 =	vmul.f32 v22, v22  }
0x110: {  	v16 =	vsub.f32 v47, v16;
	v24 =	vmul.f32 v24, v24;
	v21 =	vmul.f32 v21, v21  }
0x111: {  	v17 =	vsub.f32 v47, v17;
	v20 =	vmul.f32 v20, v20;
	v13 =	vmul.f32 v13, v13  }
0x112: {  	v18 =	vmul.f32 v18, v18;
	v16 =	vmul.f32 v16, v16  }
0x113: {  	v17 =	vmul.f32 v17, v17;
	v34 =	vmul.f32 v34, v45  }
0x114: {  	v35 =	vmul.f32 v35, v44;
	v32 =	vmul.f32 v32, v42  }
0x115: {  	v29 =	vmul.f32 v29, v43;
	v28 =	vmul.f32 v28, v41  }
0x116: {  	v27 =	vmul.f32 v27, v40;
	v23 =	vmul.f32 v23, v36  }
0x117: {  	v22 =	vmul.f32 v22, v37;
	v24 =	vmul.f32 v24, v39  }
0x118: {  	v63 =	vmul.f32 v21, v38;
	v20 =	vmul.f32 v20, v33;
	v34 =	vadd.f32 v35, v34  }
0x119: {  	v13 =	vmul.f32 v13, v30;
	v18 =	vmul.f32 v18, v31;
	v28 =	vadd.f32 v28, v29  }
0x11a: {  	v16 =	vmul.f32 v16, v25;
	v22 =	vadd.f32 v22, v23;
	v32 =	vadd.f32 v32, v34  }
0x11b: {  	v17 =	vmul.f32 v17, v26;
	v19 =	vadd.f32 v20, v63;
	v34 =	vadd.f32 v27, v28  }
0x11c: {  	v13 =	vadd.f32 v18, v13;
	v35 =	vadd.f32 v24, v22;
	v32 =	vmul.f32 $1.442695020e+00, v32  }
0x11d: {  	v16 =	vadd.f32 v16, v19;
	v36 =	vmul.f32 $1.442695020e+00, v34  }
0x11e: {  	v13 =	vadd.f32 v17, v13;
	v37 =	vmul.f32 $1.442695020e+00, v35;
	(erf) = vpow2.f32 v32  }
0x11f: {  	v16 =	vmul.f32 $1.442695020e+00, v16;
	(erf) = vpow2.f32 v36  }
0x120: {  	v13 =	vmul.f32 $1.442695020e+00, v13;
	(erf) = vpow2.f32 v37  }
0x121: {  	(erf) = vpow2.f32 v16  }
0x122: {  	(erf) = vpow2.f32 v13;
	_ =	sdelay $0x3  }
0x123: {  	v53 =	vld [tilespmem:$0x5080]  }
0x124: {  	v50 =	vld [tilespmem:$0x5070];
	v13 =	vpop (erf)  }
0x125: {  	v47 =	vld [tilespmem:$0x5060];
	v16 =	vpop (erf);
	[tilespmem:$0xC860] =	vst v13  }
0x126: {  	v38 =	vld [tilespmem:$0x5010];
	v13 =	vpop (erf);
	[tilespmem:$0xC8B0] =	vst v16  }
0x127: {  	v39 =	vld [tilespmem:$0x5020];
	v16 =	vpop (erf);
	[tilespmem:$0xC900] =	vst v13  }
0x128: {  	v40 =	vld [tilespmem:$0x5030];
	[tilespmem:$0xC950] =	vst v16;
	v13 =	vpop (erf)  }
0x129: {  	v16 =	vld [tilespmem:$0x5000];
	[tilespmem:$0xC9A0] =	vst v13  }
0x12a: {  	v13 =	vld.msk [tilespmem:s23+$0x0], $0xffff  }
0x12b: {  	v62 =	vshll.u32 v53, $0x10;
	v58 =	vshll.u32 v50, $0x10;
	v60 =	vand.u32 $0xFFFF0000, v50;
	v43 =	vld [tilespmem:$0x5040]  }
0x12c: {  	v31 =	vand.u32 $0xFFFF0000, v53;
	v55 =	vshll.u32 v47, $0x10;
	v56 =	vand.u32 $0xFFFF0000, v47;
	v17 =	vld.idx.msk [tilespmem:v4+s23+$0x0], $0xffff  }
0x12d: {  	v45 =	vld [tilespmem:$0x5050];
	v44 =	vshll.u32 v38, $0x10;
	v18 =	vand.u32 $0xFFFF0000, v38;
	v46 =	vshll.u32 v39, $0x10  }
0x12e: {  	v19 =	vand.u32 $0xFFFF0000, v39;
	v41 =	vld.idx.msk [tilespmem:v5+s23+$0x0], $0xffff;
	v42 =	vshll.u32 v16, $0x10;
	v16 =	vand.u32 $0xFFFF0000, v16  }
0x12f: {  	v49 =	vshll.u32 v40, $0x10;
	v48 =	vld.idx.msk [tilespmem:v6+s23+$0x0], $0xffff;
	v22 =	vmul.f32 v42, v13;
	v16 =	vmul.f32 v16, v13  }
0x130: {  	v59 =	vld [tilespmem:$0x5090];
	v20 =	vand.u32 $0xFFFF0000, v40;
	v24 =	vmul.f32 v44, v13;
	v13 =	vmul.f32 v18, v13  }
0x131: {  	v51 =	vshll.u32 v43, $0x10;
	v18 =	vmul.f32 v46, v17;
	v19 =	vmul.f32 v19, v17  }
0x132: {  	v23 =	vand.u32 $0xFFFF0000, v43;
	v28 =	vmul.f32 v49, v17;
	v17 =	vmul.f32 v20, v17  }
0x133: {  	v52 =	vshll.u32 v45, $0x10;
	v54 =	vld.idx.msk [tilespmem:v7+s23+$0x0], $0xffff;
	v20 =	vmul.f32 v51, v41;
	v23 =	vmul.f32 v23, v41  }
0x134: {  	v25 =	vand.u32 $0xFFFF0000, v45;
	v30 =	vmul.f32 v52, v41;
	v57 =	vmul.f32 v55, v48  }
0x135: {  	v33 =	vshll.u32 v59, $0x10;
	v21 =	vmul.f32 v25, v41;
	v25 =	vmul.f32 v56, v48  }
0x136: {  	v61 =	vmul.f32 v58, v48;
	v18 =	vadd.f32 v18, v22;
	v20 =	vadd.f32 v57, v20  }
0x137: {  	v63 =	vmul.f32 v60, v48;
	v16 =	vadd.f32 v19, v16;
	v23 =	vadd.f32 v25, v23  }
0x138: {  	v26 =	vmul.f32 v31, v54;
	v34 =	vadd.f32 v28, v24;
	v35 =	vadd.f32 v61, v30  }
0x139: {  	v53 =	vld [tilespmem:$0x5110];
	v19 =	vmul.f32 v62, v54;
	v13 =	vadd.f32 v17, v13;
	v18 =	vadd.f32 v20, v18  }
0x13a: {  	v47 =	vld [tilespmem:$0x50F0];
	v22 =	vand.u32 $0xFFFF0000, v59;
	v17 =	vadd.f32 v63, v21;
	v16 =	vadd.f32 v23, v16  }
0x13b: {  	v38 =	vld [tilespmem:$0x50B0];
	v20 =	vmul.f32 v33, v54;
	v36 =	vadd.f32 v35, v34;
	v18 =	vadd.f32 v19, v18  }
0x13c: {  	v39 =	vld [tilespmem:$0x50C0];
	v37 =	vmul.f32 v22, v54;
	v13 =	vadd.f32 v17, v13;
	v16 =	vadd.f32 v26, v16  }
0x13d: {  	v40 =	vld [tilespmem:$0x50D0];
	v17 =	vadd.f32 v20, v36;
	[tilespmem:$0xB400] =	vst v18  }
0x13e: {  	v43 =	vld [tilespmem:$0x5100];
	v13 =	vadd.f32 v37, v13;
	[tilespmem:$0xB410] =	vst v16  }
0x13f: {  	v42 =	vld [tilespmem:$0x50E0];
	[tilespmem:$0xB420] =	vst v17  }
0x140: {  	[tilespmem:$0xB430] =	vst v13;
	v17 =	vld [tilespmem:$0x50A0]  }
0x141: {  	v13 =	vld.idx.msk [tilespmem:v8+s23+$0x0], $0xffff  }
0x142: {  	v27 =	vand.u32 $0xFFFF0000, v47;
	v45 =	vshll.u32 v38, $0x10;
	v46 =	vshll.u32 v39, $0x10;
	v49 =	vld [tilespmem:$0x5120]  }
0x143: {  	v48 =	vshll.u32 v40, $0x10;
	v52 =	vshll.u32 v43, $0x10;
	v60 =	vand.u32 $0xFFFF0000, v53;
	v16 =	vld.idx.msk [tilespmem:v9+s23+$0x0], $0xffff  }
0x144: {  	v21 =	vand.u32 $0xFFFF0000, v40;
	v24 =	vand.u32 $0xFFFF0000, v43;
	v59 =	vshll.u32 v53, $0x10;
	v18 =	vld.idx.msk [tilespmem:v10+s23+$0x0], $0xffff  }
0x145: {  	v54 =	vshll.u32 v47, $0x10;
	v44 =	vld.idx.msk [tilespmem:v11+s23+$0x0], $0xffff;
	v41 =	vshll.u32 v17, $0x10;
	v17 =	vand.u32 $0xFFFF0000, v17  }
0x146: {  	v57 =	vld [tilespmem:$0x5130];
	v19 =	vand.u32 $0xFFFF0000, v38;
	v22 =	vmul.f32 v41, v13;
	v17 =	vmul.f32 v17, v13  }
0x147: {  	v20 =	vand.u32 $0xFFFF0000, v39;
	v50 =	vld.idx.msk [tilespmem:v12+s23+$0x0], $0xffff;
	v26 =	vmul.f32 v45, v13;
	v13 =	vmul.f32 v19, v13  }
0x148: {  	v51 =	vshll.u32 v42, $0x10;
	v19 =	vmul.f32 v46, v16;
	v20 =	vmul.f32 v20, v16  }
0x149: {  	v23 =	vand.u32 $0xFFFF0000, v42;
	v28 =	vmul.f32 v48, v16;
	v16 =	vmul.f32 v21, v16  }
0x14a: {  	v55 =	vshll.u32 v49, $0x10;
	v21 =	vmul.f32 v51, v18;
	v31 =	vmul.f32 v52, v44  }
0x14b: {  	v62 =	vshll.u32 v57, $0x10;
	v23 =	vmul.f32 v23, v18;
	v24 =	vmul.f32 v24, v44  }
0x14c: {  	v56 =	vmul.f32 v55, v50;
	v63 =	vmul.f32 v62, v50;
	v19 =	vadd.f32 v19, v22  }
0x14d: {  	v21 =	vadd.f32 v31, v21;
	v22 =	vmul.f32 v54, v18;
	v18 =	vmul.f32 v27, v18  }
0x14e: {  	v17 =	vadd.f32 v20, v17;
	v58 =	vadd.f32 v24, v23;
	v23 =	vmul.f32 v59, v44  }
0x14f: {  	v24 =	vmul.f32 v60, v44;
	v61 =	vadd.f32 v28, v26;
	v13 =	vadd.f32 v16, v13  }
0x150: {  	v16 =	vand.u32 $0xFFFF0000, v49;
	v19 =	vadd.f32 v21, v19;
	v22 =	vadd.f32 v23, v22  }
0x151: {  	v16 =	vmul.f32 v16, v50;
	v17 =	vadd.f32 v58, v17;
	v18 =	vadd.f32 v24, v18  }
0x152: {  	v21 =	vand.u32 $0xFFFF0000, v57;
	v19 =	vadd.f32 v56, v19;
	v20 =	vadd.f32 v22, v61  }
0x153: {  	v21 =	vmul.f32 v21, v50;
	v16 =	vadd.f32 v16, v17;
	v13 =	vadd.f32 v18, v13  }
0x154: {  	[tilespmem:$0xB440] =	vst v19;
	v17 =	vadd.f32 v63, v20  }
0x155: {  	[tilespmem:$0xB450] =	vst v16;
	v13 =	vadd.f32 v21, v13  }
0x156: {  	s24 =	sadd.s32 $0x1, s24;
	[tilespmem:$0xB460] =	vst v17  }
0x157: {  	s31 =	sshll.u32 s0, $0x6;
	s26 =	sshrl.u32 s7, $0x3;
	p0 =	sne.s32 s24, s16;
	[tilespmem:$0xB470] =	vst v13  }
.Ltmp1:
0x158: {  	s25 =	sor.u32 $0x1C01, s31;
	[bflag:$0x0] =	sbarrier.arrive $0xFFFF;
	(pc) =	sbr.rel @p0 .LBB2_1-.Ltmp1, $4  }
0x159: {  	[hbm:s15], [sflag:s25] =	dma.local [spmem:s26], $0x1400  }
0x15a: {  	_ =	swait.ge [sflag:s18], $0x1400  }
0x15b: {  	[sflag:s18] =	ssyncset.done $0x0  }
0x15c: {  	[sflag:s18] =	ssyncadd.s32 $0xFFFFEC00  }
0x15d: {  	_ =	sfence.sel $0x180000  }
0x15e: {  	[bflag:$0x0] =	sbarrier.arrive $0xFFFF  }
0x15f: {  	p0 =	sne.s32 s0, $0x0;
	_ =	strace $0x9000004A  }
0x160: {  	s0 =	sadd.s32 @!p0 $0x100000, s1;
	[bflag:$0x2] =	sbarrier.arrive $0xFFFF  }
0x161: {  	[sflag:s0] =	ssyncadd.tile.s32 @!p0 $0x1;
	_ =	shalt  }
.Lfunc_end2:
_tile_overlayer_lowered:
.L_overlay_start_2:
0x162: {  	(tag) =	ssettag $0x2  }
0x163: {  	s0 =	rddreg [dreg:$0x0];
	s2 =	stileid.u32  }
0x164: {  	s1 =	rddreg [dreg:$0x1];
	p0 =	sne.s32 s2, $0x0  }
0x165: {  	s3 =	rddreg [dreg:$0x2];
	[bflag:$0x3] =	sbarrier.arrive $0xFFFF;
	s2 =	simm.s32 @!p0 $0x1C01  }
0x166: {  	[timem:s3], [sflag:s2] =	dma.local @!p0 [hbm:s0], s1  }
0x167: {  	s0 =	simm.s32 @!p0 $0x1  }
0x168: {  	_ =	swait.ge @!p0 [sflag:s0], s1  }
0x169: {  	s1 =	ssub.s32 @!p0 $0x0, s1;
	[sflag:s0] =	ssyncset.done @!p0 $0x0  }
0x16a: {  	[sflag:s0] =	ssyncadd.s32 @!p0 s1  }
0x16b: {  	[bflag:$0x3] =	sbarrier.arrive $0xFFFF  }
0x16c: {  	_ =	shalt  }

// kernel: kernel.7.cloned.1.call-start
scs
__scs_entry_jumppad:
0x0: {  	(pc) =	sbr.rel $0x88, $3  }
0x1: {  	(tag) =	ssettag $0x0;
	lr =	simm.s32 $0x1  }
0x2: {  	[smem:$0x3F8F] =	sst lr;
	_ =	strace $0xD0000000  }
0x3: {  	_ = 	snop  }
0x4: {  	_ = 	snop  }
0x5: {  	_ = 	snop  }
0x6: {  	_ = 	snop  }
0x7: {  	_ = 	snop  }
__scs_overlays_trampoline_lowered:
0x8: {  	[smem:$0x3F9E] =	sst s0  }
0x9: {  	[smem:$0x3F9F] =	sst s1  }
0xa: {  	[smem:$0x3FA0] =	sst s2  }
0xb: {  	[smem:$0x3FA1] =	sst s3  }
0xc: {  	[smem:$0x3FA2] =	sst s4  }
0xd: {  	[smem:$0x3FA3] =	sst s5  }
0xe: {  	[smem:$0x3FA4] =	sst s6  }
0xf: {  	[smem:$0x3FA5] =	sst s7  }
0x10: {  	[smem:$0x3FA6] =	sst s8  }
0x11: {  	[smem:$0x3FA7] =	sst s9;
	s0 =	simm.s32 @!p0 $0x0  }
0x12: {  	s1 =	sld [smem:$0x3F8D];
	s0 =	simm.s32 @p0 $0x1  }
0x13: {  	[smem:$0x3FA8] =	sst s0;
	s0 =	simm.s32 @!p1 $0x0  }
0x14: {  	s2 =	sld [smem:$0x3F8C];
	s0 =	simm.s32 @p1 $0x1  }
0x15: {  	[smem:$0x3FA9] =	sst s0;
	s0 =	simm.s32 @!p2 $0x0  }
0x16: {  	s3 =	sld [smem:$0x3FDB];
	s0 =	simm.s32 @p2 $0x1  }
0x17: {  	s4 =	simm.s32 $0x1BF5;
	[smem:$0x3FAB] =	sst s0  }
0x18: {  	s0 =	sld [smem:$0x3F8E];
	_ =	swait.ge [sflag:s4], $0x0  }
0x19: {  	s7 =	sld [smem:$0x3F8F]  }
0x1a: {  	s8 =	sadd.s32 $0xFFFFE003, lr  }
0x1b: {  	s9 =	sadd.s32 $0xFFFFFEF7, lr;
	s5 =	simm.s32 $0xFFFFFFFF;
	p2 =	slt.u32 s8, $0xFFFFF086  }
0x1c: {  	p1 =	slt.u32 s9, $0xF7A;
	s5 =	simm.s32 @!p2 $0x0  }
0x1d: {  	s5 =	simm.s32 @p1 $0x1;
	p0 =	seq.s32 s7, s2  }
0x1e: {  	s7 =	smul.u32 @!p0 $0xF7A, s2;
	p2 =	seq.s32 @!p0 s5, $0x0  }
0x1f: {  	s9 =	smul.u32 $0xF7A, s1;
	s8 =	simm.s32 @!p0 $0x1BF5;
	p2 =	por !p2, p0  }
0x20: {  	[sflag:s8] =	ssyncset.s32 @!p0 $0xFFFFF086;
	s6 =	sadd.s32 @!p0 s3, s7;
	s7 =	simm.s32 @!p0 $0x108  }
0x21: {  	s3 =	sadd.s32 s3, s9;
	s6 =	sadd.s32 @!p0 $0x88, s6;
	s7 =	simm.s32 @p2 $0x1082  }
0x22: {  	[simem:s7], [sflag:s8] =	dma.local @!p0 [hbm:s6], $0xF7A  }
0x23: {  	s9 =	sor.u32 $0xD0000000, s2;
	s6 =	simm.s32 $0x108;
	_ =	swait.ge @!p0 [sflag:s8], $0x0  }
0x24: {  	s3 =	sadd.s32 $0x88, s3;
	s6 =	simm.s32 @!p1 $0x1082;
	[sflag:s4] =	ssyncset.s32 $0xFFFFF086  }
0x25: {  	[simem:s6], [sflag:s4] =	dma.local [hbm:s3], $0xF7A  }
0x26: {  	[smem:$0x3F8F] =	sst s1;
	(tag) =	ssettag s2;
	_ =	strace s9  }
0x27: {  	s1 =	sld [smem:$0x3F9F]  }
0x28: {  	s2 =	sld [smem:$0x3FA0]  }
0x29: {  	s4 =	sld [smem:$0x3FA2]  }
0x2a: {  	p0 =	seq.s32 s5, $0x0;
	s5 =	sld [smem:$0x3FA3]  }
0x2b: {  	s6 =	sld [smem:$0x3FA4]  }
0x2c: {  	s7 =	sld [smem:$0x3FA5]  }
0x2d: {  	s3 =	simm.s32 $0x108;
	s8 =	sld [smem:$0x3FA6]  }
0x2e: {  	s3 =	simm.s32 @!p0 $0x1082;
	s9 =	sld [smem:$0x3FA7]  }
0x2f: {  	lr =	sadd.s32 s0, s3;
	s0 =	sld [smem:$0x3F9E]  }
0x30: {  	s3 =	sld [smem:$0x3FA1]  }
0x31: {  	[smem:$0x3FAA] =	sst s10  }
0x32: {  	s10 =	sld [smem:$0x3FA8];
	_ =	sdelay $0x3  }
0x33: {  	p0 =	seq.s32 s10, $0x1;
	s10 =	sld [smem:$0x3FAA];
	_ =	sdelay $0x3  }
0x34: {  	[smem:$0x3FAA] =	sst s10  }
0x35: {  	s10 =	sld [smem:$0x3FA9];
	_ =	sdelay $0x3  }
0x36: {  	p1 =	seq.s32 s10, $0x1;
	s10 =	sld [smem:$0x3FAA];
	_ =	sdelay $0x3  }
0x37: {  	[smem:$0x3FAA] =	sst s10  }
0x38: {  	s10 =	sld [smem:$0x3FAB]  }
0x39: {  	_ = 	snop;
	(pc) =	sbr.ind lr, $3  }
0x3a: {  	_ = 	snop  }
0x3b: {  	_ = 	snop  }
0x3c: {  	p2 =	seq.s32 s10, $0x1;
	s10 =	sld [smem:$0x3FAA]  }
0x3d: {  	_ =	shalt  }
0x3e: {  	_ =	shalt  }
0x3f: {  	_ =	shalt  }
0x40: {  	_ =	shalt  }
0x41: {  	_ =	shalt  }
0x42: {  	_ =	shalt  }
0x43: {  	_ =	shalt  }
0x44: {  	_ =	shalt  }
0x45: {  	_ =	shalt  }
0x46: {  	_ =	shalt  }
0x47: {  	_ =	shalt  }
0x48: {  	_ =	shalt  }
0x49: {  	_ =	shalt  }
0x4a: {  	_ =	shalt  }
0x4b: {  	_ =	shalt  }
0x4c: {  	_ =	shalt  }
0x4d: {  	_ =	shalt  }
0x4e: {  	_ =	shalt  }
0x4f: {  	_ =	shalt  }
0x50: {  	_ =	shalt  }
0x51: {  	_ =	shalt  }
0x52: {  	_ =	shalt  }
0x53: {  	_ =	shalt  }
0x54: {  	_ =	shalt  }
0x55: {  	_ =	shalt  }
0x56: {  	_ =	shalt  }
0x57: {  	_ =	shalt  }
0x58: {  	_ =	shalt  }
0x59: {  	_ =	shalt  }
0x5a: {  	_ =	shalt  }
0x5b: {  	_ =	shalt  }
0x5c: {  	_ =	shalt  }
0x5d: {  	_ =	shalt  }
0x5e: {  	_ =	shalt  }
0x5f: {  	_ =	shalt  }
0x60: {  	_ =	shalt  }
0x61: {  	_ =	shalt  }
0x62: {  	_ =	shalt  }
0x63: {  	_ =	shalt  }
0x64: {  	_ =	shalt  }
0x65: {  	_ =	shalt  }
0x66: {  	_ =	shalt  }
0x67: {  	_ =	shalt  }
0x68: {  	_ =	shalt  }
0x69: {  	_ =	shalt  }
0x6a: {  	_ =	shalt  }
0x6b: {  	_ =	shalt  }
0x6c: {  	_ =	shalt  }
0x6d: {  	_ =	shalt  }
0x6e: {  	_ =	shalt  }
0x6f: {  	_ =	shalt  }
0x70: {  	_ =	shalt  }
0x71: {  	_ =	shalt  }
0x72: {  	_ =	shalt  }
0x73: {  	_ =	shalt  }
0x74: {  	_ =	shalt  }
0x75: {  	_ =	shalt  }
0x76: {  	_ =	shalt  }
0x77: {  	_ =	shalt  }
0x78: {  	_ =	shalt  }
0x79: {  	_ =	shalt  }
0x7a: {  	_ =	shalt  }
0x7b: {  	_ =	shalt  }
0x7c: {  	_ =	shalt  }
0x7d: {  	_ =	shalt  }
0x7e: {  	_ =	shalt  }
0x7f: {  	_ =	shalt  }
0x80: {  	_ =	shalt  }
0x81: {  	_ =	shalt  }
0x82: {  	_ =	shalt  }
0x83: {  	_ =	shalt  }
0x84: {  	_ =	shalt  }
0x85: {  	_ =	shalt  }
0x86: {  	_ =	shalt  }
0x87: {  	_ =	shalt  }
.Lfunc_end0:
.L_simem_size_0:
called_computation_lowered:
.L_overlay_start_0:
0x88: {  	s2 =	sld [smem:$0x3FD9]  }
0x89: {  	s3 =	sld [smem:$0x3FFE];
	_ =	sdelay $0x1  }
0x8a: {  	s1 =	srdreg.scid  }
0x8b: {  	s0 =	sand.u32 $0x1, s1  }
0x8c: {  	s16 =	sshll.u32 s0, $0xA;
	s2 =	sadd.s32 s3, s2  }
0x8d: {  	s2 =	sadd.s32 s2, s16  }
0x8e: {  	[smem:$0x3FB6] =	sst s2  }
0x8f: {  	_ = 	snop  }
0x90: {  	(tm) =	ssettm $0x1  }
0x91: {  	s17 =	sld [smem:$0x3FFB];
	_ =	sdelay $0x3  }
0x92: {  	_ =	strace s17  }
0x93: {  	s2 =	sld [smem:$0x3FFC];
	_ =	sdelay $0x3  }
0x94: {  	_ =	strace s2  }
0x95: {  	s2 =	sld [smem:$0x3FFD];
	_ =	sdelay $0x3  }
0x96: {  	_ =	strace s2  }
0x97: {  	_ =	strace $0x8FFFFFFF  }
0x98: {  	s18 =	sld [smem:$0x3FDB];
	_ =	sdelay $0x1  }
0x99: {  	s19 =	simm.s32 $_scs_section_size  }
0x9a: {  	s4 =	simm.s32 $_size__tile_overlayer_lowered;
	s5 =	simm.s32 $_tile_overlayer_lowered  }
0x9b: {  	s22 =	simm.s32 $0x1BFF;
	s21 =	sshll.u32 s5, $0x1;
	s2 =	sadd.s32 s19, s18  }
0x9c: {  	s6 =	simm.s32 $0x0;
	s20 =	sshll.u32 s4, $0x1;
	s4 =	sadd.s32 s21, s2  }
0x9d: {  	[timem:s6], [sflag:s22] =	dma.local [hbm:s4], s20  }
0x9e: {  	_ =	swait.ge [sflag:s22], s20  }
0x9f: {  	s3 =	ssub.s32 $0x0, s20;
	[sflag:s22] =	ssyncset.done $0x0  }
0xa0: {  	[sflag:s22] =	ssyncadd.s32 s3;
	_ =	sdelay $0x1  }
0xa1: {  	s23 =	simm.s32 $0x1B8B  }
0xa2: {  	_ =	swait.ge [sflag:s23], $0x1  }
0xa3: {  	[sflag:s23] =	ssyncset.done $0x0  }
0xa4: {  	s25 =	simm.s32 $0x1B8E;
	s24 =	sld [smem:$0x3FFE];
	[sflag:s23] =	ssyncadd.s32 $0xFFFFFFFF  }
0xa5: {  	s26 =	simm.s32 $execute0_lowered;
	[smem:$0x3FD2] =	sst s25  }
0xa6: {  	s4 =	sshll.u32 s26, $0x1;
	_ =	strace $0x80000046;
	[dreg:$0x1] =	wrdreg $0xFFFFFFFF  }
0xa7: {  	s28 =	simm.s32 $_size_execute0_lowered;
	s2 =	sadd.s32 s2, s4;
	[dreg:$0x0] =	wrdreg $0x0  }
0xa8: {  	s4 =	sshll.u32 s28, $0x1;
	[dreg:$0x2] =	wrdreg s2  }
0xa9: {  	[dreg:$0x3] =	wrdreg s4  }
0xaa: {  	[dreg:$0x4] =	wrdreg $0xC0  }
0xab: {  	_ =	task [dreg:s6], $0x5FFFF  }
0xac: {  	[dreg:$0x1] =	wrdreg $0xFFFFFFFF  }
0xad: {  	[dreg:$0x0] =	wrdreg $0x60  }
0xae: {  	[dreg:$0x2] =	wrdreg s24  }
0xaf: {  	[dreg:$0x3] =	wrdreg $0x92F00  }
0xb0: {  	[dreg:$0x4] =	wrdreg $0x9  }
0xb1: {  	_ =	task.clear_ibuf [dreg:s6], $0x5FFFF;
	_ =	strace $0x90000046  }
0xb2: {  	s29 =	simm.s32 $0x9;
	_ =	strace $0x80000048  }
0xb3: {  	_ =	swait.ge [sflag:s29], $0x1  }
0xb4: {  	[sflag:s29] =	ssyncadd.s32 $0xFFFFFFFF  }
0xb5: {  	_ =	strace $0x90000048  }
0xb6: {  	_ =	sfence  }
0xb7: {  	s30 =	sld [smem:$0x0];
	_ =	sdelay $0x2  }
0xb8: {  	s31 =	sshll.u32 s1, $0xD;
	s1 =	sshrl.u32 s1, $0x2  }
0xb9: {  	s3 =	sand.u32 $0x4000, s31;
	s1 =	sadd.s32 s1, s30  }
0xba: {  	s0 =	sor.u32 s3, s0;
	s1 =	sshll.u32 s1, $0x11  }
0xbb: {  	s0 =	sor.u32 s1, s0  }
0xbc: {  	s0 =	sadd.s32 $0x8F2B, s0  }
0xbd: {  	[sflag:s0] =	ssyncadd.remote.s32 $0x1  }
0xbe: {  	_ =	sfence.sel $0xFFFF  }
0xbf: {  	[dreg:$0x0] =	wrdreg $0xFFFFFFFF;
	(pc) =	sbr.abs _section_cstart, $3  }
0xc0: {  	[dreg:$0x1] =	wrdreg $0xFFFFFFFF  }
0xc1: {  	_ =	task.clear_ibuf [dreg:s6], $0x2FFFF;
	_ =	strace $0x9FFFFFFF  }
0xc2: {  	(tm) =	ssettm $0x7FFFFFFF  }
0xc3: {  	_ =	shalt  }
tec
execute0_lowered:
.L_overlay_start_1:
0x0: {  	(tag) =	ssettag $0x1  }
0x1: {  	s1 =	srdreg.scid;
	s5 =	rddreg [dreg:$0x0]  }
0x2: {  	s0 =	stileid.u32;
	s7 =	rddreg [dreg:$0x1]  }
0x3: {  	s2 =	simm.s32 $0x0;
	s17 =	simm.s32 $0x9100;
	s18 =	simm.s32 $0x1  }
0x4: {  	s19 =	simm.s32 $0x9130;
	s20 =	simm.s32 $0x2710;
	s21 =	simm.s32 $0x8200  }
0x5: {  	s22 =	simm.s32 $0x4E20;
	s23 =	simm.s32 $0x9160;
	s24 =	simm.s32 $0x0  }
0x6: {  	s4 =	sand.u32 $0x1, s1;
	s30 =	sshll.u32 s0, $0x1;
	s8 =	smul.u32 $0x7800, s0  }
0x7: {  	[smem:$0x7FF] =	sst s2;
	s11 =	smul.u32 $0x1E000, s0;
	s1 =	sor.u32 s4, s30  }
0x8: {  	s6 =	smul.u32 $0x78000, s4;
	s10 =	ssub.s32 $0x2, s4;
	s4 =	sadd.s32 $0x16C00, s5  }
0x9: {  	s3 =	smul.u32 $0x4E2, s1;
	s1 =	rddreg [dreg:$0x2];
	_ =	strace $0x80000047  }
0xa: {  	v0 =	vlaneseq.u32;
	s12 =	sshrl.u32 s10, $0x1;
	s31 =	sshrl.u32 s11, $0x2;
	s6 =	sadd.s32 s8, s6  }
0xb: {  	v1 =	vimm.f32 $0.0e+00;
	vm0 =	vcmask $0x300;
	v5 =	vimm.s32 $0x50;
	s16 =	ssub.s32 s10, s12;
	s14 =	sadd.s32 s31, s7;
	s7 =	sadd.s32 s8, s7  }
0xc: {  	v6 =	vimm.s32 $0xA0;
	v7 =	vimm.s32 $0xF0;
	v8 =	vimm.s32 $0x140;
	s9 =	sadd.s32 s3, s5;
	s3 =	sadd.s32 $0x16E00, s5;
	s6 =	sshrl.u32 s6, $0x3  }
0xd: {  	v9 =	vimm.s32 $0x1;
	v10 =	vimm.s32 $0x51;
	v0 =	vmul.u32 $0x3, v0;
	s8 =	sadd.s32 $0xF00, s14;
	s10 =	sadd.s32 $0x2D00, s14;
	s11 =	sadd.s32 $0x3C00, s14  }
0xe: {  	v11 =	vimm.s32 $0xA1;
	v12 =	vimm.s32 $0xF1;
	v13 =	vimm.s32 $0x141;
	s12 =	sadd.s32 $0x4B00, s14;
	s13 =	sadd.s32 $0x5A00, s14;
	s16 =	smax.u32 s16, $0x1  }
0xf: {  	v2 =	vsel vm0, $0x3F800000, v1;
	v3 =	vadd.s32 $0x1, v0;
	v4 =	vadd.s32 $0x2, v0;
	s15 =	sadd.s32 s6, s5;
	s5 =	sadd.s32 $0xCE00, s9;
	s6 =	sadd.s32 $0x3000, s9  }
0x10: {  	v14 =	vadd.s32 $0xF0, v0;
	v15 =	vadd.s32 $0xF1, v0;
	v16 =	vadd.s32 $0xF2, v0;
	s9 =	sadd.s32 $0x1E00, s14;
	s14 =	sadd.s32 $0x6900, s14;
	s15 =	sadd.s32 $0x2F800, s15  }
.LBB2_1:
0x11: {  	[tilespmem:s17], [sflag:$0x1] =	stream.linear.gather [hbm4b:s3+s2], $0x30, $0x38;
	[tilespmem:$0x10AF0] =	vst v63  }
0x12: {  	_ =	swait.ge [sflag:s18], $0x30  }
0x13: {  	[sflag:s18] =	ssyncset.done $0x0  }
0x14: {  	[sflag:s18] =	ssyncadd.s32 $0xFFFFFFD0  }
0x15: {  	[tilespmem:s19], [sflag:$0x1] =	stream.linear.gather [hbm4b:s4+s2], $0x30, $0x38;
	[tilespmem:$0x10AF0] =	vst v63  }
0x16: {  	_ =	swait.ge [sflag:s18], $0x30  }
0x17: {  	[sflag:s18] =	ssyncset.done $0x0  }
0x18: {  	[sflag:s18] =	ssyncadd.s32 $0xFFFFFFD0  }
0x19: {  	[tilespmem:s2], [sflag:$0x1] =	stream.linear.gather [hbm4b:s5+s2], $0x2710, $0x38;
	[tilespmem:$0x10AF0] =	vst v63  }
0x1a: {  	_ =	swait.ge [sflag:s18], $0x2710  }
0x1b: {  	[sflag:s18] =	ssyncset.done $0x0  }
0x1c: {  	[sflag:s18] =	ssyncadd.s32 $0xFFFFD8F0  }
0x1d: {  	[tilespmem:s20], [sflag:$0x1] =	stream.linear.gather [hbm4b:s6+s2], $0x2710, $0x38;
	[tilespmem:$0x10AF0] =	vst v63  }
0x1e: {  	_ =	swait.ge [sflag:s18], $0x2710  }
0x1f: {  	[sflag:s18] =	ssyncset.done $0x0  }
0x20: {  	s25 =	simm.s32 $0xC0;
	s26 =	simm.s32 $0x0;
	[sflag:s18] =	ssyncadd.s32 $0xFFFFD8F0  }
.LBB2_2:
0x21: {  	p0 =	sne.s32 s25, $0x3B40;
	[tilespmem:s26+$0x8220] =	vst v1;
	s28 =	smov.u32 s25;
	s25 =	sadd.s32 $0xC0, s25  }
.Ltmp0:
0x22: {  	[tilespmem:s26+$0x8200] =	vst v1;
	(pc) =	sbr.rel @p0 .LBB2_2-.Ltmp0, $2  }
0x23: {  	[tilespmem:s26+$0x8210] =	vst v1;
	_ =	sdelay $0x2  }
0x24: {  	s26 =	sshra.s32 s28, $0x2  }
0x25: {  	[tilespmem:s26+$0x8220] =	vst v1  }
0x26: {  	[tilespmem:s26+$0x8200] =	vst v1  }
0x27: {  	[tilespmem:s26+$0x8210] =	vst v1  }
0x28: {  	[spmem:s7] =	stream.linear.scatter [tilespmem:s21], [sflag:$0x1], $0xF00, $0x38;
	[tilespmem:$0x10AF0] =	vst v63  }
0x29: {  	_ =	swait.ge [sflag:s18], $0xF00  }
0x2a: {  	[sflag:s18] =	ssyncset.done $0x0  }
0x2b: {  	[sflag:s18] =	ssyncadd.s32 $0xFFFFF100  }
0x2c: {  	[spmem:s8] =	stream.linear.scatter [tilespmem:s21], [sflag:$0x1], $0xF00, $0x38;
	[tilespmem:$0x10AF0] =	vst v63  }
0x2d: {  	_ =	swait.ge [sflag:s18], $0xF00  }
0x2e: {  	[sflag:s18] =	ssyncset.done $0x0  }
0x2f: {  	[sflag:s18] =	ssyncadd.s32 $0xFFFFF100  }
0x30: {  	[spmem:s9] =	stream.linear.scatter [tilespmem:s21], [sflag:$0x1], $0xF00, $0x38;
	[tilespmem:$0x10AF0] =	vst v63  }
0x31: {  	_ =	swait.ge [sflag:s18], $0xF00  }
0x32: {  	[sflag:s18] =	ssyncset.done $0x0  }
0x33: {  	[sflag:s18] =	ssyncadd.s32 $0xFFFFF100  }
0x34: {  	[spmem:s10] =	stream.linear.scatter [tilespmem:s21], [sflag:$0x1], $0xF00, $0x38;
	[tilespmem:$0x10AF0] =	vst v63  }
0x35: {  	_ =	swait.ge [sflag:s18], $0xF00  }
0x36: {  	[sflag:s18] =	ssyncset.done $0x0  }
0x37: {  	[sflag:s18] =	ssyncadd.s32 $0xFFFFF100  }
0x38: {  	[spmem:s11] =	stream.linear.scatter [tilespmem:s21], [sflag:$0x1], $0xF00, $0x38;
	[tilespmem:$0x10AF0] =	vst v63  }
0x39: {  	_ =	swait.ge [sflag:s18], $0xF00  }
0x3a: {  	[sflag:s18] =	ssyncset.done $0x0  }
0x3b: {  	[sflag:s18] =	ssyncadd.s32 $0xFFFFF100  }
0x3c: {  	[spmem:s12] =	stream.linear.scatter [tilespmem:s21], [sflag:$0x1], $0xF00, $0x38;
	[tilespmem:$0x10AF0] =	vst v63  }
0x3d: {  	_ =	swait.ge [sflag:s18], $0xF00  }
0x3e: {  	[sflag:s18] =	ssyncset.done $0x0  }
0x3f: {  	[sflag:s18] =	ssyncadd.s32 $0xFFFFF100  }
0x40: {  	[spmem:s13] =	stream.linear.scatter [tilespmem:s21], [sflag:$0x1], $0xF00, $0x38;
	[tilespmem:$0x10AF0] =	vst v63  }
0x41: {  	_ =	swait.ge [sflag:s18], $0xF00  }
0x42: {  	[sflag:s18] =	ssyncset.done $0x0  }
0x43: {  	[sflag:s18] =	ssyncadd.s32 $0xFFFFF100  }
0x44: {  	[spmem:s14] =	stream.linear.scatter [tilespmem:s21], [sflag:$0x1], $0xF00, $0x38;
	[tilespmem:$0x10AF0] =	vst v63  }
0x45: {  	_ =	swait.ge [sflag:s18], $0xF00  }
0x46: {  	[sflag:s18] =	ssyncset.done $0x0  }
0x47: {  	s25 =	simm.s32 $0x140;
	s26 =	simm.s32 $0x20;
	[sflag:s18] =	ssyncadd.s32 $0xFFFFF100  }
.LBB2_4:
0x48: {  	p0 =	sne.s32 s25, $0x3BC0;
	[tilespmem:s26+$0x8200] =	vst v2;
	s26 =	smov.u32 s25;
	s25 =	sadd.s32 $0xC0, s25  }
.Ltmp1:
0x49: {  	(pc) =	sbr.rel @p0 .LBB2_4-.Ltmp1, $2  }
0x4a: {  	_ =	sdelay $0x2  }
0x4b: {  	s26 =	sshra.s32 s26, $0x2  }
0x4c: {  	[tilespmem:s26+$0x8200] =	vst v2  }
0x4d: {  	[bflag:$0x0] =	sbarrier.arrive $0xFFFF  }
0x4e: {  	v18 =	vld [tilespmem:$0x9100]  }
0x4f: {  	v19 =	vld [tilespmem:$0x9110]  }
0x50: {  	v26 =	vld [tilespmem:$0x9120];
	_ =	sdelay $0x3  }
0x51: {  	v35 =	vbroadcast v18, $0x0  }
0x52: {  	v36 =	vbroadcast v19, $0x0;
	v33 =	vbroadcast v26, $0x0  }
0x53: {  	v30 =	vld [tilespmem:$0x9130];
	v28 =	vbroadcast v18, $0x1;
	v29 =	vbroadcast v19, $0x1  }
0x54: {  	v32 =	vld [tilespmem:$0x9140];
	v27 =	vbroadcast v26, $0x1;
	v25 =	vbroadcast v18, $0x2  }
0x55: {  	v47 =	vld [tilespmem:$0x9150];
	v24 =	vbroadcast v19, $0x2;
	v23 =	vbroadcast v26, $0x2  }
0x56: {  	v48 =	vld.idx.msk [tilespmem:v0+s22+$0x0], $0xffff;
	v22 =	vbroadcast v18, $0x3;
	v21 =	vbroadcast v19, $0x3  }
0x57: {  	v49 =	vld.idx.msk [tilespmem:v3+s22+$0x0], $0xffff;
	v17 =	vbroadcast v26, $0x3;
	v20 =	vbroadcast v18, $0x4  }
0x58: {  	v50 =	vld.idx.msk [tilespmem:v4+s22+$0x0], $0xffff;
	v19 =	vbroadcast v19, $0x4;
	v18 =	vbroadcast v26, $0x4  }
0x59: {  	v45 =	vbroadcast v30, $0x0;
	v46 =	vbroadcast v32, $0x0  }
0x5a: {  	v44 =	vbroadcast v47, $0x0;
	v43 =	vbroadcast v30, $0x1  }
0x5b: {  	v42 =	vbroadcast v32, $0x1;
	v40 =	vbroadcast v47, $0x1  }
0x5c: {  	v38 =	vbroadcast v30, $0x2;
	v59 =	vsub.f32 v48, v35;
	v31 =	vsub.f32 v49, v36  }
0x5d: {  	v39 =	vbroadcast v32, $0x2;
	v34 =	vsub.f32 v50, v33;
	v53 =	vsub.f32 v48, v28  }
0x5e: {  	v41 =	vbroadcast v47, $0x2;
	v60 =	vsub.f32 v49, v29;
	v62 =	vsub.f32 v50, v27  }
0x5f: {  	v37 =	vbroadcast v30, $0x3;
	v54 =	vsub.f32 v48, v25;
	v55 =	vsub.f32 v49, v24  }
0x60: {  	v56 =	vsub.f32 v50, v23;
	v26 =	vmul.f32 v59, v59;
	v31 =	vmul.f32 v31, v31  }
0x61: {  	v57 =	vsub.f32 v48, v22;
	v51 =	vmul.f32 v34, v34;
	v34 =	vbroadcast v32, $0x3  }
0x62: {  	v58 =	vsub.f32 v49, v21;
	v32 =	vbroadcast v32, $0x4;
	v61 =	vmul.f32 v53, v53  }
0x63: {  	v48 =	vsub.f32 v48, v20;
	v53 =	vmul.f32 v62, v62;
	v54 =	vmul.f32 v54, v54  }
0x64: {  	v49 =	vsub.f32 v49, v19;
	v55 =	vmul.f32 v55, v55;
	v56 =	vmul.f32 v56, v56  }
0x65: {  	v57 =	vmul.f32 v57, v57;
	v58 =	vmul.f32 v58, v58  }
0x66: {  	v48 =	vmul.f32 v48, v48;
	v49 =	vmul.f32 v49, v49  }
0x67: {  	v26 =	vmul.f32 v26, v45;
	v31 =	vmul.f32 v31, v46  }
0x68: {  	v51 =	vmul.f32 v51, v44;
	v53 =	vmul.f32 v53, v40  }
0x69: {  	v54 =	vmul.f32 v54, v38;
	v55 =	vmul.f32 v55, v39;
	v52 =	vadd.f32 v31, v26  }
0x6a: {  	v56 =	vmul.f32 v56, v41;
	v57 =	vmul.f32 v57, v37  }
0x6b: {  	v26 =	vbroadcast v47, $0x3;
	v51 =	vadd.f32 v51, v52;
	v52 =	vmul.f32 v60, v60  }
0x6c: {  	v59 =	vsub.f32 v50, v17;
	v31 =	vbroadcast v30, $0x4;
	v30 =	vbroadcast v47, $0x4  }
0x6d: {  	v47 =	vmul.f32 v61, v43;
	v52 =	vmul.f32 v52, v42  }
0x6e: {  	v50 =	vsub.f32 v50, v18;
	v58 =	vmul.f32 v58, v34;
	v63 =	vmul.f32 v59, v59  }
0x6f: {  	v49 =	vmul.f32 v49, v32;
	v54 =	vadd.f32 v55, v54;
	v47 =	vadd.f32 v52, v47  }
0x70: {  	v50 =	vmul.f32 v50, v50;
	v59 =	vadd.f32 v58, v57;
	v48 =	vmul.f32 v48, v31  }
0x71: {  	v54 =	vadd.f32 v56, v54;
	v52 =	vmul.f32 v63, v26;
	v47 =	vadd.f32 v53, v47  }
0x72: {  	v60 =	vmul.f32 v50, v30;
	v51 =	vmul.f32 $1.442695020e+00, v51;
	v48 =	vadd.f32 v49, v48  }
0x73: {  	v61 =	vadd.f32 v52, v59;
	v47 =	vmul.f32 $1.442695020e+00, v47  }
0x74: {  	v62 =	vmul.f32 $1.442695020e+00, v54;
	(erf) = vpow2.f32 v51;
	v48 =	vadd.f32 v60, v48  }
0x75: {  	v63 =	vmul.f32 $1.442695020e+00, v61;
	(erf) = vpow2.f32 v47  }
0x76: {  	v48 =	vmul.f32 $1.442695020e+00, v48;
	(erf) = vpow2.f32 v62  }
0x77: {  	(erf) = vpow2.f32 v63  }
0x78: {  	(erf) = vpow2.f32 v48;
	_ =	sdelay $0x4  }
0x79: {  	v52 =	vpop (erf)  }
0x7a: {  	[tilespmem:$0x9160] =	vst v52;
	v53 =	vpop (erf)  }
0x7b: {  	v58 =	vld [tilespmem:$0x5000];
	[tilespmem:$0x91B0] =	vst v53;
	v54 =	vpop (erf)  }
0x7c: {  	v60 =	vld [tilespmem:$0x5020];
	[tilespmem:$0x9200] =	vst v54;
	v55 =	vpop (erf)  }
0x7d: {  	v59 =	vld [tilespmem:$0x5010];
	[tilespmem:$0x9250] =	vst v55;
	v56 =	vpop (erf)  }
0x7e: {  	v53 =	vld [tilespmem:$0x5030];
	[tilespmem:$0x92A0] =	vst v56  }
0x7f: {  	v47 =	vld.msk [tilespmem:s23+$0x0], $0xffff  }
0x80: {  	v57 =	vld.idx.msk [tilespmem:v5+s23+$0x0], $0xffff  }
0x81: {  	v50 =	vld.idx.msk [tilespmem:v6+s23+$0x0], $0xffff  }
0x82: {  	v54 =	vld.idx.msk [tilespmem:v7+s23+$0x0], $0xffff  }
0x83: {  	v49 =	vand.u32 $0xFFFF0000, v58;
	v61 =	vshll.u32 v58, $0x10  }
0x84: {  	v62 =	vshll.u32 v59, $0x10;
	v51 =	vand.u32 $0xFFFF0000, v59;
	v63 =	vshll.u32 v60, $0x10  }
0x85: {  	v52 =	vand.u32 $0xFFFF0000, v60;
	v55 =	vmul.f32 v61, v47;
	v48 =	vmul.f32 v51, v57;
	v51 =	vld [tilespmem:$0x5040]  }
0x86: {  	v56 =	vld.idx.msk [tilespmem:v8+s23+$0x0], $0xffff;
	v60 =	vshll.u32 v53, $0x10;
	v47 =	vmul.f32 v49, v47;
	v49 =	vmul.f32 v62, v57  }
0x87: {  	v53 =	vand.u32 $0xFFFF0000, v53;
	v57 =	vmul.f32 v63, v50;
	v58 =	vmul.f32 v60, v54  }
0x88: {  	v50 =	vmul.f32 v52, v50;
	v61 =	vmul.f32 v53, v54  }
0x89: {  	v49 =	vadd.f32 v49, v55;
	v62 =	vadd.f32 v58, v57  }
0x8a: {  	v47 =	vadd.f32 v48, v47;
	v55 =	vadd.f32 v61, v50;
	v63 =	vshll.u32 v51, $0x10  }
0x8b: {  	v49 =	vadd.f32 v62, v49;
	v57 =	vand.u32 $0xFFFF0000, v51;
	v58 =	vmul.f32 v63, v56  }
0x8c: {  	v47 =	vadd.f32 v55, v47;
	v50 =	vmul.f32 v57, v56  }
0x8d: {  	v60 =	vld [tilespmem:$0x5050];
	v59 =	vadd.f32 v49, v58  }
0x8e: {  	v53 =	vld [tilespmem:$0x5080];
	v47 =	vadd.f32 v47, v50  }
0x8f: {  	v61 =	vld [tilespmem:$0x5060];
	[tilespmem:$0x8200] =	vst v59  }
0x90: {  	v62 =	vld [tilespmem:$0x5070];
	[tilespmem:$0x8210] =	vst v47  }
0x91: {  	v47 =	vld.idx.msk [tilespmem:v9+s23+$0x0], $0xffff  }
0x92: {  	v48 =	vld.idx.msk [tilespmem:v10+s23+$0x0], $0xffff  }
0x93: {  	v50 =	vld.idx.msk [tilespmem:v11+s23+$0x0], $0xffff  }
0x94: {  	v63 =	vld.idx.msk [tilespmem:v12+s23+$0x0], $0xffff  }
0x95: {  	v51 =	vand.u32 $0xFFFF0000, v61;
	v49 =	vand.u32 $0xFFFF0000, v60;
	v59 =	vshll.u32 v60, $0x10  }
0x96: {  	v60 =	vshll.u32 v61, $0x10;
	v55 =	vmul.f32 v59, v47;
	v47 =	vmul.f32 v49, v47  }
0x97: {  	v49 =	vmul.f32 v60, v48;
	v48 =	vmul.f32 v51, v48;
	v51 =	vld [tilespmem:$0x5090]  }
0x98: {  	v52 =	vand.u32 $0xFFFF0000, v62;
	v61 =	vshll.u32 v62, $0x10;
	v62 =	vshll.u32 v53, $0x10;
	v56 =	vld.idx.msk [tilespmem:v13+s23+$0x0], $0xffff  }
0x99: {  	v53 =	vand.u32 $0xFFFF0000, v53;
	v57 =	vmul.f32 v61, v50;
	v58 =	vmul.f32 v62, v63  }
0x9a: {  	v50 =	vmul.f32 v52, v50;
	v63 =	vmul.f32 v53, v63  }
0x9b: {  	v49 =	vadd.f32 v49, v55;
	v59 =	vadd.f32 v58, v57  }
0x9c: {  	v47 =	vadd.f32 v48, v47;
	v61 =	vadd.f32 v63, v50;
	v60 =	vshll.u32 v51, $0x10  }
0x9d: {  	v49 =	vadd.f32 v59, v49;
	v62 =	vand.u32 $0xFFFF0000, v51;
	v63 =	vmul.f32 v60, v56  }
0x9e: {  	v47 =	vadd.f32 v61, v47;
	v50 =	vmul.f32 v62, v56  }
0x9f: {  	v53 =	vadd.f32 v49, v63  }
0xa0: {  	v47 =	vadd.f32 v47, v50  }
0xa1: {  	[tilespmem:$0x8230] =	vst v53  }
0xa2: {  	[tilespmem:$0x8240] =	vst v47  }
0xa3: {  	v47 =	vld.idx.msk [tilespmem:v14+s22+$0x0], $0xffff  }
0xa4: {  	v48 =	vld.idx.msk [tilespmem:v15+s22+$0x0], $0xffff  }
0xa5: {  	v49 =	vld.idx.msk [tilespmem:v16+s22+$0x0], $0xffff;
	_ =	sdelay $0x3  }
0xa6: {  	v54 =	vsub.f32 v47, v35;
	v55 =	vsub.f32 v48, v36  }
0xa7: {  	v56 =	vsub.f32 v49, v33;
	v60 =	vsub.f32 v49, v27  }
0xa8: {  	v61 =	vsub.f32 v47, v25;
	v62 =	vsub.f32 v48, v24;
	v50 =	vmul.f32 v54, v54  }
0xa9: {  	v63 =	vsub.f32 v49, v23;
	v51 =	vmul.f32 v55, v55;
	v52 =	vmul.f32 v56, v56  }
0xaa: {  	v58 =	vsub.f32 v47, v28;
	v53 =	vmul.f32 v60, v60;
	v54 =	vmul.f32 v61, v61  }
0xab: {  	v59 =	vsub.f32 v48, v29;
	v55 =	vmul.f32 v62, v62;
	v56 =	vmul.f32 v63, v63  }
0xac: {  	v60 =	vsub.f32 v47, v22;
	v50 =	vmul.f32 v50, v45;
	v51 =	vmul.f32 v51, v46  }
0xad: {  	v61 =	vsub.f32 v48, v21;
	v57 =	vmul.f32 v52, v44;
	v52 =	vmul.f32 v58, v58  }
0xae: {  	v47 =	vsub.f32 v47, v20;
	v53 =	vmul.f32 v53, v40;
	v54 =	vmul.f32 v54, v38  }
0xaf: {  	v48 =	vsub.f32 v48, v19;
	v55 =	vmul.f32 v55, v39;
	v56 =	vmul.f32 v56, v41  }
0xb0: {  	v62 =	vsub.f32 v49, v17;
	v58 =	vmul.f32 v61, v61;
	v47 =	vmul.f32 v47, v47  }
0xb1: {  	v48 =	vmul.f32 v48, v48;
	v50 =	vadd.f32 v51, v50;
	v51 =	vmul.f32 v59, v59  }
0xb2: {  	v49 =	vsub.f32 v49, v18;
	v63 =	vmul.f32 v62, v62;
	v52 =	vmul.f32 v52, v43  }
0xb3: {  	v50 =	vadd.f32 v57, v50;
	v51 =	vmul.f32 v51, v42;
	v57 =	vmul.f32 v60, v60  }
0xb4: {  	v49 =	vmul.f32 v49, v49;
	v58 =	vmul.f32 v58, v34  }
0xb5: {  	v47 =	vmul.f32 v47, v31;
	v57 =	vmul.f32 v57, v37;
	v51 =	vadd.f32 v51, v52  }
0xb6: {  	v54 =	vadd.f32 v55, v54;
	v48 =	vmul.f32 v48, v32;
	v59 =	vmul.f32 v49, v30  }
0xb7: {  	v52 =	vmul.f32 v63, v26;
	v51 =	vadd.f32 v53, v51;
	v58 =	vadd.f32 v58, v57  }
0xb8: {  	v54 =	vadd.f32 v56, v54;
	v47 =	vadd.f32 v48, v47;
	v50 =	vmul.f32 $1.442695020e+00, v50  }
0xb9: {  	v60 =	vmul.f32 $1.442695020e+00, v51;
	v61 =	vadd.f32 v52, v58  }
0xba: {  	v62 =	vmul.f32 $1.442695020e+00, v54;
	v47 =	vadd.f32 v59, v47;
	(erf) = vpow2.f32 v50  }
0xbb: {  	(erf) = vpow2.f32 v60;
	v63 =	vmul.f32 $1.442695020e+00, v61  }
0xbc: {  	v47 =	vmul.f32 $1.442695020e+00, v47;
	(erf) = vpow2.f32 v62  }
0xbd: {  	(erf) = vpow2.f32 v63  }
0xbe: {  	(erf) = vpow2.f32 v47;
	_ =	sdelay $0x4  }
0xbf: {  	v52 =	vpop (erf)  }
0xc0: {  	[tilespmem:$0x9160] =	vst v52;
	v53 =	vpop (erf)  }
0xc1: {  	v59 =	vld [tilespmem:$0x6910];
	[tilespmem:$0x91B0] =	vst v53;
	v54 =	vpop (erf)  }
0xc2: {  	v58 =	vld [tilespmem:$0x6900];
	[tilespmem:$0x9200] =	vst v54;
	v55 =	vpop (erf)  }
0xc3: {  	v60 =	vld [tilespmem:$0x6920];
	[tilespmem:$0x9250] =	vst v55;
	v56 =	vpop (erf)  }
0xc4: {  	v53 =	vld [tilespmem:$0x6930];
	[tilespmem:$0x92A0] =	vst v56  }
0xc5: {  	v47 =	vld.msk [tilespmem:s23+$0x0], $0xffff  }
0xc6: {  	v57 =	vld.idx.msk [tilespmem:v5+s23+$0x0], $0xffff  }
0xc7: {  	v50 =	vld.idx.msk [tilespmem:v6+s23+$0x0], $0xffff  }
0xc8: {  	v54 =	vld.idx.msk [tilespmem:v7+s23+$0x0], $0xffff  }
0xc9: {  	v51 =	vand.u32 $0xFFFF0000, v59;
	v62 =	vshll.u32 v59, $0x10  }
0xca: {  	v61 =	vshll.u32 v58, $0x10;
	v49 =	vand.u32 $0xFFFF0000, v58;
	v63 =	vshll.u32 v60, $0x10  }
0xcb: {  	v52 =	vand.u32 $0xFFFF0000, v60;
	v55 =	vmul.f32 v61, v47;
	v48 =	vmul.f32 v51, v57;
	v51 =	vld [tilespmem:$0x6940]  }
0xcc: {  	v56 =	vld.idx.msk [tilespmem:v8+s23+$0x0], $0xffff;
	v60 =	vshll.u32 v53, $0x10;
	v47 =	vmul.f32 v49, v47;
	v49 =	vmul.f32 v62, v57  }
0xcd: {  	v53 =	vand.u32 $0xFFFF0000, v53;
	v57 =	vmul.f32 v63, v50;
	v58 =	vmul.f32 v60, v54  }
0xce: {  	v50 =	vmul.f32 v52, v50;
	v61 =	vmul.f32 v53, v54  }
0xcf: {  	v49 =	vadd.f32 v49, v55;
	v62 =	vadd.f32 v58, v57  }
0xd0: {  	v47 =	vadd.f32 v48, v47;
	v55 =	vadd.f32 v61, v50;
	v63 =	vshll.u32 v51, $0x10  }
0xd1: {  	v49 =	vadd.f32 v62, v49;
	v57 =	vand.u32 $0xFFFF0000, v51;
	v58 =	vmul.f32 v63, v56  }
0xd2: {  	v47 =	vadd.f32 v55, v47;
	v50 =	vmul.f32 v57, v56  }
0xd3: {  	v60 =	vld [tilespmem:$0x6950];
	v59 =	vadd.f32 v49, v58  }
0xd4: {  	v53 =	vld [tilespmem:$0x6980];
	v47 =	vadd.f32 v47, v50  }
0xd5: {  	v61 =	vld [tilespmem:$0x6960];
	[tilespmem:$0x8200] =	vst v59  }
0xd6: {  	v62 =	vld [tilespmem:$0x6970];
	[tilespmem:$0x8210] =	vst v47  }
0xd7: {  	v47 =	vld.idx.msk [tilespmem:v9+s23+$0x0], $0xffff  }
0xd8: {  	v48 =	vld.idx.msk [tilespmem:v10+s23+$0x0], $0xffff  }
0xd9: {  	v50 =	vld.idx.msk [tilespmem:v11+s23+$0x0], $0xffff  }
0xda: {  	v63 =	vld.idx.msk [tilespmem:v12+s23+$0x0], $0xffff  }
0xdb: {  	v51 =	vand.u32 $0xFFFF0000, v61;
	v58 =	vshll.u32 v60, $0x10  }
0xdc: {  	v49 =	vand.u32 $0xFFFF0000, v60;
	v52 =	vand.u32 $0xFFFF0000, v62;
	v59 =	vshll.u32 v61, $0x10  }
0xdd: {  	v60 =	vld [tilespmem:$0x6990];
	v61 =	vshll.u32 v62, $0x10;
	v55 =	vmul.f32 v58, v47;
	v47 =	vmul.f32 v49, v47  }
0xde: {  	v62 =	vshll.u32 v53, $0x10;
	v56 =	vld.idx.msk [tilespmem:v13+s23+$0x0], $0xffff;
	v49 =	vmul.f32 v59, v48;
	v48 =	vmul.f32 v51, v48  }
0xdf: {  	v53 =	vand.u32 $0xFFFF0000, v53;
	v57 =	vmul.f32 v61, v50;
	v58 =	vmul.f32 v62, v63  }
0xe0: {  	v50 =	vmul.f32 v52, v50;
	v63 =	vmul.f32 v53, v63  }
0xe1: {  	v49 =	vadd.f32 v49, v55;
	v57 =	vadd.f32 v58, v57  }
0xe2: {  	v58 =	vshll.u32 v60, $0x10;
	v47 =	vadd.f32 v48, v47;
	v59 =	vadd.f32 v63, v50  }
0xe3: {  	v60 =	vand.u32 $0xFFFF0000, v60;
	v61 =	vmul.f32 v58, v56;
	v49 =	vadd.f32 v57, v49  }
0xe4: {  	v50 =	vmul.f32 v60, v56;
	v47 =	vadd.f32 v59, v47  }
0xe5: {  	v62 =	vadd.f32 v49, v61  }
0xe6: {  	v47 =	vadd.f32 v47, v50  }
0xe7: {  	[tilespmem:$0x8230] =	vst v62  }
0xe8: {  	[tilespmem:$0x8240] =	vst v47  }
0xe9: {  	v47 =	vld.idx.msk [tilespmem:v0+s22+$0x0], $0xffff  }
0xea: {  	v48 =	vld.idx.msk [tilespmem:v3+s22+$0x0], $0xffff  }
0xeb: {  	v63 =	vld.idx.msk [tilespmem:v4+s22+$0x0], $0xffff;
	_ =	sdelay $0x3  }
0xec: {  	v35 =	vsub.f32 v47, v35  }
0xed: {  	v36 =	vsub.f32 v48, v36;
	v33 =	vsub.f32 v63, v33  }
0xee: {  	v28 =	vsub.f32 v47, v28;
	v29 =	vsub.f32 v48, v29  }
0xef: {  	v27 =	vsub.f32 v63, v27;
	v25 =	vsub.f32 v47, v25  }
0xf0: {  	v24 =	vsub.f32 v48, v24;
	v23 =	vsub.f32 v63, v23  }
0xf1: {  	v22 =	vsub.f32 v47, v22;
	v35 =	vmul.f32 v35, v35;
	v36 =	vmul.f32 v36, v36  }
0xf2: {  	v21 =	vsub.f32 v48, v21;
	v33 =	vmul.f32 v33, v33;
	v28 =	vmul.f32 v28, v28  }
0xf3: {  	v20 =	vsub.f32 v47, v20;
	v29 =	vmul.f32 v29, v29;
	v27 =	vmul.f32 v27, v27  }
0xf4: {  	v19 =	vsub.f32 v48, v19;
	v25 =	vmul.f32 v25, v25;
	v24 =	vmul.f32 v24, v24  }
0xf5: {  	v17 =	vsub.f32 v63, v17;
	v23 =	vmul.f32 v23, v23;
	v22 =	vmul.f32 v22, v22  }
0xf6: {  	v18 =	vsub.f32 v63, v18;
	v21 =	vmul.f32 v21, v21;
	v20 =	vmul.f32 v20, v20  }
0xf7: {  	v19 =	vmul.f32 v19, v19;
	v17 =	vmul.f32 v17, v17  }
0xf8: {  	v18 =	vmul.f32 v18, v18;
	v35 =	vmul.f32 v35, v45  }
0xf9: {  	v36 =	vmul.f32 v36, v46;
	v33 =	vmul.f32 v33, v44  }
0xfa: {  	v28 =	vmul.f32 v28, v43;
	v29 =	vmul.f32 v29, v42  }
0xfb: {  	v27 =	vmul.f32 v27, v40;
	v25 =	vmul.f32 v25, v38  }
0xfc: {  	v24 =	vmul.f32 v24, v39;
	v23 =	vmul.f32 v23, v41  }
0xfd: {  	v22 =	vmul.f32 v22, v37;
	v21 =	vmul.f32 v21, v34;
	v35 =	vadd.f32 v36, v35  }
0xfe: {  	v20 =	vmul.f32 v20, v31;
	v19 =	vmul.f32 v19, v32;
	v28 =	vadd.f32 v29, v28  }
0xff: {  	v17 =	vmul.f32 v17, v26;
	v24 =	vadd.f32 v24, v25;
	v33 =	vadd.f32 v33, v35  }
0x100: {  	v18 =	vmul.f32 v18, v30;
	v21 =	vadd.f32 v21, v22;
	v29 =	vadd.f32 v27, v28  }
0x101: {  	v19 =	vadd.f32 v19, v20;
	v31 =	vadd.f32 v23, v24;
	v33 =	vmul.f32 $1.442695020e+00, v33  }
0x102: {  	v17 =	vadd.f32 v17, v21;
	v32 =	vmul.f32 $1.442695020e+00, v29  }
0x103: {  	v18 =	vadd.f32 v18, v19;
	(erf) = vpow2.f32 v33;
	v33 =	vmul.f32 $1.442695020e+00, v31  }
0x104: {  	v17 =	vmul.f32 $1.442695020e+00, v17;
	(erf) = vpow2.f32 v32  }
0x105: {  	v18 =	vmul.f32 $1.442695020e+00, v18;
	(erf) = vpow2.f32 v33  }
0x106: {  	(erf) = vpow2.f32 v17  }
0x107: {  	(erf) = vpow2.f32 v18;
	_ =	sdelay $0x4  }
0x108: {  	v17 =	vpop (erf)  }
0x109: {  	v18 =	vpop (erf);
	[tilespmem:$0x9160] =	vst v17  }
0x10a: {  	v37 =	vld [tilespmem:$0x5030];
	v17 =	vpop (erf);
	[tilespmem:$0x91B0] =	vst v18  }
0x10b: {  	v36 =	vld [tilespmem:$0x5020];
	v18 =	vpop (erf);
	[tilespmem:$0x9200] =	vst v17  }
0x10c: {  	v19 =	vld [tilespmem:$0x5000];
	[tilespmem:$0x9250] =	vst v18;
	v17 =	vpop (erf)  }
0x10d: {  	v35 =	vld [tilespmem:$0x5010];
	[tilespmem:$0x92A0] =	vst v17  }
0x10e: {  	v17 =	vld.msk [tilespmem:s23+$0x0], $0xffff  }
0x10f: {  	v34 =	vld.idx.msk [tilespmem:v6+s23+$0x0], $0xffff  }
0x110: {  	v38 =	vld.idx.msk [tilespmem:v7+s23+$0x0], $0xffff  }
0x111: {  	v18 =	vld.idx.msk [tilespmem:v5+s23+$0x0], $0xffff  }
0x112: {  	v43 =	vshll.u32 v37, $0x10;
	v23 =	vand.u32 $0xFFFF0000, v37  }
0x113: {  	v42 =	vshll.u32 v36, $0x10;
	v39 =	vshll.u32 v19, $0x10;
	v19 =	vand.u32 $0xFFFF0000, v19  }
0x114: {  	v40 =	vld [tilespmem:$0x5040];
	v22 =	vand.u32 $0xFFFF0000, v36;
	v25 =	vmul.f32 v39, v17;
	v17 =	vmul.f32 v19, v17  }
0x115: {  	v41 =	vld.idx.msk [tilespmem:v8+s23+$0x0], $0xffff;
	v19 =	vshll.u32 v35, $0x10;
	v27 =	vmul.f32 v42, v34;
	v28 =	vmul.f32 v43, v38  }
0x116: {  	v21 =	vand.u32 $0xFFFF0000, v35;
	v20 =	vmul.f32 v22, v34;
	v19 =	vmul.f32 v19, v18  }
0x117: {  	v44 =	vmul.f32 v23, v38;
	v18 =	vmul.f32 v21, v18  }
0x118: {  	v45 =	vadd.f32 v28, v27;
	v19 =	vadd.f32 v19, v25  }
0x119: {  	v46 =	vshll.u32 v40, $0x10;
	v17 =	vadd.f32 v18, v17;
	v18 =	vadd.f32 v44, v20  }
0x11a: {  	v47 =	vand.u32 $0xFFFF0000, v40;
	v48 =	vmul.f32 v46, v41;
	v19 =	vadd.f32 v45, v19  }
0x11b: {  	v20 =	vmul.f32 v47, v41;
	v17 =	vadd.f32 v18, v17  }
0x11c: {  	v51 =	vld [tilespmem:$0x5070];
	v18 =	vadd.f32 v19, v48  }
0x11d: {  	v52 =	vld [tilespmem:$0x5080];
	v17 =	vadd.f32 v17, v20  }
0x11e: {  	v50 =	vld [tilespmem:$0x5060];
	[tilespmem:$0x8200] =	vst v18  }
0x11f: {  	v19 =	vld [tilespmem:$0x5050];
	[tilespmem:$0x8210] =	vst v17  }
0x120: {  	v17 =	vld.idx.msk [tilespmem:v9+s23+$0x0], $0xffff  }
0x121: {  	v49 =	vld.idx.msk [tilespmem:v11+s23+$0x0], $0xffff  }
0x122: {  	v53 =	vld.idx.msk [tilespmem:v12+s23+$0x0], $0xffff  }
0x123: {  	v18 =	vld.idx.msk [tilespmem:v10+s23+$0x0], $0xffff  }
0x124: {  	v57 =	vshll.u32 v51, $0x10;
	v58 =	vshll.u32 v52, $0x10  }
0x125: {  	v22 =	vand.u32 $0xFFFF0000, v51;
	v54 =	vshll.u32 v19, $0x10;
	v19 =	vand.u32 $0xFFFF0000, v19  }
0x126: {  	v55 =	vld [tilespmem:$0x5090];
	v23 =	vand.u32 $0xFFFF0000, v52;
	v25 =	vmul.f32 v54, v17;
	v17 =	vmul.f32 v19, v17  }
0x127: {  	v56 =	vld.idx.msk [tilespmem:v13+s23+$0x0], $0xffff;
	v19 =	vshll.u32 v50, $0x10;
	v27 =	vmul.f32 v57, v49;
	v28 =	vmul.f32 v58, v53  }
0x128: {  	v21 =	vand.u32 $0xFFFF0000, v50;
	v20 =	vmul.f32 v22, v49;
	v19 =	vmul.f32 v19, v18  }
0x129: {  	v59 =	vmul.f32 v23, v53;
	v18 =	vmul.f32 v21, v18  }
0x12a: {  	v60 =	vadd.f32 v28, v27;
	v19 =	vadd.f32 v19, v25  }
0x12b: {  	v61 =	vshll.u32 v55, $0x10;
	v17 =	vadd.f32 v18, v17;
	v18 =	vadd.f32 v59, v20  }
0x12c: {  	v62 =	vand.u32 $0xFFFF0000, v55;
	v63 =	vmul.f32 v61, v56;
	v19 =	vadd.f32 v60, v19  }
0x12d: {  	v20 =	vmul.f32 v62, v56;
	v17 =	vadd.f32 v18, v17  }
0x12e: {  	v18 =	vadd.f32 v19, v63  }
0x12f: {  	v17 =	vadd.f32 v17, v20  }
0x130: {  	s24 =	sadd.s32 $0x1, s24;
	[tilespmem:$0x8230] =	vst v18  }
0x131: {  	s25 =	sshll.u32 s0, $0x6;
	s31 =	sshrl.u32 s7, $0x3;
	p0 =	sne.s32 s24, s16;
	[tilespmem:$0x8240] =	vst v17  }
.Ltmp2:
0x132: {  	s25 =	sor.u32 $0x1C01, s25;
	[bflag:$0x0] =	sbarrier.arrive $0xFFFF;
	(pc) =	sbr.rel @p0 .LBB2_1-.Ltmp2, $4  }
0x133: {  	[hbm:s15], [sflag:s25] =	dma.local [spmem:s31], $0xF00  }
0x134: {  	_ =	swait.ge [sflag:s18], $0xF00  }
0x135: {  	[sflag:s18] =	ssyncset.done $0x0  }
0x136: {  	[sflag:s18] =	ssyncadd.s32 $0xFFFFF100  }
0x137: {  	_ =	sfence.sel $0x180000  }
0x138: {  	[bflag:$0x0] =	sbarrier.arrive $0xFFFF  }
0x139: {  	p0 =	sne.s32 s0, $0x0;
	_ =	strace $0x90000047  }
0x13a: {  	s0 =	sadd.s32 @!p0 $0x100000, s1;
	[bflag:$0x2] =	sbarrier.arrive $0xFFFF  }
0x13b: {  	[sflag:s0] =	ssyncadd.tile.s32 @!p0 $0x1;
	_ =	shalt  }
.Lfunc_end2:
_tile_overlayer_lowered:
.L_overlay_start_2:
0x13c: {  	(tag) =	ssettag $0x2  }
0x13d: {  	s0 =	rddreg [dreg:$0x0];
	s2 =	stileid.u32  }
0x13e: {  	s1 =	rddreg [dreg:$0x1];
	p0 =	sne.s32 s2, $0x0  }
0x13f: {  	s3 =	rddreg [dreg:$0x2];
	[bflag:$0x3] =	sbarrier.arrive $0xFFFF;
	s2 =	simm.s32 @!p0 $0x1C01  }
0x140: {  	[timem:s3], [sflag:s2] =	dma.local @!p0 [hbm:s0], s1  }
0x141: {  	s0 =	simm.s32 @!p0 $0x1  }
0x142: {  	_ =	swait.ge @!p0 [sflag:s0], s1  }
0x143: {  	s1 =	ssub.s32 @!p0 $0x0, s1;
	[sflag:s0] =	ssyncset.done @!p0 $0x0  }
0x144: {  	[sflag:s0] =	ssyncadd.s32 @!p0 s1  }
0x145: {  	[bflag:$0x3] =	sbarrier.arrive $0xFFFF  }
0x146: {  	_ =	shalt  }

</sc_bundles>
